<compile_context>
chip_gen: v7x
topology: tpu7x:2x2x1
jax: 0.10.2.dev20260603
libtpu: 0.0.44.dev20260713+nightly
codegen_flags: <defaults>
</compile_context>

<pallas_src>
import functools
import jax
import jax.numpy as jnp
from jax import lax
from jax.experimental import pallas as pl
from jax.experimental.pallas import tpu as pltpu
from jax.experimental.pallas import tpu_sc as plsc

D = 1024
NB = 8
NC = 2
NS = 16
NW = NC * NS
R = 16
L = 16


def kernel(x, blocks, W):
    B, T, d = x.shape
    N = B * T
    rows_per_w = N // NW
    n_chunks = rows_per_w // R
    x2 = x.reshape(N, d)
    idx = blocks.reshape(N).astype(jnp.int32)
    mesh = plsc.VectorSubcoreMesh(core_axis_name="c", subcore_axis_name="s")

    @functools.partial(
        pl.kernel,
        mesh=mesh,
        out_type=jax.ShapeDtypeStruct((N, d), jnp.float32),
        scratch_types=[
            pltpu.VMEM((NB, d), jnp.float32),
            pltpu.VMEM((rows_per_w,), jnp.int32),
            pltpu.VMEM((R, d), jnp.float32),
            pltpu.VMEM((R, d), jnp.float32),
            pltpu.VMEM((R, d), jnp.float32),
            pltpu.VMEM((R, d), jnp.float32),
            pltpu.SemaphoreType.DMA,
            pltpu.SemaphoreType.DMA,
            pltpu.SemaphoreType.DMA,
            pltpu.SemaphoreType.DMA,
            pltpu.SemaphoreType.DMA,
            pltpu.SemaphoreType.DMA,
            pltpu.SemaphoreType.DMA,
            pltpu.SemaphoreType.DMA,
        ],
    )
    def sc_add(x_hbm, idx_hbm, w_hbm, out_hbm, wbuf, idxbuf,
               xb0, xb1, xb2, xb3, si0, si1, si2, si3, so0, so1, so2, so3):
        cid = lax.axis_index("c")
        sid = lax.axis_index("s")
        wid = sid * NC + cid
        base = wid * rows_per_w
        pltpu.sync_copy(w_hbm, wbuf)
        pltpu.sync_copy(idx_hbm.at[pl.ds(base, rows_per_w)], idxbuf)

        bufs = (xb0, xb1, xb2, xb3)
        ins = (si0, si1, si2, si3)
        outs = (so0, so1, so2, so3)

        def row_chunk(xb, goff):
            bvec = idxbuf[pl.ds(goff, L)]
            for j in range(L // 4):
                bis = [bvec[j + m * (L // 4)] for m in range(4)]

                @plsc.parallel_loop(0, d // L, unroll=8)
                def col_body(k, bis=bis, j=j, xb=xb):
                    for m in range(4):
                        v = wbuf[bis[m], pl.ds(k * L, L)]
                        plsc.addupdate(xb.at[j + m * (L // 4), pl.ds(k * L, L)], v)

        pltpu.async_copy(x_hbm.at[pl.ds(base, R)], bufs[0], ins[0])

        def outer(g4, carry):
            for b in range(4):
                g = g4 * 4 + b
                nb = (b + 1) % 4
                @pl.when(g + 1 < n_chunks)
                def _():
                    @pl.when(g >= 3)
                    def _():
                        pltpu.make_async_copy(
                            bufs[nb], out_hbm.at[pl.ds(base + (g - 3) * R, R)],
                            outs[nb]).wait()

                    pltpu.async_copy(
                        x_hbm.at[pl.ds(base + (g + 1) * R, R)], bufs[nb],
                        ins[nb])

                pltpu.make_async_copy(
                    x_hbm.at[pl.ds(base + g * R, R)], bufs[b], ins[b]).wait()
                row_chunk(bufs[b], g * R)
                pltpu.async_copy(
                    bufs[b], out_hbm.at[pl.ds(base + g * R, R)], outs[b])
            return carry

        lax.fori_loop(0, n_chunks // 4, outer, 0)
        for b in range(4):
            g = n_chunks - 4 + b
            pltpu.make_async_copy(
                bufs[g % 4], out_hbm.at[pl.ds(base + g * R, R)],
                outs[g % 4]).wait()

    out = sc_add(x2, idx, W)
    return out.reshape(B, T, d)

# --- scband reference (transcript-rebuilt; emitter-appended) ---
"""Pipeline reference for scband-block-encoding-19688130085304 (READ-ONLY COPY).

The authoritative reference and input builder live on the scoring server;
editing this copy changes nothing except your own understanding.
"""

import jax, jax.numpy as jnp
import numpy as np
import math

NUM_BLOCKS = 8
D_MODEL = 1024

def _init_weight():
    pi = math.pi
    p_emb = jnp.linspace(0.0, 2.0 * pi, D_MODEL)
    off_set = jnp.array([i / NUM_BLOCKS * 2.0 * pi for i in range(NUM_BLOCKS)], dtype=jnp.float32)
    return jnp.sin(p_emb[None, :] + off_set[:, None]).astype(jnp.float32)

def setup_inputs(seed: int = 0) -> dict:
    key = jax.random.key(seed)
    k1, k2 = jax.random.split(key)
    x = jax.random.normal(k1, (4, 8192, D_MODEL), dtype=jnp.float32)
    blocks = jax.random.randint(k2, (4, 8192), 0, NUM_BLOCKS, dtype=jnp.int64)
    W = _init_weight()
    return {"x": x, "blocks": blocks, "W": W}

def reference(x, blocks, W):
    # x: [B, T, d_model]; blocks: [B, T] int; W: [num_blocks, d_model]
    emb = jnp.take(W, blocks.astype(jnp.int32), axis=0)  # [B, T, d_model]
    return x + emb

if __name__ == "__main__":
    import jax
    _d = setup_inputs()
    print(jax.jit(kernel)(*tuple(_d.values())))

</pallas_src>

<mosaic_0001>
#map = affine_map<(d0, d1) -> (0, 0)>
#map1 = affine_map<(d0, d1) -> (0)>
module attributes {stable_mosaic.version = 14 : i64} {
  func.func @sc_add(%arg0: i32, %arg1: i32, %arg2: memref<32768x1024xf32, #tpu.memory_space<hbm>>, %arg3: memref<32768xi32, #tpu.memory_space<hbm>>, %arg4: memref<8x1024xf32, #tpu.memory_space<hbm>>, %arg5: memref<32768x1024xf32, #tpu.memory_space<hbm>>, %arg6: memref<8x1024xf32, #tpu.memory_space<vmem>>, %arg7: memref<1024xi32, #tpu.memory_space<vmem>>, %arg8: memref<16x1024xf32, #tpu.memory_space<vmem>>, %arg9: memref<16x1024xf32, #tpu.memory_space<vmem>>, %arg10: memref<16x1024xf32, #tpu.memory_space<vmem>>, %arg11: memref<16x1024xf32, #tpu.memory_space<vmem>>, %arg12: memref<!tpu.dma_semaphore, #tpu.memory_space<semaphore_mem>>, %arg13: memref<!tpu.dma_semaphore, #tpu.memory_space<semaphore_mem>>, %arg14: memref<!tpu.dma_semaphore, #tpu.memory_space<semaphore_mem>>, %arg15: memref<!tpu.dma_semaphore, #tpu.memory_space<semaphore_mem>>, %arg16: memref<!tpu.dma_semaphore, #tpu.memory_space<semaphore_mem>>, %arg17: memref<!tpu.dma_semaphore, #tpu.memory_space<semaphore_mem>>, %arg18: memref<!tpu.dma_semaphore, #tpu.memory_space<semaphore_mem>>, %arg19: memref<!tpu.dma_semaphore, #tpu.memory_space<semaphore_mem>>) attributes {dimension_semantics = [#tpu.dimension_semantics<core_parallel>, #tpu.dimension_semantics<subcore_parallel>], iteration_bounds = array<i64: 2, 16>, scalar_prefetch = 0 : i64, scratch_operands = 14 : i64, tpu.core_type = #tpu.core_type<sc_vector_subcore>, window_params = [{transform_indices = #map}, {transform_indices = #map1}, {transform_indices = #map}, {transform_indices = #map}]} {
    %mul3A = arith.constant 2 : i32
    %mul3A_0 = arith.muli %arg1, %mul3A : i32
    %add3A = arith.addi %mul3A_0, %arg0 : i32
    %mul3A_1 = arith.constant 1024 : i32
    %mul3A_2 = arith.muli %add3A, %mul3A_1 : i32
    "tpu.region"() ({
      %run_scoped3A = tpu.sem_alloc : memref<!tpu.dma_semaphore, #tpu.memory_space<semaphore_mem>>
      tpu.enqueue_dma source(%arg4 : memref<8x1024xf32, #tpu.memory_space<hbm>>) target(%arg6 : memref<8x1024xf32, #tpu.memory_space<vmem>>) target_semaphore(%run_scoped3A : memref<!tpu.dma_semaphore, #tpu.memory_space<semaphore_mem>>)
      tpu.wait_dma2 semaphore(%run_scoped3A : memref<!tpu.dma_semaphore, #tpu.memory_space<semaphore_mem>>) src(%arg4 : memref<8x1024xf32, #tpu.memory_space<hbm>>) dst(%arg6 : memref<8x1024xf32, #tpu.memory_space<vmem>>)
      tpu.yield
    }) : () -> ()
    "tpu.region"() ({
      %run_scoped3A = tpu.sem_alloc : memref<!tpu.dma_semaphore, #tpu.memory_space<semaphore_mem>>
      %dma_start3A_34 = tpu.memref_slice %arg3[%mul3A_2] : memref<32768xi32, #tpu.memory_space<hbm>> -> memref<1024xi32, #tpu.memory_space<hbm>>
      %dma_start3A_35 = tpu.memref_slice %arg3[%mul3A_2] : memref<32768xi32, #tpu.memory_space<hbm>> -> memref<1024xi32, #tpu.memory_space<hbm>>
      tpu.enqueue_dma source(%dma_start3A_35 : memref<1024xi32, #tpu.memory_space<hbm>>) target(%arg7 : memref<1024xi32, #tpu.memory_space<vmem>>) target_semaphore(%run_scoped3A : memref<!tpu.dma_semaphore, #tpu.memory_space<semaphore_mem>>)
      %dma_wait3A_36 = tpu.memref_slice %arg3[%mul3A_2] : memref<32768xi32, #tpu.memory_space<hbm>> -> memref<1024xi32, #tpu.memory_space<hbm>>
      %dma_wait3A_37 = tpu.memref_slice %arg3[%mul3A_2] : memref<32768xi32, #tpu.memory_space<hbm>> -> memref<1024xi32, #tpu.memory_space<hbm>>
      tpu.wait_dma2 semaphore(%run_scoped3A : memref<!tpu.dma_semaphore, #tpu.memory_space<semaphore_mem>>) src(%dma_wait3A_37 : memref<1024xi32, #tpu.memory_space<hbm>>) dst(%arg7 : memref<1024xi32, #tpu.memory_space<vmem>>)
      tpu.yield
    }) : () -> ()
    %dma_start3A = arith.constant 0 : i32
    %dma_start3A_3 = tpu.memref_slice %arg2[%mul3A_2, %dma_start3A] : memref<32768x1024xf32, #tpu.memory_space<hbm>> -> memref<16x1024xf32, #tpu.memory_space<hbm>>
    %dma_start3A_4 = arith.constant 0 : i32
    %dma_start3A_5 = tpu.memref_slice %arg2[%mul3A_2, %dma_start3A_4] : memref<32768x1024xf32, #tpu.memory_space<hbm>> -> memref<16x1024xf32, #tpu.memory_space<hbm>>
    tpu.enqueue_dma source(%dma_start3A_5 : memref<16x1024xf32, #tpu.memory_space<hbm>>) target(%arg8 : memref<16x1024xf32, #tpu.memory_space<vmem>>) target_semaphore(%arg12 : memref<!tpu.dma_semaphore, #tpu.memory_space<semaphore_mem>>)
    %scan3A = arith.constant 0 : i32
    %scan3A_6 = arith.constant 0 : i32
    %scan3A_7 = arith.constant 16 : i32
    %scan3A_8 = arith.addi %scan3A_6, %scan3A_7 : i32
    %scan3A_9 = arith.constant 1 : i32
    scf.for %scan3A_34 = %scan3A_6 to %scan3A_8 step %scan3A_9  : i32 {
      %mul3A_35 = arith.constant 4 : i32
      %mul3A_36 = arith.muli %scan3A_34, %mul3A_35 : i32
      %add3A_37 = arith.constant 0 : i32
      %add3A_38 = arith.addi %mul3A_36, %add3A_37 : i32
      %add3A_39 = arith.constant 1 : i32
      %add3A_40 = arith.addi %add3A_38, %add3A_39 : i32
      %lt3A = arith.constant 64 : i32
      %lt3A_41 = arith.cmpi slt, %add3A_40, %lt3A : i32
      %convert_element_type3A = arith.extui %lt3A_41 : i1 to i32
      %cond3A = arith.constant 0 : i32
      %cond3A_42 = arith.cmpi ne, %convert_element_type3A, %cond3A : i32
      scf.if %cond3A_42 {
        %ge3A = arith.constant 3 : i32
        %ge3A_324 = arith.cmpi sge, %add3A_38, %ge3A : i32
        %convert_element_type3A_325 = arith.extui %ge3A_324 : i1 to i32
        %cond3A_326 = arith.constant 0 : i32
        %cond3A_327 = arith.cmpi ne, %convert_element_type3A_325, %cond3A_326 : i32
        scf.if %cond3A_327 {
          %sub3A = arith.constant 3 : i32
          %sub3A_337 = arith.subi %add3A_38, %sub3A : i32
          %mul3A_338 = arith.constant 16 : i32
          %mul3A_339 = arith.muli %sub3A_337, %mul3A_338 : i32
          %add3A_340 = arith.addi %mul3A_2, %mul3A_339 : i32
          %dma_wait3A_341 = arith.constant 0 : i32
          %dma_wait3A_342 = tpu.memref_slice %arg5[%add3A_340, %dma_wait3A_341] : memref<32768x1024xf32, #tpu.memory_space<hbm>> -> memref<16x1024xf32, #tpu.memory_space<hbm>>
          %dma_wait3A_343 = arith.constant 0 : i32
          %dma_wait3A_344 = tpu.memref_slice %arg5[%add3A_340, %dma_wait3A_343] : memref<32768x1024xf32, #tpu.memory_space<hbm>> -> memref<16x1024xf32, #tpu.memory_space<hbm>>
          tpu.wait_dma2 semaphore(%arg17 : memref<!tpu.dma_semaphore, #tpu.memory_space<semaphore_mem>>) src(%arg9 : memref<16x1024xf32, #tpu.memory_space<vmem>>) dst(%dma_wait3A_344 : memref<16x1024xf32, #tpu.memory_space<hbm>>)
        } else {
        }
        %add3A_328 = arith.constant 1 : i32
        %add3A_329 = arith.addi %add3A_38, %add3A_328 : i32
        %mul3A_330 = arith.constant 16 : i32
        %mul3A_331 = arith.muli %add3A_329, %mul3A_330 : i32
        %add3A_332 = arith.addi %mul3A_2, %mul3A_331 : i32
        %dma_start3A_333 = arith.constant 0 : i32
        %dma_start3A_334 = tpu.memref_slice %arg2[%add3A_332, %dma_start3A_333] : memref<32768x1024xf32, #tpu.memory_space<hbm>> -> memref<16x1024xf32, #tpu.memory_space<hbm>>
        %dma_start3A_335 = arith.constant 0 : i32
        %dma_start3A_336 = tpu.memref_slice %arg2[%add3A_332, %dma_start3A_335] : memref<32768x1024xf32, #tpu.memory_space<hbm>> -> memref<16x1024xf32, #tpu.memory_space<hbm>>
        tpu.enqueue_dma source(%dma_start3A_336 : memref<16x1024xf32, #tpu.memory_space<hbm>>) target(%arg9 : memref<16x1024xf32, #tpu.memory_space<vmem>>) target_semaphore(%arg13 : memref<!tpu.dma_semaphore, #tpu.memory_space<semaphore_mem>>)
      } else {
      }
      %mul3A_43 = arith.constant 16 : i32
      %mul3A_44 = arith.muli %add3A_38, %mul3A_43 : i32
      %add3A_45 = arith.addi %mul3A_2, %mul3A_44 : i32
      %dma_wait3A_46 = arith.constant 0 : i32
      %dma_wait3A_47 = tpu.memref_slice %arg2[%add3A_45, %dma_wait3A_46] : memref<32768x1024xf32, #tpu.memory_space<hbm>> -> memref<16x1024xf32, #tpu.memory_space<hbm>>
      %dma_wait3A_48 = arith.constant 0 : i32
      %dma_wait3A_49 = tpu.memref_slice %arg2[%add3A_45, %dma_wait3A_48] : memref<32768x1024xf32, #tpu.memory_space<hbm>> -> memref<16x1024xf32, #tpu.memory_space<hbm>>
      tpu.wait_dma2 semaphore(%arg12 : memref<!tpu.dma_semaphore, #tpu.memory_space<semaphore_mem>>) src(%dma_wait3A_49 : memref<16x1024xf32, #tpu.memory_space<hbm>>) dst(%arg8 : memref<16x1024xf32, #tpu.memory_space<vmem>>)
      %mul3A_50 = arith.constant 16 : i32
      %mul3A_51 = arith.muli %add3A_38, %mul3A_50 : i32
      %get3A = arith.index_cast %mul3A_51 : i32 to index
      %get3A_52 = tpu.vector_load %arg7[%get3A] {strides = array<i32>} : memref<1024xi32, #tpu.memory_space<vmem>>, vector<16xi32>,
      %get3A_53 = vector.shape_cast %get3A_52 : vector<16xi32> to vector<16xi32>
      %slice3A = vector.extract_strided_slice %get3A_53 {offsets = [0], sizes = [1], strides = [1]} : vector<16xi32> to vector<1xi32>
      %squeeze3A = vector.extract %slice3A[0] : i32 from vector<1xi32>
      %slice3A_54 = vector.extract_strided_slice %get3A_53 {offsets = [4], sizes = [1], strides = [1]} : vector<16xi32> to vector<1xi32>
      %squeeze3A_55 = vector.extract %slice3A_54[0] : i32 from vector<1xi32>
      %slice3A_56 = vector.extract_strided_slice %get3A_53 {offsets = [8], sizes = [1], strides = [1]} : vector<16xi32> to vector<1xi32>
      %squeeze3A_57 = vector.extract %slice3A_56[0] : i32 from vector<1xi32>
      %slice3A_58 = vector.extract_strided_slice %get3A_53 {offsets = [12], sizes = [1], strides = [1]} : vector<16xi32> to vector<1xi32>
      %squeeze3A_59 = vector.extract %slice3A_58[0] : i32 from vector<1xi32>
      %parallel_loop3A = arith.constant 0 : i32
      %parallel_loop3A_60 = arith.constant 64 : i32
      %parallel_loop3A_61 = arith.constant 1 : i32
      scf.for %parallel_loop3A_324 = %parallel_loop3A to %parallel_loop3A_60 step %parallel_loop3A_61  : i32 {
        %parallel_loop3A_325 = arith.constant 16 : i32
        %parallel_loop3A_326 = arith.muli %parallel_loop3A_324, %parallel_loop3A_325 : i32
        %parallel_loop3A_327 = arith.index_cast %squeeze3A : i32 to index
        %parallel_loop3A_328 = arith.index_cast %parallel_loop3A_326 : i32 to index
        %parallel_loop3A_329 = tpu.vector_load %arg6[%parallel_loop3A_327, %parallel_loop3A_328] {strides = array<i32>} : memref<8x1024xf32, #tpu.memory_space<vmem>>, vector<1x16xf32>,
        %parallel_loop3A_330 = vector.shape_cast %parallel_loop3A_329 : vector<1x16xf32> to vector<16xf32>
        %parallel_loop3A_331 = arith.constant 16 : i32
        %parallel_loop3A_332 = arith.muli %parallel_loop3A_324, %parallel_loop3A_331 : i32
        %parallel_loop3A_333 = arith.constant 0 : i32
        %parallel_loop3A_334 = arith.index_cast %parallel_loop3A_333 : i32 to index
        %parallel_loop3A_335 = arith.index_cast %parallel_loop3A_332 : i32 to index
        %parallel_loop3A_336 = tpu.vector_load %arg8[%parallel_loop3A_334, %parallel_loop3A_335] {strides = array<i32>} : memref<16x1024xf32, #tpu.memory_space<vmem>>, vector<1x16xf32>,
        %parallel_loop3A_337 = vector.shape_cast %parallel_loop3A_336 : vector<1x16xf32> to vector<16xf32>
        %parallel_loop3A_338 = vector.shape_cast %parallel_loop3A_330 : vector<16xf32> to vector<1x16xf32>
        tpu.vector_store %arg8[%parallel_loop3A_334, %parallel_loop3A_335], %parallel_loop3A_338 {add = true, strides = array<i32>} : memref<16x1024xf32, #tpu.memory_space<vmem>>, vector<1x16xf32>,
        %parallel_loop3A_339 = arith.constant 16 : i32
        %parallel_loop3A_340 = arith.muli %parallel_loop3A_324, %parallel_loop3A_339 : i32
        %parallel_loop3A_341 = arith.index_cast %squeeze3A_55 : i32 to index
        %parallel_loop3A_342 = arith.index_cast %parallel_loop3A_340 : i32 to index
        %parallel_loop3A_343 = tpu.vector_load %arg6[%parallel_loop3A_341, %parallel_loop3A_342] {strides = array<i32>} : memref<8x1024xf32, #tpu.memory_space<vmem>>, vector<1x16xf32>,
        %parallel_loop3A_344 = vector.shape_cast %parallel_loop3A_343 : vector<1x16xf32> to vector<16xf32>
        %parallel_loop3A_345 = arith.constant 16 : i32
        %parallel_loop3A_346 = arith.muli %parallel_loop3A_324, %parallel_loop3A_345 : i32
        %parallel_loop3A_347 = arith.constant 4 : i32
        %parallel_loop3A_348 = arith.index_cast %parallel_loop3A_347 : i32 to index
        %parallel_loop3A_349 = arith.index_cast %parallel_loop3A_346 : i32 to index
        %parallel_loop3A_350 = tpu.vector_load %arg8[%parallel_loop3A_348, %parallel_loop3A_349] {strides = array<i32>} : memref<16x1024xf32, #tpu.memory_space<vmem>>, vector<1x16xf32>,
        %parallel_loop3A_351 = vector.shape_cast %parallel_loop3A_350 : vector<1x16xf32> to vector<16xf32>
        %parallel_loop3A_352 = vector.shape_cast %parallel_loop3A_344 : vector<16xf32> to vector<1x16xf32>
        tpu.vector_store %arg8[%parallel_loop3A_348, %parallel_loop3A_349], %parallel_loop3A_352 {add = true, strides = array<i32>} : memref<16x1024xf32, #tpu.memory_space<vmem>>, vector<1x16xf32>,
        %parallel_loop3A_353 = arith.constant 16 : i32
        %parallel_loop3A_354 = arith.muli %parallel_loop3A_324, %parallel_loop3A_353 : i32
        %parallel_loop3A_355 = arith.index_cast %squeeze3A_57 : i32 to index
        %parallel_loop3A_356 = arith.index_cast %parallel_loop3A_354 : i32 to index
        %parallel_loop3A_357 = tpu.vector_load %arg6[%parallel_loop3A_355, %parallel_loop3A_356] {strides = array<i32>} : memref<8x1024xf32, #tpu.memory_space<vmem>>, vector<1x16xf32>,
        %parallel_loop3A_358 = vector.shape_cast %parallel_loop3A_357 : vector<1x16xf32> to vector<16xf32>
        %parallel_loop3A_359 = arith.constant 16 : i32
        %parallel_loop3A_360 = arith.muli %parallel_loop3A_324, %parallel_loop3A_359 : i32
        %parallel_loop3A_361 = arith.constant 8 : i32
        %parallel_loop3A_362 = arith.index_cast %parallel_loop3A_361 : i32 to index
        %parallel_loop3A_363 = arith.index_cast %parallel_loop3A_360 : i32 to index
        %parallel_loop3A_364 = tpu.vector_load %arg8[%parallel_loop3A_362, %parallel_loop3A_363] {strides = array<i32>} : memref<16x1024xf32, #tpu.memory_space<vmem>>, vector<1x16xf32>,
        %parallel_loop3A_365 = vector.shape_cast %parallel_loop3A_364 : vector<1x16xf32> to vector<16xf32>
        %parallel_loop3A_366 = vector.shape_cast %parallel_loop3A_358 : vector<16xf32> to vector<1x16xf32>
        tpu.vector_store %arg8[%parallel_loop3A_362, %parallel_loop3A_363], %parallel_loop3A_366 {add = true, strides = array<i32>} : memref<16x1024xf32, #tpu.memory_space<vmem>>, vector<1x16xf32>,
        %parallel_loop3A_367 = arith.constant 16 : i32
        %parallel_loop3A_368 = arith.muli %parallel_loop3A_324, %parallel_loop3A_367 : i32
        %parallel_loop3A_369 = arith.index_cast %squeeze3A_59 : i32 to index
        %parallel_loop3A_370 = arith.index_cast %parallel_loop3A_368 : i32 to index
        %parallel_loop3A_371 = tpu.vector_load %arg6[%parallel_loop3A_369, %parallel_loop3A_370] {strides = array<i32>} : memref<8x1024xf32, #tpu.memory_space<vmem>>, vector<1x16xf32>,
        %parallel_loop3A_372 = vector.shape_cast %parallel_loop3A_371 : vector<1x16xf32> to vector<16xf32>
        %parallel_loop3A_373 = arith.constant 16 : i32
        %parallel_loop3A_374 = arith.muli %parallel_loop3A_324, %parallel_loop3A_373 : i32
        %parallel_loop3A_375 = arith.constant 12 : i32
        %parallel_loop3A_376 = arith.index_cast %parallel_loop3A_375 : i32 to index
        %parallel_loop3A_377 = arith.index_cast %parallel_loop3A_374 : i32 to index
        %parallel_loop3A_378 = tpu.vector_load %arg8[%parallel_loop3A_376, %parallel_loop3A_377] {strides = array<i32>} : memref<16x1024xf32, #tpu.memory_space<vmem>>, vector<1x16xf32>,
        %parallel_loop3A_379 = vector.shape_cast %parallel_loop3A_378 : vector<1x16xf32> to vector<16xf32>
        %parallel_loop3A_380 = vector.shape_cast %parallel_loop3A_372 : vector<16xf32> to vector<1x16xf32>
        tpu.vector_store %arg8[%parallel_loop3A_376, %parallel_loop3A_377], %parallel_loop3A_380 {add = true, strides = array<i32>} : memref<16x1024xf32, #tpu.memory_space<vmem>>, vector<1x16xf32>,
      } {sc.loop_unroll_factor = 8 : i64, sc.parallel_access}
      %slice3A_62 = vector.extract_strided_slice %get3A_53 {offsets = [1], sizes = [1], strides = [1]} : vector<16xi32> to vector<1xi32>
      %squeeze3A_63 = vector.extract %slice3A_62[0] : i32 from vector<1xi32>
      %slice3A_64 = vector.extract_strided_slice %get3A_53 {offsets = [5], sizes = [1], strides = [1]} : vector<16xi32> to vector<1xi32>
      %squeeze3A_65 = vector.extract %slice3A_64[0] : i32 from vector<1xi32>
      %slice3A_66 = vector.extract_strided_slice %get3A_53 {offsets = [9], sizes = [1], strides = [1]} : vector<16xi32> to vector<1xi32>
      %squeeze3A_67 = vector.extract %slice3A_66[0] : i32 from vector<1xi32>
      %slice3A_68 = vector.extract_strided_slice %get3A_53 {offsets = [13], sizes = [1], strides = [1]} : vector<16xi32> to vector<1xi32>
      %squeeze3A_69 = vector.extract %slice3A_68[0] : i32 from vector<1xi32>
      %parallel_loop3A_70 = arith.constant 0 : i32
      %parallel_loop3A_71 = arith.constant 64 : i32
      %parallel_loop3A_72 = arith.constant 1 : i32
      scf.for %parallel_loop3A_324 = %parallel_loop3A_70 to %parallel_loop3A_71 step %parallel_loop3A_72  : i32 {
        %parallel_loop3A_325 = arith.constant 16 : i32
        %parallel_loop3A_326 = arith.muli %parallel_loop3A_324, %parallel_loop3A_325 : i32
        %parallel_loop3A_327 = arith.index_cast %squeeze3A_63 : i32 to index
        %parallel_loop3A_328 = arith.index_cast %parallel_loop3A_326 : i32 to index
        %parallel_loop3A_329 = tpu.vector_load %arg6[%parallel_loop3A_327, %parallel_loop3A_328] {strides = array<i32>} : memref<8x1024xf32, #tpu.memory_space<vmem>>, vector<1x16xf32>,
        %parallel_loop3A_330 = vector.shape_cast %parallel_loop3A_329 : vector<1x16xf32> to vector<16xf32>
        %parallel_loop3A_331 = arith.constant 16 : i32
        %parallel_loop3A_332 = arith.muli %parallel_loop3A_324, %parallel_loop3A_331 : i32
        %parallel_loop3A_333 = arith.constant 1 : i32
        %parallel_loop3A_334 = arith.index_cast %parallel_loop3A_333 : i32 to index
        %parallel_loop3A_335 = arith.index_cast %parallel_loop3A_332 : i32 to index
        %parallel_loop3A_336 = tpu.vector_load %arg8[%parallel_loop3A_334, %parallel_loop3A_335] {strides = array<i32>} : memref<16x1024xf32, #tpu.memory_space<vmem>>, vector<1x16xf32>,
        %parallel_loop3A_337 = vector.shape_cast %parallel_loop3A_336 : vector<1x16xf32> to vector<16xf32>
        %parallel_loop3A_338 = vector.shape_cast %parallel_loop3A_330 : vector<16xf32> to vector<1x16xf32>
        tpu.vector_store %arg8[%parallel_loop3A_334, %parallel_loop3A_335], %parallel_loop3A_338 {add = true, strides = array<i32>} : memref<16x1024xf32, #tpu.memory_space<vmem>>, vector<1x16xf32>,
        %parallel_loop3A_339 = arith.constant 16 : i32
        %parallel_loop3A_340 = arith.muli %parallel_loop3A_324, %parallel_loop3A_339 : i32
        %parallel_loop3A_341 = arith.index_cast %squeeze3A_65 : i32 to index
        %parallel_loop3A_342 = arith.index_cast %parallel_loop3A_340 : i32 to index
        %parallel_loop3A_343 = tpu.vector_load %arg6[%parallel_loop3A_341, %parallel_loop3A_342] {strides = array<i32>} : memref<8x1024xf32, #tpu.memory_space<vmem>>, vector<1x16xf32>,
        %parallel_loop3A_344 = vector.shape_cast %parallel_loop3A_343 : vector<1x16xf32> to vector<16xf32>
        %parallel_loop3A_345 = arith.constant 16 : i32
        %parallel_loop3A_346 = arith.muli %parallel_loop3A_324, %parallel_loop3A_345 : i32
        %parallel_loop3A_347 = arith.constant 5 : i32
        %parallel_loop3A_348 = arith.index_cast %parallel_loop3A_347 : i32 to index
        %parallel_loop3A_349 = arith.index_cast %parallel_loop3A_346 : i32 to index
        %parallel_loop3A_350 = tpu.vector_load %arg8[%parallel_loop3A_348, %parallel_loop3A_349] {strides = array<i32>} : memref<16x1024xf32, #tpu.memory_space<vmem>>, vector<1x16xf32>,
        %parallel_loop3A_351 = vector.shape_cast %parallel_loop3A_350 : vector<1x16xf32> to vector<16xf32>
        %parallel_loop3A_352 = vector.shape_cast %parallel_loop3A_344 : vector<16xf32> to vector<1x16xf32>
        tpu.vector_store %arg8[%parallel_loop3A_348, %parallel_loop3A_349], %parallel_loop3A_352 {add = true, strides = array<i32>} : memref<16x1024xf32, #tpu.memory_space<vmem>>, vector<1x16xf32>,
        %parallel_loop3A_353 = arith.constant 16 : i32
        %parallel_loop3A_354 = arith.muli %parallel_loop3A_324, %parallel_loop3A_353 : i32
        %parallel_loop3A_355 = arith.index_cast %squeeze3A_67 : i32 to index
        %parallel_loop3A_356 = arith.index_cast %parallel_loop3A_354 : i32 to index
        %parallel_loop3A_357 = tpu.vector_load %arg6[%parallel_loop3A_355, %parallel_loop3A_356] {strides = array<i32>} : memref<8x1024xf32, #tpu.memory_space<vmem>>, vector<1x16xf32>,
        %parallel_loop3A_358 = vector.shape_cast %parallel_loop3A_357 : vector<1x16xf32> to vector<16xf32>
        %parallel_loop3A_359 = arith.constant 16 : i32
        %parallel_loop3A_360 = arith.muli %parallel_loop3A_324, %parallel_loop3A_359 : i32
        %parallel_loop3A_361 = arith.constant 9 : i32
        %parallel_loop3A_362 = arith.index_cast %parallel_loop3A_361 : i32 to index
        %parallel_loop3A_363 = arith.index_cast %parallel_loop3A_360 : i32 to index
        %parallel_loop3A_364 = tpu.vector_load %arg8[%parallel_loop3A_362, %parallel_loop3A_363] {strides = array<i32>} : memref<16x1024xf32, #tpu.memory_space<vmem>>, vector<1x16xf32>,
        %parallel_loop3A_365 = vector.shape_cast %parallel_loop3A_364 : vector<1x16xf32> to vector<16xf32>
        %parallel_loop3A_366 = vector.shape_cast %parallel_loop3A_358 : vector<16xf32> to vector<1x16xf32>
        tpu.vector_store %arg8[%parallel_loop3A_362, %parallel_loop3A_363], %parallel_loop3A_366 {add = true, strides = array<i32>} : memref<16x1024xf32, #tpu.memory_space<vmem>>, vector<1x16xf32>,
        %parallel_loop3A_367 = arith.constant 16 : i32
        %parallel_loop3A_368 = arith.muli %parallel_loop3A_324, %parallel_loop3A_367 : i32
        %parallel_loop3A_369 = arith.index_cast %squeeze3A_69 : i32 to index
        %parallel_loop3A_370 = arith.index_cast %parallel_loop3A_368 : i32 to index
        %parallel_loop3A_371 = tpu.vector_load %arg6[%parallel_loop3A_369, %parallel_loop3A_370] {strides = array<i32>} : memref<8x1024xf32, #tpu.memory_space<vmem>>, vector<1x16xf32>,
        %parallel_loop3A_372 = vector.shape_cast %parallel_loop3A_371 : vector<1x16xf32> to vector<16xf32>
        %parallel_loop3A_373 = arith.constant 16 : i32
        %parallel_loop3A_374 = arith.muli %parallel_loop3A_324, %parallel_loop3A_373 : i32
        %parallel_loop3A_375 = arith.constant 13 : i32
        %parallel_loop3A_376 = arith.index_cast %parallel_loop3A_375 : i32 to index
        %parallel_loop3A_377 = arith.index_cast %parallel_loop3A_374 : i32 to index
        %parallel_loop3A_378 = tpu.vector_load %arg8[%parallel_loop3A_376, %parallel_loop3A_377] {strides = array<i32>} : memref<16x1024xf32, #tpu.memory_space<vmem>>, vector<1x16xf32>,
        %parallel_loop3A_379 = vector.shape_cast %parallel_loop3A_378 : vector<1x16xf32> to vector<16xf32>
        %parallel_loop3A_380 = vector.shape_cast %parallel_loop3A_372 : vector<16xf32> to vector<1x16xf32>
        tpu.vector_store %arg8[%parallel_loop3A_376, %parallel_loop3A_377], %parallel_loop3A_380 {add = true, strides = array<i32>} : memref<16x1024xf32, #tpu.memory_space<vmem>>, vector<1x16xf32>,
      } {sc.loop_unroll_factor = 8 : i64, sc.parallel_access}
      %slice3A_73 = vector.extract_strided_slice %get3A_53 {offsets = [2], sizes = [1], strides = [1]} : vector<16xi32> to vector<1xi32>
      %squeeze3A_74 = vector.extract %slice3A_73[0] : i32 from vector<1xi32>
      %slice3A_75 = vector.extract_strided_slice %get3A_53 {offsets = [6], sizes = [1], strides = [1]} : vector<16xi32> to vector<1xi32>
      %squeeze3A_76 = vector.extract %slice3A_75[0] : i32 from vector<1xi32>
      %slice3A_77 = vector.extract_strided_slice %get3A_53 {offsets = [10], sizes = [1], strides = [1]} : vector<16xi32> to vector<1xi32>
      %squeeze3A_78 = vector.extract %slice3A_77[0] : i32 from vector<1xi32>
      %slice3A_79 = vector.extract_strided_slice %get3A_53 {offsets = [14], sizes = [1], strides = [1]} : vector<16xi32> to vector<1xi32>
      %squeeze3A_80 = vector.extract %slice3A_79[0] : i32 from vector<1xi32>
      %parallel_loop3A_81 = arith.constant 0 : i32
      %parallel_loop3A_82 = arith.constant 64 : i32
      %parallel_loop3A_83 = arith.constant 1 : i32
      scf.for %parallel_loop3A_324 = %parallel_loop3A_81 to %parallel_loop3A_82 step %parallel_loop3A_83  : i32 {
        %parallel_loop3A_325 = arith.constant 16 : i32
        %parallel_loop3A_326 = arith.muli %parallel_loop3A_324, %parallel_loop3A_325 : i32
        %parallel_loop3A_327 = arith.index_cast %squeeze3A_74 : i32 to index
        %parallel_loop3A_328 = arith.index_cast %parallel_loop3A_326 : i32 to index
        %parallel_loop3A_329 = tpu.vector_load %arg6[%parallel_loop3A_327, %parallel_loop3A_328] {strides = array<i32>} : memref<8x1024xf32, #tpu.memory_space<vmem>>, vector<1x16xf32>,
        %parallel_loop3A_330 = vector.shape_cast %parallel_loop3A_329 : vector<1x16xf32> to vector<16xf32>
        %parallel_loop3A_331 = arith.constant 16 : i32
        %parallel_loop3A_332 = arith.muli %parallel_loop3A_324, %parallel_loop3A_331 : i32
        %parallel_loop3A_333 = arith.constant 2 : i32
        %parallel_loop3A_334 = arith.index_cast %parallel_loop3A_333 : i32 to index
        %parallel_loop3A_335 = arith.index_cast %parallel_loop3A_332 : i32 to index
        %parallel_loop3A_336 = tpu.vector_load %arg8[%parallel_loop3A_334, %parallel_loop3A_335] {strides = array<i32>} : memref<16x1024xf32, #tpu.memory_space<vmem>>, vector<1x16xf32>,
        %parallel_loop3A_337 = vector.shape_cast %parallel_loop3A_336 : vector<1x16xf32> to vector<16xf32>
        %parallel_loop3A_338 = vector.shape_cast %parallel_loop3A_330 : vector<16xf32> to vector<1x16xf32>
        tpu.vector_store %arg8[%parallel_loop3A_334, %parallel_loop3A_335], %parallel_loop3A_338 {add = true, strides = array<i32>} : memref<16x1024xf32, #tpu.memory_space<vmem>>, vector<1x16xf32>,
        %parallel_loop3A_339 = arith.constant 16 : i32
        %parallel_loop3A_340 = arith.muli %parallel_loop3A_324, %parallel_loop3A_339 : i32
        %parallel_loop3A_341 = arith.index_cast %squeeze3A_76 : i32 to index
        %parallel_loop3A_342 = arith.index_cast %parallel_loop3A_340 : i32 to index
        %parallel_loop3A_343 = tpu.vector_load %arg6[%parallel_loop3A_341, %parallel_loop3A_342] {strides = array<i32>} : memref<8x1024xf32, #tpu.memory_space<vmem>>, vector<1x16xf32>,
        %parallel_loop3A_344 = vector.shape_cast %parallel_loop3A_343 : vector<1x16xf32> to vector<16xf32>
        %parallel_loop3A_345 = arith.constant 16 : i32
        %parallel_loop3A_346 = arith.muli %parallel_loop3A_324, %parallel_loop3A_345 : i32
        %parallel_loop3A_347 = arith.constant 6 : i32
        %parallel_loop3A_348 = arith.index_cast %parallel_loop3A_347 : i32 to index
        %parallel_loop3A_349 = arith.index_cast %parallel_loop3A_346 : i32 to index
        %parallel_loop3A_350 = tpu.vector_load %arg8[%parallel_loop3A_348, %parallel_loop3A_349] {strides = array<i32>} : memref<16x1024xf32, #tpu.memory_space<vmem>>, vector<1x16xf32>,
        %parallel_loop3A_351 = vector.shape_cast %parallel_loop3A_350 : vector<1x16xf32> to vector<16xf32>
        %parallel_loop3A_352 = vector.shape_cast %parallel_loop3A_344 : vector<16xf32> to vector<1x16xf32>
        tpu.vector_store %arg8[%parallel_loop3A_348, %parallel_loop3A_349], %parallel_loop3A_352 {add = true, strides = array<i32>} : memref<16x1024xf32, #tpu.memory_space<vmem>>, vector<1x16xf32>,
        %parallel_loop3A_353 = arith.constant 16 : i32
        %parallel_loop3A_354 = arith.muli %parallel_loop3A_324, %parallel_loop3A_353 : i32
        %parallel_loop3A_355 = arith.index_cast %squeeze3A_78 : i32 to index
        %parallel_loop3A_356 = arith.index_cast %parallel_loop3A_354 : i32 to index
        %parallel_loop3A_357 = tpu.vector_load %arg6[%parallel_loop3A_355, %parallel_loop3A_356] {strides = array<i32>} : memref<8x1024xf32, #tpu.memory_space<vmem>>, vector<1x16xf32>,
        %parallel_loop3A_358 = vector.shape_cast %parallel_loop3A_357 : vector<1x16xf32> to vector<16xf32>
        %parallel_loop3A_359 = arith.constant 16 : i32
        %parallel_loop3A_360 = arith.muli %parallel_loop3A_324, %parallel_loop3A_359 : i32
        %parallel_loop3A_361 = arith.constant 10 : i32
        %parallel_loop3A_362 = arith.index_cast %parallel_loop3A_361 : i32 to index
        %parallel_loop3A_363 = arith.index_cast %parallel_loop3A_360 : i32 to index
        %parallel_loop3A_364 = tpu.vector_load %arg8[%parallel_loop3A_362, %parallel_loop3A_363] {strides = array<i32>} : memref<16x1024xf32, #tpu.memory_space<vmem>>, vector<1x16xf32>,
        %parallel_loop3A_365 = vector.shape_cast %parallel_loop3A_364 : vector<1x16xf32> to vector<16xf32>
        %parallel_loop3A_366 = vector.shape_cast %parallel_loop3A_358 : vector<16xf32> to vector<1x16xf32>
        tpu.vector_store %arg8[%parallel_loop3A_362, %parallel_loop3A_363], %parallel_loop3A_366 {add = true, strides = array<i32>} : memref<16x1024xf32, #tpu.memory_space<vmem>>, vector<1x16xf32>,
        %parallel_loop3A_367 = arith.constant 16 : i32
        %parallel_loop3A_368 = arith.muli %parallel_loop3A_324, %parallel_loop3A_367 : i32
        %parallel_loop3A_369 = arith.index_cast %squeeze3A_80 : i32 to index
        %parallel_loop3A_370 = arith.index_cast %parallel_loop3A_368 : i32 to index
        %parallel_loop3A_371 = tpu.vector_load %arg6[%parallel_loop3A_369, %parallel_loop3A_370] {strides = array<i32>} : memref<8x1024xf32, #tpu.memory_space<vmem>>, vector<1x16xf32>,
        %parallel_loop3A_372 = vector.shape_cast %parallel_loop3A_371 : vector<1x16xf32> to vector<16xf32>
        %parallel_loop3A_373 = arith.constant 16 : i32
        %parallel_loop3A_374 = arith.muli %parallel_loop3A_324, %parallel_loop3A_373 : i32
        %parallel_loop3A_375 = arith.constant 14 : i32
        %parallel_loop3A_376 = arith.index_cast %parallel_loop3A_375 : i32 to index
        %parallel_loop3A_377 = arith.index_cast %parallel_loop3A_374 : i32 to index
        %parallel_loop3A_378 = tpu.vector_load %arg8[%parallel_loop3A_376, %parallel_loop3A_377] {strides = array<i32>} : memref<16x1024xf32, #tpu.memory_space<vmem>>, vector<1x16xf32>,
        %parallel_loop3A_379 = vector.shape_cast %parallel_loop3A_378 : vector<1x16xf32> to vector<16xf32>
        %parallel_loop3A_380 = vector.shape_cast %parallel_loop3A_372 : vector<16xf32> to vector<1x16xf32>
        tpu.vector_store %arg8[%parallel_loop3A_376, %parallel_loop3A_377], %parallel_loop3A_380 {add = true, strides = array<i32>} : memref<16x1024xf32, #tpu.memory_space<vmem>>, vector<1x16xf32>,
      } {sc.loop_unroll_factor = 8 : i64, sc.parallel_access}
      %slice3A_84 = vector.extract_strided_slice %get3A_53 {offsets = [3], sizes = [1], strides = [1]} : vector<16xi32> to vector<1xi32>
      %squeeze3A_85 = vector.extract %slice3A_84[0] : i32 from vector<1xi32>
      %slice3A_86 = vector.extract_strided_slice %get3A_53 {offsets = [7], sizes = [1], strides = [1]} : vector<16xi32> to vector<1xi32>
      %squeeze3A_87 = vector.extract %slice3A_86[0] : i32 from vector<1xi32>
      %slice3A_88 = vector.extract_strided_slice %get3A_53 {offsets = [11], sizes = [1], strides = [1]} : vector<16xi32> to vector<1xi32>
      %squeeze3A_89 = vector.extract %slice3A_88[0] : i32 from vector<1xi32>
      %slice3A_90 = vector.extract_strided_slice %get3A_53 {offsets = [15], sizes = [1], strides = [1]} : vector<16xi32> to vector<1xi32>
      %squeeze3A_91 = vector.extract %slice3A_90[0] : i32 from vector<1xi32>
      %parallel_loop3A_92 = arith.constant 0 : i32
      %parallel_loop3A_93 = arith.constant 64 : i32
      %parallel_loop3A_94 = arith.constant 1 : i32
      scf.for %parallel_loop3A_324 = %parallel_loop3A_92 to %parallel_loop3A_93 step %parallel_loop3A_94  : i32 {
        %parallel_loop3A_325 = arith.constant 16 : i32
        %parallel_loop3A_326 = arith.muli %parallel_loop3A_324, %parallel_loop3A_325 : i32
        %parallel_loop3A_327 = arith.index_cast %squeeze3A_85 : i32 to index
        %parallel_loop3A_328 = arith.index_cast %parallel_loop3A_326 : i32 to index
        %parallel_loop3A_329 = tpu.vector_load %arg6[%parallel_loop3A_327, %parallel_loop3A_328] {strides = array<i32>} : memref<8x1024xf32, #tpu.memory_space<vmem>>, vector<1x16xf32>,
        %parallel_loop3A_330 = vector.shape_cast %parallel_loop3A_329 : vector<1x16xf32> to vector<16xf32>
        %parallel_loop3A_331 = arith.constant 16 : i32
        %parallel_loop3A_332 = arith.muli %parallel_loop3A_324, %parallel_loop3A_331 : i32
        %parallel_loop3A_333 = arith.constant 3 : i32
        %parallel_loop3A_334 = arith.index_cast %parallel_loop3A_333 : i32 to index
        %parallel_loop3A_335 = arith.index_cast %parallel_loop3A_332 : i32 to index
        %parallel_loop3A_336 = tpu.vector_load %arg8[%parallel_loop3A_334, %parallel_loop3A_335] {strides = array<i32>} : memref<16x1024xf32, #tpu.memory_space<vmem>>, vector<1x16xf32>,
        %parallel_loop3A_337 = vector.shape_cast %parallel_loop3A_336 : vector<1x16xf32> to vector<16xf32>
        %parallel_loop3A_338 = vector.shape_cast %parallel_loop3A_330 : vector<16xf32> to vector<1x16xf32>
        tpu.vector_store %arg8[%parallel_loop3A_334, %parallel_loop3A_335], %parallel_loop3A_338 {add = true, strides = array<i32>} : memref<16x1024xf32, #tpu.memory_space<vmem>>, vector<1x16xf32>,
        %parallel_loop3A_339 = arith.constant 16 : i32
        %parallel_loop3A_340 = arith.muli %parallel_loop3A_324, %parallel_loop3A_339 : i32
        %parallel_loop3A_341 = arith.index_cast %squeeze3A_87 : i32 to index
        %parallel_loop3A_342 = arith.index_cast %parallel_loop3A_340 : i32 to index
        %parallel_loop3A_343 = tpu.vector_load %arg6[%parallel_loop3A_341, %parallel_loop3A_342] {strides = array<i32>} : memref<8x1024xf32, #tpu.memory_space<vmem>>, vector<1x16xf32>,
        %parallel_loop3A_344 = vector.shape_cast %parallel_loop3A_343 : vector<1x16xf32> to vector<16xf32>
        %parallel_loop3A_345 = arith.constant 16 : i32
        %parallel_loop3A_346 = arith.muli %parallel_loop3A_324, %parallel_loop3A_345 : i32
        %parallel_loop3A_347 = arith.constant 7 : i32
        %parallel_loop3A_348 = arith.index_cast %parallel_loop3A_347 : i32 to index
        %parallel_loop3A_349 = arith.index_cast %parallel_loop3A_346 : i32 to index
        %parallel_loop3A_350 = tpu.vector_load %arg8[%parallel_loop3A_348, %parallel_loop3A_349] {strides = array<i32>} : memref<16x1024xf32, #tpu.memory_space<vmem>>, vector<1x16xf32>,
        %parallel_loop3A_351 = vector.shape_cast %parallel_loop3A_350 : vector<1x16xf32> to vector<16xf32>
        %parallel_loop3A_352 = vector.shape_cast %parallel_loop3A_344 : vector<16xf32> to vector<1x16xf32>
        tpu.vector_store %arg8[%parallel_loop3A_348, %parallel_loop3A_349], %parallel_loop3A_352 {add = true, strides = array<i32>} : memref<16x1024xf32, #tpu.memory_space<vmem>>, vector<1x16xf32>,
        %parallel_loop3A_353 = arith.constant 16 : i32
        %parallel_loop3A_354 = arith.muli %parallel_loop3A_324, %parallel_loop3A_353 : i32
        %parallel_loop3A_355 = arith.index_cast %squeeze3A_89 : i32 to index
        %parallel_loop3A_356 = arith.index_cast %parallel_loop3A_354 : i32 to index
        %parallel_loop3A_357 = tpu.vector_load %arg6[%parallel_loop3A_355, %parallel_loop3A_356] {strides = array<i32>} : memref<8x1024xf32, #tpu.memory_space<vmem>>, vector<1x16xf32>,
        %parallel_loop3A_358 = vector.shape_cast %parallel_loop3A_357 : vector<1x16xf32> to vector<16xf32>
        %parallel_loop3A_359 = arith.constant 16 : i32
        %parallel_loop3A_360 = arith.muli %parallel_loop3A_324, %parallel_loop3A_359 : i32
        %parallel_loop3A_361 = arith.constant 11 : i32
        %parallel_loop3A_362 = arith.index_cast %parallel_loop3A_361 : i32 to index
        %parallel_loop3A_363 = arith.index_cast %parallel_loop3A_360 : i32 to index
        %parallel_loop3A_364 = tpu.vector_load %arg8[%parallel_loop3A_362, %parallel_loop3A_363] {strides = array<i32>} : memref<16x1024xf32, #tpu.memory_space<vmem>>, vector<1x16xf32>,
        %parallel_loop3A_365 = vector.shape_cast %parallel_loop3A_364 : vector<1x16xf32> to vector<16xf32>
        %parallel_loop3A_366 = vector.shape_cast %parallel_loop3A_358 : vector<16xf32> to vector<1x16xf32>
        tpu.vector_store %arg8[%parallel_loop3A_362, %parallel_loop3A_363], %parallel_loop3A_366 {add = true, strides = array<i32>} : memref<16x1024xf32, #tpu.memory_space<vmem>>, vector<1x16xf32>,
        %parallel_loop3A_367 = arith.constant 16 : i32
        %parallel_loop3A_368 = arith.muli %parallel_loop3A_324, %parallel_loop3A_367 : i32
        %parallel_loop3A_369 = arith.index_cast %squeeze3A_91 : i32 to index
        %parallel_loop3A_370 = arith.index_cast %parallel_loop3A_368 : i32 to index
        %parallel_loop3A_371 = tpu.vector_load %arg6[%parallel_loop3A_369, %parallel_loop3A_370] {strides = array<i32>} : memref<8x1024xf32, #tpu.memory_space<vmem>>, vector<1x16xf32>,
        %parallel_loop3A_372 = vector.shape_cast %parallel_loop3A_371 : vector<1x16xf32> to vector<16xf32>
        %parallel_loop3A_373 = arith.constant 16 : i32
        %parallel_loop3A_374 = arith.muli %parallel_loop3A_324, %parallel_loop3A_373 : i32
        %parallel_loop3A_375 = arith.constant 15 : i32
        %parallel_loop3A_376 = arith.index_cast %parallel_loop3A_375 : i32 to index
        %parallel_loop3A_377 = arith.index_cast %parallel_loop3A_374 : i32 to index
        %parallel_loop3A_378 = tpu.vector_load %arg8[%parallel_loop3A_376, %parallel_loop3A_377] {strides = array<i32>} : memref<16x1024xf32, #tpu.memory_space<vmem>>, vector<1x16xf32>,
        %parallel_loop3A_379 = vector.shape_cast %parallel_loop3A_378 : vector<1x16xf32> to vector<16xf32>
        %parallel_loop3A_380 = vector.shape_cast %parallel_loop3A_372 : vector<16xf32> to vector<1x16xf32>
        tpu.vector_store %arg8[%parallel_loop3A_376, %parallel_loop3A_377], %parallel_loop3A_380 {add = true, strides = array<i32>} : memref<16x1024xf32, #tpu.memory_space<vmem>>, vector<1x16xf32>,
      } {sc.loop_unroll_factor = 8 : i64, sc.parallel_access}
      %mul3A_95 = arith.constant 16 : i32
      %mul3A_96 = arith.muli %add3A_38, %mul3A_95 : i32
      %add3A_97 = arith.addi %mul3A_2, %mul3A_96 : i32
      %dma_start3A_98 = arith.constant 0 : i32
      %dma_start3A_99 = tpu.memref_slice %arg5[%add3A_97, %dma_start3A_98] : memref<32768x1024xf32, #tpu.memory_space<hbm>> -> memref<16x1024xf32, #tpu.memory_space<hbm>>
      %dma_start3A_100 = arith.constant 0 : i32
      %dma_start3A_101 = tpu.memref_slice %arg5[%add3A_97, %dma_start3A_100] : memref<32768x1024xf32, #tpu.memory_space<hbm>> -> memref<16x1024xf32, #tpu.memory_space<hbm>>
      tpu.enqueue_dma source(%arg8 : memref<16x1024xf32, #tpu.memory_space<vmem>>) target(%dma_start3A_101 : memref<16x1024xf32, #tpu.memory_space<hbm>>) target_semaphore(%arg16 : memref<!tpu.dma_semaphore, #tpu.memory_space<semaphore_mem>>)
      %mul3A_102 = arith.constant 4 : i32
      %mul3A_103 = arith.muli %scan3A_34, %mul3A_102 : i32
      %add3A_104 = arith.constant 1 : i32
      %add3A_105 = arith.addi %mul3A_103, %add3A_104 : i32
      %add3A_106 = arith.constant 1 : i32
      %add3A_107 = arith.addi %add3A_105, %add3A_106 : i32
      %lt3A_108 = arith.constant 64 : i32
      %lt3A_109 = arith.cmpi slt, %add3A_107, %lt3A_108 : i32
      %convert_element_type3A_110 = arith.extui %lt3A_109 : i1 to i32
      %cond3A_111 = arith.constant 0 : i32
      %cond3A_112 = arith.cmpi ne, %convert_element_type3A_110, %cond3A_111 : i32
      scf.if %cond3A_112 {
        %ge3A = arith.constant 3 : i32
        %ge3A_324 = arith.cmpi sge, %add3A_105, %ge3A : i32
        %convert_element_type3A_325 = arith.extui %ge3A_324 : i1 to i32
        %cond3A_326 = arith.constant 0 : i32
        %cond3A_327 = arith.cmpi ne, %convert_element_type3A_325, %cond3A_326 : i32
        scf.if %cond3A_327 {
          %sub3A = arith.constant 3 : i32
          %sub3A_337 = arith.subi %add3A_105, %sub3A : i32
          %mul3A_338 = arith.constant 16 : i32
          %mul3A_339 = arith.muli %sub3A_337, %mul3A_338 : i32
          %add3A_340 = arith.addi %mul3A_2, %mul3A_339 : i32
          %dma_wait3A_341 = arith.constant 0 : i32
          %dma_wait3A_342 = tpu.memref_slice %arg5[%add3A_340, %dma_wait3A_341] : memref<32768x1024xf32, #tpu.memory_space<hbm>> -> memref<16x1024xf32, #tpu.memory_space<hbm>>
          %dma_wait3A_343 = arith.constant 0 : i32
          %dma_wait3A_344 = tpu.memref_slice %arg5[%add3A_340, %dma_wait3A_343] : memref<32768x1024xf32, #tpu.memory_space<hbm>> -> memref<16x1024xf32, #tpu.memory_space<hbm>>
          tpu.wait_dma2 semaphore(%arg18 : memref<!tpu.dma_semaphore, #tpu.memory_space<semaphore_mem>>) src(%arg10 : memref<16x1024xf32, #tpu.memory_space<vmem>>) dst(%dma_wait3A_344 : memref<16x1024xf32, #tpu.memory_space<hbm>>)
        } else {
        }
        %add3A_328 = arith.constant 1 : i32
        %add3A_329 = arith.addi %add3A_105, %add3A_328 : i32
        %mul3A_330 = arith.constant 16 : i32
        %mul3A_331 = arith.muli %add3A_329, %mul3A_330 : i32
        %add3A_332 = arith.addi %mul3A_2, %mul3A_331 : i32
        %dma_start3A_333 = arith.constant 0 : i32
        %dma_start3A_334 = tpu.memref_slice %arg2[%add3A_332, %dma_start3A_333] : memref<32768x1024xf32, #tpu.memory_space<hbm>> -> memref<16x1024xf32, #tpu.memory_space<hbm>>
        %dma_start3A_335 = arith.constant 0 : i32
        %dma_start3A_336 = tpu.memref_slice %arg2[%add3A_332, %dma_start3A_335] : memref<32768x1024xf32, #tpu.memory_space<hbm>> -> memref<16x1024xf32, #tpu.memory_space<hbm>>
        tpu.enqueue_dma source(%dma_start3A_336 : memref<16x1024xf32, #tpu.memory_space<hbm>>) target(%arg10 : memref<16x1024xf32, #tpu.memory_space<vmem>>) target_semaphore(%arg14 : memref<!tpu.dma_semaphore, #tpu.memory_space<semaphore_mem>>)
      } else {
      }
      %mul3A_113 = arith.constant 16 : i32
      %mul3A_114 = arith.muli %add3A_105, %mul3A_113 : i32
      %add3A_115 = arith.addi %mul3A_2, %mul3A_114 : i32
      %dma_wait3A_116 = arith.constant 0 : i32
      %dma_wait3A_117 = tpu.memref_slice %arg2[%add3A_115, %dma_wait3A_116] : memref<32768x1024xf32, #tpu.memory_space<hbm>> -> memref<16x1024xf32, #tpu.memory_space<hbm>>
      %dma_wait3A_118 = arith.constant 0 : i32
      %dma_wait3A_119 = tpu.memref_slice %arg2[%add3A_115, %dma_wait3A_118] : memref<32768x1024xf32, #tpu.memory_space<hbm>> -> memref<16x1024xf32, #tpu.memory_space<hbm>>
      tpu.wait_dma2 semaphore(%arg13 : memref<!tpu.dma_semaphore, #tpu.memory_space<semaphore_mem>>) src(%dma_wait3A_119 : memref<16x1024xf32, #tpu.memory_space<hbm>>) dst(%arg9 : memref<16x1024xf32, #tpu.memory_space<vmem>>)
      %mul3A_120 = arith.constant 16 : i32
      %mul3A_121 = arith.muli %add3A_105, %mul3A_120 : i32
      %get3A_122 = arith.index_cast %mul3A_121 : i32 to index
      %get3A_123 = tpu.vector_load %arg7[%get3A_122] {strides = array<i32>} : memref<1024xi32, #tpu.memory_space<vmem>>, vector<16xi32>,
      %get3A_124 = vector.shape_cast %get3A_123 : vector<16xi32> to vector<16xi32>
      %slice3A_125 = vector.extract_strided_slice %get3A_124 {offsets = [0], sizes = [1], strides = [1]} : vector<16xi32> to vector<1xi32>
      %squeeze3A_126 = vector.extract %slice3A_125[0] : i32 from vector<1xi32>
      %slice3A_127 = vector.extract_strided_slice %get3A_124 {offsets = [4], sizes = [1], strides = [1]} : vector<16xi32> to vector<1xi32>
      %squeeze3A_128 = vector.extract %slice3A_127[0] : i32 from vector<1xi32>
      %slice3A_129 = vector.extract_strided_slice %get3A_124 {offsets = [8], sizes = [1], strides = [1]} : vector<16xi32> to vector<1xi32>
      %squeeze3A_130 = vector.extract %slice3A_129[0] : i32 from vector<1xi32>
      %slice3A_131 = vector.extract_strided_slice %get3A_124 {offsets = [12], sizes = [1], strides = [1]} : vector<16xi32> to vector<1xi32>
      %squeeze3A_132 = vector.extract %slice3A_131[0] : i32 from vector<1xi32>
      %parallel_loop3A_133 = arith.constant 0 : i32
      %parallel_loop3A_134 = arith.constant 64 : i32
      %parallel_loop3A_135 = arith.constant 1 : i32
      scf.for %parallel_loop3A_324 = %parallel_loop3A_133 to %parallel_loop3A_134 step %parallel_loop3A_135  : i32 {
        %parallel_loop3A_325 = arith.constant 16 : i32
        %parallel_loop3A_326 = arith.muli %parallel_loop3A_324, %parallel_loop3A_325 : i32
        %parallel_loop3A_327 = arith.index_cast %squeeze3A_126 : i32 to index
        %parallel_loop3A_328 = arith.index_cast %parallel_loop3A_326 : i32 to index
        %parallel_loop3A_329 = tpu.vector_load %arg6[%parallel_loop3A_327, %parallel_loop3A_328] {strides = array<i32>} : memref<8x1024xf32, #tpu.memory_space<vmem>>, vector<1x16xf32>,
        %parallel_loop3A_330 = vector.shape_cast %parallel_loop3A_329 : vector<1x16xf32> to vector<16xf32>
        %parallel_loop3A_331 = arith.constant 16 : i32
        %parallel_loop3A_332 = arith.muli %parallel_loop3A_324, %parallel_loop3A_331 : i32
        %parallel_loop3A_333 = arith.constant 0 : i32
        %parallel_loop3A_334 = arith.index_cast %parallel_loop3A_333 : i32 to index
        %parallel_loop3A_335 = arith.index_cast %parallel_loop3A_332 : i32 to index
        %parallel_loop3A_336 = tpu.vector_load %arg9[%parallel_loop3A_334, %parallel_loop3A_335] {strides = array<i32>} : memref<16x1024xf32, #tpu.memory_space<vmem>>, vector<1x16xf32>,
        %parallel_loop3A_337 = vector.shape_cast %parallel_loop3A_336 : vector<1x16xf32> to vector<16xf32>
        %parallel_loop3A_338 = vector.shape_cast %parallel_loop3A_330 : vector<16xf32> to vector<1x16xf32>
        tpu.vector_store %arg9[%parallel_loop3A_334, %parallel_loop3A_335], %parallel_loop3A_338 {add = true, strides = array<i32>} : memref<16x1024xf32, #tpu.memory_space<vmem>>, vector<1x16xf32>,
        %parallel_loop3A_339 = arith.constant 16 : i32
        %parallel_loop3A_340 = arith.muli %parallel_loop3A_324, %parallel_loop3A_339 : i32
        %parallel_loop3A_341 = arith.index_cast %squeeze3A_128 : i32 to index
        %parallel_loop3A_342 = arith.index_cast %parallel_loop3A_340 : i32 to index
        %parallel_loop3A_343 = tpu.vector_load %arg6[%parallel_loop3A_341, %parallel_loop3A_342] {strides = array<i32>} : memref<8x1024xf32, #tpu.memory_space<vmem>>, vector<1x16xf32>,
        %parallel_loop3A_344 = vector.shape_cast %parallel_loop3A_343 : vector<1x16xf32> to vector<16xf32>
        %parallel_loop3A_345 = arith.constant 16 : i32
        %parallel_loop3A_346 = arith.muli %parallel_loop3A_324, %parallel_loop3A_345 : i32
        %parallel_loop3A_347 = arith.constant 4 : i32
        %parallel_loop3A_348 = arith.index_cast %parallel_loop3A_347 : i32 to index
        %parallel_loop3A_349 = arith.index_cast %parallel_loop3A_346 : i32 to index
        %parallel_loop3A_350 = tpu.vector_load %arg9[%parallel_loop3A_348, %parallel_loop3A_349] {strides = array<i32>} : memref<16x1024xf32, #tpu.memory_space<vmem>>, vector<1x16xf32>,
        %parallel_loop3A_351 = vector.shape_cast %parallel_loop3A_350 : vector<1x16xf32> to vector<16xf32>
        %parallel_loop3A_352 = vector.shape_cast %parallel_loop3A_344 : vector<16xf32> to vector<1x16xf32>
        tpu.vector_store %arg9[%parallel_loop3A_348, %parallel_loop3A_349], %parallel_loop3A_352 {add = true, strides = array<i32>} : memref<16x1024xf32, #tpu.memory_space<vmem>>, vector<1x16xf32>,
        %parallel_loop3A_353 = arith.constant 16 : i32
        %parallel_loop3A_354 = arith.muli %parallel_loop3A_324, %parallel_loop3A_353 : i32
        %parallel_loop3A_355 = arith.index_cast %squeeze3A_130 : i32 to index
        %parallel_loop3A_356 = arith.index_cast %parallel_loop3A_354 : i32 to index
        %parallel_loop3A_357 = tpu.vector_load %arg6[%parallel_loop3A_355, %parallel_loop3A_356] {strides = array<i32>} : memref<8x1024xf32, #tpu.memory_space<vmem>>, vector<1x16xf32>,
        %parallel_loop3A_358 = vector.shape_cast %parallel_loop3A_357 : vector<1x16xf32> to vector<16xf32>
        %parallel_loop3A_359 = arith.constant 16 : i32
        %parallel_loop3A_360 = arith.muli %parallel_loop3A_324, %parallel_loop3A_359 : i32
        %parallel_loop3A_361 = arith.constant 8 : i32
        %parallel_loop3A_362 = arith.index_cast %parallel_loop3A_361 : i32 to index
        %parallel_loop3A_363 = arith.index_cast %parallel_loop3A_360 : i32 to index
        %parallel_loop3A_364 = tpu.vector_load %arg9[%parallel_loop3A_362, %parallel_loop3A_363] {strides = array<i32>} : memref<16x1024xf32, #tpu.memory_space<vmem>>, vector<1x16xf32>,
        %parallel_loop3A_365 = vector.shape_cast %parallel_loop3A_364 : vector<1x16xf32> to vector<16xf32>
        %parallel_loop3A_366 = vector.shape_cast %parallel_loop3A_358 : vector<16xf32> to vector<1x16xf32>
        tpu.vector_store %arg9[%parallel_loop3A_362, %parallel_loop3A_363], %parallel_loop3A_366 {add = true, strides = array<i32>} : memref<16x1024xf32, #tpu.memory_space<vmem>>, vector<1x16xf32>,
        %parallel_loop3A_367 = arith.constant 16 : i32
        %parallel_loop3A_368 = arith.muli %parallel_loop3A_324, %parallel_loop3A_367 : i32
        %parallel_loop3A_369 = arith.index_cast %squeeze3A_132 : i32 to index
        %parallel_loop3A_370 = arith.index_cast %parallel_loop3A_368 : i32 to index
        %parallel_loop3A_371 = tpu.vector_load %arg6[%parallel_loop3A_369, %parallel_loop3A_370] {strides = array<i32>} : memref<8x1024xf32, #tpu.memory_space<vmem>>, vector<1x16xf32>,
        %parallel_loop3A_372 = vector.shape_cast %parallel_loop3A_371 : vector<1x16xf32> to vector<16xf32>
        %parallel_loop3A_373 = arith.constant 16 : i32
        %parallel_loop3A_374 = arith.muli %parallel_loop3A_324, %parallel_loop3A_373 : i32
        %parallel_loop3A_375 = arith.constant 12 : i32
        %parallel_loop3A_376 = arith.index_cast %parallel_loop3A_375 : i32 to index
        %parallel_loop3A_377 = arith.index_cast %parallel_loop3A_374 : i32 to index
        %parallel_loop3A_378 = tpu.vector_load %arg9[%parallel_loop3A_376, %parallel_loop3A_377] {strides = array<i32>} : memref<16x1024xf32, #tpu.memory_space<vmem>>, vector<1x16xf32>,
        %parallel_loop3A_379 = vector.shape_cast %parallel_loop3A_378 : vector<1x16xf32> to vector<16xf32>
        %parallel_loop3A_380 = vector.shape_cast %parallel_loop3A_372 : vector<16xf32> to vector<1x16xf32>
        tpu.vector_store %arg9[%parallel_loop3A_376, %parallel_loop3A_377], %parallel_loop3A_380 {add = true, strides = array<i32>} : memref<16x1024xf32, #tpu.memory_space<vmem>>, vector<1x16xf32>,
      } {sc.loop_unroll_factor = 8 : i64, sc.parallel_access}
      %slice3A_136 = vector.extract_strided_slice %get3A_124 {offsets = [1], sizes = [1], strides = [1]} : vector<16xi32> to vector<1xi32>
      %squeeze3A_137 = vector.extract %slice3A_136[0] : i32 from vector<1xi32>
      %slice3A_138 = vector.extract_strided_slice %get3A_124 {offsets = [5], sizes = [1], strides = [1]} : vector<16xi32> to vector<1xi32>
      %squeeze3A_139 = vector.extract %slice3A_138[0] : i32 from vector<1xi32>
      %slice3A_140 = vector.extract_strided_slice %get3A_124 {offsets = [9], sizes = [1], strides = [1]} : vector<16xi32> to vector<1xi32>
      %squeeze3A_141 = vector.extract %slice3A_140[0] : i32 from vector<1xi32>
      %slice3A_142 = vector.extract_strided_slice %get3A_124 {offsets = [13], sizes = [1], strides = [1]} : vector<16xi32> to vector<1xi32>
      %squeeze3A_143 = vector.extract %slice3A_142[0] : i32 from vector<1xi32>
      %parallel_loop3A_144 = arith.constant 0 : i32
      %parallel_loop3A_145 = arith.constant 64 : i32
      %parallel_loop3A_146 = arith.constant 1 : i32
      scf.for %parallel_loop3A_324 = %parallel_loop3A_144 to %parallel_loop3A_145 step %parallel_loop3A_146  : i32 {
        %parallel_loop3A_325 = arith.constant 16 : i32
        %parallel_loop3A_326 = arith.muli %parallel_loop3A_324, %parallel_loop3A_325 : i32
        %parallel_loop3A_327 = arith.index_cast %squeeze3A_137 : i32 to index
        %parallel_loop3A_328 = arith.index_cast %parallel_loop3A_326 : i32 to index
        %parallel_loop3A_329 = tpu.vector_load %arg6[%parallel_loop3A_327, %parallel_loop3A_328] {strides = array<i32>} : memref<8x1024xf32, #tpu.memory_space<vmem>>, vector<1x16xf32>,
        %parallel_loop3A_330 = vector.shape_cast %parallel_loop3A_329 : vector<1x16xf32> to vector<16xf32>
        %parallel_loop3A_331 = arith.constant 16 : i32
        %parallel_loop3A_332 = arith.muli %parallel_loop3A_324, %parallel_loop3A_331 : i32
        %parallel_loop3A_333 = arith.constant 1 : i32
        %parallel_loop3A_334 = arith.index_cast %parallel_loop3A_333 : i32 to index
        %parallel_loop3A_335 = arith.index_cast %parallel_loop3A_332 : i32 to index
        %parallel_loop3A_336 = tpu.vector_load %arg9[%parallel_loop3A_334, %parallel_loop3A_335] {strides = array<i32>} : memref<16x1024xf32, #tpu.memory_space<vmem>>, vector<1x16xf32>,
        %parallel_loop3A_337 = vector.shape_cast %parallel_loop3A_336 : vector<1x16xf32> to vector<16xf32>
        %parallel_loop3A_338 = vector.shape_cast %parallel_loop3A_330 : vector<16xf32> to vector<1x16xf32>
        tpu.vector_store %arg9[%parallel_loop3A_334, %parallel_loop3A_335], %parallel_loop3A_338 {add = true, strides = array<i32>} : memref<16x1024xf32, #tpu.memory_space<vmem>>, vector<1x16xf32>,
        %parallel_loop3A_339 = arith.constant 16 : i32
        %parallel_loop3A_340 = arith.muli %parallel_loop3A_324, %parallel_loop3A_339 : i32
        %parallel_loop3A_341 = arith.index_cast %squeeze3A_139 : i32 to index
        %parallel_loop3A_342 = arith.index_cast %parallel_loop3A_340 : i32 to index
        %parallel_loop3A_343 = tpu.vector_load %arg6[%parallel_loop3A_341, %parallel_loop3A_342] {strides = array<i32>} : memref<8x1024xf32, #tpu.memory_space<vmem>>, vector<1x16xf32>,
        %parallel_loop3A_344 = vector.shape_cast %parallel_loop3A_343 : vector<1x16xf32> to vector<16xf32>
        %parallel_loop3A_345 = arith.constant 16 : i32
        %parallel_loop3A_346 = arith.muli %parallel_loop3A_324, %parallel_loop3A_345 : i32
        %parallel_loop3A_347 = arith.constant 5 : i32
        %parallel_loop3A_348 = arith.index_cast %parallel_loop3A_347 : i32 to index
        %parallel_loop3A_349 = arith.index_cast %parallel_loop3A_346 : i32 to index
        %parallel_loop3A_350 = tpu.vector_load %arg9[%parallel_loop3A_348, %parallel_loop3A_349] {strides = array<i32>} : memref<16x1024xf32, #tpu.memory_space<vmem>>, vector<1x16xf32>,
        %parallel_loop3A_351 = vector.shape_cast %parallel_loop3A_350 : vector<1x16xf32> to vector<16xf32>
        %parallel_loop3A_352 = vector.shape_cast %parallel_loop3A_344 : vector<16xf32> to vector<1x16xf32>
        tpu.vector_store %arg9[%parallel_loop3A_348, %parallel_loop3A_349], %parallel_loop3A_352 {add = true, strides = array<i32>} : memref<16x1024xf32, #tpu.memory_space<vmem>>, vector<1x16xf32>,
        %parallel_loop3A_353 = arith.constant 16 : i32
        %parallel_loop3A_354 = arith.muli %parallel_loop3A_324, %parallel_loop3A_353 : i32
        %parallel_loop3A_355 = arith.index_cast %squeeze3A_141 : i32 to index
        %parallel_loop3A_356 = arith.index_cast %parallel_loop3A_354 : i32 to index
        %parallel_loop3A_357 = tpu.vector_load %arg6[%parallel_loop3A_355, %parallel_loop3A_356] {strides = array<i32>} : memref<8x1024xf32, #tpu.memory_space<vmem>>, vector<1x16xf32>,
        %parallel_loop3A_358 = vector.shape_cast %parallel_loop3A_357 : vector<1x16xf32> to vector<16xf32>
        %parallel_loop3A_359 = arith.constant 16 : i32
        %parallel_loop3A_360 = arith.muli %parallel_loop3A_324, %parallel_loop3A_359 : i32
        %parallel_loop3A_361 = arith.constant 9 : i32
        %parallel_loop3A_362 = arith.index_cast %parallel_loop3A_361 : i32 to index
        %parallel_loop3A_363 = arith.index_cast %parallel_loop3A_360 : i32 to index
        %parallel_loop3A_364 = tpu.vector_load %arg9[%parallel_loop3A_362, %parallel_loop3A_363] {strides = array<i32>} : memref<16x1024xf32, #tpu.memory_space<vmem>>, vector<1x16xf32>,
        %parallel_loop3A_365 = vector.shape_cast %parallel_loop3A_364 : vector<1x16xf32> to vector<16xf32>
        %parallel_loop3A_366 = vector.shape_cast %parallel_loop3A_358 : vector<16xf32> to vector<1x16xf32>
        tpu.vector_store %arg9[%parallel_loop3A_362, %parallel_loop3A_363], %parallel_loop3A_366 {add = true, strides = array<i32>} : memref<16x1024xf32, #tpu.memory_space<vmem>>, vector<1x16xf32>,
        %parallel_loop3A_367 = arith.constant 16 : i32
        %parallel_loop3A_368 = arith.muli %parallel_loop3A_324, %parallel_loop3A_367 : i32
        %parallel_loop3A_369 = arith.index_cast %squeeze3A_143 : i32 to index
        %parallel_loop3A_370 = arith.index_cast %parallel_loop3A_368 : i32 to index
        %parallel_loop3A_371 = tpu.vector_load %arg6[%parallel_loop3A_369, %parallel_loop3A_370] {strides = array<i32>} : memref<8x1024xf32, #tpu.memory_space<vmem>>, vector<1x16xf32>,
        %parallel_loop3A_372 = vector.shape_cast %parallel_loop3A_371 : vector<1x16xf32> to vector<16xf32>
        %parallel_loop3A_373 = arith.constant 16 : i32
        %parallel_loop3A_374 = arith.muli %parallel_loop3A_324, %parallel_loop3A_373 : i32
        %parallel_loop3A_375 = arith.constant 13 : i32
        %parallel_loop3A_376 = arith.index_cast %parallel_loop3A_375 : i32 to index
        %parallel_loop3A_377 = arith.index_cast %parallel_loop3A_374 : i32 to index
        %parallel_loop3A_378 = tpu.vector_load %arg9[%parallel_loop3A_376, %parallel_loop3A_377] {strides = array<i32>} : memref<16x1024xf32, #tpu.memory_space<vmem>>, vector<1x16xf32>,
        %parallel_loop3A_379 = vector.shape_cast %parallel_loop3A_378 : vector<1x16xf32> to vector<16xf32>
        %parallel_loop3A_380 = vector.shape_cast %parallel_loop3A_372 : vector<16xf32> to vector<1x16xf32>
        tpu.vector_store %arg9[%parallel_loop3A_376, %parallel_loop3A_377], %parallel_loop3A_380 {add = true, strides = array<i32>} : memref<16x1024xf32, #tpu.memory_space<vmem>>, vector<1x16xf32>,
      } {sc.loop_unroll_factor = 8 : i64, sc.parallel_access}
      %slice3A_147 = vector.extract_strided_slice %get3A_124 {offsets = [2], sizes = [1], strides = [1]} : vector<16xi32> to vector<1xi32>
      %squeeze3A_148 = vector.extract %slice3A_147[0] : i32 from vector<1xi32>
      %slice3A_149 = vector.extract_strided_slice %get3A_124 {offsets = [6], sizes = [1], strides = [1]} : vector<16xi32> to vector<1xi32>
      %squeeze3A_150 = vector.extract %slice3A_149[0] : i32 from vector<1xi32>
      %slice3A_151 = vector.extract_strided_slice %get3A_124 {offsets = [10], sizes = [1], strides = [1]} : vector<16xi32> to vector<1xi32>
      %squeeze3A_152 = vector.extract %slice3A_151[0] : i32 from vector<1xi32>
      %slice3A_153 = vector.extract_strided_slice %get3A_124 {offsets = [14], sizes = [1], strides = [1]} : vector<16xi32> to vector<1xi32>
      %squeeze3A_154 = vector.extract %slice3A_153[0] : i32 from vector<1xi32>
      %parallel_loop3A_155 = arith.constant 0 : i32
      %parallel_loop3A_156 = arith.constant 64 : i32
      %parallel_loop3A_157 = arith.constant 1 : i32
      scf.for %parallel_loop3A_324 = %parallel_loop3A_155 to %parallel_loop3A_156 step %parallel_loop3A_157  : i32 {
        %parallel_loop3A_325 = arith.constant 16 : i32
        %parallel_loop3A_326 = arith.muli %parallel_loop3A_324, %parallel_loop3A_325 : i32
        %parallel_loop3A_327 = arith.index_cast %squeeze3A_148 : i32 to index
        %parallel_loop3A_328 = arith.index_cast %parallel_loop3A_326 : i32 to index
        %parallel_loop3A_329 = tpu.vector_load %arg6[%parallel_loop3A_327, %parallel_loop3A_328] {strides = array<i32>} : memref<8x1024xf32, #tpu.memory_space<vmem>>, vector<1x16xf32>,
        %parallel_loop3A_330 = vector.shape_cast %parallel_loop3A_329 : vector<1x16xf32> to vector<16xf32>
        %parallel_loop3A_331 = arith.constant 16 : i32
        %parallel_loop3A_332 = arith.muli %parallel_loop3A_324, %parallel_loop3A_331 : i32
        %parallel_loop3A_333 = arith.constant 2 : i32
        %parallel_loop3A_334 = arith.index_cast %parallel_loop3A_333 : i32 to index
        %parallel_loop3A_335 = arith.index_cast %parallel_loop3A_332 : i32 to index
        %parallel_loop3A_336 = tpu.vector_load %arg9[%parallel_loop3A_334, %parallel_loop3A_335] {strides = array<i32>} : memref<16x1024xf32, #tpu.memory_space<vmem>>, vector<1x16xf32>,
        %parallel_loop3A_337 = vector.shape_cast %parallel_loop3A_336 : vector<1x16xf32> to vector<16xf32>
        %parallel_loop3A_338 = vector.shape_cast %parallel_loop3A_330 : vector<16xf32> to vector<1x16xf32>
        tpu.vector_store %arg9[%parallel_loop3A_334, %parallel_loop3A_335], %parallel_loop3A_338 {add = true, strides = array<i32>} : memref<16x1024xf32, #tpu.memory_space<vmem>>, vector<1x16xf32>,
        %parallel_loop3A_339 = arith.constant 16 : i32
        %parallel_loop3A_340 = arith.muli %parallel_loop3A_324, %parallel_loop3A_339 : i32
        %parallel_loop3A_341 = arith.index_cast %squeeze3A_150 : i32 to index
        %parallel_loop3A_342 = arith.index_cast %parallel_loop3A_340 : i32 to index
        %parallel_loop3A_343 = tpu.vector_load %arg6[%parallel_loop3A_341, %parallel_loop3A_342] {strides = array<i32>} : memref<8x1024xf32, #tpu.memory_space<vmem>>, vector<1x16xf32>,
        %parallel_loop3A_344 = vector.shape_cast %parallel_loop3A_343 : vector<1x16xf32> to vector<16xf32>
        %parallel_loop3A_345 = arith.constant 16 : i32
        %parallel_loop3A_346 = arith.muli %parallel_loop3A_324, %parallel_loop3A_345 : i32
        %parallel_loop3A_347 = arith.constant 6 : i32
        %parallel_loop3A_348 = arith.index_cast %parallel_loop3A_347 : i32 to index
        %parallel_loop3A_349 = arith.index_cast %parallel_loop3A_346 : i32 to index
        %parallel_loop3A_350 = tpu.vector_load %arg9[%parallel_loop3A_348, %parallel_loop3A_349] {strides = array<i32>} : memref<16x1024xf32, #tpu.memory_space<vmem>>, vector<1x16xf32>,
        %parallel_loop3A_351 = vector.shape_cast %parallel_loop3A_350 : vector<1x16xf32> to vector<16xf32>
        %parallel_loop3A_352 = vector.shape_cast %parallel_loop3A_344 : vector<16xf32> to vector<1x16xf32>
        tpu.vector_store %arg9[%parallel_loop3A_348, %parallel_loop3A_349], %parallel_loop3A_352 {add = true, strides = array<i32>} : memref<16x1024xf32, #tpu.memory_space<vmem>>, vector<1x16xf32>,
        %parallel_loop3A_353 = arith.constant 16 : i32
        %parallel_loop3A_354 = arith.muli %parallel_loop3A_324, %parallel_loop3A_353 : i32
        %parallel_loop3A_355 = arith.index_cast %squeeze3A_152 : i32 to index
        %parallel_loop3A_356 = arith.index_cast %parallel_loop3A_354 : i32 to index
        %parallel_loop3A_357 = tpu.vector_load %arg6[%parallel_loop3A_355, %parallel_loop3A_356] {strides = array<i32>} : memref<8x1024xf32, #tpu.memory_space<vmem>>, vector<1x16xf32>,
        %parallel_loop3A_358 = vector.shape_cast %parallel_loop3A_357 : vector<1x16xf32> to vector<16xf32>
        %parallel_loop3A_359 = arith.constant 16 : i32
        %parallel_loop3A_360 = arith.muli %parallel_loop3A_324, %parallel_loop3A_359 : i32
        %parallel_loop3A_361 = arith.constant 10 : i32
        %parallel_loop3A_362 = arith.index_cast %parallel_loop3A_361 : i32 to index
        %parallel_loop3A_363 = arith.index_cast %parallel_loop3A_360 : i32 to index
        %parallel_loop3A_364 = tpu.vector_load %arg9[%parallel_loop3A_362, %parallel_loop3A_363] {strides = array<i32>} : memref<16x1024xf32, #tpu.memory_space<vmem>>, vector<1x16xf32>,
        %parallel_loop3A_365 = vector.shape_cast %parallel_loop3A_364 : vector<1x16xf32> to vector<16xf32>
        %parallel_loop3A_366 = vector.shape_cast %parallel_loop3A_358 : vector<16xf32> to vector<1x16xf32>
        tpu.vector_store %arg9[%parallel_loop3A_362, %parallel_loop3A_363], %parallel_loop3A_366 {add = true, strides = array<i32>} : memref<16x1024xf32, #tpu.memory_space<vmem>>, vector<1x16xf32>,
        %parallel_loop3A_367 = arith.constant 16 : i32
        %parallel_loop3A_368 = arith.muli %parallel_loop3A_324, %parallel_loop3A_367 : i32
        %parallel_loop3A_369 = arith.index_cast %squeeze3A_154 : i32 to index
        %parallel_loop3A_370 = arith.index_cast %parallel_loop3A_368 : i32 to index
        %parallel_loop3A_371 = tpu.vector_load %arg6[%parallel_loop3A_369, %parallel_loop3A_370] {strides = array<i32>} : memref<8x1024xf32, #tpu.memory_space<vmem>>, vector<1x16xf32>,
        %parallel_loop3A_372 = vector.shape_cast %parallel_loop3A_371 : vector<1x16xf32> to vector<16xf32>
        %parallel_loop3A_373 = arith.constant 16 : i32
        %parallel_loop3A_374 = arith.muli %parallel_loop3A_324, %parallel_loop3A_373 : i32
        %parallel_loop3A_375 = arith.constant 14 : i32
        %parallel_loop3A_376 = arith.index_cast %parallel_loop3A_375 : i32 to index
        %parallel_loop3A_377 = arith.index_cast %parallel_loop3A_374 : i32 to index
        %parallel_loop3A_378 = tpu.vector_load %arg9[%parallel_loop3A_376, %parallel_loop3A_377] {strides = array<i32>} : memref<16x1024xf32, #tpu.memory_space<vmem>>, vector<1x16xf32>,
        %parallel_loop3A_379 = vector.shape_cast %parallel_loop3A_378 : vector<1x16xf32> to vector<16xf32>
        %parallel_loop3A_380 = vector.shape_cast %parallel_loop3A_372 : vector<16xf32> to vector<1x16xf32>
        tpu.vector_store %arg9[%parallel_loop3A_376, %parallel_loop3A_377], %parallel_loop3A_380 {add = true, strides = array<i32>} : memref<16x1024xf32, #tpu.memory_space<vmem>>, vector<1x16xf32>,
      } {sc.loop_unroll_factor = 8 : i64, sc.parallel_access}
      %slice3A_158 = vector.extract_strided_slice %get3A_124 {offsets = [3], sizes = [1], strides = [1]} : vector<16xi32> to vector<1xi32>
      %squeeze3A_159 = vector.extract %slice3A_158[0] : i32 from vector<1xi32>
      %slice3A_160 = vector.extract_strided_slice %get3A_124 {offsets = [7], sizes = [1], strides = [1]} : vector<16xi32> to vector<1xi32>
      %squeeze3A_161 = vector.extract %slice3A_160[0] : i32 from vector<1xi32>
      %slice3A_162 = vector.extract_strided_slice %get3A_124 {offsets = [11], sizes = [1], strides = [1]} : vector<16xi32> to vector<1xi32>
      %squeeze3A_163 = vector.extract %slice3A_162[0] : i32 from vector<1xi32>
      %slice3A_164 = vector.extract_strided_slice %get3A_124 {offsets = [15], sizes = [1], strides = [1]} : vector<16xi32> to vector<1xi32>
      %squeeze3A_165 = vector.extract %slice3A_164[0] : i32 from vector<1xi32>
      %parallel_loop3A_166 = arith.constant 0 : i32
      %parallel_loop3A_167 = arith.constant 64 : i32
      %parallel_loop3A_168 = arith.constant 1 : i32
      scf.for %parallel_loop3A_324 = %parallel_loop3A_166 to %parallel_loop3A_167 step %parallel_loop3A_168  : i32 {
        %parallel_loop3A_325 = arith.constant 16 : i32
        %parallel_loop3A_326 = arith.muli %parallel_loop3A_324, %parallel_loop3A_325 : i32
        %parallel_loop3A_327 = arith.index_cast %squeeze3A_159 : i32 to index
        %parallel_loop3A_328 = arith.index_cast %parallel_loop3A_326 : i32 to index
        %parallel_loop3A_329 = tpu.vector_load %arg6[%parallel_loop3A_327, %parallel_loop3A_328] {strides = array<i32>} : memref<8x1024xf32, #tpu.memory_space<vmem>>, vector<1x16xf32>,
        %parallel_loop3A_330 = vector.shape_cast %parallel_loop3A_329 : vector<1x16xf32> to vector<16xf32>
        %parallel_loop3A_331 = arith.constant 16 : i32
        %parallel_loop3A_332 = arith.muli %parallel_loop3A_324, %parallel_loop3A_331 : i32
        %parallel_loop3A_333 = arith.constant 3 : i32
        %parallel_loop3A_334 = arith.index_cast %parallel_loop3A_333 : i32 to index
        %parallel_loop3A_335 = arith.index_cast %parallel_loop3A_332 : i32 to index
        %parallel_loop3A_336 = tpu.vector_load %arg9[%parallel_loop3A_334, %parallel_loop3A_335] {strides = array<i32>} : memref<16x1024xf32, #tpu.memory_space<vmem>>, vector<1x16xf32>,
        %parallel_loop3A_337 = vector.shape_cast %parallel_loop3A_336 : vector<1x16xf32> to vector<16xf32>
        %parallel_loop3A_338 = vector.shape_cast %parallel_loop3A_330 : vector<16xf32> to vector<1x16xf32>
        tpu.vector_store %arg9[%parallel_loop3A_334, %parallel_loop3A_335], %parallel_loop3A_338 {add = true, strides = array<i32>} : memref<16x1024xf32, #tpu.memory_space<vmem>>, vector<1x16xf32>,
        %parallel_loop3A_339 = arith.constant 16 : i32
        %parallel_loop3A_340 = arith.muli %parallel_loop3A_324, %parallel_loop3A_339 : i32
        %parallel_loop3A_341 = arith.index_cast %squeeze3A_161 : i32 to index
        %parallel_loop3A_342 = arith.index_cast %parallel_loop3A_340 : i32 to index
        %parallel_loop3A_343 = tpu.vector_load %arg6[%parallel_loop3A_341, %parallel_loop3A_342] {strides = array<i32>} : memref<8x1024xf32, #tpu.memory_space<vmem>>, vector<1x16xf32>,
        %parallel_loop3A_344 = vector.shape_cast %parallel_loop3A_343 : vector<1x16xf32> to vector<16xf32>
        %parallel_loop3A_345 = arith.constant 16 : i32
        %parallel_loop3A_346 = arith.muli %parallel_loop3A_324, %parallel_loop3A_345 : i32
        %parallel_loop3A_347 = arith.constant 7 : i32
        %parallel_loop3A_348 = arith.index_cast %parallel_loop3A_347 : i32 to index
        %parallel_loop3A_349 = arith.index_cast %parallel_loop3A_346 : i32 to index
        %parallel_loop3A_350 = tpu.vector_load %arg9[%parallel_loop3A_348, %parallel_loop3A_349] {strides = array<i32>} : memref<16x1024xf32, #tpu.memory_space<vmem>>, vector<1x16xf32>,
        %parallel_loop3A_351 = vector.shape_cast %parallel_loop3A_350 : vector<1x16xf32> to vector<16xf32>
        %parallel_loop3A_352 = vector.shape_cast %parallel_loop3A_344 : vector<16xf32> to vector<1x16xf32>
        tpu.vector_store %arg9[%parallel_loop3A_348, %parallel_loop3A_349], %parallel_loop3A_352 {add = true, strides = array<i32>} : memref<16x1024xf32, #tpu.memory_space<vmem>>, vector<1x16xf32>,
        %parallel_loop3A_353 = arith.constant 16 : i32
        %parallel_loop3A_354 = arith.muli %parallel_loop3A_324, %parallel_loop3A_353 : i32
        %parallel_loop3A_355 = arith.index_cast %squeeze3A_163 : i32 to index
        %parallel_loop3A_356 = arith.index_cast %parallel_loop3A_354 : i32 to index
        %parallel_loop3A_357 = tpu.vector_load %arg6[%parallel_loop3A_355, %parallel_loop3A_356] {strides = array<i32>} : memref<8x1024xf32, #tpu.memory_space<vmem>>, vector<1x16xf32>,
        %parallel_loop3A_358 = vector.shape_cast %parallel_loop3A_357 : vector<1x16xf32> to vector<16xf32>
        %parallel_loop3A_359 = arith.constant 16 : i32
        %parallel_loop3A_360 = arith.muli %parallel_loop3A_324, %parallel_loop3A_359 : i32
        %parallel_loop3A_361 = arith.constant 11 : i32
        %parallel_loop3A_362 = arith.index_cast %parallel_loop3A_361 : i32 to index
        %parallel_loop3A_363 = arith.index_cast %parallel_loop3A_360 : i32 to index
        %parallel_loop3A_364 = tpu.vector_load %arg9[%parallel_loop3A_362, %parallel_loop3A_363] {strides = array<i32>} : memref<16x1024xf32, #tpu.memory_space<vmem>>, vector<1x16xf32>,
        %parallel_loop3A_365 = vector.shape_cast %parallel_loop3A_364 : vector<1x16xf32> to vector<16xf32>
        %parallel_loop3A_366 = vector.shape_cast %parallel_loop3A_358 : vector<16xf32> to vector<1x16xf32>
        tpu.vector_store %arg9[%parallel_loop3A_362, %parallel_loop3A_363], %parallel_loop3A_366 {add = true, strides = array<i32>} : memref<16x1024xf32, #tpu.memory_space<vmem>>, vector<1x16xf32>,
        %parallel_loop3A_367 = arith.constant 16 : i32
        %parallel_loop3A_368 = arith.muli %parallel_loop3A_324, %parallel_loop3A_367 : i32
        %parallel_loop3A_369 = arith.index_cast %squeeze3A_165 : i32 to index
        %parallel_loop3A_370 = arith.index_cast %parallel_loop3A_368 : i32 to index
        %parallel_loop3A_371 = tpu.vector_load %arg6[%parallel_loop3A_369, %parallel_loop3A_370] {strides = array<i32>} : memref<8x1024xf32, #tpu.memory_space<vmem>>, vector<1x16xf32>,
        %parallel_loop3A_372 = vector.shape_cast %parallel_loop3A_371 : vector<1x16xf32> to vector<16xf32>
        %parallel_loop3A_373 = arith.constant 16 : i32
        %parallel_loop3A_374 = arith.muli %parallel_loop3A_324, %parallel_loop3A_373 : i32
        %parallel_loop3A_375 = arith.constant 15 : i32
        %parallel_loop3A_376 = arith.index_cast %parallel_loop3A_375 : i32 to index
        %parallel_loop3A_377 = arith.index_cast %parallel_loop3A_374 : i32 to index
        %parallel_loop3A_378 = tpu.vector_load %arg9[%parallel_loop3A_376, %parallel_loop3A_377] {strides = array<i32>} : memref<16x1024xf32, #tpu.memory_space<vmem>>, vector<1x16xf32>,
        %parallel_loop3A_379 = vector.shape_cast %parallel_loop3A_378 : vector<1x16xf32> to vector<16xf32>
        %parallel_loop3A_380 = vector.shape_cast %parallel_loop3A_372 : vector<16xf32> to vector<1x16xf32>
        tpu.vector_store %arg9[%parallel_loop3A_376, %parallel_loop3A_377], %parallel_loop3A_380 {add = true, strides = array<i32>} : memref<16x1024xf32, #tpu.memory_space<vmem>>, vector<1x16xf32>,
      } {sc.loop_unroll_factor = 8 : i64, sc.parallel_access}
      %mul3A_169 = arith.constant 16 : i32
      %mul3A_170 = arith.muli %add3A_105, %mul3A_169 : i32
      %add3A_171 = arith.addi %mul3A_2, %mul3A_170 : i32
      %dma_start3A_172 = arith.constant 0 : i32
      %dma_start3A_173 = tpu.memref_slice %arg5[%add3A_171, %dma_start3A_172] : memref<32768x1024xf32, #tpu.memory_space<hbm>> -> memref<16x1024xf32, #tpu.memory_space<hbm>>
      %dma_start3A_174 = arith.constant 0 : i32
      %dma_start3A_175 = tpu.memref_slice %arg5[%add3A_171, %dma_start3A_174] : memref<32768x1024xf32, #tpu.memory_space<hbm>> -> memref<16x1024xf32, #tpu.memory_space<hbm>>
      tpu.enqueue_dma source(%arg9 : memref<16x1024xf32, #tpu.memory_space<vmem>>) target(%dma_start3A_175 : memref<16x1024xf32, #tpu.memory_space<hbm>>) target_semaphore(%arg17 : memref<!tpu.dma_semaphore, #tpu.memory_space<semaphore_mem>>)
      %mul3A_176 = arith.constant 4 : i32
      %mul3A_177 = arith.muli %scan3A_34, %mul3A_176 : i32
      %add3A_178 = arith.constant 2 : i32
      %add3A_179 = arith.addi %mul3A_177, %add3A_178 : i32
      %add3A_180 = arith.constant 1 : i32
      %add3A_181 = arith.addi %add3A_179, %add3A_180 : i32
      %lt3A_182 = arith.constant 64 : i32
      %lt3A_183 = arith.cmpi slt, %add3A_181, %lt3A_182 : i32
      %convert_element_type3A_184 = arith.extui %lt3A_183 : i1 to i32
      %cond3A_185 = arith.constant 0 : i32
      %cond3A_186 = arith.cmpi ne, %convert_element_type3A_184, %cond3A_185 : i32
      scf.if %cond3A_186 {
        %ge3A = arith.constant 3 : i32
        %ge3A_324 = arith.cmpi sge, %add3A_179, %ge3A : i32
        %convert_element_type3A_325 = arith.extui %ge3A_324 : i1 to i32
        %cond3A_326 = arith.constant 0 : i32
        %cond3A_327 = arith.cmpi ne, %convert_element_type3A_325, %cond3A_326 : i32
        scf.if %cond3A_327 {
          %sub3A = arith.constant 3 : i32
          %sub3A_337 = arith.subi %add3A_179, %sub3A : i32
          %mul3A_338 = arith.constant 16 : i32
          %mul3A_339 = arith.muli %sub3A_337, %mul3A_338 : i32
          %add3A_340 = arith.addi %mul3A_2, %mul3A_339 : i32
          %dma_wait3A_341 = arith.constant 0 : i32
          %dma_wait3A_342 = tpu.memref_slice %arg5[%add3A_340, %dma_wait3A_341] : memref<32768x1024xf32, #tpu.memory_space<hbm>> -> memref<16x1024xf32, #tpu.memory_space<hbm>>
          %dma_wait3A_343 = arith.constant 0 : i32
          %dma_wait3A_344 = tpu.memref_slice %arg5[%add3A_340, %dma_wait3A_343] : memref<32768x1024xf32, #tpu.memory_space<hbm>> -> memref<16x1024xf32, #tpu.memory_space<hbm>>
          tpu.wait_dma2 semaphore(%arg19 : memref<!tpu.dma_semaphore, #tpu.memory_space<semaphore_mem>>) src(%arg11 : memref<16x1024xf32, #tpu.memory_space<vmem>>) dst(%dma_wait3A_344 : memref<16x1024xf32, #tpu.memory_space<hbm>>)
        } else {
        }
        %add3A_328 = arith.constant 1 : i32
        %add3A_329 = arith.addi %add3A_179, %add3A_328 : i32
        %mul3A_330 = arith.constant 16 : i32
        %mul3A_331 = arith.muli %add3A_329, %mul3A_330 : i32
        %add3A_332 = arith.addi %mul3A_2, %mul3A_331 : i32
        %dma_start3A_333 = arith.constant 0 : i32
        %dma_start3A_334 = tpu.memref_slice %arg2[%add3A_332, %dma_start3A_333] : memref<32768x1024xf32, #tpu.memory_space<hbm>> -> memref<16x1024xf32, #tpu.memory_space<hbm>>
        %dma_start3A_335 = arith.constant 0 : i32
        %dma_start3A_336 = tpu.memref_slice %arg2[%add3A_332, %dma_start3A_335] : memref<32768x1024xf32, #tpu.memory_space<hbm>> -> memref<16x1024xf32, #tpu.memory_space<hbm>>
        tpu.enqueue_dma source(%dma_start3A_336 : memref<16x1024xf32, #tpu.memory_space<hbm>>) target(%arg11 : memref<16x1024xf32, #tpu.memory_space<vmem>>) target_semaphore(%arg15 : memref<!tpu.dma_semaphore, #tpu.memory_space<semaphore_mem>>)
      } else {
      }
      %mul3A_187 = arith.constant 16 : i32
      %mul3A_188 = arith.muli %add3A_179, %mul3A_187 : i32
      %add3A_189 = arith.addi %mul3A_2, %mul3A_188 : i32
      %dma_wait3A_190 = arith.constant 0 : i32
      %dma_wait3A_191 = tpu.memref_slice %arg2[%add3A_189, %dma_wait3A_190] : memref<32768x1024xf32, #tpu.memory_space<hbm>> -> memref<16x1024xf32, #tpu.memory_space<hbm>>
      %dma_wait3A_192 = arith.constant 0 : i32
      %dma_wait3A_193 = tpu.memref_slice %arg2[%add3A_189, %dma_wait3A_192] : memref<32768x1024xf32, #tpu.memory_space<hbm>> -> memref<16x1024xf32, #tpu.memory_space<hbm>>
      tpu.wait_dma2 semaphore(%arg14 : memref<!tpu.dma_semaphore, #tpu.memory_space<semaphore_mem>>) src(%dma_wait3A_193 : memref<16x1024xf32, #tpu.memory_space<hbm>>) dst(%arg10 : memref<16x1024xf32, #tpu.memory_space<vmem>>)
      %mul3A_194 = arith.constant 16 : i32
      %mul3A_195 = arith.muli %add3A_179, %mul3A_194 : i32
      %get3A_196 = arith.index_cast %mul3A_195 : i32 to index
      %get3A_197 = tpu.vector_load %arg7[%get3A_196] {strides = array<i32>} : memref<1024xi32, #tpu.memory_space<vmem>>, vector<16xi32>,
      %get3A_198 = vector.shape_cast %get3A_197 : vector<16xi32> to vector<16xi32>
      %slice3A_199 = vector.extract_strided_slice %get3A_198 {offsets = [0], sizes = [1], strides = [1]} : vector<16xi32> to vector<1xi32>
      %squeeze3A_200 = vector.extract %slice3A_199[0] : i32 from vector<1xi32>
      %slice3A_201 = vector.extract_strided_slice %get3A_198 {offsets = [4], sizes = [1], strides = [1]} : vector<16xi32> to vector<1xi32>
      %squeeze3A_202 = vector.extract %slice3A_201[0] : i32 from vector<1xi32>
      %slice3A_203 = vector.extract_strided_slice %get3A_198 {offsets = [8], sizes = [1], strides = [1]} : vector<16xi32> to vector<1xi32>
      %squeeze3A_204 = vector.extract %slice3A_203[0] : i32 from vector<1xi32>
      %slice3A_205 = vector.extract_strided_slice %get3A_198 {offsets = [12], sizes = [1], strides = [1]} : vector<16xi32> to vector<1xi32>
      %squeeze3A_206 = vector.extract %slice3A_205[0] : i32 from vector<1xi32>
      %parallel_loop3A_207 = arith.constant 0 : i32
      %parallel_loop3A_208 = arith.constant 64 : i32
      %parallel_loop3A_209 = arith.constant 1 : i32
      scf.for %parallel_loop3A_324 = %parallel_loop3A_207 to %parallel_loop3A_208 step %parallel_loop3A_209  : i32 {
        %parallel_loop3A_325 = arith.constant 16 : i32
        %parallel_loop3A_326 = arith.muli %parallel_loop3A_324, %parallel_loop3A_325 : i32
        %parallel_loop3A_327 = arith.index_cast %squeeze3A_200 : i32 to index
        %parallel_loop3A_328 = arith.index_cast %parallel_loop3A_326 : i32 to index
        %parallel_loop3A_329 = tpu.vector_load %arg6[%parallel_loop3A_327, %parallel_loop3A_328] {strides = array<i32>} : memref<8x1024xf32, #tpu.memory_space<vmem>>, vector<1x16xf32>,
        %parallel_loop3A_330 = vector.shape_cast %parallel_loop3A_329 : vector<1x16xf32> to vector<16xf32>
        %parallel_loop3A_331 = arith.constant 16 : i32
        %parallel_loop3A_332 = arith.muli %parallel_loop3A_324, %parallel_loop3A_331 : i32
        %parallel_loop3A_333 = arith.constant 0 : i32
        %parallel_loop3A_334 = arith.index_cast %parallel_loop3A_333 : i32 to index
        %parallel_loop3A_335 = arith.index_cast %parallel_loop3A_332 : i32 to index
        %parallel_loop3A_336 = tpu.vector_load %arg10[%parallel_loop3A_334, %parallel_loop3A_335] {strides = array<i32>} : memref<16x1024xf32, #tpu.memory_space<vmem>>, vector<1x16xf32>,
        %parallel_loop3A_337 = vector.shape_cast %parallel_loop3A_336 : vector<1x16xf32> to vector<16xf32>
        %parallel_loop3A_338 = vector.shape_cast %parallel_loop3A_330 : vector<16xf32> to vector<1x16xf32>
        tpu.vector_store %arg10[%parallel_loop3A_334, %parallel_loop3A_335], %parallel_loop3A_338 {add = true, strides = array<i32>} : memref<16x1024xf32, #tpu.memory_space<vmem>>, vector<1x16xf32>,
        %parallel_loop3A_339 = arith.constant 16 : i32
        %parallel_loop3A_340 = arith.muli %parallel_loop3A_324, %parallel_loop3A_339 : i32
        %parallel_loop3A_341 = arith.index_cast %squeeze3A_202 : i32 to index
        %parallel_loop3A_342 = arith.index_cast %parallel_loop3A_340 : i32 to index
        %parallel_loop3A_343 = tpu.vector_load %arg6[%parallel_loop3A_341, %parallel_loop3A_342] {strides = array<i32>} : memref<8x1024xf32, #tpu.memory_space<vmem>>, vector<1x16xf32>,
        %parallel_loop3A_344 = vector.shape_cast %parallel_loop3A_343 : vector<1x16xf32> to vector<16xf32>
        %parallel_loop3A_345 = arith.constant 16 : i32
        %parallel_loop3A_346 = arith.muli %parallel_loop3A_324, %parallel_loop3A_345 : i32
        %parallel_loop3A_347 = arith.constant 4 : i32
        %parallel_loop3A_348 = arith.index_cast %parallel_loop3A_347 : i32 to index
        %parallel_loop3A_349 = arith.index_cast %parallel_loop3A_346 : i32 to index
        %parallel_loop3A_350 = tpu.vector_load %arg10[%parallel_loop3A_348, %parallel_loop3A_349] {strides = array<i32>} : memref<16x1024xf32, #tpu.memory_space<vmem>>, vector<1x16xf32>,
        %parallel_loop3A_351 = vector.shape_cast %parallel_loop3A_350 : vector<1x16xf32> to vector<16xf32>
        %parallel_loop3A_352 = vector.shape_cast %parallel_loop3A_344 : vector<16xf32> to vector<1x16xf32>
        tpu.vector_store %arg10[%parallel_loop3A_348, %parallel_loop3A_349], %parallel_loop3A_352 {add = true, strides = array<i32>} : memref<16x1024xf32, #tpu.memory_space<vmem>>, vector<1x16xf32>,
        %parallel_loop3A_353 = arith.constant 16 : i32
        %parallel_loop3A_354 = arith.muli %parallel_loop3A_324, %parallel_loop3A_353 : i32
        %parallel_loop3A_355 = arith.index_cast %squeeze3A_204 : i32 to index
        %parallel_loop3A_356 = arith.index_cast %parallel_loop3A_354 : i32 to index
        %parallel_loop3A_357 = tpu.vector_load %arg6[%parallel_loop3A_355, %parallel_loop3A_356] {strides = array<i32>} : memref<8x1024xf32, #tpu.memory_space<vmem>>, vector<1x16xf32>,
        %parallel_loop3A_358 = vector.shape_cast %parallel_loop3A_357 : vector<1x16xf32> to vector<16xf32>
        %parallel_loop3A_359 = arith.constant 16 : i32
        %parallel_loop3A_360 = arith.muli %parallel_loop3A_324, %parallel_loop3A_359 : i32
        %parallel_loop3A_361 = arith.constant 8 : i32
        %parallel_loop3A_362 = arith.index_cast %parallel_loop3A_361 : i32 to index
        %parallel_loop3A_363 = arith.index_cast %parallel_loop3A_360 : i32 to index
        %parallel_loop3A_364 = tpu.vector_load %arg10[%parallel_loop3A_362, %parallel_loop3A_363] {strides = array<i32>} : memref<16x1024xf32, #tpu.memory_space<vmem>>, vector<1x16xf32>,
        %parallel_loop3A_365 = vector.shape_cast %parallel_loop3A_364 : vector<1x16xf32> to vector<16xf32>
        %parallel_loop3A_366 = vector.shape_cast %parallel_loop3A_358 : vector<16xf32> to vector<1x16xf32>
        tpu.vector_store %arg10[%parallel_loop3A_362, %parallel_loop3A_363], %parallel_loop3A_366 {add = true, strides = array<i32>} : memref<16x1024xf32, #tpu.memory_space<vmem>>, vector<1x16xf32>,
        %parallel_loop3A_367 = arith.constant 16 : i32
        %parallel_loop3A_368 = arith.muli %parallel_loop3A_324, %parallel_loop3A_367 : i32
        %parallel_loop3A_369 = arith.index_cast %squeeze3A_206 : i32 to index
        %parallel_loop3A_370 = arith.index_cast %parallel_loop3A_368 : i32 to index
        %parallel_loop3A_371 = tpu.vector_load %arg6[%parallel_loop3A_369, %parallel_loop3A_370] {strides = array<i32>} : memref<8x1024xf32, #tpu.memory_space<vmem>>, vector<1x16xf32>,
        %parallel_loop3A_372 = vector.shape_cast %parallel_loop3A_371 : vector<1x16xf32> to vector<16xf32>
        %parallel_loop3A_373 = arith.constant 16 : i32
        %parallel_loop3A_374 = arith.muli %parallel_loop3A_324, %parallel_loop3A_373 : i32
        %parallel_loop3A_375 = arith.constant 12 : i32
        %parallel_loop3A_376 = arith.index_cast %parallel_loop3A_375 : i32 to index
        %parallel_loop3A_377 = arith.index_cast %parallel_loop3A_374 : i32 to index
        %parallel_loop3A_378 = tpu.vector_load %arg10[%parallel_loop3A_376, %parallel_loop3A_377] {strides = array<i32>} : memref<16x1024xf32, #tpu.memory_space<vmem>>, vector<1x16xf32>,
        %parallel_loop3A_379 = vector.shape_cast %parallel_loop3A_378 : vector<1x16xf32> to vector<16xf32>
        %parallel_loop3A_380 = vector.shape_cast %parallel_loop3A_372 : vector<16xf32> to vector<1x16xf32>
        tpu.vector_store %arg10[%parallel_loop3A_376, %parallel_loop3A_377], %parallel_loop3A_380 {add = true, strides = array<i32>} : memref<16x1024xf32, #tpu.memory_space<vmem>>, vector<1x16xf32>,
      } {sc.loop_unroll_factor = 8 : i64, sc.parallel_access}
      %slice3A_210 = vector.extract_strided_slice %get3A_198 {offsets = [1], sizes = [1], strides = [1]} : vector<16xi32> to vector<1xi32>
      %squeeze3A_211 = vector.extract %slice3A_210[0] : i32 from vector<1xi32>
      %slice3A_212 = vector.extract_strided_slice %get3A_198 {offsets = [5], sizes = [1], strides = [1]} : vector<16xi32> to vector<1xi32>
      %squeeze3A_213 = vector.extract %slice3A_212[0] : i32 from vector<1xi32>
      %slice3A_214 = vector.extract_strided_slice %get3A_198 {offsets = [9], sizes = [1], strides = [1]} : vector<16xi32> to vector<1xi32>
      %squeeze3A_215 = vector.extract %slice3A_214[0] : i32 from vector<1xi32>
      %slice3A_216 = vector.extract_strided_slice %get3A_198 {offsets = [13], sizes = [1], strides = [1]} : vector<16xi32> to vector<1xi32>
      %squeeze3A_217 = vector.extract %slice3A_216[0] : i32 from vector<1xi32>
      %parallel_loop3A_218 = arith.constant 0 : i32
      %parallel_loop3A_219 = arith.constant 64 : i32
      %parallel_loop3A_220 = arith.constant 1 : i32
      scf.for %parallel_loop3A_324 = %parallel_loop3A_218 to %parallel_loop3A_219 step %parallel_loop3A_220  : i32 {
        %parallel_loop3A_325 = arith.constant 16 : i32
        %parallel_loop3A_326 = arith.muli %parallel_loop3A_324, %parallel_loop3A_325 : i32
        %parallel_loop3A_327 = arith.index_cast %squeeze3A_211 : i32 to index
        %parallel_loop3A_328 = arith.index_cast %parallel_loop3A_326 : i32 to index
        %parallel_loop3A_329 = tpu.vector_load %arg6[%parallel_loop3A_327, %parallel_loop3A_328] {strides = array<i32>} : memref<8x1024xf32, #tpu.memory_space<vmem>>, vector<1x16xf32>,
        %parallel_loop3A_330 = vector.shape_cast %parallel_loop3A_329 : vector<1x16xf32> to vector<16xf32>
        %parallel_loop3A_331 = arith.constant 16 : i32
        %parallel_loop3A_332 = arith.muli %parallel_loop3A_324, %parallel_loop3A_331 : i32
        %parallel_loop3A_333 = arith.constant 1 : i32
        %parallel_loop3A_334 = arith.index_cast %parallel_loop3A_333 : i32 to index
        %parallel_loop3A_335 = arith.index_cast %parallel_loop3A_332 : i32 to index
        %parallel_loop3A_336 = tpu.vector_load %arg10[%parallel_loop3A_334, %parallel_loop3A_335] {strides = array<i32>} : memref<16x1024xf32, #tpu.memory_space<vmem>>, vector<1x16xf32>,
        %parallel_loop3A_337 = vector.shape_cast %parallel_loop3A_336 : vector<1x16xf32> to vector<16xf32>
        %parallel_loop3A_338 = vector.shape_cast %parallel_loop3A_330 : vector<16xf32> to vector<1x16xf32>
        tpu.vector_store %arg10[%parallel_loop3A_334, %parallel_loop3A_335], %parallel_loop3A_338 {add = true, strides = array<i32>} : memref<16x1024xf32, #tpu.memory_space<vmem>>, vector<1x16xf32>,
        %parallel_loop3A_339 = arith.constant 16 : i32
        %parallel_loop3A_340 = arith.muli %parallel_loop3A_324, %parallel_loop3A_339 : i32
        %parallel_loop3A_341 = arith.index_cast %squeeze3A_213 : i32 to index
        %parallel_loop3A_342 = arith.index_cast %parallel_loop3A_340 : i32 to index
        %parallel_loop3A_343 = tpu.vector_load %arg6[%parallel_loop3A_341, %parallel_loop3A_342] {strides = array<i32>} : memref<8x1024xf32, #tpu.memory_space<vmem>>, vector<1x16xf32>,
        %parallel_loop3A_344 = vector.shape_cast %parallel_loop3A_343 : vector<1x16xf32> to vector<16xf32>
        %parallel_loop3A_345 = arith.constant 16 : i32
        %parallel_loop3A_346 = arith.muli %parallel_loop3A_324, %parallel_loop3A_345 : i32
        %parallel_loop3A_347 = arith.constant 5 : i32
        %parallel_loop3A_348 = arith.index_cast %parallel_loop3A_347 : i32 to index
        %parallel_loop3A_349 = arith.index_cast %parallel_loop3A_346 : i32 to index
        %parallel_loop3A_350 = tpu.vector_load %arg10[%parallel_loop3A_348, %parallel_loop3A_349] {strides = array<i32>} : memref<16x1024xf32, #tpu.memory_space<vmem>>, vector<1x16xf32>,
        %parallel_loop3A_351 = vector.shape_cast %parallel_loop3A_350 : vector<1x16xf32> to vector<16xf32>
        %parallel_loop3A_352 = vector.shape_cast %parallel_loop3A_344 : vector<16xf32> to vector<1x16xf32>
        tpu.vector_store %arg10[%parallel_loop3A_348, %parallel_loop3A_349], %parallel_loop3A_352 {add = true, strides = array<i32>} : memref<16x1024xf32, #tpu.memory_space<vmem>>, vector<1x16xf32>,
        %parallel_loop3A_353 = arith.constant 16 : i32
        %parallel_loop3A_354 = arith.muli %parallel_loop3A_324, %parallel_loop3A_353 : i32
        %parallel_loop3A_355 = arith.index_cast %squeeze3A_215 : i32 to index
        %parallel_loop3A_356 = arith.index_cast %parallel_loop3A_354 : i32 to index
        %parallel_loop3A_357 = tpu.vector_load %arg6[%parallel_loop3A_355, %parallel_loop3A_356] {strides = array<i32>} : memref<8x1024xf32, #tpu.memory_space<vmem>>, vector<1x16xf32>,
        %parallel_loop3A_358 = vector.shape_cast %parallel_loop3A_357 : vector<1x16xf32> to vector<16xf32>
        %parallel_loop3A_359 = arith.constant 16 : i32
        %parallel_loop3A_360 = arith.muli %parallel_loop3A_324, %parallel_loop3A_359 : i32
        %parallel_loop3A_361 = arith.constant 9 : i32
        %parallel_loop3A_362 = arith.index_cast %parallel_loop3A_361 : i32 to index
        %parallel_loop3A_363 = arith.index_cast %parallel_loop3A_360 : i32 to index
        %parallel_loop3A_364 = tpu.vector_load %arg10[%parallel_loop3A_362, %parallel_loop3A_363] {strides = array<i32>} : memref<16x1024xf32, #tpu.memory_space<vmem>>, vector<1x16xf32>,
        %parallel_loop3A_365 = vector.shape_cast %parallel_loop3A_364 : vector<1x16xf32> to vector<16xf32>
        %parallel_loop3A_366 = vector.shape_cast %parallel_loop3A_358 : vector<16xf32> to vector<1x16xf32>
        tpu.vector_store %arg10[%parallel_loop3A_362, %parallel_loop3A_363], %parallel_loop3A_366 {add = true, strides = array<i32>} : memref<16x1024xf32, #tpu.memory_space<vmem>>, vector<1x16xf32>,
        %parallel_loop3A_367 = arith.constant 16 : i32
        %parallel_loop3A_368 = arith.muli %parallel_loop3A_324, %parallel_loop3A_367 : i32
        %parallel_loop3A_369 = arith.index_cast %squeeze3A_217 : i32 to index
        %parallel_loop3A_370 = arith.index_cast %parallel_loop3A_368 : i32 to index
        %parallel_loop3A_371 = tpu.vector_load %arg6[%parallel_loop3A_369, %parallel_loop3A_370] {strides = array<i32>} : memref<8x1024xf32, #tpu.memory_space<vmem>>, vector<1x16xf32>,
        %parallel_loop3A_372 = vector.shape_cast %parallel_loop3A_371 : vector<1x16xf32> to vector<16xf32>
        %parallel_loop3A_373 = arith.constant 16 : i32
        %parallel_loop3A_374 = arith.muli %parallel_loop3A_324, %parallel_loop3A_373 : i32
        %parallel_loop3A_375 = arith.constant 13 : i32
        %parallel_loop3A_376 = arith.index_cast %parallel_loop3A_375 : i32 to index
        %parallel_loop3A_377 = arith.index_cast %parallel_loop3A_374 : i32 to index
        %parallel_loop3A_378 = tpu.vector_load %arg10[%parallel_loop3A_376, %parallel_loop3A_377] {strides = array<i32>} : memref<16x1024xf32, #tpu.memory_space<vmem>>, vector<1x16xf32>,
        %parallel_loop3A_379 = vector.shape_cast %parallel_loop3A_378 : vector<1x16xf32> to vector<16xf32>
        %parallel_loop3A_380 = vector.shape_cast %parallel_loop3A_372 : vector<16xf32> to vector<1x16xf32>
        tpu.vector_store %arg10[%parallel_loop3A_376, %parallel_loop3A_377], %parallel_loop3A_380 {add = true, strides = array<i32>} : memref<16x1024xf32, #tpu.memory_space<vmem>>, vector<1x16xf32>,
      } {sc.loop_unroll_factor = 8 : i64, sc.parallel_access}
      %slice3A_221 = vector.extract_strided_slice %get3A_198 {offsets = [2], sizes = [1], strides = [1]} : vector<16xi32> to vector<1xi32>
      %squeeze3A_222 = vector.extract %slice3A_221[0] : i32 from vector<1xi32>
      %slice3A_223 = vector.extract_strided_slice %get3A_198 {offsets = [6], sizes = [1], strides = [1]} : vector<16xi32> to vector<1xi32>
      %squeeze3A_224 = vector.extract %slice3A_223[0] : i32 from vector<1xi32>
      %slice3A_225 = vector.extract_strided_slice %get3A_198 {offsets = [10], sizes = [1], strides = [1]} : vector<16xi32> to vector<1xi32>
      %squeeze3A_226 = vector.extract %slice3A_225[0] : i32 from vector<1xi32>
      %slice3A_227 = vector.extract_strided_slice %get3A_198 {offsets = [14], sizes = [1], strides = [1]} : vector<16xi32> to vector<1xi32>
      %squeeze3A_228 = vector.extract %slice3A_227[0] : i32 from vector<1xi32>
      %parallel_loop3A_229 = arith.constant 0 : i32
      %parallel_loop3A_230 = arith.constant 64 : i32
      %parallel_loop3A_231 = arith.constant 1 : i32
      scf.for %parallel_loop3A_324 = %parallel_loop3A_229 to %parallel_loop3A_230 step %parallel_loop3A_231  : i32 {
        %parallel_loop3A_325 = arith.constant 16 : i32
        %parallel_loop3A_326 = arith.muli %parallel_loop3A_324, %parallel_loop3A_325 : i32
        %parallel_loop3A_327 = arith.index_cast %squeeze3A_222 : i32 to index
        %parallel_loop3A_328 = arith.index_cast %parallel_loop3A_326 : i32 to index
        %parallel_loop3A_329 = tpu.vector_load %arg6[%parallel_loop3A_327, %parallel_loop3A_328] {strides = array<i32>} : memref<8x1024xf32, #tpu.memory_space<vmem>>, vector<1x16xf32>,
        %parallel_loop3A_330 = vector.shape_cast %parallel_loop3A_329 : vector<1x16xf32> to vector<16xf32>
        %parallel_loop3A_331 = arith.constant 16 : i32
        %parallel_loop3A_332 = arith.muli %parallel_loop3A_324, %parallel_loop3A_331 : i32
        %parallel_loop3A_333 = arith.constant 2 : i32
        %parallel_loop3A_334 = arith.index_cast %parallel_loop3A_333 : i32 to index
        %parallel_loop3A_335 = arith.index_cast %parallel_loop3A_332 : i32 to index
        %parallel_loop3A_336 = tpu.vector_load %arg10[%parallel_loop3A_334, %parallel_loop3A_335] {strides = array<i32>} : memref<16x1024xf32, #tpu.memory_space<vmem>>, vector<1x16xf32>,
        %parallel_loop3A_337 = vector.shape_cast %parallel_loop3A_336 : vector<1x16xf32> to vector<16xf32>
        %parallel_loop3A_338 = vector.shape_cast %parallel_loop3A_330 : vector<16xf32> to vector<1x16xf32>
        tpu.vector_store %arg10[%parallel_loop3A_334, %parallel_loop3A_335], %parallel_loop3A_338 {add = true, strides = array<i32>} : memref<16x1024xf32, #tpu.memory_space<vmem>>, vector<1x16xf32>,
        %parallel_loop3A_339 = arith.constant 16 : i32
        %parallel_loop3A_340 = arith.muli %parallel_loop3A_324, %parallel_loop3A_339 : i32
        %parallel_loop3A_341 = arith.index_cast %squeeze3A_224 : i32 to index
        %parallel_loop3A_342 = arith.index_cast %parallel_loop3A_340 : i32 to index
        %parallel_loop3A_343 = tpu.vector_load %arg6[%parallel_loop3A_341, %parallel_loop3A_342] {strides = array<i32>} : memref<8x1024xf32, #tpu.memory_space<vmem>>, vector<1x16xf32>,
        %parallel_loop3A_344 = vector.shape_cast %parallel_loop3A_343 : vector<1x16xf32> to vector<16xf32>
        %parallel_loop3A_345 = arith.constant 16 : i32
        %parallel_loop3A_346 = arith.muli %parallel_loop3A_324, %parallel_loop3A_345 : i32
        %parallel_loop3A_347 = arith.constant 6 : i32
        %parallel_loop3A_348 = arith.index_cast %parallel_loop3A_347 : i32 to index
        %parallel_loop3A_349 = arith.index_cast %parallel_loop3A_346 : i32 to index
        %parallel_loop3A_350 = tpu.vector_load %arg10[%parallel_loop3A_348, %parallel_loop3A_349] {strides = array<i32>} : memref<16x1024xf32, #tpu.memory_space<vmem>>, vector<1x16xf32>,
        %parallel_loop3A_351 = vector.shape_cast %parallel_loop3A_350 : vector<1x16xf32> to vector<16xf32>
        %parallel_loop3A_352 = vector.shape_cast %parallel_loop3A_344 : vector<16xf32> to vector<1x16xf32>
        tpu.vector_store %arg10[%parallel_loop3A_348, %parallel_loop3A_349], %parallel_loop3A_352 {add = true, strides = array<i32>} : memref<16x1024xf32, #tpu.memory_space<vmem>>, vector<1x16xf32>,
        %parallel_loop3A_353 = arith.constant 16 : i32
        %parallel_loop3A_354 = arith.muli %parallel_loop3A_324, %parallel_loop3A_353 : i32
        %parallel_loop3A_355 = arith.index_cast %squeeze3A_226 : i32 to index
        %parallel_loop3A_356 = arith.index_cast %parallel_loop3A_354 : i32 to index
        %parallel_loop3A_357 = tpu.vector_load %arg6[%parallel_loop3A_355, %parallel_loop3A_356] {strides = array<i32>} : memref<8x1024xf32, #tpu.memory_space<vmem>>, vector<1x16xf32>,
        %parallel_loop3A_358 = vector.shape_cast %parallel_loop3A_357 : vector<1x16xf32> to vector<16xf32>
        %parallel_loop3A_359 = arith.constant 16 : i32
        %parallel_loop3A_360 = arith.muli %parallel_loop3A_324, %parallel_loop3A_359 : i32
        %parallel_loop3A_361 = arith.constant 10 : i32
        %parallel_loop3A_362 = arith.index_cast %parallel_loop3A_361 : i32 to index
        %parallel_loop3A_363 = arith.index_cast %parallel_loop3A_360 : i32 to index
        %parallel_loop3A_364 = tpu.vector_load %arg10[%parallel_loop3A_362, %parallel_loop3A_363] {strides = array<i32>} : memref<16x1024xf32, #tpu.memory_space<vmem>>, vector<1x16xf32>,
        %parallel_loop3A_365 = vector.shape_cast %parallel_loop3A_364 : vector<1x16xf32> to vector<16xf32>
        %parallel_loop3A_366 = vector.shape_cast %parallel_loop3A_358 : vector<16xf32> to vector<1x16xf32>
        tpu.vector_store %arg10[%parallel_loop3A_362, %parallel_loop3A_363], %parallel_loop3A_366 {add = true, strides = array<i32>} : memref<16x1024xf32, #tpu.memory_space<vmem>>, vector<1x16xf32>,
        %parallel_loop3A_367 = arith.constant 16 : i32
        %parallel_loop3A_368 = arith.muli %parallel_loop3A_324, %parallel_loop3A_367 : i32
        %parallel_loop3A_369 = arith.index_cast %squeeze3A_228 : i32 to index
        %parallel_loop3A_370 = arith.index_cast %parallel_loop3A_368 : i32 to index
        %parallel_loop3A_371 = tpu.vector_load %arg6[%parallel_loop3A_369, %parallel_loop3A_370] {strides = array<i32>} : memref<8x1024xf32, #tpu.memory_space<vmem>>, vector<1x16xf32>,
        %parallel_loop3A_372 = vector.shape_cast %parallel_loop3A_371 : vector<1x16xf32> to vector<16xf32>
        %parallel_loop3A_373 = arith.constant 16 : i32
        %parallel_loop3A_374 = arith.muli %parallel_loop3A_324, %parallel_loop3A_373 : i32
        %parallel_loop3A_375 = arith.constant 14 : i32
        %parallel_loop3A_376 = arith.index_cast %parallel_loop3A_375 : i32 to index
        %parallel_loop3A_377 = arith.index_cast %parallel_loop3A_374 : i32 to index
        %parallel_loop3A_378 = tpu.vector_load %arg10[%parallel_loop3A_376, %parallel_loop3A_377] {strides = array<i32>} : memref<16x1024xf32, #tpu.memory_space<vmem>>, vector<1x16xf32>,
        %parallel_loop3A_379 = vector.shape_cast %parallel_loop3A_378 : vector<1x16xf32> to vector<16xf32>
        %parallel_loop3A_380 = vector.shape_cast %parallel_loop3A_372 : vector<16xf32> to vector<1x16xf32>
        tpu.vector_store %arg10[%parallel_loop3A_376, %parallel_loop3A_377], %parallel_loop3A_380 {add = true, strides = array<i32>} : memref<16x1024xf32, #tpu.memory_space<vmem>>, vector<1x16xf32>,
      } {sc.loop_unroll_factor = 8 : i64, sc.parallel_access}
      %slice3A_232 = vector.extract_strided_slice %get3A_198 {offsets = [3], sizes = [1], strides = [1]} : vector<16xi32> to vector<1xi32>
      %squeeze3A_233 = vector.extract %slice3A_232[0] : i32 from vector<1xi32>
      %slice3A_234 = vector.extract_strided_slice %get3A_198 {offsets = [7], sizes = [1], strides = [1]} : vector<16xi32> to vector<1xi32>
      %squeeze3A_235 = vector.extract %slice3A_234[0] : i32 from vector<1xi32>
      %slice3A_236 = vector.extract_strided_slice %get3A_198 {offsets = [11], sizes = [1], strides = [1]} : vector<16xi32> to vector<1xi32>
      %squeeze3A_237 = vector.extract %slice3A_236[0] : i32 from vector<1xi32>
      %slice3A_238 = vector.extract_strided_slice %get3A_198 {offsets = [15], sizes = [1], strides = [1]} : vector<16xi32> to vector<1xi32>
      %squeeze3A_239 = vector.extract %slice3A_238[0] : i32 from vector<1xi32>
      %parallel_loop3A_240 = arith.constant 0 : i32
      %parallel_loop3A_241 = arith.constant 64 : i32
      %parallel_loop3A_242 = arith.constant 1 : i32
      scf.for %parallel_loop3A_324 = %parallel_loop3A_240 to %parallel_loop3A_241 step %parallel_loop3A_242  : i32 {
        %parallel_loop3A_325 = arith.constant 16 : i32
        %parallel_loop3A_326 = arith.muli %parallel_loop3A_324, %parallel_loop3A_325 : i32
        %parallel_loop3A_327 = arith.index_cast %squeeze3A_233 : i32 to index
        %parallel_loop3A_328 = arith.index_cast %parallel_loop3A_326 : i32 to index
        %parallel_loop3A_329 = tpu.vector_load %arg6[%parallel_loop3A_327, %parallel_loop3A_328] {strides = array<i32>} : memref<8x1024xf32, #tpu.memory_space<vmem>>, vector<1x16xf32>,
        %parallel_loop3A_330 = vector.shape_cast %parallel_loop3A_329 : vector<1x16xf32> to vector<16xf32>
        %parallel_loop3A_331 = arith.constant 16 : i32
        %parallel_loop3A_332 = arith.muli %parallel_loop3A_324, %parallel_loop3A_331 : i32
        %parallel_loop3A_333 = arith.constant 3 : i32
        %parallel_loop3A_334 = arith.index_cast %parallel_loop3A_333 : i32 to index
        %parallel_loop3A_335 = arith.index_cast %parallel_loop3A_332 : i32 to index
        %parallel_loop3A_336 = tpu.vector_load %arg10[%parallel_loop3A_334, %parallel_loop3A_335] {strides = array<i32>} : memref<16x1024xf32, #tpu.memory_space<vmem>>, vector<1x16xf32>,
        %parallel_loop3A_337 = vector.shape_cast %parallel_loop3A_336 : vector<1x16xf32> to vector<16xf32>
        %parallel_loop3A_338 = vector.shape_cast %parallel_loop3A_330 : vector<16xf32> to vector<1x16xf32>
        tpu.vector_store %arg10[%parallel_loop3A_334, %parallel_loop3A_335], %parallel_loop3A_338 {add = true, strides = array<i32>} : memref<16x1024xf32, #tpu.memory_space<vmem>>, vector<1x16xf32>,
        %parallel_loop3A_339 = arith.constant 16 : i32
        %parallel_loop3A_340 = arith.muli %parallel_loop3A_324, %parallel_loop3A_339 : i32
        %parallel_loop3A_341 = arith.index_cast %squeeze3A_235 : i32 to index
        %parallel_loop3A_342 = arith.index_cast %parallel_loop3A_340 : i32 to index
        %parallel_loop3A_343 = tpu.vector_load %arg6[%parallel_loop3A_341, %parallel_loop3A_342] {strides = array<i32>} : memref<8x1024xf32, #tpu.memory_space<vmem>>, vector<1x16xf32>,
        %parallel_loop3A_344 = vector.shape_cast %parallel_loop3A_343 : vector<1x16xf32> to vector<16xf32>
        %parallel_loop3A_345 = arith.constant 16 : i32
        %parallel_loop3A_346 = arith.muli %parallel_loop3A_324, %parallel_loop3A_345 : i32
        %parallel_loop3A_347 = arith.constant 7 : i32
        %parallel_loop3A_348 = arith.index_cast %parallel_loop3A_347 : i32 to index
        %parallel_loop3A_349 = arith.index_cast %parallel_loop3A_346 : i32 to index
        %parallel_loop3A_350 = tpu.vector_load %arg10[%parallel_loop3A_348, %parallel_loop3A_349] {strides = array<i32>} : memref<16x1024xf32, #tpu.memory_space<vmem>>, vector<1x16xf32>,
        %parallel_loop3A_351 = vector.shape_cast %parallel_loop3A_350 : vector<1x16xf32> to vector<16xf32>
        %parallel_loop3A_352 = vector.shape_cast %parallel_loop3A_344 : vector<16xf32> to vector<1x16xf32>
        tpu.vector_store %arg10[%parallel_loop3A_348, %parallel_loop3A_349], %parallel_loop3A_352 {add = true, strides = array<i32>} : memref<16x1024xf32, #tpu.memory_space<vmem>>, vector<1x16xf32>,
        %parallel_loop3A_353 = arith.constant 16 : i32
        %parallel_loop3A_354 = arith.muli %parallel_loop3A_324, %parallel_loop3A_353 : i32
        %parallel_loop3A_355 = arith.index_cast %squeeze3A_237 : i32 to index
        %parallel_loop3A_356 = arith.index_cast %parallel_loop3A_354 : i32 to index
        %parallel_loop3A_357 = tpu.vector_load %arg6[%parallel_loop3A_355, %parallel_loop3A_356] {strides = array<i32>} : memref<8x1024xf32, #tpu.memory_space<vmem>>, vector<1x16xf32>,
        %parallel_loop3A_358 = vector.shape_cast %parallel_loop3A_357 : vector<1x16xf32> to vector<16xf32>
        %parallel_loop3A_359 = arith.constant 16 : i32
        %parallel_loop3A_360 = arith.muli %parallel_loop3A_324, %parallel_loop3A_359 : i32
        %parallel_loop3A_361 = arith.constant 11 : i32
        %parallel_loop3A_362 = arith.index_cast %parallel_loop3A_361 : i32 to index
        %parallel_loop3A_363 = arith.index_cast %parallel_loop3A_360 : i32 to index
        %parallel_loop3A_364 = tpu.vector_load %arg10[%parallel_loop3A_362, %parallel_loop3A_363] {strides = array<i32>} : memref<16x1024xf32, #tpu.memory_space<vmem>>, vector<1x16xf32>,
        %parallel_loop3A_365 = vector.shape_cast %parallel_loop3A_364 : vector<1x16xf32> to vector<16xf32>
        %parallel_loop3A_366 = vector.shape_cast %parallel_loop3A_358 : vector<16xf32> to vector<1x16xf32>
        tpu.vector_store %arg10[%parallel_loop3A_362, %parallel_loop3A_363], %parallel_loop3A_366 {add = true, strides = array<i32>} : memref<16x1024xf32, #tpu.memory_space<vmem>>, vector<1x16xf32>,
        %parallel_loop3A_367 = arith.constant 16 : i32
        %parallel_loop3A_368 = arith.muli %parallel_loop3A_324, %parallel_loop3A_367 : i32
        %parallel_loop3A_369 = arith.index_cast %squeeze3A_239 : i32 to index
        %parallel_loop3A_370 = arith.index_cast %parallel_loop3A_368 : i32 to index
        %parallel_loop3A_371 = tpu.vector_load %arg6[%parallel_loop3A_369, %parallel_loop3A_370] {strides = array<i32>} : memref<8x1024xf32, #tpu.memory_space<vmem>>, vector<1x16xf32>,
        %parallel_loop3A_372 = vector.shape_cast %parallel_loop3A_371 : vector<1x16xf32> to vector<16xf32>
        %parallel_loop3A_373 = arith.constant 16 : i32
        %parallel_loop3A_374 = arith.muli %parallel_loop3A_324, %parallel_loop3A_373 : i32
        %parallel_loop3A_375 = arith.constant 15 : i32
        %parallel_loop3A_376 = arith.index_cast %parallel_loop3A_375 : i32 to index
        %parallel_loop3A_377 = arith.index_cast %parallel_loop3A_374 : i32 to index
        %parallel_loop3A_378 = tpu.vector_load %arg10[%parallel_loop3A_376, %parallel_loop3A_377] {strides = array<i32>} : memref<16x1024xf32, #tpu.memory_space<vmem>>, vector<1x16xf32>,
        %parallel_loop3A_379 = vector.shape_cast %parallel_loop3A_378 : vector<1x16xf32> to vector<16xf32>
        %parallel_loop3A_380 = vector.shape_cast %parallel_loop3A_372 : vector<16xf32> to vector<1x16xf32>
        tpu.vector_store %arg10[%parallel_loop3A_376, %parallel_loop3A_377], %parallel_loop3A_380 {add = true, strides = array<i32>} : memref<16x1024xf32, #tpu.memory_space<vmem>>, vector<1x16xf32>,
      } {sc.loop_unroll_factor = 8 : i64, sc.parallel_access}
      %mul3A_243 = arith.constant 16 : i32
      %mul3A_244 = arith.muli %add3A_179, %mul3A_243 : i32
      %add3A_245 = arith.addi %mul3A_2, %mul3A_244 : i32
      %dma_start3A_246 = arith.constant 0 : i32
      %dma_start3A_247 = tpu.memref_slice %arg5[%add3A_245, %dma_start3A_246] : memref<32768x1024xf32, #tpu.memory_space<hbm>> -> memref<16x1024xf32, #tpu.memory_space<hbm>>
      %dma_start3A_248 = arith.constant 0 : i32
      %dma_start3A_249 = tpu.memref_slice %arg5[%add3A_245, %dma_start3A_248] : memref<32768x1024xf32, #tpu.memory_space<hbm>> -> memref<16x1024xf32, #tpu.memory_space<hbm>>
      tpu.enqueue_dma source(%arg10 : memref<16x1024xf32, #tpu.memory_space<vmem>>) target(%dma_start3A_249 : memref<16x1024xf32, #tpu.memory_space<hbm>>) target_semaphore(%arg18 : memref<!tpu.dma_semaphore, #tpu.memory_space<semaphore_mem>>)
      %mul3A_250 = arith.constant 4 : i32
      %mul3A_251 = arith.muli %scan3A_34, %mul3A_250 : i32
      %add3A_252 = arith.constant 3 : i32
      %add3A_253 = arith.addi %mul3A_251, %add3A_252 : i32
      %add3A_254 = arith.constant 1 : i32
      %add3A_255 = arith.addi %add3A_253, %add3A_254 : i32
      %lt3A_256 = arith.constant 64 : i32
      %lt3A_257 = arith.cmpi slt, %add3A_255, %lt3A_256 : i32
      %convert_element_type3A_258 = arith.extui %lt3A_257 : i1 to i32
      %cond3A_259 = arith.constant 0 : i32
      %cond3A_260 = arith.cmpi ne, %convert_element_type3A_258, %cond3A_259 : i32
      scf.if %cond3A_260 {
        %ge3A = arith.constant 3 : i32
        %ge3A_324 = arith.cmpi sge, %add3A_253, %ge3A : i32
        %convert_element_type3A_325 = arith.extui %ge3A_324 : i1 to i32
        %cond3A_326 = arith.constant 0 : i32
        %cond3A_327 = arith.cmpi ne, %convert_element_type3A_325, %cond3A_326 : i32
        scf.if %cond3A_327 {
          %sub3A = arith.constant 3 : i32
          %sub3A_337 = arith.subi %add3A_253, %sub3A : i32
          %mul3A_338 = arith.constant 16 : i32
          %mul3A_339 = arith.muli %sub3A_337, %mul3A_338 : i32
          %add3A_340 = arith.addi %mul3A_2, %mul3A_339 : i32
          %dma_wait3A_341 = arith.constant 0 : i32
          %dma_wait3A_342 = tpu.memref_slice %arg5[%add3A_340, %dma_wait3A_341] : memref<32768x1024xf32, #tpu.memory_space<hbm>> -> memref<16x1024xf32, #tpu.memory_space<hbm>>
          %dma_wait3A_343 = arith.constant 0 : i32
          %dma_wait3A_344 = tpu.memref_slice %arg5[%add3A_340, %dma_wait3A_343] : memref<32768x1024xf32, #tpu.memory_space<hbm>> -> memref<16x1024xf32, #tpu.memory_space<hbm>>
          tpu.wait_dma2 semaphore(%arg16 : memref<!tpu.dma_semaphore, #tpu.memory_space<semaphore_mem>>) src(%arg8 : memref<16x1024xf32, #tpu.memory_space<vmem>>) dst(%dma_wait3A_344 : memref<16x1024xf32, #tpu.memory_space<hbm>>)
        } else {
        }
        %add3A_328 = arith.constant 1 : i32
        %add3A_329 = arith.addi %add3A_253, %add3A_328 : i32
        %mul3A_330 = arith.constant 16 : i32
        %mul3A_331 = arith.muli %add3A_329, %mul3A_330 : i32
        %add3A_332 = arith.addi %mul3A_2, %mul3A_331 : i32
        %dma_start3A_333 = arith.constant 0 : i32
        %dma_start3A_334 = tpu.memref_slice %arg2[%add3A_332, %dma_start3A_333] : memref<32768x1024xf32, #tpu.memory_space<hbm>> -> memref<16x1024xf32, #tpu.memory_space<hbm>>
        %dma_start3A_335 = arith.constant 0 : i32
        %dma_start3A_336 = tpu.memref_slice %arg2[%add3A_332, %dma_start3A_335] : memref<32768x1024xf32, #tpu.memory_space<hbm>> -> memref<16x1024xf32, #tpu.memory_space<hbm>>
        tpu.enqueue_dma source(%dma_start3A_336 : memref<16x1024xf32, #tpu.memory_space<hbm>>) target(%arg8 : memref<16x1024xf32, #tpu.memory_space<vmem>>) target_semaphore(%arg12 : memref<!tpu.dma_semaphore, #tpu.memory_space<semaphore_mem>>)
      } else {
      }
      %mul3A_261 = arith.constant 16 : i32
      %mul3A_262 = arith.muli %add3A_253, %mul3A_261 : i32
      %add3A_263 = arith.addi %mul3A_2, %mul3A_262 : i32
      %dma_wait3A_264 = arith.constant 0 : i32
      %dma_wait3A_265 = tpu.memref_slice %arg2[%add3A_263, %dma_wait3A_264] : memref<32768x1024xf32, #tpu.memory_space<hbm>> -> memref<16x1024xf32, #tpu.memory_space<hbm>>
      %dma_wait3A_266 = arith.constant 0 : i32
      %dma_wait3A_267 = tpu.memref_slice %arg2[%add3A_263, %dma_wait3A_266] : memref<32768x1024xf32, #tpu.memory_space<hbm>> -> memref<16x1024xf32, #tpu.memory_space<hbm>>
      tpu.wait_dma2 semaphore(%arg15 : memref<!tpu.dma_semaphore, #tpu.memory_space<semaphore_mem>>) src(%dma_wait3A_267 : memref<16x1024xf32, #tpu.memory_space<hbm>>) dst(%arg11 : memref<16x1024xf32, #tpu.memory_space<vmem>>)
      %mul3A_268 = arith.constant 16 : i32
      %mul3A_269 = arith.muli %add3A_253, %mul3A_268 : i32
      %get3A_270 = arith.index_cast %mul3A_269 : i32 to index
      %get3A_271 = tpu.vector_load %arg7[%get3A_270] {strides = array<i32>} : memref<1024xi32, #tpu.memory_space<vmem>>, vector<16xi32>,
      %get3A_272 = vector.shape_cast %get3A_271 : vector<16xi32> to vector<16xi32>
      %slice3A_273 = vector.extract_strided_slice %get3A_272 {offsets = [0], sizes = [1], strides = [1]} : vector<16xi32> to vector<1xi32>
      %squeeze3A_274 = vector.extract %slice3A_273[0] : i32 from vector<1xi32>
      %slice3A_275 = vector.extract_strided_slice %get3A_272 {offsets = [4], sizes = [1], strides = [1]} : vector<16xi32> to vector<1xi32>
      %squeeze3A_276 = vector.extract %slice3A_275[0] : i32 from vector<1xi32>
      %slice3A_277 = vector.extract_strided_slice %get3A_272 {offsets = [8], sizes = [1], strides = [1]} : vector<16xi32> to vector<1xi32>
      %squeeze3A_278 = vector.extract %slice3A_277[0] : i32 from vector<1xi32>
      %slice3A_279 = vector.extract_strided_slice %get3A_272 {offsets = [12], sizes = [1], strides = [1]} : vector<16xi32> to vector<1xi32>
      %squeeze3A_280 = vector.extract %slice3A_279[0] : i32 from vector<1xi32>
      %parallel_loop3A_281 = arith.constant 0 : i32
      %parallel_loop3A_282 = arith.constant 64 : i32
      %parallel_loop3A_283 = arith.constant 1 : i32
      scf.for %parallel_loop3A_324 = %parallel_loop3A_281 to %parallel_loop3A_282 step %parallel_loop3A_283  : i32 {
        %parallel_loop3A_325 = arith.constant 16 : i32
        %parallel_loop3A_326 = arith.muli %parallel_loop3A_324, %parallel_loop3A_325 : i32
        %parallel_loop3A_327 = arith.index_cast %squeeze3A_274 : i32 to index
        %parallel_loop3A_328 = arith.index_cast %parallel_loop3A_326 : i32 to index
        %parallel_loop3A_329 = tpu.vector_load %arg6[%parallel_loop3A_327, %parallel_loop3A_328] {strides = array<i32>} : memref<8x1024xf32, #tpu.memory_space<vmem>>, vector<1x16xf32>,
        %parallel_loop3A_330 = vector.shape_cast %parallel_loop3A_329 : vector<1x16xf32> to vector<16xf32>
        %parallel_loop3A_331 = arith.constant 16 : i32
        %parallel_loop3A_332 = arith.muli %parallel_loop3A_324, %parallel_loop3A_331 : i32
        %parallel_loop3A_333 = arith.constant 0 : i32
        %parallel_loop3A_334 = arith.index_cast %parallel_loop3A_333 : i32 to index
        %parallel_loop3A_335 = arith.index_cast %parallel_loop3A_332 : i32 to index
        %parallel_loop3A_336 = tpu.vector_load %arg11[%parallel_loop3A_334, %parallel_loop3A_335] {strides = array<i32>} : memref<16x1024xf32, #tpu.memory_space<vmem>>, vector<1x16xf32>,
        %parallel_loop3A_337 = vector.shape_cast %parallel_loop3A_336 : vector<1x16xf32> to vector<16xf32>
        %parallel_loop3A_338 = vector.shape_cast %parallel_loop3A_330 : vector<16xf32> to vector<1x16xf32>
        tpu.vector_store %arg11[%parallel_loop3A_334, %parallel_loop3A_335], %parallel_loop3A_338 {add = true, strides = array<i32>} : memref<16x1024xf32, #tpu.memory_space<vmem>>, vector<1x16xf32>,
        %parallel_loop3A_339 = arith.constant 16 : i32
        %parallel_loop3A_340 = arith.muli %parallel_loop3A_324, %parallel_loop3A_339 : i32
        %parallel_loop3A_341 = arith.index_cast %squeeze3A_276 : i32 to index
        %parallel_loop3A_342 = arith.index_cast %parallel_loop3A_340 : i32 to index
        %parallel_loop3A_343 = tpu.vector_load %arg6[%parallel_loop3A_341, %parallel_loop3A_342] {strides = array<i32>} : memref<8x1024xf32, #tpu.memory_space<vmem>>, vector<1x16xf32>,
        %parallel_loop3A_344 = vector.shape_cast %parallel_loop3A_343 : vector<1x16xf32> to vector<16xf32>
        %parallel_loop3A_345 = arith.constant 16 : i32
        %parallel_loop3A_346 = arith.muli %parallel_loop3A_324, %parallel_loop3A_345 : i32
        %parallel_loop3A_347 = arith.constant 4 : i32
        %parallel_loop3A_348 = arith.index_cast %parallel_loop3A_347 : i32 to index
        %parallel_loop3A_349 = arith.index_cast %parallel_loop3A_346 : i32 to index
        %parallel_loop3A_350 = tpu.vector_load %arg11[%parallel_loop3A_348, %parallel_loop3A_349] {strides = array<i32>} : memref<16x1024xf32, #tpu.memory_space<vmem>>, vector<1x16xf32>,
        %parallel_loop3A_351 = vector.shape_cast %parallel_loop3A_350 : vector<1x16xf32> to vector<16xf32>
        %parallel_loop3A_352 = vector.shape_cast %parallel_loop3A_344 : vector<16xf32> to vector<1x16xf32>
        tpu.vector_store %arg11[%parallel_loop3A_348, %parallel_loop3A_349], %parallel_loop3A_352 {add = true, strides = array<i32>} : memref<16x1024xf32, #tpu.memory_space<vmem>>, vector<1x16xf32>,
        %parallel_loop3A_353 = arith.constant 16 : i32
        %parallel_loop3A_354 = arith.muli %parallel_loop3A_324, %parallel_loop3A_353 : i32
        %parallel_loop3A_355 = arith.index_cast %squeeze3A_278 : i32 to index
        %parallel_loop3A_356 = arith.index_cast %parallel_loop3A_354 : i32 to index
        %parallel_loop3A_357 = tpu.vector_load %arg6[%parallel_loop3A_355, %parallel_loop3A_356] {strides = array<i32>} : memref<8x1024xf32, #tpu.memory_space<vmem>>, vector<1x16xf32>,
        %parallel_loop3A_358 = vector.shape_cast %parallel_loop3A_357 : vector<1x16xf32> to vector<16xf32>
        %parallel_loop3A_359 = arith.constant 16 : i32
        %parallel_loop3A_360 = arith.muli %parallel_loop3A_324, %parallel_loop3A_359 : i32
        %parallel_loop3A_361 = arith.constant 8 : i32
        %parallel_loop3A_362 = arith.index_cast %parallel_loop3A_361 : i32 to index
        %parallel_loop3A_363 = arith.index_cast %parallel_loop3A_360 : i32 to index
        %parallel_loop3A_364 = tpu.vector_load %arg11[%parallel_loop3A_362, %parallel_loop3A_363] {strides = array<i32>} : memref<16x1024xf32, #tpu.memory_space<vmem>>, vector<1x16xf32>,
        %parallel_loop3A_365 = vector.shape_cast %parallel_loop3A_364 : vector<1x16xf32> to vector<16xf32>
        %parallel_loop3A_366 = vector.shape_cast %parallel_loop3A_358 : vector<16xf32> to vector<1x16xf32>
        tpu.vector_store %arg11[%parallel_loop3A_362, %parallel_loop3A_363], %parallel_loop3A_366 {add = true, strides = array<i32>} : memref<16x1024xf32, #tpu.memory_space<vmem>>, vector<1x16xf32>,
        %parallel_loop3A_367 = arith.constant 16 : i32
        %parallel_loop3A_368 = arith.muli %parallel_loop3A_324, %parallel_loop3A_367 : i32
        %parallel_loop3A_369 = arith.index_cast %squeeze3A_280 : i32 to index
        %parallel_loop3A_370 = arith.index_cast %parallel_loop3A_368 : i32 to index
        %parallel_loop3A_371 = tpu.vector_load %arg6[%parallel_loop3A_369, %parallel_loop3A_370] {strides = array<i32>} : memref<8x1024xf32, #tpu.memory_space<vmem>>, vector<1x16xf32>,
        %parallel_loop3A_372 = vector.shape_cast %parallel_loop3A_371 : vector<1x16xf32> to vector<16xf32>
        %parallel_loop3A_373 = arith.constant 16 : i32
        %parallel_loop3A_374 = arith.muli %parallel_loop3A_324, %parallel_loop3A_373 : i32
        %parallel_loop3A_375 = arith.constant 12 : i32
        %parallel_loop3A_376 = arith.index_cast %parallel_loop3A_375 : i32 to index
        %parallel_loop3A_377 = arith.index_cast %parallel_loop3A_374 : i32 to index
        %parallel_loop3A_378 = tpu.vector_load %arg11[%parallel_loop3A_376, %parallel_loop3A_377] {strides = array<i32>} : memref<16x1024xf32, #tpu.memory_space<vmem>>, vector<1x16xf32>,
        %parallel_loop3A_379 = vector.shape_cast %parallel_loop3A_378 : vector<1x16xf32> to vector<16xf32>
        %parallel_loop3A_380 = vector.shape_cast %parallel_loop3A_372 : vector<16xf32> to vector<1x16xf32>
        tpu.vector_store %arg11[%parallel_loop3A_376, %parallel_loop3A_377], %parallel_loop3A_380 {add = true, strides = array<i32>} : memref<16x1024xf32, #tpu.memory_space<vmem>>, vector<1x16xf32>,
      } {sc.loop_unroll_factor = 8 : i64, sc.parallel_access}
      %slice3A_284 = vector.extract_strided_slice %get3A_272 {offsets = [1], sizes = [1], strides = [1]} : vector<16xi32> to vector<1xi32>
      %squeeze3A_285 = vector.extract %slice3A_284[0] : i32 from vector<1xi32>
      %slice3A_286 = vector.extract_strided_slice %get3A_272 {offsets = [5], sizes = [1], strides = [1]} : vector<16xi32> to vector<1xi32>
      %squeeze3A_287 = vector.extract %slice3A_286[0] : i32 from vector<1xi32>
      %slice3A_288 = vector.extract_strided_slice %get3A_272 {offsets = [9], sizes = [1], strides = [1]} : vector<16xi32> to vector<1xi32>
      %squeeze3A_289 = vector.extract %slice3A_288[0] : i32 from vector<1xi32>
      %slice3A_290 = vector.extract_strided_slice %get3A_272 {offsets = [13], sizes = [1], strides = [1]} : vector<16xi32> to vector<1xi32>
      %squeeze3A_291 = vector.extract %slice3A_290[0] : i32 from vector<1xi32>
      %parallel_loop3A_292 = arith.constant 0 : i32
      %parallel_loop3A_293 = arith.constant 64 : i32
      %parallel_loop3A_294 = arith.constant 1 : i32
      scf.for %parallel_loop3A_324 = %parallel_loop3A_292 to %parallel_loop3A_293 step %parallel_loop3A_294  : i32 {
        %parallel_loop3A_325 = arith.constant 16 : i32
        %parallel_loop3A_326 = arith.muli %parallel_loop3A_324, %parallel_loop3A_325 : i32
        %parallel_loop3A_327 = arith.index_cast %squeeze3A_285 : i32 to index
        %parallel_loop3A_328 = arith.index_cast %parallel_loop3A_326 : i32 to index
        %parallel_loop3A_329 = tpu.vector_load %arg6[%parallel_loop3A_327, %parallel_loop3A_328] {strides = array<i32>} : memref<8x1024xf32, #tpu.memory_space<vmem>>, vector<1x16xf32>,
        %parallel_loop3A_330 = vector.shape_cast %parallel_loop3A_329 : vector<1x16xf32> to vector<16xf32>
        %parallel_loop3A_331 = arith.constant 16 : i32
        %parallel_loop3A_332 = arith.muli %parallel_loop3A_324, %parallel_loop3A_331 : i32
        %parallel_loop3A_333 = arith.constant 1 : i32
        %parallel_loop3A_334 = arith.index_cast %parallel_loop3A_333 : i32 to index
        %parallel_loop3A_335 = arith.index_cast %parallel_loop3A_332 : i32 to index
        %parallel_loop3A_336 = tpu.vector_load %arg11[%parallel_loop3A_334, %parallel_loop3A_335] {strides = array<i32>} : memref<16x1024xf32, #tpu.memory_space<vmem>>, vector<1x16xf32>,
        %parallel_loop3A_337 = vector.shape_cast %parallel_loop3A_336 : vector<1x16xf32> to vector<16xf32>
        %parallel_loop3A_338 = vector.shape_cast %parallel_loop3A_330 : vector<16xf32> to vector<1x16xf32>
        tpu.vector_store %arg11[%parallel_loop3A_334, %parallel_loop3A_335], %parallel_loop3A_338 {add = true, strides = array<i32>} : memref<16x1024xf32, #tpu.memory_space<vmem>>, vector<1x16xf32>,
        %parallel_loop3A_339 = arith.constant 16 : i32
        %parallel_loop3A_340 = arith.muli %parallel_loop3A_324, %parallel_loop3A_339 : i32
        %parallel_loop3A_341 = arith.index_cast %squeeze3A_287 : i32 to index
        %parallel_loop3A_342 = arith.index_cast %parallel_loop3A_340 : i32 to index
        %parallel_loop3A_343 = tpu.vector_load %arg6[%parallel_loop3A_341, %parallel_loop3A_342] {strides = array<i32>} : memref<8x1024xf32, #tpu.memory_space<vmem>>, vector<1x16xf32>,
        %parallel_loop3A_344 = vector.shape_cast %parallel_loop3A_343 : vector<1x16xf32> to vector<16xf32>
        %parallel_loop3A_345 = arith.constant 16 : i32
        %parallel_loop3A_346 = arith.muli %parallel_loop3A_324, %parallel_loop3A_345 : i32
        %parallel_loop3A_347 = arith.constant 5 : i32
        %parallel_loop3A_348 = arith.index_cast %parallel_loop3A_347 : i32 to index
        %parallel_loop3A_349 = arith.index_cast %parallel_loop3A_346 : i32 to index
        %parallel_loop3A_350 = tpu.vector_load %arg11[%parallel_loop3A_348, %parallel_loop3A_349] {strides = array<i32>} : memref<16x1024xf32, #tpu.memory_space<vmem>>, vector<1x16xf32>,
        %parallel_loop3A_351 = vector.shape_cast %parallel_loop3A_350 : vector<1x16xf32> to vector<16xf32>
        %parallel_loop3A_352 = vector.shape_cast %parallel_loop3A_344 : vector<16xf32> to vector<1x16xf32>
        tpu.vector_store %arg11[%parallel_loop3A_348, %parallel_loop3A_349], %parallel_loop3A_352 {add = true, strides = array<i32>} : memref<16x1024xf32, #tpu.memory_space<vmem>>, vector<1x16xf32>,
        %parallel_loop3A_353 = arith.constant 16 : i32
        %parallel_loop3A_354 = arith.muli %parallel_loop3A_324, %parallel_loop3A_353 : i32
        %parallel_loop3A_355 = arith.index_cast %squeeze3A_289 : i32 to index
        %parallel_loop3A_356 = arith.index_cast %parallel_loop3A_354 : i32 to index
        %parallel_loop3A_357 = tpu.vector_load %arg6[%parallel_loop3A_355, %parallel_loop3A_356] {strides = array<i32>} : memref<8x1024xf32, #tpu.memory_space<vmem>>, vector<1x16xf32>,
        %parallel_loop3A_358 = vector.shape_cast %parallel_loop3A_357 : vector<1x16xf32> to vector<16xf32>
        %parallel_loop3A_359 = arith.constant 16 : i32
        %parallel_loop3A_360 = arith.muli %parallel_loop3A_324, %parallel_loop3A_359 : i32
        %parallel_loop3A_361 = arith.constant 9 : i32
        %parallel_loop3A_362 = arith.index_cast %parallel_loop3A_361 : i32 to index
        %parallel_loop3A_363 = arith.index_cast %parallel_loop3A_360 : i32 to index
        %parallel_loop3A_364 = tpu.vector_load %arg11[%parallel_loop3A_362, %parallel_loop3A_363] {strides = array<i32>} : memref<16x1024xf32, #tpu.memory_space<vmem>>, vector<1x16xf32>,
        %parallel_loop3A_365 = vector.shape_cast %parallel_loop3A_364 : vector<1x16xf32> to vector<16xf32>
        %parallel_loop3A_366 = vector.shape_cast %parallel_loop3A_358 : vector<16xf32> to vector<1x16xf32>
        tpu.vector_store %arg11[%parallel_loop3A_362, %parallel_loop3A_363], %parallel_loop3A_366 {add = true, strides = array<i32>} : memref<16x1024xf32, #tpu.memory_space<vmem>>, vector<1x16xf32>,
        %parallel_loop3A_367 = arith.constant 16 : i32
        %parallel_loop3A_368 = arith.muli %parallel_loop3A_324, %parallel_loop3A_367 : i32
        %parallel_loop3A_369 = arith.index_cast %squeeze3A_291 : i32 to index
        %parallel_loop3A_370 = arith.index_cast %parallel_loop3A_368 : i32 to index
        %parallel_loop3A_371 = tpu.vector_load %arg6[%parallel_loop3A_369, %parallel_loop3A_370] {strides = array<i32>} : memref<8x1024xf32, #tpu.memory_space<vmem>>, vector<1x16xf32>,
        %parallel_loop3A_372 = vector.shape_cast %parallel_loop3A_371 : vector<1x16xf32> to vector<16xf32>
        %parallel_loop3A_373 = arith.constant 16 : i32
        %parallel_loop3A_374 = arith.muli %parallel_loop3A_324, %parallel_loop3A_373 : i32
        %parallel_loop3A_375 = arith.constant 13 : i32
        %parallel_loop3A_376 = arith.index_cast %parallel_loop3A_375 : i32 to index
        %parallel_loop3A_377 = arith.index_cast %parallel_loop3A_374 : i32 to index
        %parallel_loop3A_378 = tpu.vector_load %arg11[%parallel_loop3A_376, %parallel_loop3A_377] {strides = array<i32>} : memref<16x1024xf32, #tpu.memory_space<vmem>>, vector<1x16xf32>,
        %parallel_loop3A_379 = vector.shape_cast %parallel_loop3A_378 : vector<1x16xf32> to vector<16xf32>
        %parallel_loop3A_380 = vector.shape_cast %parallel_loop3A_372 : vector<16xf32> to vector<1x16xf32>
        tpu.vector_store %arg11[%parallel_loop3A_376, %parallel_loop3A_377], %parallel_loop3A_380 {add = true, strides = array<i32>} : memref<16x1024xf32, #tpu.memory_space<vmem>>, vector<1x16xf32>,
      } {sc.loop_unroll_factor = 8 : i64, sc.parallel_access}
      %slice3A_295 = vector.extract_strided_slice %get3A_272 {offsets = [2], sizes = [1], strides = [1]} : vector<16xi32> to vector<1xi32>
      %squeeze3A_296 = vector.extract %slice3A_295[0] : i32 from vector<1xi32>
      %slice3A_297 = vector.extract_strided_slice %get3A_272 {offsets = [6], sizes = [1], strides = [1]} : vector<16xi32> to vector<1xi32>
      %squeeze3A_298 = vector.extract %slice3A_297[0] : i32 from vector<1xi32>
      %slice3A_299 = vector.extract_strided_slice %get3A_272 {offsets = [10], sizes = [1], strides = [1]} : vector<16xi32> to vector<1xi32>
      %squeeze3A_300 = vector.extract %slice3A_299[0] : i32 from vector<1xi32>
      %slice3A_301 = vector.extract_strided_slice %get3A_272 {offsets = [14], sizes = [1], strides = [1]} : vector<16xi32> to vector<1xi32>
      %squeeze3A_302 = vector.extract %slice3A_301[0] : i32 from vector<1xi32>
      %parallel_loop3A_303 = arith.constant 0 : i32
      %parallel_loop3A_304 = arith.constant 64 : i32
      %parallel_loop3A_305 = arith.constant 1 : i32
      scf.for %parallel_loop3A_324 = %parallel_loop3A_303 to %parallel_loop3A_304 step %parallel_loop3A_305  : i32 {
        %parallel_loop3A_325 = arith.constant 16 : i32
        %parallel_loop3A_326 = arith.muli %parallel_loop3A_324, %parallel_loop3A_325 : i32
        %parallel_loop3A_327 = arith.index_cast %squeeze3A_296 : i32 to index
        %parallel_loop3A_328 = arith.index_cast %parallel_loop3A_326 : i32 to index
        %parallel_loop3A_329 = tpu.vector_load %arg6[%parallel_loop3A_327, %parallel_loop3A_328] {strides = array<i32>} : memref<8x1024xf32, #tpu.memory_space<vmem>>, vector<1x16xf32>,
        %parallel_loop3A_330 = vector.shape_cast %parallel_loop3A_329 : vector<1x16xf32> to vector<16xf32>
        %parallel_loop3A_331 = arith.constant 16 : i32
        %parallel_loop3A_332 = arith.muli %parallel_loop3A_324, %parallel_loop3A_331 : i32
        %parallel_loop3A_333 = arith.constant 2 : i32
        %parallel_loop3A_334 = arith.index_cast %parallel_loop3A_333 : i32 to index
        %parallel_loop3A_335 = arith.index_cast %parallel_loop3A_332 : i32 to index
        %parallel_loop3A_336 = tpu.vector_load %arg11[%parallel_loop3A_334, %parallel_loop3A_335] {strides = array<i32>} : memref<16x1024xf32, #tpu.memory_space<vmem>>, vector<1x16xf32>,
        %parallel_loop3A_337 = vector.shape_cast %parallel_loop3A_336 : vector<1x16xf32> to vector<16xf32>
        %parallel_loop3A_338 = vector.shape_cast %parallel_loop3A_330 : vector<16xf32> to vector<1x16xf32>
        tpu.vector_store %arg11[%parallel_loop3A_334, %parallel_loop3A_335], %parallel_loop3A_338 {add = true, strides = array<i32>} : memref<16x1024xf32, #tpu.memory_space<vmem>>, vector<1x16xf32>,
        %parallel_loop3A_339 = arith.constant 16 : i32
        %parallel_loop3A_340 = arith.muli %parallel_loop3A_324, %parallel_loop3A_339 : i32
        %parallel_loop3A_341 = arith.index_cast %squeeze3A_298 : i32 to index
        %parallel_loop3A_342 = arith.index_cast %parallel_loop3A_340 : i32 to index
        %parallel_loop3A_343 = tpu.vector_load %arg6[%parallel_loop3A_341, %parallel_loop3A_342] {strides = array<i32>} : memref<8x1024xf32, #tpu.memory_space<vmem>>, vector<1x16xf32>,
        %parallel_loop3A_344 = vector.shape_cast %parallel_loop3A_343 : vector<1x16xf32> to vector<16xf32>
        %parallel_loop3A_345 = arith.constant 16 : i32
        %parallel_loop3A_346 = arith.muli %parallel_loop3A_324, %parallel_loop3A_345 : i32
        %parallel_loop3A_347 = arith.constant 6 : i32
        %parallel_loop3A_348 = arith.index_cast %parallel_loop3A_347 : i32 to index
        %parallel_loop3A_349 = arith.index_cast %parallel_loop3A_346 : i32 to index
        %parallel_loop3A_350 = tpu.vector_load %arg11[%parallel_loop3A_348, %parallel_loop3A_349] {strides = array<i32>} : memref<16x1024xf32, #tpu.memory_space<vmem>>, vector<1x16xf32>,
        %parallel_loop3A_351 = vector.shape_cast %parallel_loop3A_350 : vector<1x16xf32> to vector<16xf32>
        %parallel_loop3A_352 = vector.shape_cast %parallel_loop3A_344 : vector<16xf32> to vector<1x16xf32>
        tpu.vector_store %arg11[%parallel_loop3A_348, %parallel_loop3A_349], %parallel_loop3A_352 {add = true, strides = array<i32>} : memref<16x1024xf32, #tpu.memory_space<vmem>>, vector<1x16xf32>,
        %parallel_loop3A_353 = arith.constant 16 : i32
        %parallel_loop3A_354 = arith.muli %parallel_loop3A_324, %parallel_loop3A_353 : i32
        %parallel_loop3A_355 = arith.index_cast %squeeze3A_300 : i32 to index
        %parallel_loop3A_356 = arith.index_cast %parallel_loop3A_354 : i32 to index
        %parallel_loop3A_357 = tpu.vector_load %arg6[%parallel_loop3A_355, %parallel_loop3A_356] {strides = array<i32>} : memref<8x1024xf32, #tpu.memory_space<vmem>>, vector<1x16xf32>,
        %parallel_loop3A_358 = vector.shape_cast %parallel_loop3A_357 : vector<1x16xf32> to vector<16xf32>
        %parallel_loop3A_359 = arith.constant 16 : i32
        %parallel_loop3A_360 = arith.muli %parallel_loop3A_324, %parallel_loop3A_359 : i32
        %parallel_loop3A_361 = arith.constant 10 : i32
        %parallel_loop3A_362 = arith.index_cast %parallel_loop3A_361 : i32 to index
        %parallel_loop3A_363 = arith.index_cast %parallel_loop3A_360 : i32 to index
        %parallel_loop3A_364 = tpu.vector_load %arg11[%parallel_loop3A_362, %parallel_loop3A_363] {strides = array<i32>} : memref<16x1024xf32, #tpu.memory_space<vmem>>, vector<1x16xf32>,
        %parallel_loop3A_365 = vector.shape_cast %parallel_loop3A_364 : vector<1x16xf32> to vector<16xf32>
        %parallel_loop3A_366 = vector.shape_cast %parallel_loop3A_358 : vector<16xf32> to vector<1x16xf32>
        tpu.vector_store %arg11[%parallel_loop3A_362, %parallel_loop3A_363], %parallel_loop3A_366 {add = true, strides = array<i32>} : memref<16x1024xf32, #tpu.memory_space<vmem>>, vector<1x16xf32>,
        %parallel_loop3A_367 = arith.constant 16 : i32
        %parallel_loop3A_368 = arith.muli %parallel_loop3A_324, %parallel_loop3A_367 : i32
        %parallel_loop3A_369 = arith.index_cast %squeeze3A_302 : i32 to index
        %parallel_loop3A_370 = arith.index_cast %parallel_loop3A_368 : i32 to index
        %parallel_loop3A_371 = tpu.vector_load %arg6[%parallel_loop3A_369, %parallel_loop3A_370] {strides = array<i32>} : memref<8x1024xf32, #tpu.memory_space<vmem>>, vector<1x16xf32>,
        %parallel_loop3A_372 = vector.shape_cast %parallel_loop3A_371 : vector<1x16xf32> to vector<16xf32>
        %parallel_loop3A_373 = arith.constant 16 : i32
        %parallel_loop3A_374 = arith.muli %parallel_loop3A_324, %parallel_loop3A_373 : i32
        %parallel_loop3A_375 = arith.constant 14 : i32
        %parallel_loop3A_376 = arith.index_cast %parallel_loop3A_375 : i32 to index
        %parallel_loop3A_377 = arith.index_cast %parallel_loop3A_374 : i32 to index
        %parallel_loop3A_378 = tpu.vector_load %arg11[%parallel_loop3A_376, %parallel_loop3A_377] {strides = array<i32>} : memref<16x1024xf32, #tpu.memory_space<vmem>>, vector<1x16xf32>,
        %parallel_loop3A_379 = vector.shape_cast %parallel_loop3A_378 : vector<1x16xf32> to vector<16xf32>
        %parallel_loop3A_380 = vector.shape_cast %parallel_loop3A_372 : vector<16xf32> to vector<1x16xf32>
        tpu.vector_store %arg11[%parallel_loop3A_376, %parallel_loop3A_377], %parallel_loop3A_380 {add = true, strides = array<i32>} : memref<16x1024xf32, #tpu.memory_space<vmem>>, vector<1x16xf32>,
      } {sc.loop_unroll_factor = 8 : i64, sc.parallel_access}
      %slice3A_306 = vector.extract_strided_slice %get3A_272 {offsets = [3], sizes = [1], strides = [1]} : vector<16xi32> to vector<1xi32>
      %squeeze3A_307 = vector.extract %slice3A_306[0] : i32 from vector<1xi32>
      %slice3A_308 = vector.extract_strided_slice %get3A_272 {offsets = [7], sizes = [1], strides = [1]} : vector<16xi32> to vector<1xi32>
      %squeeze3A_309 = vector.extract %slice3A_308[0] : i32 from vector<1xi32>
      %slice3A_310 = vector.extract_strided_slice %get3A_272 {offsets = [11], sizes = [1], strides = [1]} : vector<16xi32> to vector<1xi32>
      %squeeze3A_311 = vector.extract %slice3A_310[0] : i32 from vector<1xi32>
      %slice3A_312 = vector.extract_strided_slice %get3A_272 {offsets = [15], sizes = [1], strides = [1]} : vector<16xi32> to vector<1xi32>
      %squeeze3A_313 = vector.extract %slice3A_312[0] : i32 from vector<1xi32>
      %parallel_loop3A_314 = arith.constant 0 : i32
      %parallel_loop3A_315 = arith.constant 64 : i32
      %parallel_loop3A_316 = arith.constant 1 : i32
      scf.for %parallel_loop3A_324 = %parallel_loop3A_314 to %parallel_loop3A_315 step %parallel_loop3A_316  : i32 {
        %parallel_loop3A_325 = arith.constant 16 : i32
        %parallel_loop3A_326 = arith.muli %parallel_loop3A_324, %parallel_loop3A_325 : i32
        %parallel_loop3A_327 = arith.index_cast %squeeze3A_307 : i32 to index
        %parallel_loop3A_328 = arith.index_cast %parallel_loop3A_326 : i32 to index
        %parallel_loop3A_329 = tpu.vector_load %arg6[%parallel_loop3A_327, %parallel_loop3A_328] {strides = array<i32>} : memref<8x1024xf32, #tpu.memory_space<vmem>>, vector<1x16xf32>,
        %parallel_loop3A_330 = vector.shape_cast %parallel_loop3A_329 : vector<1x16xf32> to vector<16xf32>
        %parallel_loop3A_331 = arith.constant 16 : i32
        %parallel_loop3A_332 = arith.muli %parallel_loop3A_324, %parallel_loop3A_331 : i32
        %parallel_loop3A_333 = arith.constant 3 : i32
        %parallel_loop3A_334 = arith.index_cast %parallel_loop3A_333 : i32 to index
        %parallel_loop3A_335 = arith.index_cast %parallel_loop3A_332 : i32 to index
        %parallel_loop3A_336 = tpu.vector_load %arg11[%parallel_loop3A_334, %parallel_loop3A_335] {strides = array<i32>} : memref<16x1024xf32, #tpu.memory_space<vmem>>, vector<1x16xf32>,
        %parallel_loop3A_337 = vector.shape_cast %parallel_loop3A_336 : vector<1x16xf32> to vector<16xf32>
        %parallel_loop3A_338 = vector.shape_cast %parallel_loop3A_330 : vector<16xf32> to vector<1x16xf32>
        tpu.vector_store %arg11[%parallel_loop3A_334, %parallel_loop3A_335], %parallel_loop3A_338 {add = true, strides = array<i32>} : memref<16x1024xf32, #tpu.memory_space<vmem>>, vector<1x16xf32>,
        %parallel_loop3A_339 = arith.constant 16 : i32
        %parallel_loop3A_340 = arith.muli %parallel_loop3A_324, %parallel_loop3A_339 : i32
        %parallel_loop3A_341 = arith.index_cast %squeeze3A_309 : i32 to index
        %parallel_loop3A_342 = arith.index_cast %parallel_loop3A_340 : i32 to index
        %parallel_loop3A_343 = tpu.vector_load %arg6[%parallel_loop3A_341, %parallel_loop3A_342] {strides = array<i32>} : memref<8x1024xf32, #tpu.memory_space<vmem>>, vector<1x16xf32>,
        %parallel_loop3A_344 = vector.shape_cast %parallel_loop3A_343 : vector<1x16xf32> to vector<16xf32>
        %parallel_loop3A_345 = arith.constant 16 : i32
        %parallel_loop3A_346 = arith.muli %parallel_loop3A_324, %parallel_loop3A_345 : i32
        %parallel_loop3A_347 = arith.constant 7 : i32
        %parallel_loop3A_348 = arith.index_cast %parallel_loop3A_347 : i32 to index
        %parallel_loop3A_349 = arith.index_cast %parallel_loop3A_346 : i32 to index
        %parallel_loop3A_350 = tpu.vector_load %arg11[%parallel_loop3A_348, %parallel_loop3A_349] {strides = array<i32>} : memref<16x1024xf32, #tpu.memory_space<vmem>>, vector<1x16xf32>,
        %parallel_loop3A_351 = vector.shape_cast %parallel_loop3A_350 : vector<1x16xf32> to vector<16xf32>
        %parallel_loop3A_352 = vector.shape_cast %parallel_loop3A_344 : vector<16xf32> to vector<1x16xf32>
        tpu.vector_store %arg11[%parallel_loop3A_348, %parallel_loop3A_349], %parallel_loop3A_352 {add = true, strides = array<i32>} : memref<16x1024xf32, #tpu.memory_space<vmem>>, vector<1x16xf32>,
        %parallel_loop3A_353 = arith.constant 16 : i32
        %parallel_loop3A_354 = arith.muli %parallel_loop3A_324, %parallel_loop3A_353 : i32
        %parallel_loop3A_355 = arith.index_cast %squeeze3A_311 : i32 to index
        %parallel_loop3A_356 = arith.index_cast %parallel_loop3A_354 : i32 to index
        %parallel_loop3A_357 = tpu.vector_load %arg6[%parallel_loop3A_355, %parallel_loop3A_356] {strides = array<i32>} : memref<8x1024xf32, #tpu.memory_space<vmem>>, vector<1x16xf32>,
        %parallel_loop3A_358 = vector.shape_cast %parallel_loop3A_357 : vector<1x16xf32> to vector<16xf32>
        %parallel_loop3A_359 = arith.constant 16 : i32
        %parallel_loop3A_360 = arith.muli %parallel_loop3A_324, %parallel_loop3A_359 : i32
        %parallel_loop3A_361 = arith.constant 11 : i32
        %parallel_loop3A_362 = arith.index_cast %parallel_loop3A_361 : i32 to index
        %parallel_loop3A_363 = arith.index_cast %parallel_loop3A_360 : i32 to index
        %parallel_loop3A_364 = tpu.vector_load %arg11[%parallel_loop3A_362, %parallel_loop3A_363] {strides = array<i32>} : memref<16x1024xf32, #tpu.memory_space<vmem>>, vector<1x16xf32>,
        %parallel_loop3A_365 = vector.shape_cast %parallel_loop3A_364 : vector<1x16xf32> to vector<16xf32>
        %parallel_loop3A_366 = vector.shape_cast %parallel_loop3A_358 : vector<16xf32> to vector<1x16xf32>
        tpu.vector_store %arg11[%parallel_loop3A_362, %parallel_loop3A_363], %parallel_loop3A_366 {add = true, strides = array<i32>} : memref<16x1024xf32, #tpu.memory_space<vmem>>, vector<1x16xf32>,
        %parallel_loop3A_367 = arith.constant 16 : i32
        %parallel_loop3A_368 = arith.muli %parallel_loop3A_324, %parallel_loop3A_367 : i32
        %parallel_loop3A_369 = arith.index_cast %squeeze3A_313 : i32 to index
        %parallel_loop3A_370 = arith.index_cast %parallel_loop3A_368 : i32 to index
        %parallel_loop3A_371 = tpu.vector_load %arg6[%parallel_loop3A_369, %parallel_loop3A_370] {strides = array<i32>} : memref<8x1024xf32, #tpu.memory_space<vmem>>, vector<1x16xf32>,
        %parallel_loop3A_372 = vector.shape_cast %parallel_loop3A_371 : vector<1x16xf32> to vector<16xf32>
        %parallel_loop3A_373 = arith.constant 16 : i32
        %parallel_loop3A_374 = arith.muli %parallel_loop3A_324, %parallel_loop3A_373 : i32
        %parallel_loop3A_375 = arith.constant 15 : i32
        %parallel_loop3A_376 = arith.index_cast %parallel_loop3A_375 : i32 to index
        %parallel_loop3A_377 = arith.index_cast %parallel_loop3A_374 : i32 to index
        %parallel_loop3A_378 = tpu.vector_load %arg11[%parallel_loop3A_376, %parallel_loop3A_377] {strides = array<i32>} : memref<16x1024xf32, #tpu.memory_space<vmem>>, vector<1x16xf32>,
        %parallel_loop3A_379 = vector.shape_cast %parallel_loop3A_378 : vector<1x16xf32> to vector<16xf32>
        %parallel_loop3A_380 = vector.shape_cast %parallel_loop3A_372 : vector<16xf32> to vector<1x16xf32>
        tpu.vector_store %arg11[%parallel_loop3A_376, %parallel_loop3A_377], %parallel_loop3A_380 {add = true, strides = array<i32>} : memref<16x1024xf32, #tpu.memory_space<vmem>>, vector<1x16xf32>,
      } {sc.loop_unroll_factor = 8 : i64, sc.parallel_access}
      %mul3A_317 = arith.constant 16 : i32
      %mul3A_318 = arith.muli %add3A_253, %mul3A_317 : i32
      %add3A_319 = arith.addi %mul3A_2, %mul3A_318 : i32
      %dma_start3A_320 = arith.constant 0 : i32
      %dma_start3A_321 = tpu.memref_slice %arg5[%add3A_319, %dma_start3A_320] : memref<32768x1024xf32, #tpu.memory_space<hbm>> -> memref<16x1024xf32, #tpu.memory_space<hbm>>
      %dma_start3A_322 = arith.constant 0 : i32
      %dma_start3A_323 = tpu.memref_slice %arg5[%add3A_319, %dma_start3A_322] : memref<32768x1024xf32, #tpu.memory_space<hbm>> -> memref<16x1024xf32, #tpu.memory_space<hbm>>
      tpu.enqueue_dma source(%arg11 : memref<16x1024xf32, #tpu.memory_space<vmem>>) target(%dma_start3A_323 : memref<16x1024xf32, #tpu.memory_space<hbm>>) target_semaphore(%arg19 : memref<!tpu.dma_semaphore, #tpu.memory_space<semaphore_mem>>)
    }
    %scan3A_10 = arith.constant 16 : i32
    %add3A_11 = arith.constant 960 : i32
    %add3A_12 = arith.addi %mul3A_2, %add3A_11 : i32
    %dma_wait3A = arith.constant 0 : i32
    %dma_wait3A_13 = tpu.memref_slice %arg5[%add3A_12, %dma_wait3A] : memref<32768x1024xf32, #tpu.memory_space<hbm>> -> memref<16x1024xf32, #tpu.memory_space<hbm>>
    %dma_wait3A_14 = arith.constant 0 : i32
    %dma_wait3A_15 = tpu.memref_slice %arg5[%add3A_12, %dma_wait3A_14] : memref<32768x1024xf32, #tpu.memory_space<hbm>> -> memref<16x1024xf32, #tpu.memory_space<hbm>>
    tpu.wait_dma2 semaphore(%arg16 : memref<!tpu.dma_semaphore, #tpu.memory_space<semaphore_mem>>) src(%arg8 : memref<16x1024xf32, #tpu.memory_space<vmem>>) dst(%dma_wait3A_15 : memref<16x1024xf32, #tpu.memory_space<hbm>>)
    %add3A_16 = arith.constant 976 : i32
    %add3A_17 = arith.addi %mul3A_2, %add3A_16 : i32
    %dma_wait3A_18 = arith.constant 0 : i32
    %dma_wait3A_19 = tpu.memref_slice %arg5[%add3A_17, %dma_wait3A_18] : memref<32768x1024xf32, #tpu.memory_space<hbm>> -> memref<16x1024xf32, #tpu.memory_space<hbm>>
    %dma_wait3A_20 = arith.constant 0 : i32
    %dma_wait3A_21 = tpu.memref_slice %arg5[%add3A_17, %dma_wait3A_20] : memref<32768x1024xf32, #tpu.memory_space<hbm>> -> memref<16x1024xf32, #tpu.memory_space<hbm>>
    tpu.wait_dma2 semaphore(%arg17 : memref<!tpu.dma_semaphore, #tpu.memory_space<semaphore_mem>>) src(%arg9 : memref<16x1024xf32, #tpu.memory_space<vmem>>) dst(%dma_wait3A_21 : memref<16x1024xf32, #tpu.memory_space<hbm>>)
    %add3A_22 = arith.constant 992 : i32
    %add3A_23 = arith.addi %mul3A_2, %add3A_22 : i32
    %dma_wait3A_24 = arith.constant 0 : i32
    %dma_wait3A_25 = tpu.memref_slice %arg5[%add3A_23, %dma_wait3A_24] : memref<32768x1024xf32, #tpu.memory_space<hbm>> -> memref<16x1024xf32, #tpu.memory_space<hbm>>
    %dma_wait3A_26 = arith.constant 0 : i32
    %dma_wait3A_27 = tpu.memref_slice %arg5[%add3A_23, %dma_wait3A_26] : memref<32768x1024xf32, #tpu.memory_space<hbm>> -> memref<16x1024xf32, #tpu.memory_space<hbm>>
    tpu.wait_dma2 semaphore(%arg18 : memref<!tpu.dma_semaphore, #tpu.memory_space<semaphore_mem>>) src(%arg10 : memref<16x1024xf32, #tpu.memory_space<vmem>>) dst(%dma_wait3A_27 : memref<16x1024xf32, #tpu.memory_space<hbm>>)
    %add3A_28 = arith.constant 1008 : i32
    %add3A_29 = arith.addi %mul3A_2, %add3A_28 : i32
    %dma_wait3A_30 = arith.constant 0 : i32
    %dma_wait3A_31 = tpu.memref_slice %arg5[%add3A_29, %dma_wait3A_30] : memref<32768x1024xf32, #tpu.memory_space<hbm>> -> memref<16x1024xf32, #tpu.memory_space<hbm>>
    %dma_wait3A_32 = arith.constant 0 : i32
    %dma_wait3A_33 = tpu.memref_slice %arg5[%add3A_29, %dma_wait3A_32] : memref<32768x1024xf32, #tpu.memory_space<hbm>> -> memref<16x1024xf32, #tpu.memory_space<hbm>>
    tpu.wait_dma2 semaphore(%arg19 : memref<!tpu.dma_semaphore, #tpu.memory_space<semaphore_mem>>) src(%arg11 : memref<16x1024xf32, #tpu.memory_space<vmem>>) dst(%dma_wait3A_33 : memref<16x1024xf32, #tpu.memory_space<hbm>>)
    return
  }
}

</mosaic_0001>

<sc_bundles>
// kernel: kernel.3.cloned.1.call-start
scs
__scs_entry_jumppad:
0x0: {  	(pc) =	sbr.rel $0x88, $3  }
0x1: {  	(tag) =	ssettag $0x0;
	lr =	simm.s32 $0x1  }
0x2: {  	[smem:$0x3F9E] =	sst lr;
	_ =	strace $0xD0000000  }
0x3: {  	_ = 	snop  }
0x4: {  	_ = 	snop  }
0x5: {  	_ = 	snop  }
0x6: {  	_ = 	snop  }
0x7: {  	_ = 	snop  }
__scs_overlays_trampoline_lowered:
0x8: {  	[smem:$0x3FAD] =	sst s0  }
0x9: {  	[smem:$0x3FAE] =	sst s1  }
0xa: {  	[smem:$0x3FAF] =	sst s2  }
0xb: {  	[smem:$0x3FB0] =	sst s3  }
0xc: {  	[smem:$0x3FB1] =	sst s4  }
0xd: {  	[smem:$0x3FB2] =	sst s5  }
0xe: {  	[smem:$0x3FB3] =	sst s6  }
0xf: {  	[smem:$0x3FB4] =	sst s7  }
0x10: {  	[smem:$0x3FB5] =	sst s8  }
0x11: {  	[smem:$0x3FB6] =	sst s9;
	s0 =	simm.s32 @!p0 $0x0  }
0x12: {  	s1 =	sld [smem:$0x3F9C];
	s0 =	simm.s32 @p0 $0x1  }
0x13: {  	[smem:$0x3FB7] =	sst s0;
	s0 =	simm.s32 @!p1 $0x0  }
0x14: {  	s2 =	sld [smem:$0x3F9B];
	s0 =	simm.s32 @p1 $0x1  }
0x15: {  	[smem:$0x3FB8] =	sst s0;
	s0 =	simm.s32 @!p2 $0x0  }
0x16: {  	s3 =	sld [smem:$0x3FDB];
	s0 =	simm.s32 @p2 $0x1  }
0x17: {  	s4 =	simm.s32 $0x1BF5;
	[smem:$0x3FBA] =	sst s0  }
0x18: {  	s0 =	sld [smem:$0x3F9D];
	_ =	swait.ge [sflag:s4], $0x0  }
0x19: {  	s7 =	sld [smem:$0x3F9E]  }
0x1a: {  	s8 =	sadd.s32 $0xFFFFE003, lr  }
0x1b: {  	s9 =	sadd.s32 $0xFFFFFEF7, lr;
	s5 =	simm.s32 $0xFFFFFFFF;
	p2 =	slt.u32 s8, $0xFFFFF086  }
0x1c: {  	p1 =	slt.u32 s9, $0xF7A;
	s5 =	simm.s32 @!p2 $0x0  }
0x1d: {  	s5 =	simm.s32 @p1 $0x1;
	p0 =	seq.s32 s7, s2  }
0x1e: {  	s7 =	smul.u32 @!p0 $0xF7A, s2;
	p2 =	seq.s32 @!p0 s5, $0x0  }
0x1f: {  	s9 =	smul.u32 $0xF7A, s1;
	s8 =	simm.s32 @!p0 $0x1BF5;
	p2 =	por !p2, p0  }
0x20: {  	[sflag:s8] =	ssyncset.s32 @!p0 $0xFFFFF086;
	s6 =	sadd.s32 @!p0 s3, s7;
	s7 =	simm.s32 @!p0 $0x108  }
0x21: {  	s3 =	sadd.s32 s3, s9;
	s6 =	sadd.s32 @!p0 $0x88, s6;
	s7 =	simm.s32 @p2 $0x1082  }
0x22: {  	[simem:s7], [sflag:s8] =	dma.local @!p0 [hbm:s6], $0xF7A  }
0x23: {  	s9 =	sor.u32 $0xD0000000, s2;
	s6 =	simm.s32 $0x108;
	_ =	swait.ge @!p0 [sflag:s8], $0x0  }
0x24: {  	s3 =	sadd.s32 $0x88, s3;
	s6 =	simm.s32 @!p1 $0x1082;
	[sflag:s4] =	ssyncset.s32 $0xFFFFF086  }
0x25: {  	[simem:s6], [sflag:s4] =	dma.local [hbm:s3], $0xF7A  }
0x26: {  	[smem:$0x3F9E] =	sst s1;
	(tag) =	ssettag s2;
	_ =	strace s9  }
0x27: {  	s1 =	sld [smem:$0x3FAE]  }
0x28: {  	s2 =	sld [smem:$0x3FAF]  }
0x29: {  	s4 =	sld [smem:$0x3FB1]  }
0x2a: {  	p0 =	seq.s32 s5, $0x0;
	s5 =	sld [smem:$0x3FB2]  }
0x2b: {  	s6 =	sld [smem:$0x3FB3]  }
0x2c: {  	s7 =	sld [smem:$0x3FB4]  }
0x2d: {  	s3 =	simm.s32 $0x108;
	s8 =	sld [smem:$0x3FB5]  }
0x2e: {  	s3 =	simm.s32 @!p0 $0x1082;
	s9 =	sld [smem:$0x3FB6]  }
0x2f: {  	lr =	sadd.s32 s0, s3;
	s0 =	sld [smem:$0x3FAD]  }
0x30: {  	s3 =	sld [smem:$0x3FB0]  }
0x31: {  	[smem:$0x3FB9] =	sst s10  }
0x32: {  	s10 =	sld [smem:$0x3FB7];
	_ =	sdelay $0x3  }
0x33: {  	p0 =	seq.s32 s10, $0x1;
	s10 =	sld [smem:$0x3FB9];
	_ =	sdelay $0x3  }
0x34: {  	[smem:$0x3FB9] =	sst s10  }
0x35: {  	s10 =	sld [smem:$0x3FB8];
	_ =	sdelay $0x3  }
0x36: {  	p1 =	seq.s32 s10, $0x1;
	s10 =	sld [smem:$0x3FB9];
	_ =	sdelay $0x3  }
0x37: {  	[smem:$0x3FB9] =	sst s10  }
0x38: {  	s10 =	sld [smem:$0x3FBA]  }
0x39: {  	_ = 	snop;
	(pc) =	sbr.ind lr, $3  }
0x3a: {  	_ = 	snop  }
0x3b: {  	_ = 	snop  }
0x3c: {  	p2 =	seq.s32 s10, $0x1;
	s10 =	sld [smem:$0x3FB9]  }
0x3d: {  	_ =	shalt  }
0x3e: {  	_ =	shalt  }
0x3f: {  	_ =	shalt  }
0x40: {  	_ =	shalt  }
0x41: {  	_ =	shalt  }
0x42: {  	_ =	shalt  }
0x43: {  	_ =	shalt  }
0x44: {  	_ =	shalt  }
0x45: {  	_ =	shalt  }
0x46: {  	_ =	shalt  }
0x47: {  	_ =	shalt  }
0x48: {  	_ =	shalt  }
0x49: {  	_ =	shalt  }
0x4a: {  	_ =	shalt  }
0x4b: {  	_ =	shalt  }
0x4c: {  	_ =	shalt  }
0x4d: {  	_ =	shalt  }
0x4e: {  	_ =	shalt  }
0x4f: {  	_ =	shalt  }
0x50: {  	_ =	shalt  }
0x51: {  	_ =	shalt  }
0x52: {  	_ =	shalt  }
0x53: {  	_ =	shalt  }
0x54: {  	_ =	shalt  }
0x55: {  	_ =	shalt  }
0x56: {  	_ =	shalt  }
0x57: {  	_ =	shalt  }
0x58: {  	_ =	shalt  }
0x59: {  	_ =	shalt  }
0x5a: {  	_ =	shalt  }
0x5b: {  	_ =	shalt  }
0x5c: {  	_ =	shalt  }
0x5d: {  	_ =	shalt  }
0x5e: {  	_ =	shalt  }
0x5f: {  	_ =	shalt  }
0x60: {  	_ =	shalt  }
0x61: {  	_ =	shalt  }
0x62: {  	_ =	shalt  }
0x63: {  	_ =	shalt  }
0x64: {  	_ =	shalt  }
0x65: {  	_ =	shalt  }
0x66: {  	_ =	shalt  }
0x67: {  	_ =	shalt  }
0x68: {  	_ =	shalt  }
0x69: {  	_ =	shalt  }
0x6a: {  	_ =	shalt  }
0x6b: {  	_ =	shalt  }
0x6c: {  	_ =	shalt  }
0x6d: {  	_ =	shalt  }
0x6e: {  	_ =	shalt  }
0x6f: {  	_ =	shalt  }
0x70: {  	_ =	shalt  }
0x71: {  	_ =	shalt  }
0x72: {  	_ =	shalt  }
0x73: {  	_ =	shalt  }
0x74: {  	_ =	shalt  }
0x75: {  	_ =	shalt  }
0x76: {  	_ =	shalt  }
0x77: {  	_ =	shalt  }
0x78: {  	_ =	shalt  }
0x79: {  	_ =	shalt  }
0x7a: {  	_ =	shalt  }
0x7b: {  	_ =	shalt  }
0x7c: {  	_ =	shalt  }
0x7d: {  	_ =	shalt  }
0x7e: {  	_ =	shalt  }
0x7f: {  	_ =	shalt  }
0x80: {  	_ =	shalt  }
0x81: {  	_ =	shalt  }
0x82: {  	_ =	shalt  }
0x83: {  	_ =	shalt  }
0x84: {  	_ =	shalt  }
0x85: {  	_ =	shalt  }
0x86: {  	_ =	shalt  }
0x87: {  	_ =	shalt  }
.Lfunc_end0:
.L_simem_size_0:
called_computation_lowered:
.L_overlay_start_0:
0x88: {  	s2 =	sld [smem:$0x3FD9]  }
0x89: {  	s3 =	sld [smem:$0x3FFE];
	_ =	sdelay $0x1  }
0x8a: {  	s1 =	srdreg.scid  }
0x8b: {  	s0 =	sand.u32 $0x1, s1  }
0x8c: {  	s17 =	sshll.u32 s0, $0xA;
	s2 =	sadd.s32 s3, s2  }
0x8d: {  	s2 =	sadd.s32 s2, s17  }
0x8e: {  	[smem:$0x3FC5] =	sst s2  }
0x8f: {  	_ = 	snop  }
0x90: {  	s2 =	sld [smem:$0x3FC9]  }
0x91: {  	s18 =	sld [smem:$0x3FC7]  }
0x92: {  	s4 =	sld [smem:$0x3FD0];
	(tm) =	ssettm $0x1  }
0x93: {  	s5 =	sld [smem:$0x3FFB];
	_ =	sdelay $0x3  }
0x94: {  	_ =	strace s5  }
0x95: {  	s5 =	sld [smem:$0x3FFC];
	_ =	sdelay $0x3  }
0x96: {  	_ =	strace s5  }
0x97: {  	s5 =	sld [smem:$0x3FFD];
	_ =	sdelay $0x3  }
0x98: {  	_ =	strace s5  }
0x99: {  	_ =	strace $0x8FFFFFFF  }
0x9a: {  	s19 =	sld [smem:$0x3FDB];
	_ =	sdelay $0x1  }
0x9b: {  	s6 =	simm.s32 $_scs_section_size  }
0x9c: {  	s7 =	simm.s32 $_size__tile_overlayer_lowered;
	s8 =	simm.s32 $_tile_overlayer_lowered  }
0x9d: {  	s22 =	simm.s32 $0x1BFF;
	s21 =	sshll.u32 s8, $0x1;
	s5 =	sadd.s32 s6, s19  }
0x9e: {  	s9 =	simm.s32 $0x0;
	s20 =	sshll.u32 s7, $0x1;
	s7 =	sadd.s32 s21, s5  }
0x9f: {  	[timem:s9], [sflag:s22] =	dma.local [hbm:s7], s20  }
0xa0: {  	_ =	swait.ge [sflag:s22], s20  }
0xa1: {  	s6 =	ssub.s32 $0x0, s20;
	[sflag:s22] =	ssyncset.done $0x0  }
0xa2: {  	[sflag:s22] =	ssyncadd.s32 s6;
	_ =	sdelay $0x1  }
0xa3: {  	s23 =	simm.s32 $0x1B8B  }
0xa4: {  	_ =	swait.ge [sflag:s23], $0x1  }
0xa5: {  	[sflag:s23] =	ssyncset.done $0x0  }
0xa6: {  	s25 =	simm.s32 $0x1B8E;
	s24 =	sld [smem:$0x3FFE];
	[sflag:s23] =	ssyncadd.s32 $0xFFFFFFFF  }
0xa7: {  	s26 =	simm.s32 $execute0_lowered;
	[smem:$0x3FD2] =	sst s25  }
0xa8: {  	s7 =	sshll.u32 s26, $0x1;
	_ =	strace $0x80000046;
	[dreg:$0x1] =	wrdreg $0xFFFFFFFF  }
0xa9: {  	s28 =	simm.s32 $_size_execute0_lowered;
	s5 =	sadd.s32 s5, s7;
	[dreg:$0x0] =	wrdreg $0x0  }
0xaa: {  	s7 =	sshll.u32 s28, $0x1;
	[dreg:$0x2] =	wrdreg s5  }
0xab: {  	[dreg:$0x3] =	wrdreg s7  }
0xac: {  	[dreg:$0x4] =	wrdreg $0xC0  }
0xad: {  	_ =	task [dreg:s9], $0x5FFFF  }
0xae: {  	[dreg:$0x1] =	wrdreg $0xFFFFFFFF  }
0xaf: {  	[dreg:$0x0] =	wrdreg $0x60  }
0xb0: {  	[dreg:$0x2] =	wrdreg s2  }
0xb1: {  	[dreg:$0x3] =	wrdreg s24  }
0xb2: {  	[dreg:$0x4] =	wrdreg s18  }
0xb3: {  	[dreg:$0x5] =	wrdreg s4  }
0xb4: {  	[dreg:$0x6] =	wrdreg $0x9  }
0xb5: {  	_ =	task.clear_ibuf [dreg:s9], $0x7FFFF;
	_ =	strace $0x90000046  }
0xb6: {  	s29 =	simm.s32 $0x9;
	_ =	strace $0x80000048  }
0xb7: {  	_ =	swait.ge [sflag:s29], $0x1  }
0xb8: {  	[sflag:s29] =	ssyncadd.s32 $0xFFFFFFFF  }
0xb9: {  	_ =	strace $0x90000048  }
0xba: {  	_ =	sfence  }
0xbb: {  	s30 =	sld [smem:$0x0];
	_ =	sdelay $0x2  }
0xbc: {  	s31 =	sshll.u32 s1, $0xD;
	s1 =	sshrl.u32 s1, $0x2  }
0xbd: {  	s3 =	sand.u32 $0x4000, s31;
	s1 =	sadd.s32 s1, s30  }
0xbe: {  	s0 =	sor.u32 s3, s0;
	s1 =	sshll.u32 s1, $0x11  }
0xbf: {  	s0 =	sor.u32 s1, s0  }
0xc0: {  	s0 =	sadd.s32 $0x8F2B, s0  }
0xc1: {  	[sflag:s0] =	ssyncadd.remote.s32 $0x1  }
0xc2: {  	_ =	sfence.sel $0xFFFF  }
0xc3: {  	[dreg:$0x0] =	wrdreg $0xFFFFFFFF;
	(pc) =	sbr.abs _section_cstart, $3  }
0xc4: {  	[dreg:$0x1] =	wrdreg $0xFFFFFFFF  }
0xc5: {  	_ =	task.clear_ibuf [dreg:s9], $0x2FFFF;
	_ =	strace $0x9FFFFFFF  }
0xc6: {  	(tm) =	ssettm $0x7FFFFFFF  }
0xc7: {  	_ =	shalt  }
tec
execute0_lowered:
.L_overlay_start_1:
0x0: {  	(tag) =	ssettag $0x1  }
0x1: {  	s0 =	rddreg [dreg:$0x0]  }
0x2: {  	s6 =	rddreg [dreg:$0x1]  }
0x3: {  	s1 =	rddreg [dreg:$0x2]  }
0x4: {  	s3 =	rddreg [dreg:$0x3];
	s5 =	srdreg.scid  }
0x5: {  	s4 =	simm.s32 $0x0;
	s2 =	stileid.u32;
	s11 =	simm.s32 $0x2000  }
0x6: {  	s12 =	simm.s32 $0x2400;
	s13 =	simm.s32 $0x6400;
	s14 =	simm.s32 $0x1  }
0x7: {  	s15 =	simm.s32 $0xA400;
	s16 =	simm.s32 $0x2;
	s17 =	simm.s32 $0xE400  }
0x8: {  	s18 =	simm.s32 $0x3;
	s19 =	simm.s32 $0x4;
	s20 =	simm.s32 $0x5  }
0x9: {  	s21 =	simm.s32 $0x6;
	s22 =	simm.s32 $0x7;
	s23 =	simm.s32 $0x8  }
0xa: {  	s24 =	simm.s32 $0x0;
	s7 =	sand.u32 $0x1, s5;
	[smem:$0x7FF] =	sst s4  }
0xb: {  	s31 =	sshll.u32 s2, $0xB;
	s8 =	sshll.u32 s7, $0xA;
	s7 =	ssub.s32 $0x2, s7  }
0xc: {  	_ =	strace $0x80000047;
	s5 =	sor.u32 s8, s31;
	s9 =	sshrl.u32 s7, $0x1  }
0xd: {  	s8 =	sshrl.u32 s5, $0x3;
	s10 =	sshll.u32 s5, $0x7;
	s9 =	ssub.s32 s7, s9  }
0xe: {  	s8 =	sadd.s32 s8, s6;
	s6 =	sadd.s32 s0, s10;
	s9 =	smax.u32 s9, $0x1  }
0xf: {  	s10 =	simm.s32 $0x9;
	s7 =	sadd.s32 $0x400, s8;
	s8 =	sadd.s32 $0x2000, s6  }
.LBB2_1:
0x10: {  	[tilespmem:s4], [sflag:$0x9] =	stream.linear.gather [hbm4b:s1+s4], $0x2000, $0x38;
	[tilespmem:$0x12400] =	vst v63  }
0x11: {  	_ =	swait.ge [sflag:s10], $0x2000  }
0x12: {  	[sflag:s10] =	ssyncset.done $0x0  }
0x13: {  	[sflag:s10] =	ssyncadd.s32 $0xFFFFE000  }
0x14: {  	[tilespmem:s11], [sflag:$0x9] =	stream.linear.gather [hbm4b:s7+s4], $0x400, $0x38;
	[tilespmem:$0x12400] =	vst v63  }
0x15: {  	_ =	swait.ge [sflag:s10], $0x400  }
0x16: {  	[sflag:s10] =	ssyncset.done $0x0  }
0x17: {  	s25 =	simm.s32 $0x0;
	[sflag:s10] =	ssyncadd.s32 $0xFFFFFC00  }
0x18: {  	[tilespmem:s12], [sflag:$0x1] =	stream.linear.gather [hbm4b:s6+s4], $0x4000, $0x38;
	[tilespmem:$0x12400] =	vst v63  }
.LBB2_2:
0x19: {  	p0 =	seq.s32 s25, $0x0  }
0x1a: {  	s26 =	sshll.u32 s25, $0x2;
	s0 =	simm.s32 @!p0 $0x6  }
0x1b: {  	s28 =	sor.u32 $0x1, s26;
	_ =	swait.ge @!p0 [sflag:s0], $0x4000  }
0x1c: {  	s29 =	sshll.u32 s28, $0xB;
	[sflag:s0] =	ssyncset.done @!p0 $0x0  }
0x1d: {  	[sflag:s0] =	ssyncadd.s32 @!p0 $0xFFFFC000;
	s0 =	sadd.s32 s29, s6;
	s29 =	simm.s32 $0x0  }
0x1e: {  	[tilespmem:s13], [sflag:$0x2] =	stream.linear.gather [hbm4b:s0+s29], $0x4000, $0x38;
	[tilespmem:$0x12400] =	vst v63  }
0x1f: {  	_ =	swait.ge [sflag:s14], $0x4000  }
0x20: {  	[sflag:s14] =	ssyncset.done $0x0  }
0x21: {  	s29 =	sshll.u32 s25, $0x6;
	[sflag:s14] =	ssyncadd.s32 $0xFFFFC000  }
0x22: {  	v0 =	vld [tilespmem:s29+$0x2000];
	_ =	sdelay $0x4  }
0x23: {  	(v2sf) =	vpush v0, $0x0;
	_ =	sdelay $0x6  }
0x24: {  	(v2sf) =	vpush v0, $0x4;
	_ =	sdelay $0x7  }
0x25: {  	s0 =	spop (v2sf)  }
0x26: {  	s30 =	sshll.u32 s0, $0xC;
	s0 =	sand.u32 $0x7, s0  }
0x27: {  	s30 =	sand.u32 $0xFFFF8000, s30;
	s0 =	sshll.u32 s0, $0x9  }
0x28: {  	s0 =	sor.u32 s0, s30  }
0x29: {  	s0 =	sshra.s32 s0, $0x2  }
0x2a: {  	s0 =	sor.u32 $0x70, s0  }
0x2b: {  	v1 =	vmov s0  }
0x2c: {  	s0 =	spop (v2sf)  }
0x2d: {  	s30 =	sshll.u32 s0, $0xC;
	s0 =	sand.u32 $0x7, s0  }
0x2e: {  	s30 =	sand.u32 $0xFFFF8000, s30;
	s0 =	sshll.u32 s0, $0x9  }
0x2f: {  	s0 =	sor.u32 s0, s30;
	s30 =	simm.s32 $0x0  }
0x30: {  	v3 =	vld.idx.msk [tilespmem:v1+s30+$0x0 ss:$0x1], $0xffff  }
0x31: {  	v4 =	vld.idx.msk [tilespmem:v1+s30+$0xFFFFFF90 ss:$0x1], $0xffff  }
0x32: {  	v5 =	vld.idx.msk [tilespmem:v1+s30+$0xFFFFFFA0 ss:$0x1], $0xffff  }
0x33: {  	v6 =	vld.idx.msk [tilespmem:v1+s30+$0xFFFFFFB0 ss:$0x1], $0xffff  }
0x34: {  	(v2sf) =	vpush v0, $0x8;
	v7 =	vld.idx.msk [tilespmem:v1+s30+$0xFFFFFFC0 ss:$0x1], $0xffff  }
0x35: {  	v8 =	vld.idx.msk [tilespmem:v1+s30+$0xFFFFFFD0 ss:$0x1], $0xffff  }
0x36: {  	v10 =	vld.idx.msk [tilespmem:v1+s30+$0xFFFFFFE0 ss:$0x1], $0xffff  }
0x37: {  	v11 =	vld.idx.msk [tilespmem:v1+s30+$0xFFFFFFF0 ss:$0x1], $0xffff  }
0x38: {  	[tilespmem:s30+$0x2470] =	vst.add.f32.msk $0xffff, v3  }
0x39: {  	s0 =	sshra.s32 s0, $0x2;
	[tilespmem:s30+$0x2400] =	vst.add.f32.msk $0xffff, v4  }
0x3a: {  	s0 =	sor.u32 $0x70, s0;
	[tilespmem:s30+$0x2410] =	vst.add.f32.msk $0xffff, v5  }
0x3b: {  	v2 =	vmov s0;
	[tilespmem:s30+$0x2420] =	vst.add.f32.msk $0xffff, v6  }
0x3c: {  	(v2sf) =	vpush v0, $0xC;
	[tilespmem:s30+$0x2430] =	vst.add.f32.msk $0xffff, v7  }
0x3d: {  	[tilespmem:s30+$0x2440] =	vst.add.f32.msk $0xffff, v8  }
0x3e: {  	[tilespmem:s30+$0x2450] =	vst.add.f32.msk $0xffff, v10  }
0x3f: {  	[tilespmem:s30+$0x2460] =	vst.add.f32.msk $0xffff, v11  }
0x40: {  	v9 =	vld.idx.msk [tilespmem:v2+s30+$0x0 ss:$0x1], $0xffff  }
0x41: {  	v6 =	vld.idx.msk [tilespmem:v2+s30+$0xFFFFFF90 ss:$0x1], $0xffff  }
0x42: {  	v7 =	vld.idx.msk [tilespmem:v2+s30+$0xFFFFFFA0 ss:$0x1], $0xffff  }
0x43: {  	s0 =	spop (v2sf);
	v52 =	vld.idx.msk [tilespmem:v2+s30+$0xFFFFFFB0 ss:$0x1], $0xffff  }
0x44: {  	s31 =	sshll.u32 s0, $0xC;
	s0 =	sand.u32 $0x7, s0;
	v53 =	vld.idx.msk [tilespmem:v2+s30+$0xFFFFFFC0 ss:$0x1], $0xffff  }
0x45: {  	s31 =	sand.u32 $0xFFFF8000, s31;
	s0 =	sshll.u32 s0, $0x9;
	v54 =	vld.idx.msk [tilespmem:v2+s30+$0xFFFFFFD0 ss:$0x1], $0xffff  }
0x46: {  	s0 =	sor.u32 s0, s31;
	v55 =	vld.idx.msk [tilespmem:v2+s30+$0xFFFFFFE0 ss:$0x1], $0xffff  }
0x47: {  	s0 =	sshra.s32 s0, $0x2;
	[tilespmem:s30+$0x2670] =	vst.add.f32.msk $0xffff, v9  }
0x48: {  	s0 =	sor.u32 $0x70, s0;
	[tilespmem:s30+$0x2600] =	vst.add.f32.msk $0xffff, v6  }
0x49: {  	v3 =	vmov s0;
	[tilespmem:s30+$0x2610] =	vst.add.f32.msk $0xffff, v7  }
0x4a: {  	[tilespmem:s30+$0x2620] =	vst.add.f32.msk $0xffff, v52  }
0x4b: {  	s0 =	spop (v2sf);
	[tilespmem:s30+$0x2630] =	vst.add.f32.msk $0xffff, v53  }
0x4c: {  	s31 =	sshll.u32 s0, $0xC;
	s0 =	sand.u32 $0x7, s0;
	[tilespmem:s30+$0x2640] =	vst.add.f32.msk $0xffff, v54  }
0x4d: {  	s31 =	sand.u32 $0xFFFF8000, s31;
	s0 =	sshll.u32 s0, $0x9;
	[tilespmem:s30+$0x2650] =	vst.add.f32.msk $0xffff, v55  }
0x4e: {  	s0 =	sor.u32 s0, s31;
	v5 =	vld.idx.msk [tilespmem:v3+s30+$0x0 ss:$0x1], $0xffff  }
0x4f: {  	s0 =	sshra.s32 s0, $0x2;
	v6 =	vld.idx.msk [tilespmem:v3+s30+$0xFFFFFFA0 ss:$0x1], $0xffff  }
0x50: {  	s0 =	sor.u32 $0x70, s0;
	v7 =	vld.idx.msk [tilespmem:v3+s30+$0xFFFFFFB0 ss:$0x1], $0xffff  }
0x51: {  	v56 =	vld.idx.msk [tilespmem:v3+s30+$0xFFFFFFC0 ss:$0x1], $0xffff;
	v4 =	vmov s0  }
0x52: {  	v57 =	vld.idx.msk [tilespmem:v3+s30+$0xFFFFFFD0 ss:$0x1], $0xffff  }
0x53: {  	v58 =	vld.idx.msk [tilespmem:v3+s30+$0xFFFFFFE0 ss:$0x1], $0xffff  }
0x54: {  	[tilespmem:s30+$0x4470] =	vst.add.f32.msk $0xffff, v5  }
0x55: {  	[tilespmem:s30+$0x4410] =	vst.add.f32.msk $0xffff, v6  }
0x56: {  	v5 =	vld.idx.msk [tilespmem:v4+s30+$0x0 ss:$0x1], $0xffff  }
0x57: {  	[tilespmem:s30+$0x4420] =	vst.add.f32.msk $0xffff, v7  }
0x58: {  	[tilespmem:s30+$0x4430] =	vst.add.f32.msk $0xffff, v56  }
0x59: {  	[tilespmem:s30+$0x4440] =	vst.add.f32.msk $0xffff, v57  }
0x5a: {  	[tilespmem:s30+$0x4450] =	vst.add.f32.msk $0xffff, v58  }
0x5b: {  	[tilespmem:s30+$0x4670] =	vst.add.f32.msk $0xffff, v5  }
0x5c: {  	v5 =	vld.idx.msk [tilespmem:v2+s30+$0xFFFFFFF0 ss:$0x1], $0xffff  }
0x5d: {  	v7 =	vld.idx.msk [tilespmem:v4+s30+$0xFFFFFFA0 ss:$0x1], $0xffff  }
0x5e: {  	v60 =	vld.idx.msk [tilespmem:v4+s30+$0xFFFFFFB0 ss:$0x1], $0xffff  }
0x5f: {  	v61 =	vld.idx.msk [tilespmem:v4+s30+$0xFFFFFFC0 ss:$0x1], $0xffff  }
0x60: {  	v62 =	vld.idx.msk [tilespmem:v4+s30+$0xFFFFFFD0 ss:$0x1], $0xffff  }
0x61: {  	[tilespmem:s30+$0x2660] =	vst.add.f32.msk $0xffff, v5  }
0x62: {  	v5 =	vld.idx.msk [tilespmem:v3+s30+$0xFFFFFF90 ss:$0x1], $0xffff  }
0x63: {  	v59 =	vld.idx.msk [tilespmem:v3+s30+$0xFFFFFFF0 ss:$0x1], $0xffff  }
0x64: {  	v63 =	vld.idx.msk [tilespmem:v4+s30+$0xFFFFFFE0 ss:$0x1], $0xffff  }
0x65: {  	[tilespmem:s30+$0x4610] =	vst.add.f32.msk $0xffff, v7  }
0x66: {  	[tilespmem:s30+$0x4620] =	vst.add.f32.msk $0xffff, v60  }
0x67: {  	[tilespmem:s30+$0x4400] =	vst.add.f32.msk $0xffff, v5  }
0x68: {  	[tilespmem:s30+$0x4460] =	vst.add.f32.msk $0xffff, v59  }
0x69: {  	v6 =	vld.idx.msk [tilespmem:v4+s30+$0xFFFFFF90 ss:$0x1], $0xffff  }
0x6a: {  	v5 =	vld.idx.msk [tilespmem:v4+s30+$0xFFFFFFF0 ss:$0x1], $0xffff  }
0x6b: {  	[tilespmem:s30+$0x4630] =	vst.add.f32.msk $0xffff, v61  }
0x6c: {  	[tilespmem:s30+$0x4640] =	vst.add.f32.msk $0xffff, v62  }
0x6d: {  	[tilespmem:s30+$0x4650] =	vst.add.f32.msk $0xffff, v63  }
0x6e: {  	s31 =	simm.s32 $0x0;
	s0 =	simm.s32 $0x1000;
	[tilespmem:s30+$0x4600] =	vst.add.f32.msk $0xffff, v6  }
.LBB2_3:
0x6f: {  	s31 =	sadd.s32 $0x8, s31;
	[tilespmem:s30+$0x4660] =	vst.add.f32.msk $0xffff, v5;
	s30 =	sshra.s32 s0, $0x2  }
0x70: {  	v5 =	vld.idx.msk [tilespmem:v1+s30+$0x0 ss:$0x1], $0xffff;
	p1 =	slt.u32 s31, $0x38  }
0x71: {  	v6 =	vld.idx.msk [tilespmem:v1+s30+$0xFFFFFF90 ss:$0x1], $0xffff  }
0x72: {  	v7 =	vld.idx.msk [tilespmem:v1+s30+$0xFFFFFFA0 ss:$0x1], $0xffff  }
0x73: {  	v8 =	vld.idx.msk [tilespmem:v1+s30+$0xFFFFFFB0 ss:$0x1], $0xffff  }
0x74: {  	v9 =	vld.idx.msk [tilespmem:v1+s30+$0xFFFFFFC0 ss:$0x1], $0xffff  }
0x75: {  	v10 =	vld.idx.msk [tilespmem:v1+s30+$0xFFFFFFD0 ss:$0x1], $0xffff  }
0x76: {  	[tilespmem:s30+$0x2470] =	vst.add.f32.msk $0xffff, v5  }
0x77: {  	v5 =	vld.idx.msk [tilespmem:v2+s30+$0x0 ss:$0x1], $0xffff  }
0x78: {  	v11 =	vld.idx.msk [tilespmem:v1+s30+$0xFFFFFFE0 ss:$0x1], $0xffff  }
0x79: {  	v12 =	vld.idx.msk [tilespmem:v1+s30+$0xFFFFFFF0 ss:$0x1], $0xffff  }
0x7a: {  	[tilespmem:s30+$0x2400] =	vst.add.f32.msk $0xffff, v6  }
0x7b: {  	[tilespmem:s30+$0x2410] =	vst.add.f32.msk $0xffff, v7  }
0x7c: {  	[tilespmem:s30+$0x2420] =	vst.add.f32.msk $0xffff, v8  }
0x7d: {  	[tilespmem:s30+$0x2670] =	vst.add.f32.msk $0xffff, v5  }
0x7e: {  	v5 =	vld.idx.msk [tilespmem:v3+s30+$0x0 ss:$0x1], $0xffff  }
0x7f: {  	[tilespmem:s30+$0x2430] =	vst.add.f32.msk $0xffff, v9  }
0x80: {  	[tilespmem:s30+$0x2440] =	vst.add.f32.msk $0xffff, v10  }
0x81: {  	[tilespmem:s30+$0x2450] =	vst.add.f32.msk $0xffff, v11  }
0x82: {  	[tilespmem:s30+$0x2460] =	vst.add.f32.msk $0xffff, v12  }
0x83: {  	v6 =	vld.idx.msk [tilespmem:v2+s30+$0xFFFFFF90 ss:$0x1], $0xffff  }
0x84: {  	[tilespmem:s30+$0x4470] =	vst.add.f32.msk $0xffff, v5  }
0x85: {  	v5 =	vld.idx.msk [tilespmem:v4+s30+$0x0 ss:$0x1], $0xffff  }
0x86: {  	v7 =	vld.idx.msk [tilespmem:v2+s30+$0xFFFFFFA0 ss:$0x1], $0xffff  }
0x87: {  	v8 =	vld.idx.msk [tilespmem:v2+s30+$0xFFFFFFB0 ss:$0x1], $0xffff  }
0x88: {  	v9 =	vld.idx.msk [tilespmem:v2+s30+$0xFFFFFFC0 ss:$0x1], $0xffff  }
0x89: {  	v10 =	vld.idx.msk [tilespmem:v2+s30+$0xFFFFFFD0 ss:$0x1], $0xffff  }
0x8a: {  	v11 =	vld.idx.msk [tilespmem:v2+s30+$0xFFFFFFE0 ss:$0x1], $0xffff  }
0x8b: {  	[tilespmem:s30+$0x4670] =	vst.add.f32.msk $0xffff, v5  }
0x8c: {  	v5 =	vld.idx.msk [tilespmem:v2+s30+$0xFFFFFFF0 ss:$0x1], $0xffff  }
0x8d: {  	[tilespmem:s30+$0x2600] =	vst.add.f32.msk $0xffff, v6  }
0x8e: {  	[tilespmem:s30+$0x2610] =	vst.add.f32.msk $0xffff, v7  }
0x8f: {  	[tilespmem:s30+$0x2620] =	vst.add.f32.msk $0xffff, v8  }
0x90: {  	[tilespmem:s30+$0x2630] =	vst.add.f32.msk $0xffff, v9  }
0x91: {  	[tilespmem:s30+$0x2640] =	vst.add.f32.msk $0xffff, v10  }
0x92: {  	[tilespmem:s30+$0x2650] =	vst.add.f32.msk $0xffff, v11  }
0x93: {  	[tilespmem:s30+$0x2660] =	vst.add.f32.msk $0xffff, v5  }
0x94: {  	v5 =	vld.idx.msk [tilespmem:v3+s30+$0xFFFFFF90 ss:$0x1], $0xffff  }
0x95: {  	v6 =	vld.idx.msk [tilespmem:v3+s30+$0xFFFFFFA0 ss:$0x1], $0xffff  }
0x96: {  	v7 =	vld.idx.msk [tilespmem:v3+s30+$0xFFFFFFB0 ss:$0x1], $0xffff  }
0x97: {  	v8 =	vld.idx.msk [tilespmem:v3+s30+$0xFFFFFFC0 ss:$0x1], $0xffff  }
0x98: {  	v9 =	vld.idx.msk [tilespmem:v3+s30+$0xFFFFFFD0 ss:$0x1], $0xffff  }
0x99: {  	v10 =	vld.idx.msk [tilespmem:v3+s30+$0xFFFFFFE0 ss:$0x1], $0xffff  }
0x9a: {  	v11 =	vld.idx.msk [tilespmem:v3+s30+$0xFFFFFFF0 ss:$0x1], $0xffff  }
0x9b: {  	[tilespmem:s30+$0x4400] =	vst.add.f32.msk $0xffff, v5  }
0x9c: {  	[tilespmem:s30+$0x4410] =	vst.add.f32.msk $0xffff, v6  }
0x9d: {  	[tilespmem:s30+$0x4420] =	vst.add.f32.msk $0xffff, v7  }
0x9e: {  	[tilespmem:s30+$0x4430] =	vst.add.f32.msk $0xffff, v8  }
0x9f: {  	[tilespmem:s30+$0x4440] =	vst.add.f32.msk $0xffff, v9  }
0xa0: {  	[tilespmem:s30+$0x4450] =	vst.add.f32.msk $0xffff, v10  }
0xa1: {  	[tilespmem:s30+$0x4460] =	vst.add.f32.msk $0xffff, v11  }
0xa2: {  	v6 =	vld.idx.msk [tilespmem:v4+s30+$0xFFFFFF90 ss:$0x1], $0xffff  }
0xa3: {  	v7 =	vld.idx.msk [tilespmem:v4+s30+$0xFFFFFFA0 ss:$0x1], $0xffff  }
0xa4: {  	v8 =	vld.idx.msk [tilespmem:v4+s30+$0xFFFFFFB0 ss:$0x1], $0xffff  }
0xa5: {  	v9 =	vld.idx.msk [tilespmem:v4+s30+$0xFFFFFFC0 ss:$0x1], $0xffff  }
0xa6: {  	v10 =	vld.idx.msk [tilespmem:v4+s30+$0xFFFFFFD0 ss:$0x1], $0xffff  }
0xa7: {  	v11 =	vld.idx.msk [tilespmem:v4+s30+$0xFFFFFFE0 ss:$0x1], $0xffff  }
0xa8: {  	v5 =	vld.idx.msk [tilespmem:v4+s30+$0xFFFFFFF0 ss:$0x1], $0xffff  }
0xa9: {  	[tilespmem:s30+$0x4600] =	vst.add.f32.msk $0xffff, v6  }
.Ltmp0:
0xaa: {  	[tilespmem:s30+$0x4610] =	vst.add.f32.msk $0xffff, v7;
	(pc) =	sbr.rel @p1 .LBB2_3-.Ltmp0, $4  }
0xab: {  	[tilespmem:s30+$0x4620] =	vst.add.f32.msk $0xffff, v8  }
0xac: {  	[tilespmem:s30+$0x4630] =	vst.add.f32.msk $0xffff, v9  }
0xad: {  	[tilespmem:s30+$0x4640] =	vst.add.f32.msk $0xffff, v10  }
0xae: {  	s0 =	sadd.s32 $0x1000, s0;
	[tilespmem:s30+$0x4650] =	vst.add.f32.msk $0xffff, v11  }
0xaf: {  	(v2sf) =	vpush v0, $0x1;
	_ =	sdelay $0xe  }
0xb0: {  	s0 =	spop (v2sf)  }
0xb1: {  	(v2sf) =	vpush v0, $0x5;
	s31 =	sshll.u32 s0, $0xC;
	s0 =	sand.u32 $0x7, s0  }
0xb2: {  	s31 =	sand.u32 $0xFFFF8000, s31;
	s0 =	sshll.u32 s0, $0x9  }
0xb3: {  	s0 =	sor.u32 s0, s31  }
0xb4: {  	s0 =	sshra.s32 s0, $0x2  }
0xb5: {  	s0 =	sor.u32 $0x70, s0  }
0xb6: {  	v1 =	vmov s0;
	_ =	sdelay $0x3  }
0xb7: {  	[tilespmem:s30+$0x4660] =	vst.add.f32.msk $0xffff, v5;
	s30 =	simm.s32 $0x0  }
0xb8: {  	v3 =	vld.idx.msk [tilespmem:v1+s30+$0x0 ss:$0x1], $0xffff  }
0xb9: {  	v4 =	vld.idx.msk [tilespmem:v1+s30+$0xFFFFFF90 ss:$0x1], $0xffff  }
0xba: {  	v5 =	vld.idx.msk [tilespmem:v1+s30+$0xFFFFFFA0 ss:$0x1], $0xffff  }
0xbb: {  	v6 =	vld.idx.msk [tilespmem:v1+s30+$0xFFFFFFB0 ss:$0x1], $0xffff  }
0xbc: {  	(v2sf) =	vpush v0, $0x9;
	v7 =	vld.idx.msk [tilespmem:v1+s30+$0xFFFFFFC0 ss:$0x1], $0xffff  }
0xbd: {  	s0 =	spop (v2sf);
	v8 =	vld.idx.msk [tilespmem:v1+s30+$0xFFFFFFD0 ss:$0x1], $0xffff  }
0xbe: {  	s31 =	sshll.u32 s0, $0xC;
	s0 =	sand.u32 $0x7, s0;
	v10 =	vld.idx.msk [tilespmem:v1+s30+$0xFFFFFFE0 ss:$0x1], $0xffff  }
0xbf: {  	s31 =	sand.u32 $0xFFFF8000, s31;
	s0 =	sshll.u32 s0, $0x9;
	v11 =	vld.idx.msk [tilespmem:v1+s30+$0xFFFFFFF0 ss:$0x1], $0xffff  }
0xc0: {  	s0 =	sor.u32 s0, s31;
	[tilespmem:s30+$0x24F0] =	vst.add.f32.msk $0xffff, v3  }
0xc1: {  	s0 =	sshra.s32 s0, $0x2;
	[tilespmem:s30+$0x2480] =	vst.add.f32.msk $0xffff, v4  }
0xc2: {  	s0 =	sor.u32 $0x70, s0;
	[tilespmem:s30+$0x2490] =	vst.add.f32.msk $0xffff, v5  }
0xc3: {  	v2 =	vmov s0;
	[tilespmem:s30+$0x24A0] =	vst.add.f32.msk $0xffff, v6  }
0xc4: {  	(v2sf) =	vpush v0, $0xD;
	[tilespmem:s30+$0x24B0] =	vst.add.f32.msk $0xffff, v7  }
0xc5: {  	[tilespmem:s30+$0x24C0] =	vst.add.f32.msk $0xffff, v8  }
0xc6: {  	[tilespmem:s30+$0x24D0] =	vst.add.f32.msk $0xffff, v10  }
0xc7: {  	[tilespmem:s30+$0x24E0] =	vst.add.f32.msk $0xffff, v11  }
0xc8: {  	v9 =	vld.idx.msk [tilespmem:v2+s30+$0x0 ss:$0x1], $0xffff  }
0xc9: {  	v6 =	vld.idx.msk [tilespmem:v2+s30+$0xFFFFFF90 ss:$0x1], $0xffff  }
0xca: {  	v7 =	vld.idx.msk [tilespmem:v2+s30+$0xFFFFFFA0 ss:$0x1], $0xffff  }
0xcb: {  	s0 =	spop (v2sf);
	v52 =	vld.idx.msk [tilespmem:v2+s30+$0xFFFFFFB0 ss:$0x1], $0xffff  }
0xcc: {  	s31 =	sshll.u32 s0, $0xC;
	s0 =	sand.u32 $0x7, s0;
	v53 =	vld.idx.msk [tilespmem:v2+s30+$0xFFFFFFC0 ss:$0x1], $0xffff  }
0xcd: {  	s31 =	sand.u32 $0xFFFF8000, s31;
	s0 =	sshll.u32 s0, $0x9;
	v54 =	vld.idx.msk [tilespmem:v2+s30+$0xFFFFFFD0 ss:$0x1], $0xffff  }
0xce: {  	s0 =	sor.u32 s0, s31;
	v55 =	vld.idx.msk [tilespmem:v2+s30+$0xFFFFFFE0 ss:$0x1], $0xffff  }
0xcf: {  	s0 =	sshra.s32 s0, $0x2;
	[tilespmem:s30+$0x26F0] =	vst.add.f32.msk $0xffff, v9  }
0xd0: {  	s0 =	sor.u32 $0x70, s0;
	[tilespmem:s30+$0x2680] =	vst.add.f32.msk $0xffff, v6  }
0xd1: {  	v3 =	vmov s0;
	[tilespmem:s30+$0x2690] =	vst.add.f32.msk $0xffff, v7  }
0xd2: {  	[tilespmem:s30+$0x26A0] =	vst.add.f32.msk $0xffff, v52  }
0xd3: {  	s0 =	spop (v2sf);
	[tilespmem:s30+$0x26B0] =	vst.add.f32.msk $0xffff, v53  }
0xd4: {  	s31 =	sshll.u32 s0, $0xC;
	s0 =	sand.u32 $0x7, s0;
	[tilespmem:s30+$0x26C0] =	vst.add.f32.msk $0xffff, v54  }
0xd5: {  	s31 =	sand.u32 $0xFFFF8000, s31;
	s0 =	sshll.u32 s0, $0x9;
	[tilespmem:s30+$0x26D0] =	vst.add.f32.msk $0xffff, v55  }
0xd6: {  	s0 =	sor.u32 s0, s31;
	v5 =	vld.idx.msk [tilespmem:v3+s30+$0x0 ss:$0x1], $0xffff  }
0xd7: {  	s0 =	sshra.s32 s0, $0x2;
	v6 =	vld.idx.msk [tilespmem:v3+s30+$0xFFFFFFA0 ss:$0x1], $0xffff  }
0xd8: {  	s0 =	sor.u32 $0x70, s0;
	v7 =	vld.idx.msk [tilespmem:v3+s30+$0xFFFFFFB0 ss:$0x1], $0xffff  }
0xd9: {  	v56 =	vld.idx.msk [tilespmem:v3+s30+$0xFFFFFFC0 ss:$0x1], $0xffff;
	v4 =	vmov s0  }
0xda: {  	v57 =	vld.idx.msk [tilespmem:v3+s30+$0xFFFFFFD0 ss:$0x1], $0xffff  }
0xdb: {  	v58 =	vld.idx.msk [tilespmem:v3+s30+$0xFFFFFFE0 ss:$0x1], $0xffff  }
0xdc: {  	[tilespmem:s30+$0x44F0] =	vst.add.f32.msk $0xffff, v5  }
0xdd: {  	[tilespmem:s30+$0x4490] =	vst.add.f32.msk $0xffff, v6  }
0xde: {  	v5 =	vld.idx.msk [tilespmem:v4+s30+$0x0 ss:$0x1], $0xffff  }
0xdf: {  	[tilespmem:s30+$0x44A0] =	vst.add.f32.msk $0xffff, v7  }
0xe0: {  	[tilespmem:s30+$0x44B0] =	vst.add.f32.msk $0xffff, v56  }
0xe1: {  	[tilespmem:s30+$0x44C0] =	vst.add.f32.msk $0xffff, v57  }
0xe2: {  	[tilespmem:s30+$0x44D0] =	vst.add.f32.msk $0xffff, v58  }
0xe3: {  	[tilespmem:s30+$0x46F0] =	vst.add.f32.msk $0xffff, v5  }
0xe4: {  	v5 =	vld.idx.msk [tilespmem:v2+s30+$0xFFFFFFF0 ss:$0x1], $0xffff  }
0xe5: {  	v7 =	vld.idx.msk [tilespmem:v4+s30+$0xFFFFFFA0 ss:$0x1], $0xffff  }
0xe6: {  	v60 =	vld.idx.msk [tilespmem:v4+s30+$0xFFFFFFB0 ss:$0x1], $0xffff  }
0xe7: {  	v61 =	vld.idx.msk [tilespmem:v4+s30+$0xFFFFFFC0 ss:$0x1], $0xffff  }
0xe8: {  	v62 =	vld.idx.msk [tilespmem:v4+s30+$0xFFFFFFD0 ss:$0x1], $0xffff  }
0xe9: {  	[tilespmem:s30+$0x26E0] =	vst.add.f32.msk $0xffff, v5  }
0xea: {  	v5 =	vld.idx.msk [tilespmem:v3+s30+$0xFFFFFF90 ss:$0x1], $0xffff  }
0xeb: {  	v59 =	vld.idx.msk [tilespmem:v3+s30+$0xFFFFFFF0 ss:$0x1], $0xffff  }
0xec: {  	v63 =	vld.idx.msk [tilespmem:v4+s30+$0xFFFFFFE0 ss:$0x1], $0xffff  }
0xed: {  	[tilespmem:s30+$0x4690] =	vst.add.f32.msk $0xffff, v7  }
0xee: {  	[tilespmem:s30+$0x46A0] =	vst.add.f32.msk $0xffff, v60  }
0xef: {  	[tilespmem:s30+$0x4480] =	vst.add.f32.msk $0xffff, v5  }
0xf0: {  	[tilespmem:s30+$0x44E0] =	vst.add.f32.msk $0xffff, v59  }
0xf1: {  	v6 =	vld.idx.msk [tilespmem:v4+s30+$0xFFFFFF90 ss:$0x1], $0xffff  }
0xf2: {  	v5 =	vld.idx.msk [tilespmem:v4+s30+$0xFFFFFFF0 ss:$0x1], $0xffff  }
0xf3: {  	[tilespmem:s30+$0x46B0] =	vst.add.f32.msk $0xffff, v61  }
0xf4: {  	[tilespmem:s30+$0x46C0] =	vst.add.f32.msk $0xffff, v62  }
0xf5: {  	[tilespmem:s30+$0x46D0] =	vst.add.f32.msk $0xffff, v63  }
0xf6: {  	s31 =	simm.s32 $0x0;
	s0 =	simm.s32 $0x1000;
	[tilespmem:s30+$0x4680] =	vst.add.f32.msk $0xffff, v6  }
.LBB2_5:
0xf7: {  	s31 =	sadd.s32 $0x8, s31;
	[tilespmem:s30+$0x46E0] =	vst.add.f32.msk $0xffff, v5;
	s30 =	sshra.s32 s0, $0x2  }
0xf8: {  	v5 =	vld.idx.msk [tilespmem:v1+s30+$0x0 ss:$0x1], $0xffff;
	p1 =	slt.u32 s31, $0x38  }
0xf9: {  	v6 =	vld.idx.msk [tilespmem:v1+s30+$0xFFFFFF90 ss:$0x1], $0xffff  }
0xfa: {  	v7 =	vld.idx.msk [tilespmem:v1+s30+$0xFFFFFFA0 ss:$0x1], $0xffff  }
0xfb: {  	v8 =	vld.idx.msk [tilespmem:v1+s30+$0xFFFFFFB0 ss:$0x1], $0xffff  }
0xfc: {  	v9 =	vld.idx.msk [tilespmem:v1+s30+$0xFFFFFFC0 ss:$0x1], $0xffff  }
0xfd: {  	v10 =	vld.idx.msk [tilespmem:v1+s30+$0xFFFFFFD0 ss:$0x1], $0xffff  }
0xfe: {  	[tilespmem:s30+$0x24F0] =	vst.add.f32.msk $0xffff, v5  }
0xff: {  	v5 =	vld.idx.msk [tilespmem:v2+s30+$0x0 ss:$0x1], $0xffff  }
0x100: {  	v11 =	vld.idx.msk [tilespmem:v1+s30+$0xFFFFFFE0 ss:$0x1], $0xffff  }
0x101: {  	v12 =	vld.idx.msk [tilespmem:v1+s30+$0xFFFFFFF0 ss:$0x1], $0xffff  }
0x102: {  	[tilespmem:s30+$0x2480] =	vst.add.f32.msk $0xffff, v6  }
0x103: {  	[tilespmem:s30+$0x2490] =	vst.add.f32.msk $0xffff, v7  }
0x104: {  	[tilespmem:s30+$0x24A0] =	vst.add.f32.msk $0xffff, v8  }
0x105: {  	[tilespmem:s30+$0x26F0] =	vst.add.f32.msk $0xffff, v5  }
0x106: {  	v5 =	vld.idx.msk [tilespmem:v3+s30+$0x0 ss:$0x1], $0xffff  }
0x107: {  	[tilespmem:s30+$0x24B0] =	vst.add.f32.msk $0xffff, v9  }
0x108: {  	[tilespmem:s30+$0x24C0] =	vst.add.f32.msk $0xffff, v10  }
0x109: {  	[tilespmem:s30+$0x24D0] =	vst.add.f32.msk $0xffff, v11  }
0x10a: {  	[tilespmem:s30+$0x24E0] =	vst.add.f32.msk $0xffff, v12  }
0x10b: {  	v6 =	vld.idx.msk [tilespmem:v2+s30+$0xFFFFFF90 ss:$0x1], $0xffff  }
0x10c: {  	[tilespmem:s30+$0x44F0] =	vst.add.f32.msk $0xffff, v5  }
0x10d: {  	v5 =	vld.idx.msk [tilespmem:v4+s30+$0x0 ss:$0x1], $0xffff  }
0x10e: {  	v7 =	vld.idx.msk [tilespmem:v2+s30+$0xFFFFFFA0 ss:$0x1], $0xffff  }
0x10f: {  	v8 =	vld.idx.msk [tilespmem:v2+s30+$0xFFFFFFB0 ss:$0x1], $0xffff  }
0x110: {  	v9 =	vld.idx.msk [tilespmem:v2+s30+$0xFFFFFFC0 ss:$0x1], $0xffff  }
0x111: {  	v10 =	vld.idx.msk [tilespmem:v2+s30+$0xFFFFFFD0 ss:$0x1], $0xffff  }
0x112: {  	v11 =	vld.idx.msk [tilespmem:v2+s30+$0xFFFFFFE0 ss:$0x1], $0xffff  }
0x113: {  	[tilespmem:s30+$0x46F0] =	vst.add.f32.msk $0xffff, v5  }
0x114: {  	v5 =	vld.idx.msk [tilespmem:v2+s30+$0xFFFFFFF0 ss:$0x1], $0xffff  }
0x115: {  	[tilespmem:s30+$0x2680] =	vst.add.f32.msk $0xffff, v6  }
0x116: {  	[tilespmem:s30+$0x2690] =	vst.add.f32.msk $0xffff, v7  }
0x117: {  	[tilespmem:s30+$0x26A0] =	vst.add.f32.msk $0xffff, v8  }
0x118: {  	[tilespmem:s30+$0x26B0] =	vst.add.f32.msk $0xffff, v9  }
0x119: {  	[tilespmem:s30+$0x26C0] =	vst.add.f32.msk $0xffff, v10  }
0x11a: {  	[tilespmem:s30+$0x26D0] =	vst.add.f32.msk $0xffff, v11  }
0x11b: {  	[tilespmem:s30+$0x26E0] =	vst.add.f32.msk $0xffff, v5  }
0x11c: {  	v5 =	vld.idx.msk [tilespmem:v3+s30+$0xFFFFFF90 ss:$0x1], $0xffff  }
0x11d: {  	v6 =	vld.idx.msk [tilespmem:v3+s30+$0xFFFFFFA0 ss:$0x1], $0xffff  }
0x11e: {  	v7 =	vld.idx.msk [tilespmem:v3+s30+$0xFFFFFFB0 ss:$0x1], $0xffff  }
0x11f: {  	v8 =	vld.idx.msk [tilespmem:v3+s30+$0xFFFFFFC0 ss:$0x1], $0xffff  }
0x120: {  	v9 =	vld.idx.msk [tilespmem:v3+s30+$0xFFFFFFD0 ss:$0x1], $0xffff  }
0x121: {  	v10 =	vld.idx.msk [tilespmem:v3+s30+$0xFFFFFFE0 ss:$0x1], $0xffff  }
0x122: {  	v11 =	vld.idx.msk [tilespmem:v3+s30+$0xFFFFFFF0 ss:$0x1], $0xffff  }
0x123: {  	[tilespmem:s30+$0x4480] =	vst.add.f32.msk $0xffff, v5  }
0x124: {  	[tilespmem:s30+$0x4490] =	vst.add.f32.msk $0xffff, v6  }
0x125: {  	[tilespmem:s30+$0x44A0] =	vst.add.f32.msk $0xffff, v7  }
0x126: {  	[tilespmem:s30+$0x44B0] =	vst.add.f32.msk $0xffff, v8  }
0x127: {  	[tilespmem:s30+$0x44C0] =	vst.add.f32.msk $0xffff, v9  }
0x128: {  	[tilespmem:s30+$0x44D0] =	vst.add.f32.msk $0xffff, v10  }
0x129: {  	[tilespmem:s30+$0x44E0] =	vst.add.f32.msk $0xffff, v11  }
0x12a: {  	v6 =	vld.idx.msk [tilespmem:v4+s30+$0xFFFFFF90 ss:$0x1], $0xffff  }
0x12b: {  	v7 =	vld.idx.msk [tilespmem:v4+s30+$0xFFFFFFA0 ss:$0x1], $0xffff  }
0x12c: {  	v8 =	vld.idx.msk [tilespmem:v4+s30+$0xFFFFFFB0 ss:$0x1], $0xffff  }
0x12d: {  	v9 =	vld.idx.msk [tilespmem:v4+s30+$0xFFFFFFC0 ss:$0x1], $0xffff  }
0x12e: {  	v10 =	vld.idx.msk [tilespmem:v4+s30+$0xFFFFFFD0 ss:$0x1], $0xffff  }
0x12f: {  	v11 =	vld.idx.msk [tilespmem:v4+s30+$0xFFFFFFE0 ss:$0x1], $0xffff  }
0x130: {  	v5 =	vld.idx.msk [tilespmem:v4+s30+$0xFFFFFFF0 ss:$0x1], $0xffff  }
0x131: {  	[tilespmem:s30+$0x4680] =	vst.add.f32.msk $0xffff, v6  }
.Ltmp1:
0x132: {  	[tilespmem:s30+$0x4690] =	vst.add.f32.msk $0xffff, v7;
	(pc) =	sbr.rel @p1 .LBB2_5-.Ltmp1, $4  }
0x133: {  	[tilespmem:s30+$0x46A0] =	vst.add.f32.msk $0xffff, v8  }
0x134: {  	[tilespmem:s30+$0x46B0] =	vst.add.f32.msk $0xffff, v9  }
0x135: {  	[tilespmem:s30+$0x46C0] =	vst.add.f32.msk $0xffff, v10  }
0x136: {  	s0 =	sadd.s32 $0x1000, s0;
	[tilespmem:s30+$0x46D0] =	vst.add.f32.msk $0xffff, v11  }
0x137: {  	(v2sf) =	vpush v0, $0x2;
	_ =	sdelay $0xe  }
0x138: {  	s0 =	spop (v2sf)  }
0x139: {  	(v2sf) =	vpush v0, $0x6;
	s31 =	sshll.u32 s0, $0xC;
	s0 =	sand.u32 $0x7, s0  }
0x13a: {  	s31 =	sand.u32 $0xFFFF8000, s31;
	s0 =	sshll.u32 s0, $0x9  }
0x13b: {  	s0 =	sor.u32 s0, s31  }
0x13c: {  	s0 =	sshra.s32 s0, $0x2  }
0x13d: {  	s0 =	sor.u32 $0x70, s0  }
0x13e: {  	v1 =	vmov s0;
	_ =	sdelay $0x3  }
0x13f: {  	[tilespmem:s30+$0x46E0] =	vst.add.f32.msk $0xffff, v5;
	s30 =	simm.s32 $0x0  }
0x140: {  	v3 =	vld.idx.msk [tilespmem:v1+s30+$0x0 ss:$0x1], $0xffff  }
0x141: {  	v4 =	vld.idx.msk [tilespmem:v1+s30+$0xFFFFFF90 ss:$0x1], $0xffff  }
0x142: {  	v5 =	vld.idx.msk [tilespmem:v1+s30+$0xFFFFFFA0 ss:$0x1], $0xffff  }
0x143: {  	v6 =	vld.idx.msk [tilespmem:v1+s30+$0xFFFFFFB0 ss:$0x1], $0xffff  }
0x144: {  	(v2sf) =	vpush v0, $0xA;
	v7 =	vld.idx.msk [tilespmem:v1+s30+$0xFFFFFFC0 ss:$0x1], $0xffff  }
0x145: {  	s0 =	spop (v2sf);
	v8 =	vld.idx.msk [tilespmem:v1+s30+$0xFFFFFFD0 ss:$0x1], $0xffff  }
0x146: {  	s31 =	sshll.u32 s0, $0xC;
	s0 =	sand.u32 $0x7, s0;
	v10 =	vld.idx.msk [tilespmem:v1+s30+$0xFFFFFFE0 ss:$0x1], $0xffff  }
0x147: {  	s31 =	sand.u32 $0xFFFF8000, s31;
	s0 =	sshll.u32 s0, $0x9;
	v11 =	vld.idx.msk [tilespmem:v1+s30+$0xFFFFFFF0 ss:$0x1], $0xffff  }
0x148: {  	s0 =	sor.u32 s0, s31;
	[tilespmem:s30+$0x2570] =	vst.add.f32.msk $0xffff, v3  }
0x149: {  	s0 =	sshra.s32 s0, $0x2;
	[tilespmem:s30+$0x2500] =	vst.add.f32.msk $0xffff, v4  }
0x14a: {  	s0 =	sor.u32 $0x70, s0;
	[tilespmem:s30+$0x2510] =	vst.add.f32.msk $0xffff, v5  }
0x14b: {  	v2 =	vmov s0;
	[tilespmem:s30+$0x2520] =	vst.add.f32.msk $0xffff, v6  }
0x14c: {  	(v2sf) =	vpush v0, $0xE;
	[tilespmem:s30+$0x2530] =	vst.add.f32.msk $0xffff, v7  }
0x14d: {  	[tilespmem:s30+$0x2540] =	vst.add.f32.msk $0xffff, v8  }
0x14e: {  	[tilespmem:s30+$0x2550] =	vst.add.f32.msk $0xffff, v10  }
0x14f: {  	[tilespmem:s30+$0x2560] =	vst.add.f32.msk $0xffff, v11  }
0x150: {  	v9 =	vld.idx.msk [tilespmem:v2+s30+$0x0 ss:$0x1], $0xffff  }
0x151: {  	v6 =	vld.idx.msk [tilespmem:v2+s30+$0xFFFFFF90 ss:$0x1], $0xffff  }
0x152: {  	v7 =	vld.idx.msk [tilespmem:v2+s30+$0xFFFFFFA0 ss:$0x1], $0xffff  }
0x153: {  	s0 =	spop (v2sf);
	v52 =	vld.idx.msk [tilespmem:v2+s30+$0xFFFFFFB0 ss:$0x1], $0xffff  }
0x154: {  	s31 =	sshll.u32 s0, $0xC;
	s0 =	sand.u32 $0x7, s0;
	v53 =	vld.idx.msk [tilespmem:v2+s30+$0xFFFFFFC0 ss:$0x1], $0xffff  }
0x155: {  	s31 =	sand.u32 $0xFFFF8000, s31;
	s0 =	sshll.u32 s0, $0x9;
	v54 =	vld.idx.msk [tilespmem:v2+s30+$0xFFFFFFD0 ss:$0x1], $0xffff  }
0x156: {  	s0 =	sor.u32 s0, s31;
	v55 =	vld.idx.msk [tilespmem:v2+s30+$0xFFFFFFE0 ss:$0x1], $0xffff  }
0x157: {  	s0 =	sshra.s32 s0, $0x2;
	[tilespmem:s30+$0x2770] =	vst.add.f32.msk $0xffff, v9  }
0x158: {  	s0 =	sor.u32 $0x70, s0;
	[tilespmem:s30+$0x2700] =	vst.add.f32.msk $0xffff, v6  }
0x159: {  	v3 =	vmov s0;
	[tilespmem:s30+$0x2710] =	vst.add.f32.msk $0xffff, v7  }
0x15a: {  	[tilespmem:s30+$0x2720] =	vst.add.f32.msk $0xffff, v52  }
0x15b: {  	s0 =	spop (v2sf);
	[tilespmem:s30+$0x2730] =	vst.add.f32.msk $0xffff, v53  }
0x15c: {  	s31 =	sshll.u32 s0, $0xC;
	s0 =	sand.u32 $0x7, s0;
	[tilespmem:s30+$0x2740] =	vst.add.f32.msk $0xffff, v54  }
0x15d: {  	s31 =	sand.u32 $0xFFFF8000, s31;
	s0 =	sshll.u32 s0, $0x9;
	[tilespmem:s30+$0x2750] =	vst.add.f32.msk $0xffff, v55  }
0x15e: {  	s0 =	sor.u32 s0, s31;
	v5 =	vld.idx.msk [tilespmem:v3+s30+$0x0 ss:$0x1], $0xffff  }
0x15f: {  	s0 =	sshra.s32 s0, $0x2;
	v6 =	vld.idx.msk [tilespmem:v3+s30+$0xFFFFFFA0 ss:$0x1], $0xffff  }
0x160: {  	s0 =	sor.u32 $0x70, s0;
	v7 =	vld.idx.msk [tilespmem:v3+s30+$0xFFFFFFB0 ss:$0x1], $0xffff  }
0x161: {  	v56 =	vld.idx.msk [tilespmem:v3+s30+$0xFFFFFFC0 ss:$0x1], $0xffff;
	v4 =	vmov s0  }
0x162: {  	v57 =	vld.idx.msk [tilespmem:v3+s30+$0xFFFFFFD0 ss:$0x1], $0xffff  }
0x163: {  	v58 =	vld.idx.msk [tilespmem:v3+s30+$0xFFFFFFE0 ss:$0x1], $0xffff  }
0x164: {  	[tilespmem:s30+$0x4570] =	vst.add.f32.msk $0xffff, v5  }
0x165: {  	[tilespmem:s30+$0x4510] =	vst.add.f32.msk $0xffff, v6  }
0x166: {  	v5 =	vld.idx.msk [tilespmem:v4+s30+$0x0 ss:$0x1], $0xffff  }
0x167: {  	[tilespmem:s30+$0x4520] =	vst.add.f32.msk $0xffff, v7  }
0x168: {  	[tilespmem:s30+$0x4530] =	vst.add.f32.msk $0xffff, v56  }
0x169: {  	[tilespmem:s30+$0x4540] =	vst.add.f32.msk $0xffff, v57  }
0x16a: {  	[tilespmem:s30+$0x4550] =	vst.add.f32.msk $0xffff, v58  }
0x16b: {  	[tilespmem:s30+$0x4770] =	vst.add.f32.msk $0xffff, v5  }
0x16c: {  	v5 =	vld.idx.msk [tilespmem:v2+s30+$0xFFFFFFF0 ss:$0x1], $0xffff  }
0x16d: {  	v7 =	vld.idx.msk [tilespmem:v4+s30+$0xFFFFFFA0 ss:$0x1], $0xffff  }
0x16e: {  	v60 =	vld.idx.msk [tilespmem:v4+s30+$0xFFFFFFB0 ss:$0x1], $0xffff  }
0x16f: {  	v61 =	vld.idx.msk [tilespmem:v4+s30+$0xFFFFFFC0 ss:$0x1], $0xffff  }
0x170: {  	v62 =	vld.idx.msk [tilespmem:v4+s30+$0xFFFFFFD0 ss:$0x1], $0xffff  }
0x171: {  	[tilespmem:s30+$0x2760] =	vst.add.f32.msk $0xffff, v5  }
0x172: {  	v5 =	vld.idx.msk [tilespmem:v3+s30+$0xFFFFFF90 ss:$0x1], $0xffff  }
0x173: {  	v59 =	vld.idx.msk [tilespmem:v3+s30+$0xFFFFFFF0 ss:$0x1], $0xffff  }
0x174: {  	v63 =	vld.idx.msk [tilespmem:v4+s30+$0xFFFFFFE0 ss:$0x1], $0xffff  }
0x175: {  	[tilespmem:s30+$0x4710] =	vst.add.f32.msk $0xffff, v7  }
0x176: {  	[tilespmem:s30+$0x4720] =	vst.add.f32.msk $0xffff, v60  }
0x177: {  	[tilespmem:s30+$0x4500] =	vst.add.f32.msk $0xffff, v5  }
0x178: {  	[tilespmem:s30+$0x4560] =	vst.add.f32.msk $0xffff, v59  }
0x179: {  	v6 =	vld.idx.msk [tilespmem:v4+s30+$0xFFFFFF90 ss:$0x1], $0xffff  }
0x17a: {  	v5 =	vld.idx.msk [tilespmem:v4+s30+$0xFFFFFFF0 ss:$0x1], $0xffff  }
0x17b: {  	[tilespmem:s30+$0x4730] =	vst.add.f32.msk $0xffff, v61  }
0x17c: {  	[tilespmem:s30+$0x4740] =	vst.add.f32.msk $0xffff, v62  }
0x17d: {  	[tilespmem:s30+$0x4750] =	vst.add.f32.msk $0xffff, v63  }
0x17e: {  	s31 =	simm.s32 $0x0;
	s0 =	simm.s32 $0x1000;
	[tilespmem:s30+$0x4700] =	vst.add.f32.msk $0xffff, v6  }
.LBB2_7:
0x17f: {  	s31 =	sadd.s32 $0x8, s31;
	[tilespmem:s30+$0x4760] =	vst.add.f32.msk $0xffff, v5;
	s30 =	sshra.s32 s0, $0x2  }
0x180: {  	v5 =	vld.idx.msk [tilespmem:v1+s30+$0x0 ss:$0x1], $0xffff;
	p1 =	slt.u32 s31, $0x38  }
0x181: {  	v6 =	vld.idx.msk [tilespmem:v1+s30+$0xFFFFFF90 ss:$0x1], $0xffff  }
0x182: {  	v7 =	vld.idx.msk [tilespmem:v1+s30+$0xFFFFFFA0 ss:$0x1], $0xffff  }
0x183: {  	v8 =	vld.idx.msk [tilespmem:v1+s30+$0xFFFFFFB0 ss:$0x1], $0xffff  }
0x184: {  	v9 =	vld.idx.msk [tilespmem:v1+s30+$0xFFFFFFC0 ss:$0x1], $0xffff  }
0x185: {  	v10 =	vld.idx.msk [tilespmem:v1+s30+$0xFFFFFFD0 ss:$0x1], $0xffff  }
0x186: {  	[tilespmem:s30+$0x2570] =	vst.add.f32.msk $0xffff, v5  }
0x187: {  	v5 =	vld.idx.msk [tilespmem:v2+s30+$0x0 ss:$0x1], $0xffff  }
0x188: {  	v11 =	vld.idx.msk [tilespmem:v1+s30+$0xFFFFFFE0 ss:$0x1], $0xffff  }
0x189: {  	v12 =	vld.idx.msk [tilespmem:v1+s30+$0xFFFFFFF0 ss:$0x1], $0xffff  }
0x18a: {  	[tilespmem:s30+$0x2500] =	vst.add.f32.msk $0xffff, v6  }
0x18b: {  	[tilespmem:s30+$0x2510] =	vst.add.f32.msk $0xffff, v7  }
0x18c: {  	[tilespmem:s30+$0x2520] =	vst.add.f32.msk $0xffff, v8  }
0x18d: {  	[tilespmem:s30+$0x2770] =	vst.add.f32.msk $0xffff, v5  }
0x18e: {  	v5 =	vld.idx.msk [tilespmem:v3+s30+$0x0 ss:$0x1], $0xffff  }
0x18f: {  	[tilespmem:s30+$0x2530] =	vst.add.f32.msk $0xffff, v9  }
0x190: {  	[tilespmem:s30+$0x2540] =	vst.add.f32.msk $0xffff, v10  }
0x191: {  	[tilespmem:s30+$0x2550] =	vst.add.f32.msk $0xffff, v11  }
0x192: {  	[tilespmem:s30+$0x2560] =	vst.add.f32.msk $0xffff, v12  }
0x193: {  	v6 =	vld.idx.msk [tilespmem:v2+s30+$0xFFFFFF90 ss:$0x1], $0xffff  }
0x194: {  	[tilespmem:s30+$0x4570] =	vst.add.f32.msk $0xffff, v5  }
0x195: {  	v5 =	vld.idx.msk [tilespmem:v4+s30+$0x0 ss:$0x1], $0xffff  }
0x196: {  	v7 =	vld.idx.msk [tilespmem:v2+s30+$0xFFFFFFA0 ss:$0x1], $0xffff  }
0x197: {  	v8 =	vld.idx.msk [tilespmem:v2+s30+$0xFFFFFFB0 ss:$0x1], $0xffff  }
0x198: {  	v9 =	vld.idx.msk [tilespmem:v2+s30+$0xFFFFFFC0 ss:$0x1], $0xffff  }
0x199: {  	v10 =	vld.idx.msk [tilespmem:v2+s30+$0xFFFFFFD0 ss:$0x1], $0xffff  }
0x19a: {  	v11 =	vld.idx.msk [tilespmem:v2+s30+$0xFFFFFFE0 ss:$0x1], $0xffff  }
0x19b: {  	[tilespmem:s30+$0x4770] =	vst.add.f32.msk $0xffff, v5  }
0x19c: {  	v5 =	vld.idx.msk [tilespmem:v2+s30+$0xFFFFFFF0 ss:$0x1], $0xffff  }
0x19d: {  	[tilespmem:s30+$0x2700] =	vst.add.f32.msk $0xffff, v6  }
0x19e: {  	[tilespmem:s30+$0x2710] =	vst.add.f32.msk $0xffff, v7  }
0x19f: {  	[tilespmem:s30+$0x2720] =	vst.add.f32.msk $0xffff, v8  }
0x1a0: {  	[tilespmem:s30+$0x2730] =	vst.add.f32.msk $0xffff, v9  }
0x1a1: {  	[tilespmem:s30+$0x2740] =	vst.add.f32.msk $0xffff, v10  }
0x1a2: {  	[tilespmem:s30+$0x2750] =	vst.add.f32.msk $0xffff, v11  }
0x1a3: {  	[tilespmem:s30+$0x2760] =	vst.add.f32.msk $0xffff, v5  }
0x1a4: {  	v5 =	vld.idx.msk [tilespmem:v3+s30+$0xFFFFFF90 ss:$0x1], $0xffff  }
0x1a5: {  	v6 =	vld.idx.msk [tilespmem:v3+s30+$0xFFFFFFA0 ss:$0x1], $0xffff  }
0x1a6: {  	v7 =	vld.idx.msk [tilespmem:v3+s30+$0xFFFFFFB0 ss:$0x1], $0xffff  }
0x1a7: {  	v8 =	vld.idx.msk [tilespmem:v3+s30+$0xFFFFFFC0 ss:$0x1], $0xffff  }
0x1a8: {  	v9 =	vld.idx.msk [tilespmem:v3+s30+$0xFFFFFFD0 ss:$0x1], $0xffff  }
0x1a9: {  	v10 =	vld.idx.msk [tilespmem:v3+s30+$0xFFFFFFE0 ss:$0x1], $0xffff  }
0x1aa: {  	v11 =	vld.idx.msk [tilespmem:v3+s30+$0xFFFFFFF0 ss:$0x1], $0xffff  }
0x1ab: {  	[tilespmem:s30+$0x4500] =	vst.add.f32.msk $0xffff, v5  }
0x1ac: {  	[tilespmem:s30+$0x4510] =	vst.add.f32.msk $0xffff, v6  }
0x1ad: {  	[tilespmem:s30+$0x4520] =	vst.add.f32.msk $0xffff, v7  }
0x1ae: {  	[tilespmem:s30+$0x4530] =	vst.add.f32.msk $0xffff, v8  }
0x1af: {  	[tilespmem:s30+$0x4540] =	vst.add.f32.msk $0xffff, v9  }
0x1b0: {  	[tilespmem:s30+$0x4550] =	vst.add.f32.msk $0xffff, v10  }
0x1b1: {  	[tilespmem:s30+$0x4560] =	vst.add.f32.msk $0xffff, v11  }
0x1b2: {  	v6 =	vld.idx.msk [tilespmem:v4+s30+$0xFFFFFF90 ss:$0x1], $0xffff  }
0x1b3: {  	v7 =	vld.idx.msk [tilespmem:v4+s30+$0xFFFFFFA0 ss:$0x1], $0xffff  }
0x1b4: {  	v8 =	vld.idx.msk [tilespmem:v4+s30+$0xFFFFFFB0 ss:$0x1], $0xffff  }
0x1b5: {  	v9 =	vld.idx.msk [tilespmem:v4+s30+$0xFFFFFFC0 ss:$0x1], $0xffff  }
0x1b6: {  	v10 =	vld.idx.msk [tilespmem:v4+s30+$0xFFFFFFD0 ss:$0x1], $0xffff  }
0x1b7: {  	v11 =	vld.idx.msk [tilespmem:v4+s30+$0xFFFFFFE0 ss:$0x1], $0xffff  }
0x1b8: {  	v5 =	vld.idx.msk [tilespmem:v4+s30+$0xFFFFFFF0 ss:$0x1], $0xffff  }
0x1b9: {  	[tilespmem:s30+$0x4700] =	vst.add.f32.msk $0xffff, v6  }
.Ltmp2:
0x1ba: {  	[tilespmem:s30+$0x4710] =	vst.add.f32.msk $0xffff, v7;
	(pc) =	sbr.rel @p1 .LBB2_7-.Ltmp2, $4  }
0x1bb: {  	[tilespmem:s30+$0x4720] =	vst.add.f32.msk $0xffff, v8  }
0x1bc: {  	[tilespmem:s30+$0x4730] =	vst.add.f32.msk $0xffff, v9  }
0x1bd: {  	[tilespmem:s30+$0x4740] =	vst.add.f32.msk $0xffff, v10  }
0x1be: {  	s0 =	sadd.s32 $0x1000, s0;
	[tilespmem:s30+$0x4750] =	vst.add.f32.msk $0xffff, v11  }
0x1bf: {  	(v2sf) =	vpush v0, $0x3;
	_ =	sdelay $0xe  }
0x1c0: {  	s0 =	spop (v2sf)  }
0x1c1: {  	(v2sf) =	vpush v0, $0x7;
	s31 =	sshll.u32 s0, $0xC;
	s0 =	sand.u32 $0x7, s0  }
0x1c2: {  	s31 =	sand.u32 $0xFFFF8000, s31;
	s0 =	sshll.u32 s0, $0x9  }
0x1c3: {  	s0 =	sor.u32 s0, s31  }
0x1c4: {  	s0 =	sshra.s32 s0, $0x2  }
0x1c5: {  	(v2sf) =	vpush v0, $0xB;
	s0 =	sor.u32 $0x70, s0  }
0x1c6: {  	(v2sf) =	vpush v0, $0xF;
	v0 =	vmov s0;
	_ =	sdelay $0x3  }
0x1c7: {  	[tilespmem:s30+$0x4760] =	vst.add.f32.msk $0xffff, v5;
	s30 =	simm.s32 $0x0  }
0x1c8: {  	v2 =	vld.idx.msk [tilespmem:v0+s30+$0x0 ss:$0x1], $0xffff  }
0x1c9: {  	v3 =	vld.idx.msk [tilespmem:v0+s30+$0xFFFFFF90 ss:$0x1], $0xffff  }
0x1ca: {  	v4 =	vld.idx.msk [tilespmem:v0+s30+$0xFFFFFFA0 ss:$0x1], $0xffff  }
0x1cb: {  	v5 =	vld.idx.msk [tilespmem:v0+s30+$0xFFFFFFB0 ss:$0x1], $0xffff  }
0x1cc: {  	v6 =	vld.idx.msk [tilespmem:v0+s30+$0xFFFFFFC0 ss:$0x1], $0xffff  }
0x1cd: {  	s0 =	spop (v2sf);
	v7 =	vld.idx.msk [tilespmem:v0+s30+$0xFFFFFFD0 ss:$0x1], $0xffff  }
0x1ce: {  	s31 =	sshll.u32 s0, $0xC;
	s0 =	sand.u32 $0x7, s0;
	v9 =	vld.idx.msk [tilespmem:v0+s30+$0xFFFFFFE0 ss:$0x1], $0xffff  }
0x1cf: {  	s31 =	sand.u32 $0xFFFF8000, s31;
	s0 =	sshll.u32 s0, $0x9;
	v10 =	vld.idx.msk [tilespmem:v0+s30+$0xFFFFFFF0 ss:$0x1], $0xffff  }
0x1d0: {  	s0 =	sor.u32 s0, s31;
	[tilespmem:s30+$0x25F0] =	vst.add.f32.msk $0xffff, v2  }
0x1d1: {  	s0 =	sshra.s32 s0, $0x2;
	[tilespmem:s30+$0x2580] =	vst.add.f32.msk $0xffff, v3  }
0x1d2: {  	s0 =	sor.u32 $0x70, s0;
	[tilespmem:s30+$0x2590] =	vst.add.f32.msk $0xffff, v4  }
0x1d3: {  	v1 =	vmov s0;
	[tilespmem:s30+$0x25A0] =	vst.add.f32.msk $0xffff, v5  }
0x1d4: {  	[tilespmem:s30+$0x25B0] =	vst.add.f32.msk $0xffff, v6  }
0x1d5: {  	[tilespmem:s30+$0x25C0] =	vst.add.f32.msk $0xffff, v7  }
0x1d6: {  	[tilespmem:s30+$0x25D0] =	vst.add.f32.msk $0xffff, v9  }
0x1d7: {  	[tilespmem:s30+$0x25E0] =	vst.add.f32.msk $0xffff, v10  }
0x1d8: {  	v8 =	vld.idx.msk [tilespmem:v1+s30+$0x0 ss:$0x1], $0xffff  }
0x1d9: {  	v5 =	vld.idx.msk [tilespmem:v1+s30+$0xFFFFFF90 ss:$0x1], $0xffff  }
0x1da: {  	v6 =	vld.idx.msk [tilespmem:v1+s30+$0xFFFFFFA0 ss:$0x1], $0xffff  }
0x1db: {  	s0 =	spop (v2sf);
	v7 =	vld.idx.msk [tilespmem:v1+s30+$0xFFFFFFB0 ss:$0x1], $0xffff  }
0x1dc: {  	s31 =	sshll.u32 s0, $0xC;
	s0 =	sand.u32 $0x7, s0;
	v55 =	vld.idx.msk [tilespmem:v1+s30+$0xFFFFFFC0 ss:$0x1], $0xffff  }
0x1dd: {  	s31 =	sand.u32 $0xFFFF8000, s31;
	s0 =	sshll.u32 s0, $0x9;
	v56 =	vld.idx.msk [tilespmem:v1+s30+$0xFFFFFFD0 ss:$0x1], $0xffff  }
0x1de: {  	s0 =	sor.u32 s0, s31;
	v57 =	vld.idx.msk [tilespmem:v1+s30+$0xFFFFFFE0 ss:$0x1], $0xffff  }
0x1df: {  	s0 =	sshra.s32 s0, $0x2;
	[tilespmem:s30+$0x27F0] =	vst.add.f32.msk $0xffff, v8  }
0x1e0: {  	s0 =	sor.u32 $0x70, s0;
	[tilespmem:s30+$0x2780] =	vst.add.f32.msk $0xffff, v5  }
0x1e1: {  	v2 =	vmov s0;
	[tilespmem:s30+$0x2790] =	vst.add.f32.msk $0xffff, v6  }
0x1e2: {  	[tilespmem:s30+$0x27A0] =	vst.add.f32.msk $0xffff, v7  }
0x1e3: {  	s0 =	spop (v2sf);
	[tilespmem:s30+$0x27B0] =	vst.add.f32.msk $0xffff, v55  }
0x1e4: {  	s31 =	sshll.u32 s0, $0xC;
	s0 =	sand.u32 $0x7, s0;
	[tilespmem:s30+$0x27C0] =	vst.add.f32.msk $0xffff, v56  }
0x1e5: {  	s31 =	sand.u32 $0xFFFF8000, s31;
	s0 =	sshll.u32 s0, $0x9;
	[tilespmem:s30+$0x27D0] =	vst.add.f32.msk $0xffff, v57  }
0x1e6: {  	s0 =	sor.u32 s0, s31;
	v4 =	vld.idx.msk [tilespmem:v2+s30+$0x0 ss:$0x1], $0xffff  }
0x1e7: {  	s0 =	sshra.s32 s0, $0x2;
	v5 =	vld.idx.msk [tilespmem:v2+s30+$0xFFFFFFA0 ss:$0x1], $0xffff  }
0x1e8: {  	s0 =	sor.u32 $0x70, s0;
	v6 =	vld.idx.msk [tilespmem:v2+s30+$0xFFFFFFB0 ss:$0x1], $0xffff  }
0x1e9: {  	v7 =	vld.idx.msk [tilespmem:v2+s30+$0xFFFFFFC0 ss:$0x1], $0xffff;
	v3 =	vmov s0  }
0x1ea: {  	v58 =	vld.idx.msk [tilespmem:v2+s30+$0xFFFFFFD0 ss:$0x1], $0xffff  }
0x1eb: {  	v59 =	vld.idx.msk [tilespmem:v2+s30+$0xFFFFFFE0 ss:$0x1], $0xffff  }
0x1ec: {  	[tilespmem:s30+$0x45F0] =	vst.add.f32.msk $0xffff, v4  }
0x1ed: {  	[tilespmem:s30+$0x4590] =	vst.add.f32.msk $0xffff, v5  }
0x1ee: {  	v4 =	vld.idx.msk [tilespmem:v3+s30+$0x0 ss:$0x1], $0xffff  }
0x1ef: {  	[tilespmem:s30+$0x45A0] =	vst.add.f32.msk $0xffff, v6  }
0x1f0: {  	[tilespmem:s30+$0x45B0] =	vst.add.f32.msk $0xffff, v7  }
0x1f1: {  	[tilespmem:s30+$0x45C0] =	vst.add.f32.msk $0xffff, v58  }
0x1f2: {  	[tilespmem:s30+$0x45D0] =	vst.add.f32.msk $0xffff, v59  }
0x1f3: {  	[tilespmem:s30+$0x47F0] =	vst.add.f32.msk $0xffff, v4  }
0x1f4: {  	v4 =	vld.idx.msk [tilespmem:v1+s30+$0xFFFFFFF0 ss:$0x1], $0xffff  }
0x1f5: {  	v6 =	vld.idx.msk [tilespmem:v3+s30+$0xFFFFFFA0 ss:$0x1], $0xffff  }
0x1f6: {  	v7 =	vld.idx.msk [tilespmem:v3+s30+$0xFFFFFFB0 ss:$0x1], $0xffff  }
0x1f7: {  	v61 =	vld.idx.msk [tilespmem:v3+s30+$0xFFFFFFC0 ss:$0x1], $0xffff  }
0x1f8: {  	v62 =	vld.idx.msk [tilespmem:v3+s30+$0xFFFFFFD0 ss:$0x1], $0xffff  }
0x1f9: {  	[tilespmem:s30+$0x27E0] =	vst.add.f32.msk $0xffff, v4  }
0x1fa: {  	v4 =	vld.idx.msk [tilespmem:v2+s30+$0xFFFFFF90 ss:$0x1], $0xffff  }
0x1fb: {  	v60 =	vld.idx.msk [tilespmem:v2+s30+$0xFFFFFFF0 ss:$0x1], $0xffff  }
0x1fc: {  	v63 =	vld.idx.msk [tilespmem:v3+s30+$0xFFFFFFE0 ss:$0x1], $0xffff  }
0x1fd: {  	[tilespmem:s30+$0x4790] =	vst.add.f32.msk $0xffff, v6  }
0x1fe: {  	[tilespmem:s30+$0x47A0] =	vst.add.f32.msk $0xffff, v7  }
0x1ff: {  	[tilespmem:s30+$0x4580] =	vst.add.f32.msk $0xffff, v4  }
0x200: {  	[tilespmem:s30+$0x45E0] =	vst.add.f32.msk $0xffff, v60  }
0x201: {  	v5 =	vld.idx.msk [tilespmem:v3+s30+$0xFFFFFF90 ss:$0x1], $0xffff  }
0x202: {  	v4 =	vld.idx.msk [tilespmem:v3+s30+$0xFFFFFFF0 ss:$0x1], $0xffff  }
0x203: {  	[tilespmem:s30+$0x47B0] =	vst.add.f32.msk $0xffff, v61  }
0x204: {  	[tilespmem:s30+$0x47C0] =	vst.add.f32.msk $0xffff, v62  }
0x205: {  	[tilespmem:s30+$0x47D0] =	vst.add.f32.msk $0xffff, v63  }
0x206: {  	s31 =	simm.s32 $0x0;
	s0 =	simm.s32 $0x1000;
	[tilespmem:s30+$0x4780] =	vst.add.f32.msk $0xffff, v5  }
.LBB2_9:
0x207: {  	s31 =	sadd.s32 $0x8, s31;
	[tilespmem:s30+$0x47E0] =	vst.add.f32.msk $0xffff, v4;
	s30 =	sshra.s32 s0, $0x2  }
0x208: {  	v4 =	vld.idx.msk [tilespmem:v0+s30+$0x0 ss:$0x1], $0xffff;
	p1 =	slt.u32 s31, $0x38  }
0x209: {  	v5 =	vld.idx.msk [tilespmem:v0+s30+$0xFFFFFF90 ss:$0x1], $0xffff  }
0x20a: {  	v6 =	vld.idx.msk [tilespmem:v0+s30+$0xFFFFFFA0 ss:$0x1], $0xffff  }
0x20b: {  	v7 =	vld.idx.msk [tilespmem:v0+s30+$0xFFFFFFB0 ss:$0x1], $0xffff  }
0x20c: {  	v8 =	vld.idx.msk [tilespmem:v0+s30+$0xFFFFFFC0 ss:$0x1], $0xffff  }
0x20d: {  	v9 =	vld.idx.msk [tilespmem:v0+s30+$0xFFFFFFD0 ss:$0x1], $0xffff  }
0x20e: {  	[tilespmem:s30+$0x25F0] =	vst.add.f32.msk $0xffff, v4  }
0x20f: {  	v4 =	vld.idx.msk [tilespmem:v1+s30+$0x0 ss:$0x1], $0xffff  }
0x210: {  	v10 =	vld.idx.msk [tilespmem:v0+s30+$0xFFFFFFE0 ss:$0x1], $0xffff  }
0x211: {  	v11 =	vld.idx.msk [tilespmem:v0+s30+$0xFFFFFFF0 ss:$0x1], $0xffff  }
0x212: {  	[tilespmem:s30+$0x2580] =	vst.add.f32.msk $0xffff, v5  }
0x213: {  	[tilespmem:s30+$0x2590] =	vst.add.f32.msk $0xffff, v6  }
0x214: {  	[tilespmem:s30+$0x25A0] =	vst.add.f32.msk $0xffff, v7  }
0x215: {  	[tilespmem:s30+$0x27F0] =	vst.add.f32.msk $0xffff, v4  }
0x216: {  	v4 =	vld.idx.msk [tilespmem:v2+s30+$0x0 ss:$0x1], $0xffff  }
0x217: {  	[tilespmem:s30+$0x25B0] =	vst.add.f32.msk $0xffff, v8  }
0x218: {  	[tilespmem:s30+$0x25C0] =	vst.add.f32.msk $0xffff, v9  }
0x219: {  	[tilespmem:s30+$0x25D0] =	vst.add.f32.msk $0xffff, v10  }
0x21a: {  	[tilespmem:s30+$0x25E0] =	vst.add.f32.msk $0xffff, v11  }
0x21b: {  	v5 =	vld.idx.msk [tilespmem:v1+s30+$0xFFFFFF90 ss:$0x1], $0xffff  }
0x21c: {  	[tilespmem:s30+$0x45F0] =	vst.add.f32.msk $0xffff, v4  }
0x21d: {  	v4 =	vld.idx.msk [tilespmem:v3+s30+$0x0 ss:$0x1], $0xffff  }
0x21e: {  	v6 =	vld.idx.msk [tilespmem:v1+s30+$0xFFFFFFA0 ss:$0x1], $0xffff  }
0x21f: {  	v7 =	vld.idx.msk [tilespmem:v1+s30+$0xFFFFFFB0 ss:$0x1], $0xffff  }
0x220: {  	v8 =	vld.idx.msk [tilespmem:v1+s30+$0xFFFFFFC0 ss:$0x1], $0xffff  }
0x221: {  	v9 =	vld.idx.msk [tilespmem:v1+s30+$0xFFFFFFD0 ss:$0x1], $0xffff  }
0x222: {  	v10 =	vld.idx.msk [tilespmem:v1+s30+$0xFFFFFFE0 ss:$0x1], $0xffff  }
0x223: {  	[tilespmem:s30+$0x47F0] =	vst.add.f32.msk $0xffff, v4  }
0x224: {  	v4 =	vld.idx.msk [tilespmem:v1+s30+$0xFFFFFFF0 ss:$0x1], $0xffff  }
0x225: {  	[tilespmem:s30+$0x2780] =	vst.add.f32.msk $0xffff, v5  }
0x226: {  	[tilespmem:s30+$0x2790] =	vst.add.f32.msk $0xffff, v6  }
0x227: {  	[tilespmem:s30+$0x27A0] =	vst.add.f32.msk $0xffff, v7  }
0x228: {  	[tilespmem:s30+$0x27B0] =	vst.add.f32.msk $0xffff, v8  }
0x229: {  	[tilespmem:s30+$0x27C0] =	vst.add.f32.msk $0xffff, v9  }
0x22a: {  	[tilespmem:s30+$0x27D0] =	vst.add.f32.msk $0xffff, v10  }
0x22b: {  	[tilespmem:s30+$0x27E0] =	vst.add.f32.msk $0xffff, v4  }
0x22c: {  	v4 =	vld.idx.msk [tilespmem:v2+s30+$0xFFFFFF90 ss:$0x1], $0xffff  }
0x22d: {  	v5 =	vld.idx.msk [tilespmem:v2+s30+$0xFFFFFFA0 ss:$0x1], $0xffff  }
0x22e: {  	v6 =	vld.idx.msk [tilespmem:v2+s30+$0xFFFFFFB0 ss:$0x1], $0xffff  }
0x22f: {  	v7 =	vld.idx.msk [tilespmem:v2+s30+$0xFFFFFFC0 ss:$0x1], $0xffff  }
0x230: {  	v8 =	vld.idx.msk [tilespmem:v2+s30+$0xFFFFFFD0 ss:$0x1], $0xffff  }
0x231: {  	v9 =	vld.idx.msk [tilespmem:v2+s30+$0xFFFFFFE0 ss:$0x1], $0xffff  }
0x232: {  	v10 =	vld.idx.msk [tilespmem:v2+s30+$0xFFFFFFF0 ss:$0x1], $0xffff  }
0x233: {  	[tilespmem:s30+$0x4580] =	vst.add.f32.msk $0xffff, v4  }
0x234: {  	[tilespmem:s30+$0x4590] =	vst.add.f32.msk $0xffff, v5  }
0x235: {  	[tilespmem:s30+$0x45A0] =	vst.add.f32.msk $0xffff, v6  }
0x236: {  	[tilespmem:s30+$0x45B0] =	vst.add.f32.msk $0xffff, v7  }
0x237: {  	[tilespmem:s30+$0x45C0] =	vst.add.f32.msk $0xffff, v8  }
0x238: {  	[tilespmem:s30+$0x45D0] =	vst.add.f32.msk $0xffff, v9  }
0x239: {  	[tilespmem:s30+$0x45E0] =	vst.add.f32.msk $0xffff, v10  }
0x23a: {  	v5 =	vld.idx.msk [tilespmem:v3+s30+$0xFFFFFF90 ss:$0x1], $0xffff  }
0x23b: {  	v6 =	vld.idx.msk [tilespmem:v3+s30+$0xFFFFFFA0 ss:$0x1], $0xffff  }
0x23c: {  	v7 =	vld.idx.msk [tilespmem:v3+s30+$0xFFFFFFB0 ss:$0x1], $0xffff  }
0x23d: {  	v8 =	vld.idx.msk [tilespmem:v3+s30+$0xFFFFFFC0 ss:$0x1], $0xffff  }
0x23e: {  	v9 =	vld.idx.msk [tilespmem:v3+s30+$0xFFFFFFD0 ss:$0x1], $0xffff  }
0x23f: {  	v10 =	vld.idx.msk [tilespmem:v3+s30+$0xFFFFFFE0 ss:$0x1], $0xffff  }
0x240: {  	v4 =	vld.idx.msk [tilespmem:v3+s30+$0xFFFFFFF0 ss:$0x1], $0xffff  }
0x241: {  	[tilespmem:s30+$0x4780] =	vst.add.f32.msk $0xffff, v5  }
.Ltmp3:
0x242: {  	[tilespmem:s30+$0x4790] =	vst.add.f32.msk $0xffff, v6;
	(pc) =	sbr.rel @p1 .LBB2_9-.Ltmp3, $4  }
0x243: {  	[tilespmem:s30+$0x47A0] =	vst.add.f32.msk $0xffff, v7  }
0x244: {  	[tilespmem:s30+$0x47B0] =	vst.add.f32.msk $0xffff, v8  }
0x245: {  	[tilespmem:s30+$0x47C0] =	vst.add.f32.msk $0xffff, v9  }
0x246: {  	s0 =	sadd.s32 $0x1000, s0;
	[tilespmem:s30+$0x47D0] =	vst.add.f32.msk $0xffff, v10  }
0x247: {  	s0 =	sadd.s32 s5, s29  }
0x248: {  	s0 =	sshll.u32 s0, $0x7  }
0x249: {  	[tilespmem:s30+$0x47E0] =	vst.add.f32.msk $0xffff, v4;
	s0 =	sadd.s32 s3, s0  }
0x24a: {  	[hbm4b:s0+s4] =	stream.linear.scatter [tilespmem:s12], [sflag:$0x5], $0x4000, $0x38;
	[tilespmem:$0x12400] =	vst v63  }
0x24b: {  	s0 =	simm.s32 @!p0 $0x7  }
0x24c: {  	s29 =	sor.u32 $0x2, s26;
	_ =	swait.ge @!p0 [sflag:s0], $0x4000  }
0x24d: {  	s30 =	sshll.u32 s29, $0xB;
	[sflag:s0] =	ssyncset.done @!p0 $0x0  }
0x24e: {  	[sflag:s0] =	ssyncadd.s32 @!p0 $0xFFFFC000;
	s0 =	sadd.s32 s30, s6;
	s30 =	simm.s32 $0x0  }
0x24f: {  	[tilespmem:s15], [sflag:$0x3] =	stream.linear.gather [hbm4b:s0+s30], $0x4000, $0x38;
	[tilespmem:$0x12400] =	vst v63  }
0x250: {  	_ =	swait.ge [sflag:s16], $0x4000  }
0x251: {  	[sflag:s16] =	ssyncset.done $0x0  }
0x252: {  	s28 =	sshll.u32 s28, $0x4;
	[sflag:s16] =	ssyncadd.s32 $0xFFFFC000  }
0x253: {  	v0 =	vld [tilespmem:s28+$0x2000];
	_ =	sdelay $0x4  }
0x254: {  	(v2sf) =	vpush v0, $0x0;
	_ =	sdelay $0x6  }
0x255: {  	(v2sf) =	vpush v0, $0x4;
	_ =	sdelay $0x7  }
0x256: {  	s0 =	spop (v2sf)  }
0x257: {  	s30 =	sshll.u32 s0, $0xC;
	s0 =	sand.u32 $0x7, s0  }
0x258: {  	s30 =	sand.u32 $0xFFFF8000, s30;
	s0 =	sshll.u32 s0, $0x9  }
0x259: {  	s0 =	sor.u32 s0, s30  }
0x25a: {  	s0 =	sshra.s32 s0, $0x2  }
0x25b: {  	s0 =	sor.u32 $0x70, s0  }
0x25c: {  	v1 =	vmov s0  }
0x25d: {  	s0 =	spop (v2sf)  }
0x25e: {  	s30 =	sshll.u32 s0, $0xC;
	s0 =	sand.u32 $0x7, s0  }
0x25f: {  	s30 =	sand.u32 $0xFFFF8000, s30;
	s0 =	sshll.u32 s0, $0x9  }
0x260: {  	s0 =	sor.u32 s0, s30;
	s30 =	simm.s32 $0x0  }
0x261: {  	v3 =	vld.idx.msk [tilespmem:v1+s30+$0x0 ss:$0x1], $0xffff  }
0x262: {  	v4 =	vld.idx.msk [tilespmem:v1+s30+$0xFFFFFF90 ss:$0x1], $0xffff  }
0x263: {  	v5 =	vld.idx.msk [tilespmem:v1+s30+$0xFFFFFFA0 ss:$0x1], $0xffff  }
0x264: {  	v6 =	vld.idx.msk [tilespmem:v1+s30+$0xFFFFFFB0 ss:$0x1], $0xffff  }
0x265: {  	(v2sf) =	vpush v0, $0x8;
	v7 =	vld.idx.msk [tilespmem:v1+s30+$0xFFFFFFC0 ss:$0x1], $0xffff  }
0x266: {  	v8 =	vld.idx.msk [tilespmem:v1+s30+$0xFFFFFFD0 ss:$0x1], $0xffff  }
0x267: {  	v10 =	vld.idx.msk [tilespmem:v1+s30+$0xFFFFFFE0 ss:$0x1], $0xffff  }
0x268: {  	v11 =	vld.idx.msk [tilespmem:v1+s30+$0xFFFFFFF0 ss:$0x1], $0xffff  }
0x269: {  	[tilespmem:s30+$0x6470] =	vst.add.f32.msk $0xffff, v3  }
0x26a: {  	s0 =	sshra.s32 s0, $0x2;
	[tilespmem:s30+$0x6400] =	vst.add.f32.msk $0xffff, v4  }
0x26b: {  	s0 =	sor.u32 $0x70, s0;
	[tilespmem:s30+$0x6410] =	vst.add.f32.msk $0xffff, v5  }
0x26c: {  	v2 =	vmov s0;
	[tilespmem:s30+$0x6420] =	vst.add.f32.msk $0xffff, v6  }
0x26d: {  	(v2sf) =	vpush v0, $0xC;
	[tilespmem:s30+$0x6430] =	vst.add.f32.msk $0xffff, v7  }
0x26e: {  	[tilespmem:s30+$0x6440] =	vst.add.f32.msk $0xffff, v8  }
0x26f: {  	[tilespmem:s30+$0x6450] =	vst.add.f32.msk $0xffff, v10  }
0x270: {  	[tilespmem:s30+$0x6460] =	vst.add.f32.msk $0xffff, v11  }
0x271: {  	v9 =	vld.idx.msk [tilespmem:v2+s30+$0x0 ss:$0x1], $0xffff  }
0x272: {  	v6 =	vld.idx.msk [tilespmem:v2+s30+$0xFFFFFF90 ss:$0x1], $0xffff  }
0x273: {  	v7 =	vld.idx.msk [tilespmem:v2+s30+$0xFFFFFFA0 ss:$0x1], $0xffff  }
0x274: {  	s0 =	spop (v2sf);
	v52 =	vld.idx.msk [tilespmem:v2+s30+$0xFFFFFFB0 ss:$0x1], $0xffff  }
0x275: {  	s31 =	sshll.u32 s0, $0xC;
	s0 =	sand.u32 $0x7, s0;
	v53 =	vld.idx.msk [tilespmem:v2+s30+$0xFFFFFFC0 ss:$0x1], $0xffff  }
0x276: {  	s31 =	sand.u32 $0xFFFF8000, s31;
	s0 =	sshll.u32 s0, $0x9;
	v54 =	vld.idx.msk [tilespmem:v2+s30+$0xFFFFFFD0 ss:$0x1], $0xffff  }
0x277: {  	s0 =	sor.u32 s0, s31;
	v55 =	vld.idx.msk [tilespmem:v2+s30+$0xFFFFFFE0 ss:$0x1], $0xffff  }
0x278: {  	s0 =	sshra.s32 s0, $0x2;
	[tilespmem:s30+$0x6670] =	vst.add.f32.msk $0xffff, v9  }
0x279: {  	s0 =	sor.u32 $0x70, s0;
	[tilespmem:s30+$0x6600] =	vst.add.f32.msk $0xffff, v6  }
0x27a: {  	v3 =	vmov s0;
	[tilespmem:s30+$0x6610] =	vst.add.f32.msk $0xffff, v7  }
0x27b: {  	[tilespmem:s30+$0x6620] =	vst.add.f32.msk $0xffff, v52  }
0x27c: {  	s0 =	spop (v2sf);
	[tilespmem:s30+$0x6630] =	vst.add.f32.msk $0xffff, v53  }
0x27d: {  	s31 =	sshll.u32 s0, $0xC;
	s0 =	sand.u32 $0x7, s0;
	[tilespmem:s30+$0x6640] =	vst.add.f32.msk $0xffff, v54  }
0x27e: {  	s31 =	sand.u32 $0xFFFF8000, s31;
	s0 =	sshll.u32 s0, $0x9;
	[tilespmem:s30+$0x6650] =	vst.add.f32.msk $0xffff, v55  }
0x27f: {  	s0 =	sor.u32 s0, s31;
	v5 =	vld.idx.msk [tilespmem:v3+s30+$0x0 ss:$0x1], $0xffff  }
0x280: {  	s0 =	sshra.s32 s0, $0x2;
	v6 =	vld.idx.msk [tilespmem:v3+s30+$0xFFFFFFA0 ss:$0x1], $0xffff  }
0x281: {  	s0 =	sor.u32 $0x70, s0;
	v7 =	vld.idx.msk [tilespmem:v3+s30+$0xFFFFFFB0 ss:$0x1], $0xffff  }
0x282: {  	v56 =	vld.idx.msk [tilespmem:v3+s30+$0xFFFFFFC0 ss:$0x1], $0xffff;
	v4 =	vmov s0  }
0x283: {  	v57 =	vld.idx.msk [tilespmem:v3+s30+$0xFFFFFFD0 ss:$0x1], $0xffff  }
0x284: {  	v58 =	vld.idx.msk [tilespmem:v3+s30+$0xFFFFFFE0 ss:$0x1], $0xffff  }
0x285: {  	[tilespmem:s30+$0x8470] =	vst.add.f32.msk $0xffff, v5  }
0x286: {  	[tilespmem:s30+$0x8410] =	vst.add.f32.msk $0xffff, v6  }
0x287: {  	v5 =	vld.idx.msk [tilespmem:v4+s30+$0x0 ss:$0x1], $0xffff  }
0x288: {  	[tilespmem:s30+$0x8420] =	vst.add.f32.msk $0xffff, v7  }
0x289: {  	[tilespmem:s30+$0x8430] =	vst.add.f32.msk $0xffff, v56  }
0x28a: {  	[tilespmem:s30+$0x8440] =	vst.add.f32.msk $0xffff, v57  }
0x28b: {  	[tilespmem:s30+$0x8450] =	vst.add.f32.msk $0xffff, v58  }
0x28c: {  	[tilespmem:s30+$0x8670] =	vst.add.f32.msk $0xffff, v5  }
0x28d: {  	v5 =	vld.idx.msk [tilespmem:v2+s30+$0xFFFFFFF0 ss:$0x1], $0xffff  }
0x28e: {  	v7 =	vld.idx.msk [tilespmem:v4+s30+$0xFFFFFFA0 ss:$0x1], $0xffff  }
0x28f: {  	v60 =	vld.idx.msk [tilespmem:v4+s30+$0xFFFFFFB0 ss:$0x1], $0xffff  }
0x290: {  	v61 =	vld.idx.msk [tilespmem:v4+s30+$0xFFFFFFC0 ss:$0x1], $0xffff  }
0x291: {  	v62 =	vld.idx.msk [tilespmem:v4+s30+$0xFFFFFFD0 ss:$0x1], $0xffff  }
0x292: {  	[tilespmem:s30+$0x6660] =	vst.add.f32.msk $0xffff, v5  }
0x293: {  	v5 =	vld.idx.msk [tilespmem:v3+s30+$0xFFFFFF90 ss:$0x1], $0xffff  }
0x294: {  	v59 =	vld.idx.msk [tilespmem:v3+s30+$0xFFFFFFF0 ss:$0x1], $0xffff  }
0x295: {  	v63 =	vld.idx.msk [tilespmem:v4+s30+$0xFFFFFFE0 ss:$0x1], $0xffff  }
0x296: {  	[tilespmem:s30+$0x8610] =	vst.add.f32.msk $0xffff, v7  }
0x297: {  	[tilespmem:s30+$0x8620] =	vst.add.f32.msk $0xffff, v60  }
0x298: {  	[tilespmem:s30+$0x8400] =	vst.add.f32.msk $0xffff, v5  }
0x299: {  	[tilespmem:s30+$0x8460] =	vst.add.f32.msk $0xffff, v59  }
0x29a: {  	v6 =	vld.idx.msk [tilespmem:v4+s30+$0xFFFFFF90 ss:$0x1], $0xffff  }
0x29b: {  	v5 =	vld.idx.msk [tilespmem:v4+s30+$0xFFFFFFF0 ss:$0x1], $0xffff  }
0x29c: {  	[tilespmem:s30+$0x8630] =	vst.add.f32.msk $0xffff, v61  }
0x29d: {  	[tilespmem:s30+$0x8640] =	vst.add.f32.msk $0xffff, v62  }
0x29e: {  	[tilespmem:s30+$0x8650] =	vst.add.f32.msk $0xffff, v63  }
0x29f: {  	s31 =	simm.s32 $0x0;
	s0 =	simm.s32 $0x1000;
	[tilespmem:s30+$0x8600] =	vst.add.f32.msk $0xffff, v6  }
.LBB2_11:
0x2a0: {  	s31 =	sadd.s32 $0x8, s31;
	[tilespmem:s30+$0x8660] =	vst.add.f32.msk $0xffff, v5;
	s30 =	sshra.s32 s0, $0x2  }
0x2a1: {  	v5 =	vld.idx.msk [tilespmem:v1+s30+$0x0 ss:$0x1], $0xffff;
	p1 =	slt.u32 s31, $0x38  }
0x2a2: {  	v6 =	vld.idx.msk [tilespmem:v1+s30+$0xFFFFFF90 ss:$0x1], $0xffff  }
0x2a3: {  	v7 =	vld.idx.msk [tilespmem:v1+s30+$0xFFFFFFA0 ss:$0x1], $0xffff  }
0x2a4: {  	v8 =	vld.idx.msk [tilespmem:v1+s30+$0xFFFFFFB0 ss:$0x1], $0xffff  }
0x2a5: {  	v9 =	vld.idx.msk [tilespmem:v1+s30+$0xFFFFFFC0 ss:$0x1], $0xffff  }
0x2a6: {  	v10 =	vld.idx.msk [tilespmem:v1+s30+$0xFFFFFFD0 ss:$0x1], $0xffff  }
0x2a7: {  	[tilespmem:s30+$0x6470] =	vst.add.f32.msk $0xffff, v5  }
0x2a8: {  	v5 =	vld.idx.msk [tilespmem:v2+s30+$0x0 ss:$0x1], $0xffff  }
0x2a9: {  	v11 =	vld.idx.msk [tilespmem:v1+s30+$0xFFFFFFE0 ss:$0x1], $0xffff  }
0x2aa: {  	v12 =	vld.idx.msk [tilespmem:v1+s30+$0xFFFFFFF0 ss:$0x1], $0xffff  }
0x2ab: {  	[tilespmem:s30+$0x6400] =	vst.add.f32.msk $0xffff, v6  }
0x2ac: {  	[tilespmem:s30+$0x6410] =	vst.add.f32.msk $0xffff, v7  }
0x2ad: {  	[tilespmem:s30+$0x6420] =	vst.add.f32.msk $0xffff, v8  }
0x2ae: {  	[tilespmem:s30+$0x6670] =	vst.add.f32.msk $0xffff, v5  }
0x2af: {  	v5 =	vld.idx.msk [tilespmem:v3+s30+$0x0 ss:$0x1], $0xffff  }
0x2b0: {  	[tilespmem:s30+$0x6430] =	vst.add.f32.msk $0xffff, v9  }
0x2b1: {  	[tilespmem:s30+$0x6440] =	vst.add.f32.msk $0xffff, v10  }
0x2b2: {  	[tilespmem:s30+$0x6450] =	vst.add.f32.msk $0xffff, v11  }
0x2b3: {  	[tilespmem:s30+$0x6460] =	vst.add.f32.msk $0xffff, v12  }
0x2b4: {  	v6 =	vld.idx.msk [tilespmem:v2+s30+$0xFFFFFF90 ss:$0x1], $0xffff  }
0x2b5: {  	[tilespmem:s30+$0x8470] =	vst.add.f32.msk $0xffff, v5  }
0x2b6: {  	v5 =	vld.idx.msk [tilespmem:v4+s30+$0x0 ss:$0x1], $0xffff  }
0x2b7: {  	v7 =	vld.idx.msk [tilespmem:v2+s30+$0xFFFFFFA0 ss:$0x1], $0xffff  }
0x2b8: {  	v8 =	vld.idx.msk [tilespmem:v2+s30+$0xFFFFFFB0 ss:$0x1], $0xffff  }
0x2b9: {  	v9 =	vld.idx.msk [tilespmem:v2+s30+$0xFFFFFFC0 ss:$0x1], $0xffff  }
0x2ba: {  	v10 =	vld.idx.msk [tilespmem:v2+s30+$0xFFFFFFD0 ss:$0x1], $0xffff  }
0x2bb: {  	v11 =	vld.idx.msk [tilespmem:v2+s30+$0xFFFFFFE0 ss:$0x1], $0xffff  }
0x2bc: {  	[tilespmem:s30+$0x8670] =	vst.add.f32.msk $0xffff, v5  }
0x2bd: {  	v5 =	vld.idx.msk [tilespmem:v2+s30+$0xFFFFFFF0 ss:$0x1], $0xffff  }
0x2be: {  	[tilespmem:s30+$0x6600] =	vst.add.f32.msk $0xffff, v6  }
0x2bf: {  	[tilespmem:s30+$0x6610] =	vst.add.f32.msk $0xffff, v7  }
0x2c0: {  	[tilespmem:s30+$0x6620] =	vst.add.f32.msk $0xffff, v8  }
0x2c1: {  	[tilespmem:s30+$0x6630] =	vst.add.f32.msk $0xffff, v9  }
0x2c2: {  	[tilespmem:s30+$0x6640] =	vst.add.f32.msk $0xffff, v10  }
0x2c3: {  	[tilespmem:s30+$0x6650] =	vst.add.f32.msk $0xffff, v11  }
0x2c4: {  	[tilespmem:s30+$0x6660] =	vst.add.f32.msk $0xffff, v5  }
0x2c5: {  	v5 =	vld.idx.msk [tilespmem:v3+s30+$0xFFFFFF90 ss:$0x1], $0xffff  }
0x2c6: {  	v6 =	vld.idx.msk [tilespmem:v3+s30+$0xFFFFFFA0 ss:$0x1], $0xffff  }
0x2c7: {  	v7 =	vld.idx.msk [tilespmem:v3+s30+$0xFFFFFFB0 ss:$0x1], $0xffff  }
0x2c8: {  	v8 =	vld.idx.msk [tilespmem:v3+s30+$0xFFFFFFC0 ss:$0x1], $0xffff  }
0x2c9: {  	v9 =	vld.idx.msk [tilespmem:v3+s30+$0xFFFFFFD0 ss:$0x1], $0xffff  }
0x2ca: {  	v10 =	vld.idx.msk [tilespmem:v3+s30+$0xFFFFFFE0 ss:$0x1], $0xffff  }
0x2cb: {  	v11 =	vld.idx.msk [tilespmem:v3+s30+$0xFFFFFFF0 ss:$0x1], $0xffff  }
0x2cc: {  	[tilespmem:s30+$0x8400] =	vst.add.f32.msk $0xffff, v5  }
0x2cd: {  	[tilespmem:s30+$0x8410] =	vst.add.f32.msk $0xffff, v6  }
0x2ce: {  	[tilespmem:s30+$0x8420] =	vst.add.f32.msk $0xffff, v7  }
0x2cf: {  	[tilespmem:s30+$0x8430] =	vst.add.f32.msk $0xffff, v8  }
0x2d0: {  	[tilespmem:s30+$0x8440] =	vst.add.f32.msk $0xffff, v9  }
0x2d1: {  	[tilespmem:s30+$0x8450] =	vst.add.f32.msk $0xffff, v10  }
0x2d2: {  	[tilespmem:s30+$0x8460] =	vst.add.f32.msk $0xffff, v11  }
0x2d3: {  	v6 =	vld.idx.msk [tilespmem:v4+s30+$0xFFFFFF90 ss:$0x1], $0xffff  }
0x2d4: {  	v7 =	vld.idx.msk [tilespmem:v4+s30+$0xFFFFFFA0 ss:$0x1], $0xffff  }
0x2d5: {  	v8 =	vld.idx.msk [tilespmem:v4+s30+$0xFFFFFFB0 ss:$0x1], $0xffff  }
0x2d6: {  	v9 =	vld.idx.msk [tilespmem:v4+s30+$0xFFFFFFC0 ss:$0x1], $0xffff  }
0x2d7: {  	v10 =	vld.idx.msk [tilespmem:v4+s30+$0xFFFFFFD0 ss:$0x1], $0xffff  }
0x2d8: {  	v11 =	vld.idx.msk [tilespmem:v4+s30+$0xFFFFFFE0 ss:$0x1], $0xffff  }
0x2d9: {  	v5 =	vld.idx.msk [tilespmem:v4+s30+$0xFFFFFFF0 ss:$0x1], $0xffff  }
0x2da: {  	[tilespmem:s30+$0x8600] =	vst.add.f32.msk $0xffff, v6  }
.Ltmp4:
0x2db: {  	[tilespmem:s30+$0x8610] =	vst.add.f32.msk $0xffff, v7;
	(pc) =	sbr.rel @p1 .LBB2_11-.Ltmp4, $4  }
0x2dc: {  	[tilespmem:s30+$0x8620] =	vst.add.f32.msk $0xffff, v8  }
0x2dd: {  	[tilespmem:s30+$0x8630] =	vst.add.f32.msk $0xffff, v9  }
0x2de: {  	[tilespmem:s30+$0x8640] =	vst.add.f32.msk $0xffff, v10  }
0x2df: {  	s0 =	sadd.s32 $0x1000, s0;
	[tilespmem:s30+$0x8650] =	vst.add.f32.msk $0xffff, v11  }
0x2e0: {  	(v2sf) =	vpush v0, $0x1;
	_ =	sdelay $0xe  }
0x2e1: {  	s0 =	spop (v2sf)  }
0x2e2: {  	(v2sf) =	vpush v0, $0x5;
	s31 =	sshll.u32 s0, $0xC;
	s0 =	sand.u32 $0x7, s0  }
0x2e3: {  	s31 =	sand.u32 $0xFFFF8000, s31;
	s0 =	sshll.u32 s0, $0x9  }
0x2e4: {  	s0 =	sor.u32 s0, s31  }
0x2e5: {  	s0 =	sshra.s32 s0, $0x2  }
0x2e6: {  	s0 =	sor.u32 $0x70, s0  }
0x2e7: {  	v1 =	vmov s0;
	_ =	sdelay $0x3  }
0x2e8: {  	[tilespmem:s30+$0x8660] =	vst.add.f32.msk $0xffff, v5;
	s30 =	simm.s32 $0x0  }
0x2e9: {  	v3 =	vld.idx.msk [tilespmem:v1+s30+$0x0 ss:$0x1], $0xffff  }
0x2ea: {  	v4 =	vld.idx.msk [tilespmem:v1+s30+$0xFFFFFF90 ss:$0x1], $0xffff  }
0x2eb: {  	v5 =	vld.idx.msk [tilespmem:v1+s30+$0xFFFFFFA0 ss:$0x1], $0xffff  }
0x2ec: {  	v6 =	vld.idx.msk [tilespmem:v1+s30+$0xFFFFFFB0 ss:$0x1], $0xffff  }
0x2ed: {  	(v2sf) =	vpush v0, $0x9;
	v7 =	vld.idx.msk [tilespmem:v1+s30+$0xFFFFFFC0 ss:$0x1], $0xffff  }
0x2ee: {  	s0 =	spop (v2sf);
	v8 =	vld.idx.msk [tilespmem:v1+s30+$0xFFFFFFD0 ss:$0x1], $0xffff  }
0x2ef: {  	s31 =	sshll.u32 s0, $0xC;
	s0 =	sand.u32 $0x7, s0;
	v10 =	vld.idx.msk [tilespmem:v1+s30+$0xFFFFFFE0 ss:$0x1], $0xffff  }
0x2f0: {  	s31 =	sand.u32 $0xFFFF8000, s31;
	s0 =	sshll.u32 s0, $0x9;
	v11 =	vld.idx.msk [tilespmem:v1+s30+$0xFFFFFFF0 ss:$0x1], $0xffff  }
0x2f1: {  	s0 =	sor.u32 s0, s31;
	[tilespmem:s30+$0x64F0] =	vst.add.f32.msk $0xffff, v3  }
0x2f2: {  	s0 =	sshra.s32 s0, $0x2;
	[tilespmem:s30+$0x6480] =	vst.add.f32.msk $0xffff, v4  }
0x2f3: {  	s0 =	sor.u32 $0x70, s0;
	[tilespmem:s30+$0x6490] =	vst.add.f32.msk $0xffff, v5  }
0x2f4: {  	v2 =	vmov s0;
	[tilespmem:s30+$0x64A0] =	vst.add.f32.msk $0xffff, v6  }
0x2f5: {  	(v2sf) =	vpush v0, $0xD;
	[tilespmem:s30+$0x64B0] =	vst.add.f32.msk $0xffff, v7  }
0x2f6: {  	[tilespmem:s30+$0x64C0] =	vst.add.f32.msk $0xffff, v8  }
0x2f7: {  	[tilespmem:s30+$0x64D0] =	vst.add.f32.msk $0xffff, v10  }
0x2f8: {  	[tilespmem:s30+$0x64E0] =	vst.add.f32.msk $0xffff, v11  }
0x2f9: {  	v9 =	vld.idx.msk [tilespmem:v2+s30+$0x0 ss:$0x1], $0xffff  }
0x2fa: {  	v6 =	vld.idx.msk [tilespmem:v2+s30+$0xFFFFFF90 ss:$0x1], $0xffff  }
0x2fb: {  	v7 =	vld.idx.msk [tilespmem:v2+s30+$0xFFFFFFA0 ss:$0x1], $0xffff  }
0x2fc: {  	s0 =	spop (v2sf);
	v52 =	vld.idx.msk [tilespmem:v2+s30+$0xFFFFFFB0 ss:$0x1], $0xffff  }
0x2fd: {  	s31 =	sshll.u32 s0, $0xC;
	s0 =	sand.u32 $0x7, s0;
	v53 =	vld.idx.msk [tilespmem:v2+s30+$0xFFFFFFC0 ss:$0x1], $0xffff  }
0x2fe: {  	s31 =	sand.u32 $0xFFFF8000, s31;
	s0 =	sshll.u32 s0, $0x9;
	v54 =	vld.idx.msk [tilespmem:v2+s30+$0xFFFFFFD0 ss:$0x1], $0xffff  }
0x2ff: {  	s0 =	sor.u32 s0, s31;
	v55 =	vld.idx.msk [tilespmem:v2+s30+$0xFFFFFFE0 ss:$0x1], $0xffff  }
0x300: {  	s0 =	sshra.s32 s0, $0x2;
	[tilespmem:s30+$0x66F0] =	vst.add.f32.msk $0xffff, v9  }
0x301: {  	s0 =	sor.u32 $0x70, s0;
	[tilespmem:s30+$0x6680] =	vst.add.f32.msk $0xffff, v6  }
0x302: {  	v3 =	vmov s0;
	[tilespmem:s30+$0x6690] =	vst.add.f32.msk $0xffff, v7  }
0x303: {  	[tilespmem:s30+$0x66A0] =	vst.add.f32.msk $0xffff, v52  }
0x304: {  	s0 =	spop (v2sf);
	[tilespmem:s30+$0x66B0] =	vst.add.f32.msk $0xffff, v53  }
0x305: {  	s31 =	sshll.u32 s0, $0xC;
	s0 =	sand.u32 $0x7, s0;
	[tilespmem:s30+$0x66C0] =	vst.add.f32.msk $0xffff, v54  }
0x306: {  	s31 =	sand.u32 $0xFFFF8000, s31;
	s0 =	sshll.u32 s0, $0x9;
	[tilespmem:s30+$0x66D0] =	vst.add.f32.msk $0xffff, v55  }
0x307: {  	s0 =	sor.u32 s0, s31;
	v5 =	vld.idx.msk [tilespmem:v3+s30+$0x0 ss:$0x1], $0xffff  }
0x308: {  	s0 =	sshra.s32 s0, $0x2;
	v6 =	vld.idx.msk [tilespmem:v3+s30+$0xFFFFFFA0 ss:$0x1], $0xffff  }
0x309: {  	s0 =	sor.u32 $0x70, s0;
	v7 =	vld.idx.msk [tilespmem:v3+s30+$0xFFFFFFB0 ss:$0x1], $0xffff  }
0x30a: {  	v56 =	vld.idx.msk [tilespmem:v3+s30+$0xFFFFFFC0 ss:$0x1], $0xffff;
	v4 =	vmov s0  }
0x30b: {  	v57 =	vld.idx.msk [tilespmem:v3+s30+$0xFFFFFFD0 ss:$0x1], $0xffff  }
0x30c: {  	v58 =	vld.idx.msk [tilespmem:v3+s30+$0xFFFFFFE0 ss:$0x1], $0xffff  }
0x30d: {  	[tilespmem:s30+$0x84F0] =	vst.add.f32.msk $0xffff, v5  }
0x30e: {  	[tilespmem:s30+$0x8490] =	vst.add.f32.msk $0xffff, v6  }
0x30f: {  	v5 =	vld.idx.msk [tilespmem:v4+s30+$0x0 ss:$0x1], $0xffff  }
0x310: {  	[tilespmem:s30+$0x84A0] =	vst.add.f32.msk $0xffff, v7  }
0x311: {  	[tilespmem:s30+$0x84B0] =	vst.add.f32.msk $0xffff, v56  }
0x312: {  	[tilespmem:s30+$0x84C0] =	vst.add.f32.msk $0xffff, v57  }
0x313: {  	[tilespmem:s30+$0x84D0] =	vst.add.f32.msk $0xffff, v58  }
0x314: {  	[tilespmem:s30+$0x86F0] =	vst.add.f32.msk $0xffff, v5  }
0x315: {  	v5 =	vld.idx.msk [tilespmem:v2+s30+$0xFFFFFFF0 ss:$0x1], $0xffff  }
0x316: {  	v7 =	vld.idx.msk [tilespmem:v4+s30+$0xFFFFFFA0 ss:$0x1], $0xffff  }
0x317: {  	v60 =	vld.idx.msk [tilespmem:v4+s30+$0xFFFFFFB0 ss:$0x1], $0xffff  }
0x318: {  	v61 =	vld.idx.msk [tilespmem:v4+s30+$0xFFFFFFC0 ss:$0x1], $0xffff  }
0x319: {  	v62 =	vld.idx.msk [tilespmem:v4+s30+$0xFFFFFFD0 ss:$0x1], $0xffff  }
0x31a: {  	[tilespmem:s30+$0x66E0] =	vst.add.f32.msk $0xffff, v5  }
0x31b: {  	v5 =	vld.idx.msk [tilespmem:v3+s30+$0xFFFFFF90 ss:$0x1], $0xffff  }
0x31c: {  	v59 =	vld.idx.msk [tilespmem:v3+s30+$0xFFFFFFF0 ss:$0x1], $0xffff  }
0x31d: {  	v63 =	vld.idx.msk [tilespmem:v4+s30+$0xFFFFFFE0 ss:$0x1], $0xffff  }
0x31e: {  	[tilespmem:s30+$0x8690] =	vst.add.f32.msk $0xffff, v7  }
0x31f: {  	[tilespmem:s30+$0x86A0] =	vst.add.f32.msk $0xffff, v60  }
0x320: {  	[tilespmem:s30+$0x8480] =	vst.add.f32.msk $0xffff, v5  }
0x321: {  	[tilespmem:s30+$0x84E0] =	vst.add.f32.msk $0xffff, v59  }
0x322: {  	v6 =	vld.idx.msk [tilespmem:v4+s30+$0xFFFFFF90 ss:$0x1], $0xffff  }
0x323: {  	v5 =	vld.idx.msk [tilespmem:v4+s30+$0xFFFFFFF0 ss:$0x1], $0xffff  }
0x324: {  	[tilespmem:s30+$0x86B0] =	vst.add.f32.msk $0xffff, v61  }
0x325: {  	[tilespmem:s30+$0x86C0] =	vst.add.f32.msk $0xffff, v62  }
0x326: {  	[tilespmem:s30+$0x86D0] =	vst.add.f32.msk $0xffff, v63  }
0x327: {  	s31 =	simm.s32 $0x0;
	s0 =	simm.s32 $0x1000;
	[tilespmem:s30+$0x8680] =	vst.add.f32.msk $0xffff, v6  }
.LBB2_13:
0x328: {  	s31 =	sadd.s32 $0x8, s31;
	[tilespmem:s30+$0x86E0] =	vst.add.f32.msk $0xffff, v5;
	s30 =	sshra.s32 s0, $0x2  }
0x329: {  	v5 =	vld.idx.msk [tilespmem:v1+s30+$0x0 ss:$0x1], $0xffff;
	p1 =	slt.u32 s31, $0x38  }
0x32a: {  	v6 =	vld.idx.msk [tilespmem:v1+s30+$0xFFFFFF90 ss:$0x1], $0xffff  }
0x32b: {  	v7 =	vld.idx.msk [tilespmem:v1+s30+$0xFFFFFFA0 ss:$0x1], $0xffff  }
0x32c: {  	v8 =	vld.idx.msk [tilespmem:v1+s30+$0xFFFFFFB0 ss:$0x1], $0xffff  }
0x32d: {  	v9 =	vld.idx.msk [tilespmem:v1+s30+$0xFFFFFFC0 ss:$0x1], $0xffff  }
0x32e: {  	v10 =	vld.idx.msk [tilespmem:v1+s30+$0xFFFFFFD0 ss:$0x1], $0xffff  }
0x32f: {  	[tilespmem:s30+$0x64F0] =	vst.add.f32.msk $0xffff, v5  }
0x330: {  	v5 =	vld.idx.msk [tilespmem:v2+s30+$0x0 ss:$0x1], $0xffff  }
0x331: {  	v11 =	vld.idx.msk [tilespmem:v1+s30+$0xFFFFFFE0 ss:$0x1], $0xffff  }
0x332: {  	v12 =	vld.idx.msk [tilespmem:v1+s30+$0xFFFFFFF0 ss:$0x1], $0xffff  }
0x333: {  	[tilespmem:s30+$0x6480] =	vst.add.f32.msk $0xffff, v6  }
0x334: {  	[tilespmem:s30+$0x6490] =	vst.add.f32.msk $0xffff, v7  }
0x335: {  	[tilespmem:s30+$0x64A0] =	vst.add.f32.msk $0xffff, v8  }
0x336: {  	[tilespmem:s30+$0x66F0] =	vst.add.f32.msk $0xffff, v5  }
0x337: {  	v5 =	vld.idx.msk [tilespmem:v3+s30+$0x0 ss:$0x1], $0xffff  }
0x338: {  	[tilespmem:s30+$0x64B0] =	vst.add.f32.msk $0xffff, v9  }
0x339: {  	[tilespmem:s30+$0x64C0] =	vst.add.f32.msk $0xffff, v10  }
0x33a: {  	[tilespmem:s30+$0x64D0] =	vst.add.f32.msk $0xffff, v11  }
0x33b: {  	[tilespmem:s30+$0x64E0] =	vst.add.f32.msk $0xffff, v12  }
0x33c: {  	v6 =	vld.idx.msk [tilespmem:v2+s30+$0xFFFFFF90 ss:$0x1], $0xffff  }
0x33d: {  	[tilespmem:s30+$0x84F0] =	vst.add.f32.msk $0xffff, v5  }
0x33e: {  	v5 =	vld.idx.msk [tilespmem:v4+s30+$0x0 ss:$0x1], $0xffff  }
0x33f: {  	v7 =	vld.idx.msk [tilespmem:v2+s30+$0xFFFFFFA0 ss:$0x1], $0xffff  }
0x340: {  	v8 =	vld.idx.msk [tilespmem:v2+s30+$0xFFFFFFB0 ss:$0x1], $0xffff  }
0x341: {  	v9 =	vld.idx.msk [tilespmem:v2+s30+$0xFFFFFFC0 ss:$0x1], $0xffff  }
0x342: {  	v10 =	vld.idx.msk [tilespmem:v2+s30+$0xFFFFFFD0 ss:$0x1], $0xffff  }
0x343: {  	v11 =	vld.idx.msk [tilespmem:v2+s30+$0xFFFFFFE0 ss:$0x1], $0xffff  }
0x344: {  	[tilespmem:s30+$0x86F0] =	vst.add.f32.msk $0xffff, v5  }
0x345: {  	v5 =	vld.idx.msk [tilespmem:v2+s30+$0xFFFFFFF0 ss:$0x1], $0xffff  }
0x346: {  	[tilespmem:s30+$0x6680] =	vst.add.f32.msk $0xffff, v6  }
0x347: {  	[tilespmem:s30+$0x6690] =	vst.add.f32.msk $0xffff, v7  }
0x348: {  	[tilespmem:s30+$0x66A0] =	vst.add.f32.msk $0xffff, v8  }
0x349: {  	[tilespmem:s30+$0x66B0] =	vst.add.f32.msk $0xffff, v9  }
0x34a: {  	[tilespmem:s30+$0x66C0] =	vst.add.f32.msk $0xffff, v10  }
0x34b: {  	[tilespmem:s30+$0x66D0] =	vst.add.f32.msk $0xffff, v11  }
0x34c: {  	[tilespmem:s30+$0x66E0] =	vst.add.f32.msk $0xffff, v5  }
0x34d: {  	v5 =	vld.idx.msk [tilespmem:v3+s30+$0xFFFFFF90 ss:$0x1], $0xffff  }
0x34e: {  	v6 =	vld.idx.msk [tilespmem:v3+s30+$0xFFFFFFA0 ss:$0x1], $0xffff  }
0x34f: {  	v7 =	vld.idx.msk [tilespmem:v3+s30+$0xFFFFFFB0 ss:$0x1], $0xffff  }
0x350: {  	v8 =	vld.idx.msk [tilespmem:v3+s30+$0xFFFFFFC0 ss:$0x1], $0xffff  }
0x351: {  	v9 =	vld.idx.msk [tilespmem:v3+s30+$0xFFFFFFD0 ss:$0x1], $0xffff  }
0x352: {  	v10 =	vld.idx.msk [tilespmem:v3+s30+$0xFFFFFFE0 ss:$0x1], $0xffff  }
0x353: {  	v11 =	vld.idx.msk [tilespmem:v3+s30+$0xFFFFFFF0 ss:$0x1], $0xffff  }
0x354: {  	[tilespmem:s30+$0x8480] =	vst.add.f32.msk $0xffff, v5  }
0x355: {  	[tilespmem:s30+$0x8490] =	vst.add.f32.msk $0xffff, v6  }
0x356: {  	[tilespmem:s30+$0x84A0] =	vst.add.f32.msk $0xffff, v7  }
0x357: {  	[tilespmem:s30+$0x84B0] =	vst.add.f32.msk $0xffff, v8  }
0x358: {  	[tilespmem:s30+$0x84C0] =	vst.add.f32.msk $0xffff, v9  }
0x359: {  	[tilespmem:s30+$0x84D0] =	vst.add.f32.msk $0xffff, v10  }
0x35a: {  	[tilespmem:s30+$0x84E0] =	vst.add.f32.msk $0xffff, v11  }
0x35b: {  	v6 =	vld.idx.msk [tilespmem:v4+s30+$0xFFFFFF90 ss:$0x1], $0xffff  }
0x35c: {  	v7 =	vld.idx.msk [tilespmem:v4+s30+$0xFFFFFFA0 ss:$0x1], $0xffff  }
0x35d: {  	v8 =	vld.idx.msk [tilespmem:v4+s30+$0xFFFFFFB0 ss:$0x1], $0xffff  }
0x35e: {  	v9 =	vld.idx.msk [tilespmem:v4+s30+$0xFFFFFFC0 ss:$0x1], $0xffff  }
0x35f: {  	v10 =	vld.idx.msk [tilespmem:v4+s30+$0xFFFFFFD0 ss:$0x1], $0xffff  }
0x360: {  	v11 =	vld.idx.msk [tilespmem:v4+s30+$0xFFFFFFE0 ss:$0x1], $0xffff  }
0x361: {  	v5 =	vld.idx.msk [tilespmem:v4+s30+$0xFFFFFFF0 ss:$0x1], $0xffff  }
0x362: {  	[tilespmem:s30+$0x8680] =	vst.add.f32.msk $0xffff, v6  }
.Ltmp5:
0x363: {  	[tilespmem:s30+$0x8690] =	vst.add.f32.msk $0xffff, v7;
	(pc) =	sbr.rel @p1 .LBB2_13-.Ltmp5, $4  }
0x364: {  	[tilespmem:s30+$0x86A0] =	vst.add.f32.msk $0xffff, v8  }
0x365: {  	[tilespmem:s30+$0x86B0] =	vst.add.f32.msk $0xffff, v9  }
0x366: {  	[tilespmem:s30+$0x86C0] =	vst.add.f32.msk $0xffff, v10  }
0x367: {  	s0 =	sadd.s32 $0x1000, s0;
	[tilespmem:s30+$0x86D0] =	vst.add.f32.msk $0xffff, v11  }
0x368: {  	(v2sf) =	vpush v0, $0x2;
	_ =	sdelay $0xe  }
0x369: {  	s0 =	spop (v2sf)  }
0x36a: {  	(v2sf) =	vpush v0, $0x6;
	s31 =	sshll.u32 s0, $0xC;
	s0 =	sand.u32 $0x7, s0  }
0x36b: {  	s31 =	sand.u32 $0xFFFF8000, s31;
	s0 =	sshll.u32 s0, $0x9  }
0x36c: {  	s0 =	sor.u32 s0, s31  }
0x36d: {  	s0 =	sshra.s32 s0, $0x2  }
0x36e: {  	s0 =	sor.u32 $0x70, s0  }
0x36f: {  	v1 =	vmov s0;
	_ =	sdelay $0x3  }
0x370: {  	[tilespmem:s30+$0x86E0] =	vst.add.f32.msk $0xffff, v5;
	s30 =	simm.s32 $0x0  }
0x371: {  	v3 =	vld.idx.msk [tilespmem:v1+s30+$0x0 ss:$0x1], $0xffff  }
0x372: {  	v4 =	vld.idx.msk [tilespmem:v1+s30+$0xFFFFFF90 ss:$0x1], $0xffff  }
0x373: {  	v5 =	vld.idx.msk [tilespmem:v1+s30+$0xFFFFFFA0 ss:$0x1], $0xffff  }
0x374: {  	v6 =	vld.idx.msk [tilespmem:v1+s30+$0xFFFFFFB0 ss:$0x1], $0xffff  }
0x375: {  	(v2sf) =	vpush v0, $0xA;
	v7 =	vld.idx.msk [tilespmem:v1+s30+$0xFFFFFFC0 ss:$0x1], $0xffff  }
0x376: {  	s0 =	spop (v2sf);
	v8 =	vld.idx.msk [tilespmem:v1+s30+$0xFFFFFFD0 ss:$0x1], $0xffff  }
0x377: {  	s31 =	sshll.u32 s0, $0xC;
	s0 =	sand.u32 $0x7, s0;
	v10 =	vld.idx.msk [tilespmem:v1+s30+$0xFFFFFFE0 ss:$0x1], $0xffff  }
0x378: {  	s31 =	sand.u32 $0xFFFF8000, s31;
	s0 =	sshll.u32 s0, $0x9;
	v11 =	vld.idx.msk [tilespmem:v1+s30+$0xFFFFFFF0 ss:$0x1], $0xffff  }
0x379: {  	s0 =	sor.u32 s0, s31;
	[tilespmem:s30+$0x6570] =	vst.add.f32.msk $0xffff, v3  }
0x37a: {  	s0 =	sshra.s32 s0, $0x2;
	[tilespmem:s30+$0x6500] =	vst.add.f32.msk $0xffff, v4  }
0x37b: {  	s0 =	sor.u32 $0x70, s0;
	[tilespmem:s30+$0x6510] =	vst.add.f32.msk $0xffff, v5  }
0x37c: {  	v2 =	vmov s0;
	[tilespmem:s30+$0x6520] =	vst.add.f32.msk $0xffff, v6  }
0x37d: {  	(v2sf) =	vpush v0, $0xE;
	[tilespmem:s30+$0x6530] =	vst.add.f32.msk $0xffff, v7  }
0x37e: {  	[tilespmem:s30+$0x6540] =	vst.add.f32.msk $0xffff, v8  }
0x37f: {  	[tilespmem:s30+$0x6550] =	vst.add.f32.msk $0xffff, v10  }
0x380: {  	[tilespmem:s30+$0x6560] =	vst.add.f32.msk $0xffff, v11  }
0x381: {  	v9 =	vld.idx.msk [tilespmem:v2+s30+$0x0 ss:$0x1], $0xffff  }
0x382: {  	v6 =	vld.idx.msk [tilespmem:v2+s30+$0xFFFFFF90 ss:$0x1], $0xffff  }
0x383: {  	v7 =	vld.idx.msk [tilespmem:v2+s30+$0xFFFFFFA0 ss:$0x1], $0xffff  }
0x384: {  	s0 =	spop (v2sf);
	v52 =	vld.idx.msk [tilespmem:v2+s30+$0xFFFFFFB0 ss:$0x1], $0xffff  }
0x385: {  	s31 =	sshll.u32 s0, $0xC;
	s0 =	sand.u32 $0x7, s0;
	v53 =	vld.idx.msk [tilespmem:v2+s30+$0xFFFFFFC0 ss:$0x1], $0xffff  }
0x386: {  	s31 =	sand.u32 $0xFFFF8000, s31;
	s0 =	sshll.u32 s0, $0x9;
	v54 =	vld.idx.msk [tilespmem:v2+s30+$0xFFFFFFD0 ss:$0x1], $0xffff  }
0x387: {  	s0 =	sor.u32 s0, s31;
	v55 =	vld.idx.msk [tilespmem:v2+s30+$0xFFFFFFE0 ss:$0x1], $0xffff  }
0x388: {  	s0 =	sshra.s32 s0, $0x2;
	[tilespmem:s30+$0x6770] =	vst.add.f32.msk $0xffff, v9  }
0x389: {  	s0 =	sor.u32 $0x70, s0;
	[tilespmem:s30+$0x6700] =	vst.add.f32.msk $0xffff, v6  }
0x38a: {  	v3 =	vmov s0;
	[tilespmem:s30+$0x6710] =	vst.add.f32.msk $0xffff, v7  }
0x38b: {  	[tilespmem:s30+$0x6720] =	vst.add.f32.msk $0xffff, v52  }
0x38c: {  	s0 =	spop (v2sf);
	[tilespmem:s30+$0x6730] =	vst.add.f32.msk $0xffff, v53  }
0x38d: {  	s31 =	sshll.u32 s0, $0xC;
	s0 =	sand.u32 $0x7, s0;
	[tilespmem:s30+$0x6740] =	vst.add.f32.msk $0xffff, v54  }
0x38e: {  	s31 =	sand.u32 $0xFFFF8000, s31;
	s0 =	sshll.u32 s0, $0x9;
	[tilespmem:s30+$0x6750] =	vst.add.f32.msk $0xffff, v55  }
0x38f: {  	s0 =	sor.u32 s0, s31;
	v5 =	vld.idx.msk [tilespmem:v3+s30+$0x0 ss:$0x1], $0xffff  }
0x390: {  	s0 =	sshra.s32 s0, $0x2;
	v6 =	vld.idx.msk [tilespmem:v3+s30+$0xFFFFFFA0 ss:$0x1], $0xffff  }
0x391: {  	s0 =	sor.u32 $0x70, s0;
	v7 =	vld.idx.msk [tilespmem:v3+s30+$0xFFFFFFB0 ss:$0x1], $0xffff  }
0x392: {  	v56 =	vld.idx.msk [tilespmem:v3+s30+$0xFFFFFFC0 ss:$0x1], $0xffff;
	v4 =	vmov s0  }
0x393: {  	v57 =	vld.idx.msk [tilespmem:v3+s30+$0xFFFFFFD0 ss:$0x1], $0xffff  }
0x394: {  	v58 =	vld.idx.msk [tilespmem:v3+s30+$0xFFFFFFE0 ss:$0x1], $0xffff  }
0x395: {  	[tilespmem:s30+$0x8570] =	vst.add.f32.msk $0xffff, v5  }
0x396: {  	[tilespmem:s30+$0x8510] =	vst.add.f32.msk $0xffff, v6  }
0x397: {  	v5 =	vld.idx.msk [tilespmem:v4+s30+$0x0 ss:$0x1], $0xffff  }
0x398: {  	[tilespmem:s30+$0x8520] =	vst.add.f32.msk $0xffff, v7  }
0x399: {  	[tilespmem:s30+$0x8530] =	vst.add.f32.msk $0xffff, v56  }
0x39a: {  	[tilespmem:s30+$0x8540] =	vst.add.f32.msk $0xffff, v57  }
0x39b: {  	[tilespmem:s30+$0x8550] =	vst.add.f32.msk $0xffff, v58  }
0x39c: {  	[tilespmem:s30+$0x8770] =	vst.add.f32.msk $0xffff, v5  }
0x39d: {  	v5 =	vld.idx.msk [tilespmem:v2+s30+$0xFFFFFFF0 ss:$0x1], $0xffff  }
0x39e: {  	v7 =	vld.idx.msk [tilespmem:v4+s30+$0xFFFFFFA0 ss:$0x1], $0xffff  }
0x39f: {  	v60 =	vld.idx.msk [tilespmem:v4+s30+$0xFFFFFFB0 ss:$0x1], $0xffff  }
0x3a0: {  	v61 =	vld.idx.msk [tilespmem:v4+s30+$0xFFFFFFC0 ss:$0x1], $0xffff  }
0x3a1: {  	v62 =	vld.idx.msk [tilespmem:v4+s30+$0xFFFFFFD0 ss:$0x1], $0xffff  }
0x3a2: {  	[tilespmem:s30+$0x6760] =	vst.add.f32.msk $0xffff, v5  }
0x3a3: {  	v5 =	vld.idx.msk [tilespmem:v3+s30+$0xFFFFFF90 ss:$0x1], $0xffff  }
0x3a4: {  	v59 =	vld.idx.msk [tilespmem:v3+s30+$0xFFFFFFF0 ss:$0x1], $0xffff  }
0x3a5: {  	v63 =	vld.idx.msk [tilespmem:v4+s30+$0xFFFFFFE0 ss:$0x1], $0xffff  }
0x3a6: {  	[tilespmem:s30+$0x8710] =	vst.add.f32.msk $0xffff, v7  }
0x3a7: {  	[tilespmem:s30+$0x8720] =	vst.add.f32.msk $0xffff, v60  }
0x3a8: {  	[tilespmem:s30+$0x8500] =	vst.add.f32.msk $0xffff, v5  }
0x3a9: {  	[tilespmem:s30+$0x8560] =	vst.add.f32.msk $0xffff, v59  }
0x3aa: {  	v6 =	vld.idx.msk [tilespmem:v4+s30+$0xFFFFFF90 ss:$0x1], $0xffff  }
0x3ab: {  	v5 =	vld.idx.msk [tilespmem:v4+s30+$0xFFFFFFF0 ss:$0x1], $0xffff  }
0x3ac: {  	[tilespmem:s30+$0x8730] =	vst.add.f32.msk $0xffff, v61  }
0x3ad: {  	[tilespmem:s30+$0x8740] =	vst.add.f32.msk $0xffff, v62  }
0x3ae: {  	[tilespmem:s30+$0x8750] =	vst.add.f32.msk $0xffff, v63  }
0x3af: {  	s31 =	simm.s32 $0x0;
	s0 =	simm.s32 $0x1000;
	[tilespmem:s30+$0x8700] =	vst.add.f32.msk $0xffff, v6  }
.LBB2_15:
0x3b0: {  	s31 =	sadd.s32 $0x8, s31;
	[tilespmem:s30+$0x8760] =	vst.add.f32.msk $0xffff, v5;
	s30 =	sshra.s32 s0, $0x2  }
0x3b1: {  	v5 =	vld.idx.msk [tilespmem:v1+s30+$0x0 ss:$0x1], $0xffff;
	p1 =	slt.u32 s31, $0x38  }
0x3b2: {  	v6 =	vld.idx.msk [tilespmem:v1+s30+$0xFFFFFF90 ss:$0x1], $0xffff  }
0x3b3: {  	v7 =	vld.idx.msk [tilespmem:v1+s30+$0xFFFFFFA0 ss:$0x1], $0xffff  }
0x3b4: {  	v8 =	vld.idx.msk [tilespmem:v1+s30+$0xFFFFFFB0 ss:$0x1], $0xffff  }
0x3b5: {  	v9 =	vld.idx.msk [tilespmem:v1+s30+$0xFFFFFFC0 ss:$0x1], $0xffff  }
0x3b6: {  	v10 =	vld.idx.msk [tilespmem:v1+s30+$0xFFFFFFD0 ss:$0x1], $0xffff  }
0x3b7: {  	[tilespmem:s30+$0x6570] =	vst.add.f32.msk $0xffff, v5  }
0x3b8: {  	v5 =	vld.idx.msk [tilespmem:v2+s30+$0x0 ss:$0x1], $0xffff  }
0x3b9: {  	v11 =	vld.idx.msk [tilespmem:v1+s30+$0xFFFFFFE0 ss:$0x1], $0xffff  }
0x3ba: {  	v12 =	vld.idx.msk [tilespmem:v1+s30+$0xFFFFFFF0 ss:$0x1], $0xffff  }
0x3bb: {  	[tilespmem:s30+$0x6500] =	vst.add.f32.msk $0xffff, v6  }
0x3bc: {  	[tilespmem:s30+$0x6510] =	vst.add.f32.msk $0xffff, v7  }
0x3bd: {  	[tilespmem:s30+$0x6520] =	vst.add.f32.msk $0xffff, v8  }
0x3be: {  	[tilespmem:s30+$0x6770] =	vst.add.f32.msk $0xffff, v5  }
0x3bf: {  	v5 =	vld.idx.msk [tilespmem:v3+s30+$0x0 ss:$0x1], $0xffff  }
0x3c0: {  	[tilespmem:s30+$0x6530] =	vst.add.f32.msk $0xffff, v9  }
0x3c1: {  	[tilespmem:s30+$0x6540] =	vst.add.f32.msk $0xffff, v10  }
0x3c2: {  	[tilespmem:s30+$0x6550] =	vst.add.f32.msk $0xffff, v11  }
0x3c3: {  	[tilespmem:s30+$0x6560] =	vst.add.f32.msk $0xffff, v12  }
0x3c4: {  	v6 =	vld.idx.msk [tilespmem:v2+s30+$0xFFFFFF90 ss:$0x1], $0xffff  }
0x3c5: {  	[tilespmem:s30+$0x8570] =	vst.add.f32.msk $0xffff, v5  }
0x3c6: {  	v5 =	vld.idx.msk [tilespmem:v4+s30+$0x0 ss:$0x1], $0xffff  }
0x3c7: {  	v7 =	vld.idx.msk [tilespmem:v2+s30+$0xFFFFFFA0 ss:$0x1], $0xffff  }
0x3c8: {  	v8 =	vld.idx.msk [tilespmem:v2+s30+$0xFFFFFFB0 ss:$0x1], $0xffff  }
0x3c9: {  	v9 =	vld.idx.msk [tilespmem:v2+s30+$0xFFFFFFC0 ss:$0x1], $0xffff  }
0x3ca: {  	v10 =	vld.idx.msk [tilespmem:v2+s30+$0xFFFFFFD0 ss:$0x1], $0xffff  }
0x3cb: {  	v11 =	vld.idx.msk [tilespmem:v2+s30+$0xFFFFFFE0 ss:$0x1], $0xffff  }
0x3cc: {  	[tilespmem:s30+$0x8770] =	vst.add.f32.msk $0xffff, v5  }
0x3cd: {  	v5 =	vld.idx.msk [tilespmem:v2+s30+$0xFFFFFFF0 ss:$0x1], $0xffff  }
0x3ce: {  	[tilespmem:s30+$0x6700] =	vst.add.f32.msk $0xffff, v6  }
0x3cf: {  	[tilespmem:s30+$0x6710] =	vst.add.f32.msk $0xffff, v7  }
0x3d0: {  	[tilespmem:s30+$0x6720] =	vst.add.f32.msk $0xffff, v8  }
0x3d1: {  	[tilespmem:s30+$0x6730] =	vst.add.f32.msk $0xffff, v9  }
0x3d2: {  	[tilespmem:s30+$0x6740] =	vst.add.f32.msk $0xffff, v10  }
0x3d3: {  	[tilespmem:s30+$0x6750] =	vst.add.f32.msk $0xffff, v11  }
0x3d4: {  	[tilespmem:s30+$0x6760] =	vst.add.f32.msk $0xffff, v5  }
0x3d5: {  	v5 =	vld.idx.msk [tilespmem:v3+s30+$0xFFFFFF90 ss:$0x1], $0xffff  }
0x3d6: {  	v6 =	vld.idx.msk [tilespmem:v3+s30+$0xFFFFFFA0 ss:$0x1], $0xffff  }
0x3d7: {  	v7 =	vld.idx.msk [tilespmem:v3+s30+$0xFFFFFFB0 ss:$0x1], $0xffff  }
0x3d8: {  	v8 =	vld.idx.msk [tilespmem:v3+s30+$0xFFFFFFC0 ss:$0x1], $0xffff  }
0x3d9: {  	v9 =	vld.idx.msk [tilespmem:v3+s30+$0xFFFFFFD0 ss:$0x1], $0xffff  }
0x3da: {  	v10 =	vld.idx.msk [tilespmem:v3+s30+$0xFFFFFFE0 ss:$0x1], $0xffff  }
0x3db: {  	v11 =	vld.idx.msk [tilespmem:v3+s30+$0xFFFFFFF0 ss:$0x1], $0xffff  }
0x3dc: {  	[tilespmem:s30+$0x8500] =	vst.add.f32.msk $0xffff, v5  }
0x3dd: {  	[tilespmem:s30+$0x8510] =	vst.add.f32.msk $0xffff, v6  }
0x3de: {  	[tilespmem:s30+$0x8520] =	vst.add.f32.msk $0xffff, v7  }
0x3df: {  	[tilespmem:s30+$0x8530] =	vst.add.f32.msk $0xffff, v8  }
0x3e0: {  	[tilespmem:s30+$0x8540] =	vst.add.f32.msk $0xffff, v9  }
0x3e1: {  	[tilespmem:s30+$0x8550] =	vst.add.f32.msk $0xffff, v10  }
0x3e2: {  	[tilespmem:s30+$0x8560] =	vst.add.f32.msk $0xffff, v11  }
0x3e3: {  	v6 =	vld.idx.msk [tilespmem:v4+s30+$0xFFFFFF90 ss:$0x1], $0xffff  }
0x3e4: {  	v7 =	vld.idx.msk [tilespmem:v4+s30+$0xFFFFFFA0 ss:$0x1], $0xffff  }
0x3e5: {  	v8 =	vld.idx.msk [tilespmem:v4+s30+$0xFFFFFFB0 ss:$0x1], $0xffff  }
0x3e6: {  	v9 =	vld.idx.msk [tilespmem:v4+s30+$0xFFFFFFC0 ss:$0x1], $0xffff  }
0x3e7: {  	v10 =	vld.idx.msk [tilespmem:v4+s30+$0xFFFFFFD0 ss:$0x1], $0xffff  }
0x3e8: {  	v11 =	vld.idx.msk [tilespmem:v4+s30+$0xFFFFFFE0 ss:$0x1], $0xffff  }
0x3e9: {  	v5 =	vld.idx.msk [tilespmem:v4+s30+$0xFFFFFFF0 ss:$0x1], $0xffff  }
0x3ea: {  	[tilespmem:s30+$0x8700] =	vst.add.f32.msk $0xffff, v6  }
.Ltmp6:
0x3eb: {  	[tilespmem:s30+$0x8710] =	vst.add.f32.msk $0xffff, v7;
	(pc) =	sbr.rel @p1 .LBB2_15-.Ltmp6, $4  }
0x3ec: {  	[tilespmem:s30+$0x8720] =	vst.add.f32.msk $0xffff, v8  }
0x3ed: {  	[tilespmem:s30+$0x8730] =	vst.add.f32.msk $0xffff, v9  }
0x3ee: {  	[tilespmem:s30+$0x8740] =	vst.add.f32.msk $0xffff, v10  }
0x3ef: {  	s0 =	sadd.s32 $0x1000, s0;
	[tilespmem:s30+$0x8750] =	vst.add.f32.msk $0xffff, v11  }
0x3f0: {  	(v2sf) =	vpush v0, $0x3;
	_ =	sdelay $0xe  }
0x3f1: {  	s0 =	spop (v2sf)  }
0x3f2: {  	(v2sf) =	vpush v0, $0x7;
	s31 =	sshll.u32 s0, $0xC;
	s0 =	sand.u32 $0x7, s0  }
0x3f3: {  	s31 =	sand.u32 $0xFFFF8000, s31;
	s0 =	sshll.u32 s0, $0x9  }
0x3f4: {  	s0 =	sor.u32 s0, s31  }
0x3f5: {  	s0 =	sshra.s32 s0, $0x2  }
0x3f6: {  	(v2sf) =	vpush v0, $0xB;
	s0 =	sor.u32 $0x70, s0  }
0x3f7: {  	(v2sf) =	vpush v0, $0xF;
	v0 =	vmov s0;
	_ =	sdelay $0x3  }
0x3f8: {  	[tilespmem:s30+$0x8760] =	vst.add.f32.msk $0xffff, v5;
	s30 =	simm.s32 $0x0  }
0x3f9: {  	v2 =	vld.idx.msk [tilespmem:v0+s30+$0x0 ss:$0x1], $0xffff  }
0x3fa: {  	v3 =	vld.idx.msk [tilespmem:v0+s30+$0xFFFFFF90 ss:$0x1], $0xffff  }
0x3fb: {  	v4 =	vld.idx.msk [tilespmem:v0+s30+$0xFFFFFFA0 ss:$0x1], $0xffff  }
0x3fc: {  	v5 =	vld.idx.msk [tilespmem:v0+s30+$0xFFFFFFB0 ss:$0x1], $0xffff  }
0x3fd: {  	v6 =	vld.idx.msk [tilespmem:v0+s30+$0xFFFFFFC0 ss:$0x1], $0xffff  }
0x3fe: {  	s0 =	spop (v2sf);
	v7 =	vld.idx.msk [tilespmem:v0+s30+$0xFFFFFFD0 ss:$0x1], $0xffff  }
0x3ff: {  	s31 =	sshll.u32 s0, $0xC;
	s0 =	sand.u32 $0x7, s0;
	v9 =	vld.idx.msk [tilespmem:v0+s30+$0xFFFFFFE0 ss:$0x1], $0xffff  }
0x400: {  	s31 =	sand.u32 $0xFFFF8000, s31;
	s0 =	sshll.u32 s0, $0x9;
	v10 =	vld.idx.msk [tilespmem:v0+s30+$0xFFFFFFF0 ss:$0x1], $0xffff  }
0x401: {  	s0 =	sor.u32 s0, s31;
	[tilespmem:s30+$0x65F0] =	vst.add.f32.msk $0xffff, v2  }
0x402: {  	s0 =	sshra.s32 s0, $0x2;
	[tilespmem:s30+$0x6580] =	vst.add.f32.msk $0xffff, v3  }
0x403: {  	s0 =	sor.u32 $0x70, s0;
	[tilespmem:s30+$0x6590] =	vst.add.f32.msk $0xffff, v4  }
0x404: {  	v1 =	vmov s0;
	[tilespmem:s30+$0x65A0] =	vst.add.f32.msk $0xffff, v5  }
0x405: {  	[tilespmem:s30+$0x65B0] =	vst.add.f32.msk $0xffff, v6  }
0x406: {  	[tilespmem:s30+$0x65C0] =	vst.add.f32.msk $0xffff, v7  }
0x407: {  	[tilespmem:s30+$0x65D0] =	vst.add.f32.msk $0xffff, v9  }
0x408: {  	[tilespmem:s30+$0x65E0] =	vst.add.f32.msk $0xffff, v10  }
0x409: {  	v8 =	vld.idx.msk [tilespmem:v1+s30+$0x0 ss:$0x1], $0xffff  }
0x40a: {  	v5 =	vld.idx.msk [tilespmem:v1+s30+$0xFFFFFF90 ss:$0x1], $0xffff  }
0x40b: {  	v6 =	vld.idx.msk [tilespmem:v1+s30+$0xFFFFFFA0 ss:$0x1], $0xffff  }
0x40c: {  	s0 =	spop (v2sf);
	v7 =	vld.idx.msk [tilespmem:v1+s30+$0xFFFFFFB0 ss:$0x1], $0xffff  }
0x40d: {  	s31 =	sshll.u32 s0, $0xC;
	s0 =	sand.u32 $0x7, s0;
	v55 =	vld.idx.msk [tilespmem:v1+s30+$0xFFFFFFC0 ss:$0x1], $0xffff  }
0x40e: {  	s31 =	sand.u32 $0xFFFF8000, s31;
	s0 =	sshll.u32 s0, $0x9;
	v56 =	vld.idx.msk [tilespmem:v1+s30+$0xFFFFFFD0 ss:$0x1], $0xffff  }
0x40f: {  	s0 =	sor.u32 s0, s31;
	v57 =	vld.idx.msk [tilespmem:v1+s30+$0xFFFFFFE0 ss:$0x1], $0xffff  }
0x410: {  	s0 =	sshra.s32 s0, $0x2;
	[tilespmem:s30+$0x67F0] =	vst.add.f32.msk $0xffff, v8  }
0x411: {  	s0 =	sor.u32 $0x70, s0;
	[tilespmem:s30+$0x6780] =	vst.add.f32.msk $0xffff, v5  }
0x412: {  	v2 =	vmov s0;
	[tilespmem:s30+$0x6790] =	vst.add.f32.msk $0xffff, v6  }
0x413: {  	[tilespmem:s30+$0x67A0] =	vst.add.f32.msk $0xffff, v7  }
0x414: {  	s0 =	spop (v2sf);
	[tilespmem:s30+$0x67B0] =	vst.add.f32.msk $0xffff, v55  }
0x415: {  	s31 =	sshll.u32 s0, $0xC;
	s0 =	sand.u32 $0x7, s0;
	[tilespmem:s30+$0x67C0] =	vst.add.f32.msk $0xffff, v56  }
0x416: {  	s31 =	sand.u32 $0xFFFF8000, s31;
	s0 =	sshll.u32 s0, $0x9;
	[tilespmem:s30+$0x67D0] =	vst.add.f32.msk $0xffff, v57  }
0x417: {  	s0 =	sor.u32 s0, s31;
	v4 =	vld.idx.msk [tilespmem:v2+s30+$0x0 ss:$0x1], $0xffff  }
0x418: {  	s0 =	sshra.s32 s0, $0x2;
	v5 =	vld.idx.msk [tilespmem:v2+s30+$0xFFFFFFA0 ss:$0x1], $0xffff  }
0x419: {  	s0 =	sor.u32 $0x70, s0;
	v6 =	vld.idx.msk [tilespmem:v2+s30+$0xFFFFFFB0 ss:$0x1], $0xffff  }
0x41a: {  	v7 =	vld.idx.msk [tilespmem:v2+s30+$0xFFFFFFC0 ss:$0x1], $0xffff;
	v3 =	vmov s0  }
0x41b: {  	v58 =	vld.idx.msk [tilespmem:v2+s30+$0xFFFFFFD0 ss:$0x1], $0xffff  }
0x41c: {  	v59 =	vld.idx.msk [tilespmem:v2+s30+$0xFFFFFFE0 ss:$0x1], $0xffff  }
0x41d: {  	[tilespmem:s30+$0x85F0] =	vst.add.f32.msk $0xffff, v4  }
0x41e: {  	[tilespmem:s30+$0x8590] =	vst.add.f32.msk $0xffff, v5  }
0x41f: {  	v4 =	vld.idx.msk [tilespmem:v3+s30+$0x0 ss:$0x1], $0xffff  }
0x420: {  	[tilespmem:s30+$0x85A0] =	vst.add.f32.msk $0xffff, v6  }
0x421: {  	[tilespmem:s30+$0x85B0] =	vst.add.f32.msk $0xffff, v7  }
0x422: {  	[tilespmem:s30+$0x85C0] =	vst.add.f32.msk $0xffff, v58  }
0x423: {  	[tilespmem:s30+$0x85D0] =	vst.add.f32.msk $0xffff, v59  }
0x424: {  	[tilespmem:s30+$0x87F0] =	vst.add.f32.msk $0xffff, v4  }
0x425: {  	v4 =	vld.idx.msk [tilespmem:v1+s30+$0xFFFFFFF0 ss:$0x1], $0xffff  }
0x426: {  	v6 =	vld.idx.msk [tilespmem:v3+s30+$0xFFFFFFA0 ss:$0x1], $0xffff  }
0x427: {  	v7 =	vld.idx.msk [tilespmem:v3+s30+$0xFFFFFFB0 ss:$0x1], $0xffff  }
0x428: {  	v61 =	vld.idx.msk [tilespmem:v3+s30+$0xFFFFFFC0 ss:$0x1], $0xffff  }
0x429: {  	v62 =	vld.idx.msk [tilespmem:v3+s30+$0xFFFFFFD0 ss:$0x1], $0xffff  }
0x42a: {  	[tilespmem:s30+$0x67E0] =	vst.add.f32.msk $0xffff, v4  }
0x42b: {  	v4 =	vld.idx.msk [tilespmem:v2+s30+$0xFFFFFF90 ss:$0x1], $0xffff  }
0x42c: {  	v60 =	vld.idx.msk [tilespmem:v2+s30+$0xFFFFFFF0 ss:$0x1], $0xffff  }
0x42d: {  	v63 =	vld.idx.msk [tilespmem:v3+s30+$0xFFFFFFE0 ss:$0x1], $0xffff  }
0x42e: {  	[tilespmem:s30+$0x8790] =	vst.add.f32.msk $0xffff, v6  }
0x42f: {  	[tilespmem:s30+$0x87A0] =	vst.add.f32.msk $0xffff, v7  }
0x430: {  	[tilespmem:s30+$0x8580] =	vst.add.f32.msk $0xffff, v4  }
0x431: {  	[tilespmem:s30+$0x85E0] =	vst.add.f32.msk $0xffff, v60  }
0x432: {  	v5 =	vld.idx.msk [tilespmem:v3+s30+$0xFFFFFF90 ss:$0x1], $0xffff  }
0x433: {  	v4 =	vld.idx.msk [tilespmem:v3+s30+$0xFFFFFFF0 ss:$0x1], $0xffff  }
0x434: {  	[tilespmem:s30+$0x87B0] =	vst.add.f32.msk $0xffff, v61  }
0x435: {  	[tilespmem:s30+$0x87C0] =	vst.add.f32.msk $0xffff, v62  }
0x436: {  	[tilespmem:s30+$0x87D0] =	vst.add.f32.msk $0xffff, v63  }
0x437: {  	s31 =	simm.s32 $0x0;
	s0 =	simm.s32 $0x1000;
	[tilespmem:s30+$0x8780] =	vst.add.f32.msk $0xffff, v5  }
.LBB2_17:
0x438: {  	s31 =	sadd.s32 $0x8, s31;
	[tilespmem:s30+$0x87E0] =	vst.add.f32.msk $0xffff, v4;
	s30 =	sshra.s32 s0, $0x2  }
0x439: {  	v4 =	vld.idx.msk [tilespmem:v0+s30+$0x0 ss:$0x1], $0xffff;
	p1 =	slt.u32 s31, $0x38  }
0x43a: {  	v5 =	vld.idx.msk [tilespmem:v0+s30+$0xFFFFFF90 ss:$0x1], $0xffff  }
0x43b: {  	v6 =	vld.idx.msk [tilespmem:v0+s30+$0xFFFFFFA0 ss:$0x1], $0xffff  }
0x43c: {  	v7 =	vld.idx.msk [tilespmem:v0+s30+$0xFFFFFFB0 ss:$0x1], $0xffff  }
0x43d: {  	v8 =	vld.idx.msk [tilespmem:v0+s30+$0xFFFFFFC0 ss:$0x1], $0xffff  }
0x43e: {  	v9 =	vld.idx.msk [tilespmem:v0+s30+$0xFFFFFFD0 ss:$0x1], $0xffff  }
0x43f: {  	[tilespmem:s30+$0x65F0] =	vst.add.f32.msk $0xffff, v4  }
0x440: {  	v4 =	vld.idx.msk [tilespmem:v1+s30+$0x0 ss:$0x1], $0xffff  }
0x441: {  	v10 =	vld.idx.msk [tilespmem:v0+s30+$0xFFFFFFE0 ss:$0x1], $0xffff  }
0x442: {  	v11 =	vld.idx.msk [tilespmem:v0+s30+$0xFFFFFFF0 ss:$0x1], $0xffff  }
0x443: {  	[tilespmem:s30+$0x6580] =	vst.add.f32.msk $0xffff, v5  }
0x444: {  	[tilespmem:s30+$0x6590] =	vst.add.f32.msk $0xffff, v6  }
0x445: {  	[tilespmem:s30+$0x65A0] =	vst.add.f32.msk $0xffff, v7  }
0x446: {  	[tilespmem:s30+$0x67F0] =	vst.add.f32.msk $0xffff, v4  }
0x447: {  	v4 =	vld.idx.msk [tilespmem:v2+s30+$0x0 ss:$0x1], $0xffff  }
0x448: {  	[tilespmem:s30+$0x65B0] =	vst.add.f32.msk $0xffff, v8  }
0x449: {  	[tilespmem:s30+$0x65C0] =	vst.add.f32.msk $0xffff, v9  }
0x44a: {  	[tilespmem:s30+$0x65D0] =	vst.add.f32.msk $0xffff, v10  }
0x44b: {  	[tilespmem:s30+$0x65E0] =	vst.add.f32.msk $0xffff, v11  }
0x44c: {  	v5 =	vld.idx.msk [tilespmem:v1+s30+$0xFFFFFF90 ss:$0x1], $0xffff  }
0x44d: {  	[tilespmem:s30+$0x85F0] =	vst.add.f32.msk $0xffff, v4  }
0x44e: {  	v4 =	vld.idx.msk [tilespmem:v3+s30+$0x0 ss:$0x1], $0xffff  }
0x44f: {  	v6 =	vld.idx.msk [tilespmem:v1+s30+$0xFFFFFFA0 ss:$0x1], $0xffff  }
0x450: {  	v7 =	vld.idx.msk [tilespmem:v1+s30+$0xFFFFFFB0 ss:$0x1], $0xffff  }
0x451: {  	v8 =	vld.idx.msk [tilespmem:v1+s30+$0xFFFFFFC0 ss:$0x1], $0xffff  }
0x452: {  	v9 =	vld.idx.msk [tilespmem:v1+s30+$0xFFFFFFD0 ss:$0x1], $0xffff  }
0x453: {  	v10 =	vld.idx.msk [tilespmem:v1+s30+$0xFFFFFFE0 ss:$0x1], $0xffff  }
0x454: {  	[tilespmem:s30+$0x87F0] =	vst.add.f32.msk $0xffff, v4  }
0x455: {  	v4 =	vld.idx.msk [tilespmem:v1+s30+$0xFFFFFFF0 ss:$0x1], $0xffff  }
0x456: {  	[tilespmem:s30+$0x6780] =	vst.add.f32.msk $0xffff, v5  }
0x457: {  	[tilespmem:s30+$0x6790] =	vst.add.f32.msk $0xffff, v6  }
0x458: {  	[tilespmem:s30+$0x67A0] =	vst.add.f32.msk $0xffff, v7  }
0x459: {  	[tilespmem:s30+$0x67B0] =	vst.add.f32.msk $0xffff, v8  }
0x45a: {  	[tilespmem:s30+$0x67C0] =	vst.add.f32.msk $0xffff, v9  }
0x45b: {  	[tilespmem:s30+$0x67D0] =	vst.add.f32.msk $0xffff, v10  }
0x45c: {  	[tilespmem:s30+$0x67E0] =	vst.add.f32.msk $0xffff, v4  }
0x45d: {  	v4 =	vld.idx.msk [tilespmem:v2+s30+$0xFFFFFF90 ss:$0x1], $0xffff  }
0x45e: {  	v5 =	vld.idx.msk [tilespmem:v2+s30+$0xFFFFFFA0 ss:$0x1], $0xffff  }
0x45f: {  	v6 =	vld.idx.msk [tilespmem:v2+s30+$0xFFFFFFB0 ss:$0x1], $0xffff  }
0x460: {  	v7 =	vld.idx.msk [tilespmem:v2+s30+$0xFFFFFFC0 ss:$0x1], $0xffff  }
0x461: {  	v8 =	vld.idx.msk [tilespmem:v2+s30+$0xFFFFFFD0 ss:$0x1], $0xffff  }
0x462: {  	v9 =	vld.idx.msk [tilespmem:v2+s30+$0xFFFFFFE0 ss:$0x1], $0xffff  }
0x463: {  	v10 =	vld.idx.msk [tilespmem:v2+s30+$0xFFFFFFF0 ss:$0x1], $0xffff  }
0x464: {  	[tilespmem:s30+$0x8580] =	vst.add.f32.msk $0xffff, v4  }
0x465: {  	[tilespmem:s30+$0x8590] =	vst.add.f32.msk $0xffff, v5  }
0x466: {  	[tilespmem:s30+$0x85A0] =	vst.add.f32.msk $0xffff, v6  }
0x467: {  	[tilespmem:s30+$0x85B0] =	vst.add.f32.msk $0xffff, v7  }
0x468: {  	[tilespmem:s30+$0x85C0] =	vst.add.f32.msk $0xffff, v8  }
0x469: {  	[tilespmem:s30+$0x85D0] =	vst.add.f32.msk $0xffff, v9  }
0x46a: {  	[tilespmem:s30+$0x85E0] =	vst.add.f32.msk $0xffff, v10  }
0x46b: {  	v5 =	vld.idx.msk [tilespmem:v3+s30+$0xFFFFFF90 ss:$0x1], $0xffff  }
0x46c: {  	v6 =	vld.idx.msk [tilespmem:v3+s30+$0xFFFFFFA0 ss:$0x1], $0xffff  }
0x46d: {  	v7 =	vld.idx.msk [tilespmem:v3+s30+$0xFFFFFFB0 ss:$0x1], $0xffff  }
0x46e: {  	v8 =	vld.idx.msk [tilespmem:v3+s30+$0xFFFFFFC0 ss:$0x1], $0xffff  }
0x46f: {  	v9 =	vld.idx.msk [tilespmem:v3+s30+$0xFFFFFFD0 ss:$0x1], $0xffff  }
0x470: {  	v10 =	vld.idx.msk [tilespmem:v3+s30+$0xFFFFFFE0 ss:$0x1], $0xffff  }
0x471: {  	v4 =	vld.idx.msk [tilespmem:v3+s30+$0xFFFFFFF0 ss:$0x1], $0xffff  }
0x472: {  	[tilespmem:s30+$0x8780] =	vst.add.f32.msk $0xffff, v5  }
.Ltmp7:
0x473: {  	[tilespmem:s30+$0x8790] =	vst.add.f32.msk $0xffff, v6;
	(pc) =	sbr.rel @p1 .LBB2_17-.Ltmp7, $4  }
0x474: {  	[tilespmem:s30+$0x87A0] =	vst.add.f32.msk $0xffff, v7  }
0x475: {  	[tilespmem:s30+$0x87B0] =	vst.add.f32.msk $0xffff, v8  }
0x476: {  	[tilespmem:s30+$0x87C0] =	vst.add.f32.msk $0xffff, v9  }
0x477: {  	s0 =	sadd.s32 $0x1000, s0;
	[tilespmem:s30+$0x87D0] =	vst.add.f32.msk $0xffff, v10  }
0x478: {  	s0 =	sadd.s32 s5, s28  }
0x479: {  	s0 =	sshll.u32 s0, $0x7  }
0x47a: {  	[tilespmem:s30+$0x87E0] =	vst.add.f32.msk $0xffff, v4;
	s0 =	sadd.s32 s3, s0  }
0x47b: {  	[hbm4b:s0+s4] =	stream.linear.scatter [tilespmem:s13], [sflag:$0x6], $0x4000, $0x38;
	[tilespmem:$0x12400] =	vst v63  }
0x47c: {  	s0 =	simm.s32 @!p0 $0x8  }
0x47d: {  	s26 =	sor.u32 $0x3, s26;
	_ =	swait.ge @!p0 [sflag:s0], $0x4000  }
0x47e: {  	s28 =	sshll.u32 s26, $0xB;
	[sflag:s0] =	ssyncset.done @!p0 $0x0  }
0x47f: {  	s31 =	sadd.s32 s28, s6;
	s28 =	simm.s32 $0x0;
	[sflag:s0] =	ssyncadd.s32 @!p0 $0xFFFFC000  }
0x480: {  	[tilespmem:s17], [sflag:$0x4] =	stream.linear.gather [hbm4b:s31+s28], $0x4000, $0x38;
	[tilespmem:$0x12400] =	vst v63  }
0x481: {  	_ =	swait.ge [sflag:s18], $0x4000  }
0x482: {  	[sflag:s18] =	ssyncset.done $0x0  }
0x483: {  	s28 =	sshll.u32 s29, $0x4;
	[sflag:s18] =	ssyncadd.s32 $0xFFFFC000  }
0x484: {  	v0 =	vld [tilespmem:s28+$0x2000];
	_ =	sdelay $0x4  }
0x485: {  	(v2sf) =	vpush v0, $0x0;
	_ =	sdelay $0x6  }
0x486: {  	(v2sf) =	vpush v0, $0x4;
	_ =	sdelay $0x7  }
0x487: {  	s31 =	spop (v2sf)  }
0x488: {  	s29 =	sshll.u32 s31, $0xC;
	s0 =	sand.u32 $0x7, s31  }
0x489: {  	s29 =	sand.u32 $0xFFFF8000, s29;
	s0 =	sshll.u32 s0, $0x9  }
0x48a: {  	s0 =	sor.u32 s0, s29  }
0x48b: {  	s0 =	sshra.s32 s0, $0x2  }
0x48c: {  	s0 =	sor.u32 $0x70, s0  }
0x48d: {  	v1 =	vmov s0  }
0x48e: {  	s31 =	spop (v2sf)  }
0x48f: {  	s29 =	sshll.u32 s31, $0xC;
	s0 =	sand.u32 $0x7, s31  }
0x490: {  	s29 =	sand.u32 $0xFFFF8000, s29;
	s0 =	sshll.u32 s0, $0x9  }
0x491: {  	s0 =	sor.u32 s0, s29;
	s29 =	simm.s32 $0x0  }
0x492: {  	v3 =	vld.idx.msk [tilespmem:v1+s29+$0x0 ss:$0x1], $0xffff  }
0x493: {  	v4 =	vld.idx.msk [tilespmem:v1+s29+$0xFFFFFF90 ss:$0x1], $0xffff  }
0x494: {  	v5 =	vld.idx.msk [tilespmem:v1+s29+$0xFFFFFFA0 ss:$0x1], $0xffff  }
0x495: {  	v6 =	vld.idx.msk [tilespmem:v1+s29+$0xFFFFFFB0 ss:$0x1], $0xffff  }
0x496: {  	(v2sf) =	vpush v0, $0x8;
	v7 =	vld.idx.msk [tilespmem:v1+s29+$0xFFFFFFC0 ss:$0x1], $0xffff  }
0x497: {  	v8 =	vld.idx.msk [tilespmem:v1+s29+$0xFFFFFFD0 ss:$0x1], $0xffff  }
0x498: {  	v10 =	vld.idx.msk [tilespmem:v1+s29+$0xFFFFFFE0 ss:$0x1], $0xffff  }
0x499: {  	v11 =	vld.idx.msk [tilespmem:v1+s29+$0xFFFFFFF0 ss:$0x1], $0xffff  }
0x49a: {  	[tilespmem:s29+$0xA470] =	vst.add.f32.msk $0xffff, v3  }
0x49b: {  	s0 =	sshra.s32 s0, $0x2;
	[tilespmem:s29+$0xA400] =	vst.add.f32.msk $0xffff, v4  }
0x49c: {  	s0 =	sor.u32 $0x70, s0;
	[tilespmem:s29+$0xA410] =	vst.add.f32.msk $0xffff, v5  }
0x49d: {  	v2 =	vmov s0;
	[tilespmem:s29+$0xA420] =	vst.add.f32.msk $0xffff, v6  }
0x49e: {  	(v2sf) =	vpush v0, $0xC;
	[tilespmem:s29+$0xA430] =	vst.add.f32.msk $0xffff, v7  }
0x49f: {  	[tilespmem:s29+$0xA440] =	vst.add.f32.msk $0xffff, v8  }
0x4a0: {  	[tilespmem:s29+$0xA450] =	vst.add.f32.msk $0xffff, v10  }
0x4a1: {  	[tilespmem:s29+$0xA460] =	vst.add.f32.msk $0xffff, v11  }
0x4a2: {  	v9 =	vld.idx.msk [tilespmem:v2+s29+$0x0 ss:$0x1], $0xffff  }
0x4a3: {  	v6 =	vld.idx.msk [tilespmem:v2+s29+$0xFFFFFF90 ss:$0x1], $0xffff  }
0x4a4: {  	v7 =	vld.idx.msk [tilespmem:v2+s29+$0xFFFFFFA0 ss:$0x1], $0xffff  }
0x4a5: {  	s31 =	spop (v2sf);
	v52 =	vld.idx.msk [tilespmem:v2+s29+$0xFFFFFFB0 ss:$0x1], $0xffff  }
0x4a6: {  	s30 =	sshll.u32 s31, $0xC;
	s0 =	sand.u32 $0x7, s31;
	v53 =	vld.idx.msk [tilespmem:v2+s29+$0xFFFFFFC0 ss:$0x1], $0xffff  }
0x4a7: {  	s30 =	sand.u32 $0xFFFF8000, s30;
	s0 =	sshll.u32 s0, $0x9;
	v54 =	vld.idx.msk [tilespmem:v2+s29+$0xFFFFFFD0 ss:$0x1], $0xffff  }
0x4a8: {  	s0 =	sor.u32 s0, s30;
	v55 =	vld.idx.msk [tilespmem:v2+s29+$0xFFFFFFE0 ss:$0x1], $0xffff  }
0x4a9: {  	s0 =	sshra.s32 s0, $0x2;
	[tilespmem:s29+$0xA670] =	vst.add.f32.msk $0xffff, v9  }
0x4aa: {  	s0 =	sor.u32 $0x70, s0;
	[tilespmem:s29+$0xA600] =	vst.add.f32.msk $0xffff, v6  }
0x4ab: {  	v3 =	vmov s0;
	[tilespmem:s29+$0xA610] =	vst.add.f32.msk $0xffff, v7  }
0x4ac: {  	[tilespmem:s29+$0xA620] =	vst.add.f32.msk $0xffff, v52  }
0x4ad: {  	s31 =	spop (v2sf);
	[tilespmem:s29+$0xA630] =	vst.add.f32.msk $0xffff, v53  }
0x4ae: {  	s30 =	sshll.u32 s31, $0xC;
	s0 =	sand.u32 $0x7, s31;
	[tilespmem:s29+$0xA640] =	vst.add.f32.msk $0xffff, v54  }
0x4af: {  	s30 =	sand.u32 $0xFFFF8000, s30;
	s0 =	sshll.u32 s0, $0x9;
	[tilespmem:s29+$0xA650] =	vst.add.f32.msk $0xffff, v55  }
0x4b0: {  	s0 =	sor.u32 s0, s30;
	v5 =	vld.idx.msk [tilespmem:v3+s29+$0x0 ss:$0x1], $0xffff  }
0x4b1: {  	s0 =	sshra.s32 s0, $0x2;
	v6 =	vld.idx.msk [tilespmem:v3+s29+$0xFFFFFFA0 ss:$0x1], $0xffff  }
0x4b2: {  	s0 =	sor.u32 $0x70, s0;
	v7 =	vld.idx.msk [tilespmem:v3+s29+$0xFFFFFFB0 ss:$0x1], $0xffff  }
0x4b3: {  	v4 =	vmov s0;
	v56 =	vld.idx.msk [tilespmem:v3+s29+$0xFFFFFFC0 ss:$0x1], $0xffff  }
0x4b4: {  	v57 =	vld.idx.msk [tilespmem:v3+s29+$0xFFFFFFD0 ss:$0x1], $0xffff  }
0x4b5: {  	v58 =	vld.idx.msk [tilespmem:v3+s29+$0xFFFFFFE0 ss:$0x1], $0xffff  }
0x4b6: {  	[tilespmem:s29+$0xC470] =	vst.add.f32.msk $0xffff, v5  }
0x4b7: {  	[tilespmem:s29+$0xC410] =	vst.add.f32.msk $0xffff, v6  }
0x4b8: {  	v5 =	vld.idx.msk [tilespmem:v4+s29+$0x0 ss:$0x1], $0xffff  }
0x4b9: {  	[tilespmem:s29+$0xC420] =	vst.add.f32.msk $0xffff, v7  }
0x4ba: {  	[tilespmem:s29+$0xC430] =	vst.add.f32.msk $0xffff, v56  }
0x4bb: {  	[tilespmem:s29+$0xC440] =	vst.add.f32.msk $0xffff, v57  }
0x4bc: {  	[tilespmem:s29+$0xC450] =	vst.add.f32.msk $0xffff, v58  }
0x4bd: {  	[tilespmem:s29+$0xC670] =	vst.add.f32.msk $0xffff, v5  }
0x4be: {  	v5 =	vld.idx.msk [tilespmem:v2+s29+$0xFFFFFFF0 ss:$0x1], $0xffff  }
0x4bf: {  	v7 =	vld.idx.msk [tilespmem:v4+s29+$0xFFFFFFA0 ss:$0x1], $0xffff  }
0x4c0: {  	v60 =	vld.idx.msk [tilespmem:v4+s29+$0xFFFFFFB0 ss:$0x1], $0xffff  }
0x4c1: {  	v61 =	vld.idx.msk [tilespmem:v4+s29+$0xFFFFFFC0 ss:$0x1], $0xffff  }
0x4c2: {  	v62 =	vld.idx.msk [tilespmem:v4+s29+$0xFFFFFFD0 ss:$0x1], $0xffff  }
0x4c3: {  	[tilespmem:s29+$0xA660] =	vst.add.f32.msk $0xffff, v5  }
0x4c4: {  	v5 =	vld.idx.msk [tilespmem:v3+s29+$0xFFFFFF90 ss:$0x1], $0xffff  }
0x4c5: {  	v59 =	vld.idx.msk [tilespmem:v3+s29+$0xFFFFFFF0 ss:$0x1], $0xffff  }
0x4c6: {  	v63 =	vld.idx.msk [tilespmem:v4+s29+$0xFFFFFFE0 ss:$0x1], $0xffff  }
0x4c7: {  	[tilespmem:s29+$0xC610] =	vst.add.f32.msk $0xffff, v7  }
0x4c8: {  	[tilespmem:s29+$0xC620] =	vst.add.f32.msk $0xffff, v60  }
0x4c9: {  	[tilespmem:s29+$0xC400] =	vst.add.f32.msk $0xffff, v5  }
0x4ca: {  	[tilespmem:s29+$0xC460] =	vst.add.f32.msk $0xffff, v59  }
0x4cb: {  	v6 =	vld.idx.msk [tilespmem:v4+s29+$0xFFFFFF90 ss:$0x1], $0xffff  }
0x4cc: {  	v5 =	vld.idx.msk [tilespmem:v4+s29+$0xFFFFFFF0 ss:$0x1], $0xffff  }
0x4cd: {  	[tilespmem:s29+$0xC630] =	vst.add.f32.msk $0xffff, v61  }
0x4ce: {  	[tilespmem:s29+$0xC640] =	vst.add.f32.msk $0xffff, v62  }
0x4cf: {  	[tilespmem:s29+$0xC650] =	vst.add.f32.msk $0xffff, v63  }
0x4d0: {  	s30 =	simm.s32 $0x0;
	s0 =	simm.s32 $0x1000;
	[tilespmem:s29+$0xC600] =	vst.add.f32.msk $0xffff, v6  }
.LBB2_19:
0x4d1: {  	s30 =	sadd.s32 $0x8, s30;
	[tilespmem:s29+$0xC660] =	vst.add.f32.msk $0xffff, v5;
	s29 =	sshra.s32 s0, $0x2  }
0x4d2: {  	v5 =	vld.idx.msk [tilespmem:v1+s29+$0x0 ss:$0x1], $0xffff;
	p0 =	slt.u32 s30, $0x38  }
0x4d3: {  	v6 =	vld.idx.msk [tilespmem:v1+s29+$0xFFFFFF90 ss:$0x1], $0xffff  }
0x4d4: {  	v7 =	vld.idx.msk [tilespmem:v1+s29+$0xFFFFFFA0 ss:$0x1], $0xffff  }
0x4d5: {  	v8 =	vld.idx.msk [tilespmem:v1+s29+$0xFFFFFFB0 ss:$0x1], $0xffff  }
0x4d6: {  	v9 =	vld.idx.msk [tilespmem:v1+s29+$0xFFFFFFC0 ss:$0x1], $0xffff  }
0x4d7: {  	v10 =	vld.idx.msk [tilespmem:v1+s29+$0xFFFFFFD0 ss:$0x1], $0xffff  }
0x4d8: {  	[tilespmem:s29+$0xA470] =	vst.add.f32.msk $0xffff, v5  }
0x4d9: {  	v5 =	vld.idx.msk [tilespmem:v2+s29+$0x0 ss:$0x1], $0xffff  }
0x4da: {  	v11 =	vld.idx.msk [tilespmem:v1+s29+$0xFFFFFFE0 ss:$0x1], $0xffff  }
0x4db: {  	v12 =	vld.idx.msk [tilespmem:v1+s29+$0xFFFFFFF0 ss:$0x1], $0xffff  }
0x4dc: {  	[tilespmem:s29+$0xA400] =	vst.add.f32.msk $0xffff, v6  }
0x4dd: {  	[tilespmem:s29+$0xA410] =	vst.add.f32.msk $0xffff, v7  }
0x4de: {  	[tilespmem:s29+$0xA420] =	vst.add.f32.msk $0xffff, v8  }
0x4df: {  	[tilespmem:s29+$0xA670] =	vst.add.f32.msk $0xffff, v5  }
0x4e0: {  	v5 =	vld.idx.msk [tilespmem:v3+s29+$0x0 ss:$0x1], $0xffff  }
0x4e1: {  	[tilespmem:s29+$0xA430] =	vst.add.f32.msk $0xffff, v9  }
0x4e2: {  	[tilespmem:s29+$0xA440] =	vst.add.f32.msk $0xffff, v10  }
0x4e3: {  	[tilespmem:s29+$0xA450] =	vst.add.f32.msk $0xffff, v11  }
0x4e4: {  	[tilespmem:s29+$0xA460] =	vst.add.f32.msk $0xffff, v12  }
0x4e5: {  	v6 =	vld.idx.msk [tilespmem:v2+s29+$0xFFFFFF90 ss:$0x1], $0xffff  }
0x4e6: {  	[tilespmem:s29+$0xC470] =	vst.add.f32.msk $0xffff, v5  }
0x4e7: {  	v5 =	vld.idx.msk [tilespmem:v4+s29+$0x0 ss:$0x1], $0xffff  }
0x4e8: {  	v7 =	vld.idx.msk [tilespmem:v2+s29+$0xFFFFFFA0 ss:$0x1], $0xffff  }
0x4e9: {  	v8 =	vld.idx.msk [tilespmem:v2+s29+$0xFFFFFFB0 ss:$0x1], $0xffff  }
0x4ea: {  	v9 =	vld.idx.msk [tilespmem:v2+s29+$0xFFFFFFC0 ss:$0x1], $0xffff  }
0x4eb: {  	v10 =	vld.idx.msk [tilespmem:v2+s29+$0xFFFFFFD0 ss:$0x1], $0xffff  }
0x4ec: {  	v11 =	vld.idx.msk [tilespmem:v2+s29+$0xFFFFFFE0 ss:$0x1], $0xffff  }
0x4ed: {  	[tilespmem:s29+$0xC670] =	vst.add.f32.msk $0xffff, v5  }
0x4ee: {  	v5 =	vld.idx.msk [tilespmem:v2+s29+$0xFFFFFFF0 ss:$0x1], $0xffff  }
0x4ef: {  	[tilespmem:s29+$0xA600] =	vst.add.f32.msk $0xffff, v6  }
0x4f0: {  	[tilespmem:s29+$0xA610] =	vst.add.f32.msk $0xffff, v7  }
0x4f1: {  	[tilespmem:s29+$0xA620] =	vst.add.f32.msk $0xffff, v8  }
0x4f2: {  	[tilespmem:s29+$0xA630] =	vst.add.f32.msk $0xffff, v9  }
0x4f3: {  	[tilespmem:s29+$0xA640] =	vst.add.f32.msk $0xffff, v10  }
0x4f4: {  	[tilespmem:s29+$0xA650] =	vst.add.f32.msk $0xffff, v11  }
0x4f5: {  	[tilespmem:s29+$0xA660] =	vst.add.f32.msk $0xffff, v5  }
0x4f6: {  	v5 =	vld.idx.msk [tilespmem:v3+s29+$0xFFFFFF90 ss:$0x1], $0xffff  }
0x4f7: {  	v6 =	vld.idx.msk [tilespmem:v3+s29+$0xFFFFFFA0 ss:$0x1], $0xffff  }
0x4f8: {  	v7 =	vld.idx.msk [tilespmem:v3+s29+$0xFFFFFFB0 ss:$0x1], $0xffff  }
0x4f9: {  	v8 =	vld.idx.msk [tilespmem:v3+s29+$0xFFFFFFC0 ss:$0x1], $0xffff  }
0x4fa: {  	v9 =	vld.idx.msk [tilespmem:v3+s29+$0xFFFFFFD0 ss:$0x1], $0xffff  }
0x4fb: {  	v10 =	vld.idx.msk [tilespmem:v3+s29+$0xFFFFFFE0 ss:$0x1], $0xffff  }
0x4fc: {  	v11 =	vld.idx.msk [tilespmem:v3+s29+$0xFFFFFFF0 ss:$0x1], $0xffff  }
0x4fd: {  	[tilespmem:s29+$0xC400] =	vst.add.f32.msk $0xffff, v5  }
0x4fe: {  	[tilespmem:s29+$0xC410] =	vst.add.f32.msk $0xffff, v6  }
0x4ff: {  	[tilespmem:s29+$0xC420] =	vst.add.f32.msk $0xffff, v7  }
0x500: {  	[tilespmem:s29+$0xC430] =	vst.add.f32.msk $0xffff, v8  }
0x501: {  	[tilespmem:s29+$0xC440] =	vst.add.f32.msk $0xffff, v9  }
0x502: {  	[tilespmem:s29+$0xC450] =	vst.add.f32.msk $0xffff, v10  }
0x503: {  	[tilespmem:s29+$0xC460] =	vst.add.f32.msk $0xffff, v11  }
0x504: {  	v6 =	vld.idx.msk [tilespmem:v4+s29+$0xFFFFFF90 ss:$0x1], $0xffff  }
0x505: {  	v7 =	vld.idx.msk [tilespmem:v4+s29+$0xFFFFFFA0 ss:$0x1], $0xffff  }
0x506: {  	v8 =	vld.idx.msk [tilespmem:v4+s29+$0xFFFFFFB0 ss:$0x1], $0xffff  }
0x507: {  	v9 =	vld.idx.msk [tilespmem:v4+s29+$0xFFFFFFC0 ss:$0x1], $0xffff  }
0x508: {  	v10 =	vld.idx.msk [tilespmem:v4+s29+$0xFFFFFFD0 ss:$0x1], $0xffff  }
0x509: {  	v11 =	vld.idx.msk [tilespmem:v4+s29+$0xFFFFFFE0 ss:$0x1], $0xffff  }
0x50a: {  	v5 =	vld.idx.msk [tilespmem:v4+s29+$0xFFFFFFF0 ss:$0x1], $0xffff  }
0x50b: {  	[tilespmem:s29+$0xC600] =	vst.add.f32.msk $0xffff, v6  }
.Ltmp8:
0x50c: {  	[tilespmem:s29+$0xC610] =	vst.add.f32.msk $0xffff, v7;
	(pc) =	sbr.rel @p0 .LBB2_19-.Ltmp8, $4  }
0x50d: {  	[tilespmem:s29+$0xC620] =	vst.add.f32.msk $0xffff, v8  }
0x50e: {  	[tilespmem:s29+$0xC630] =	vst.add.f32.msk $0xffff, v9  }
0x50f: {  	[tilespmem:s29+$0xC640] =	vst.add.f32.msk $0xffff, v10  }
0x510: {  	s0 =	sadd.s32 $0x1000, s0;
	[tilespmem:s29+$0xC650] =	vst.add.f32.msk $0xffff, v11  }
0x511: {  	(v2sf) =	vpush v0, $0x1;
	_ =	sdelay $0xe  }
0x512: {  	s0 =	spop (v2sf)  }
0x513: {  	(v2sf) =	vpush v0, $0x5;
	s30 =	sshll.u32 s0, $0xC;
	s0 =	sand.u32 $0x7, s0  }
0x514: {  	s30 =	sand.u32 $0xFFFF8000, s30;
	s0 =	sshll.u32 s0, $0x9  }
0x515: {  	s0 =	sor.u32 s0, s30  }
0x516: {  	s0 =	sshra.s32 s0, $0x2  }
0x517: {  	s0 =	sor.u32 $0x70, s0  }
0x518: {  	v1 =	vmov s0;
	_ =	sdelay $0x3  }
0x519: {  	[tilespmem:s29+$0xC660] =	vst.add.f32.msk $0xffff, v5;
	s29 =	simm.s32 $0x0  }
0x51a: {  	v3 =	vld.idx.msk [tilespmem:v1+s29+$0x0 ss:$0x1], $0xffff  }
0x51b: {  	v4 =	vld.idx.msk [tilespmem:v1+s29+$0xFFFFFF90 ss:$0x1], $0xffff  }
0x51c: {  	v5 =	vld.idx.msk [tilespmem:v1+s29+$0xFFFFFFA0 ss:$0x1], $0xffff  }
0x51d: {  	v6 =	vld.idx.msk [tilespmem:v1+s29+$0xFFFFFFB0 ss:$0x1], $0xffff  }
0x51e: {  	(v2sf) =	vpush v0, $0x9;
	v7 =	vld.idx.msk [tilespmem:v1+s29+$0xFFFFFFC0 ss:$0x1], $0xffff  }
0x51f: {  	s31 =	spop (v2sf);
	v8 =	vld.idx.msk [tilespmem:v1+s29+$0xFFFFFFD0 ss:$0x1], $0xffff  }
0x520: {  	s30 =	sshll.u32 s31, $0xC;
	s0 =	sand.u32 $0x7, s31;
	v10 =	vld.idx.msk [tilespmem:v1+s29+$0xFFFFFFE0 ss:$0x1], $0xffff  }
0x521: {  	s30 =	sand.u32 $0xFFFF8000, s30;
	s0 =	sshll.u32 s0, $0x9;
	v11 =	vld.idx.msk [tilespmem:v1+s29+$0xFFFFFFF0 ss:$0x1], $0xffff  }
0x522: {  	s0 =	sor.u32 s0, s30;
	[tilespmem:s29+$0xA4F0] =	vst.add.f32.msk $0xffff, v3  }
0x523: {  	s0 =	sshra.s32 s0, $0x2;
	[tilespmem:s29+$0xA480] =	vst.add.f32.msk $0xffff, v4  }
0x524: {  	s0 =	sor.u32 $0x70, s0;
	[tilespmem:s29+$0xA490] =	vst.add.f32.msk $0xffff, v5  }
0x525: {  	v2 =	vmov s0;
	[tilespmem:s29+$0xA4A0] =	vst.add.f32.msk $0xffff, v6  }
0x526: {  	(v2sf) =	vpush v0, $0xD;
	[tilespmem:s29+$0xA4B0] =	vst.add.f32.msk $0xffff, v7  }
0x527: {  	[tilespmem:s29+$0xA4C0] =	vst.add.f32.msk $0xffff, v8  }
0x528: {  	[tilespmem:s29+$0xA4D0] =	vst.add.f32.msk $0xffff, v10  }
0x529: {  	[tilespmem:s29+$0xA4E0] =	vst.add.f32.msk $0xffff, v11  }
0x52a: {  	v9 =	vld.idx.msk [tilespmem:v2+s29+$0x0 ss:$0x1], $0xffff  }
0x52b: {  	v6 =	vld.idx.msk [tilespmem:v2+s29+$0xFFFFFF90 ss:$0x1], $0xffff  }
0x52c: {  	v7 =	vld.idx.msk [tilespmem:v2+s29+$0xFFFFFFA0 ss:$0x1], $0xffff  }
0x52d: {  	s31 =	spop (v2sf);
	v52 =	vld.idx.msk [tilespmem:v2+s29+$0xFFFFFFB0 ss:$0x1], $0xffff  }
0x52e: {  	s30 =	sshll.u32 s31, $0xC;
	s0 =	sand.u32 $0x7, s31;
	v53 =	vld.idx.msk [tilespmem:v2+s29+$0xFFFFFFC0 ss:$0x1], $0xffff  }
0x52f: {  	s30 =	sand.u32 $0xFFFF8000, s30;
	s0 =	sshll.u32 s0, $0x9;
	v54 =	vld.idx.msk [tilespmem:v2+s29+$0xFFFFFFD0 ss:$0x1], $0xffff  }
0x530: {  	s0 =	sor.u32 s0, s30;
	v55 =	vld.idx.msk [tilespmem:v2+s29+$0xFFFFFFE0 ss:$0x1], $0xffff  }
0x531: {  	s0 =	sshra.s32 s0, $0x2;
	[tilespmem:s29+$0xA6F0] =	vst.add.f32.msk $0xffff, v9  }
0x532: {  	s0 =	sor.u32 $0x70, s0;
	[tilespmem:s29+$0xA680] =	vst.add.f32.msk $0xffff, v6  }
0x533: {  	v3 =	vmov s0;
	[tilespmem:s29+$0xA690] =	vst.add.f32.msk $0xffff, v7  }
0x534: {  	[tilespmem:s29+$0xA6A0] =	vst.add.f32.msk $0xffff, v52  }
0x535: {  	s31 =	spop (v2sf);
	[tilespmem:s29+$0xA6B0] =	vst.add.f32.msk $0xffff, v53  }
0x536: {  	s30 =	sshll.u32 s31, $0xC;
	s0 =	sand.u32 $0x7, s31;
	[tilespmem:s29+$0xA6C0] =	vst.add.f32.msk $0xffff, v54  }
0x537: {  	s30 =	sand.u32 $0xFFFF8000, s30;
	s0 =	sshll.u32 s0, $0x9;
	[tilespmem:s29+$0xA6D0] =	vst.add.f32.msk $0xffff, v55  }
0x538: {  	s0 =	sor.u32 s0, s30;
	v5 =	vld.idx.msk [tilespmem:v3+s29+$0x0 ss:$0x1], $0xffff  }
0x539: {  	s0 =	sshra.s32 s0, $0x2;
	v6 =	vld.idx.msk [tilespmem:v3+s29+$0xFFFFFFA0 ss:$0x1], $0xffff  }
0x53a: {  	s0 =	sor.u32 $0x70, s0;
	v7 =	vld.idx.msk [tilespmem:v3+s29+$0xFFFFFFB0 ss:$0x1], $0xffff  }
0x53b: {  	v4 =	vmov s0;
	v56 =	vld.idx.msk [tilespmem:v3+s29+$0xFFFFFFC0 ss:$0x1], $0xffff  }
0x53c: {  	v57 =	vld.idx.msk [tilespmem:v3+s29+$0xFFFFFFD0 ss:$0x1], $0xffff  }
0x53d: {  	v58 =	vld.idx.msk [tilespmem:v3+s29+$0xFFFFFFE0 ss:$0x1], $0xffff  }
0x53e: {  	[tilespmem:s29+$0xC4F0] =	vst.add.f32.msk $0xffff, v5  }
0x53f: {  	[tilespmem:s29+$0xC490] =	vst.add.f32.msk $0xffff, v6  }
0x540: {  	v5 =	vld.idx.msk [tilespmem:v4+s29+$0x0 ss:$0x1], $0xffff  }
0x541: {  	[tilespmem:s29+$0xC4A0] =	vst.add.f32.msk $0xffff, v7  }
0x542: {  	[tilespmem:s29+$0xC4B0] =	vst.add.f32.msk $0xffff, v56  }
0x543: {  	[tilespmem:s29+$0xC4C0] =	vst.add.f32.msk $0xffff, v57  }
0x544: {  	[tilespmem:s29+$0xC4D0] =	vst.add.f32.msk $0xffff, v58  }
0x545: {  	[tilespmem:s29+$0xC6F0] =	vst.add.f32.msk $0xffff, v5  }
0x546: {  	v5 =	vld.idx.msk [tilespmem:v2+s29+$0xFFFFFFF0 ss:$0x1], $0xffff  }
0x547: {  	v7 =	vld.idx.msk [tilespmem:v4+s29+$0xFFFFFFA0 ss:$0x1], $0xffff  }
0x548: {  	v60 =	vld.idx.msk [tilespmem:v4+s29+$0xFFFFFFB0 ss:$0x1], $0xffff  }
0x549: {  	v61 =	vld.idx.msk [tilespmem:v4+s29+$0xFFFFFFC0 ss:$0x1], $0xffff  }
0x54a: {  	v62 =	vld.idx.msk [tilespmem:v4+s29+$0xFFFFFFD0 ss:$0x1], $0xffff  }
0x54b: {  	[tilespmem:s29+$0xA6E0] =	vst.add.f32.msk $0xffff, v5  }
0x54c: {  	v5 =	vld.idx.msk [tilespmem:v3+s29+$0xFFFFFF90 ss:$0x1], $0xffff  }
0x54d: {  	v59 =	vld.idx.msk [tilespmem:v3+s29+$0xFFFFFFF0 ss:$0x1], $0xffff  }
0x54e: {  	v63 =	vld.idx.msk [tilespmem:v4+s29+$0xFFFFFFE0 ss:$0x1], $0xffff  }
0x54f: {  	[tilespmem:s29+$0xC690] =	vst.add.f32.msk $0xffff, v7  }
0x550: {  	[tilespmem:s29+$0xC6A0] =	vst.add.f32.msk $0xffff, v60  }
0x551: {  	[tilespmem:s29+$0xC480] =	vst.add.f32.msk $0xffff, v5  }
0x552: {  	[tilespmem:s29+$0xC4E0] =	vst.add.f32.msk $0xffff, v59  }
0x553: {  	v6 =	vld.idx.msk [tilespmem:v4+s29+$0xFFFFFF90 ss:$0x1], $0xffff  }
0x554: {  	v5 =	vld.idx.msk [tilespmem:v4+s29+$0xFFFFFFF0 ss:$0x1], $0xffff  }
0x555: {  	[tilespmem:s29+$0xC6B0] =	vst.add.f32.msk $0xffff, v61  }
0x556: {  	[tilespmem:s29+$0xC6C0] =	vst.add.f32.msk $0xffff, v62  }
0x557: {  	[tilespmem:s29+$0xC6D0] =	vst.add.f32.msk $0xffff, v63  }
0x558: {  	s30 =	simm.s32 $0x0;
	s0 =	simm.s32 $0x1000;
	[tilespmem:s29+$0xC680] =	vst.add.f32.msk $0xffff, v6  }
.LBB2_21:
0x559: {  	s30 =	sadd.s32 $0x8, s30;
	[tilespmem:s29+$0xC6E0] =	vst.add.f32.msk $0xffff, v5;
	s29 =	sshra.s32 s0, $0x2  }
0x55a: {  	v5 =	vld.idx.msk [tilespmem:v1+s29+$0x0 ss:$0x1], $0xffff;
	p0 =	slt.u32 s30, $0x38  }
0x55b: {  	v6 =	vld.idx.msk [tilespmem:v1+s29+$0xFFFFFF90 ss:$0x1], $0xffff  }
0x55c: {  	v7 =	vld.idx.msk [tilespmem:v1+s29+$0xFFFFFFA0 ss:$0x1], $0xffff  }
0x55d: {  	v8 =	vld.idx.msk [tilespmem:v1+s29+$0xFFFFFFB0 ss:$0x1], $0xffff  }
0x55e: {  	v9 =	vld.idx.msk [tilespmem:v1+s29+$0xFFFFFFC0 ss:$0x1], $0xffff  }
0x55f: {  	v10 =	vld.idx.msk [tilespmem:v1+s29+$0xFFFFFFD0 ss:$0x1], $0xffff  }
0x560: {  	[tilespmem:s29+$0xA4F0] =	vst.add.f32.msk $0xffff, v5  }
0x561: {  	v5 =	vld.idx.msk [tilespmem:v2+s29+$0x0 ss:$0x1], $0xffff  }
0x562: {  	v11 =	vld.idx.msk [tilespmem:v1+s29+$0xFFFFFFE0 ss:$0x1], $0xffff  }
0x563: {  	v12 =	vld.idx.msk [tilespmem:v1+s29+$0xFFFFFFF0 ss:$0x1], $0xffff  }
0x564: {  	[tilespmem:s29+$0xA480] =	vst.add.f32.msk $0xffff, v6  }
0x565: {  	[tilespmem:s29+$0xA490] =	vst.add.f32.msk $0xffff, v7  }
0x566: {  	[tilespmem:s29+$0xA4A0] =	vst.add.f32.msk $0xffff, v8  }
0x567: {  	[tilespmem:s29+$0xA6F0] =	vst.add.f32.msk $0xffff, v5  }
0x568: {  	v5 =	vld.idx.msk [tilespmem:v3+s29+$0x0 ss:$0x1], $0xffff  }
0x569: {  	[tilespmem:s29+$0xA4B0] =	vst.add.f32.msk $0xffff, v9  }
0x56a: {  	[tilespmem:s29+$0xA4C0] =	vst.add.f32.msk $0xffff, v10  }
0x56b: {  	[tilespmem:s29+$0xA4D0] =	vst.add.f32.msk $0xffff, v11  }
0x56c: {  	[tilespmem:s29+$0xA4E0] =	vst.add.f32.msk $0xffff, v12  }
0x56d: {  	v6 =	vld.idx.msk [tilespmem:v2+s29+$0xFFFFFF90 ss:$0x1], $0xffff  }
0x56e: {  	[tilespmem:s29+$0xC4F0] =	vst.add.f32.msk $0xffff, v5  }
0x56f: {  	v5 =	vld.idx.msk [tilespmem:v4+s29+$0x0 ss:$0x1], $0xffff  }
0x570: {  	v7 =	vld.idx.msk [tilespmem:v2+s29+$0xFFFFFFA0 ss:$0x1], $0xffff  }
0x571: {  	v8 =	vld.idx.msk [tilespmem:v2+s29+$0xFFFFFFB0 ss:$0x1], $0xffff  }
0x572: {  	v9 =	vld.idx.msk [tilespmem:v2+s29+$0xFFFFFFC0 ss:$0x1], $0xffff  }
0x573: {  	v10 =	vld.idx.msk [tilespmem:v2+s29+$0xFFFFFFD0 ss:$0x1], $0xffff  }
0x574: {  	v11 =	vld.idx.msk [tilespmem:v2+s29+$0xFFFFFFE0 ss:$0x1], $0xffff  }
0x575: {  	[tilespmem:s29+$0xC6F0] =	vst.add.f32.msk $0xffff, v5  }
0x576: {  	v5 =	vld.idx.msk [tilespmem:v2+s29+$0xFFFFFFF0 ss:$0x1], $0xffff  }
0x577: {  	[tilespmem:s29+$0xA680] =	vst.add.f32.msk $0xffff, v6  }
0x578: {  	[tilespmem:s29+$0xA690] =	vst.add.f32.msk $0xffff, v7  }
0x579: {  	[tilespmem:s29+$0xA6A0] =	vst.add.f32.msk $0xffff, v8  }
0x57a: {  	[tilespmem:s29+$0xA6B0] =	vst.add.f32.msk $0xffff, v9  }
0x57b: {  	[tilespmem:s29+$0xA6C0] =	vst.add.f32.msk $0xffff, v10  }
0x57c: {  	[tilespmem:s29+$0xA6D0] =	vst.add.f32.msk $0xffff, v11  }
0x57d: {  	[tilespmem:s29+$0xA6E0] =	vst.add.f32.msk $0xffff, v5  }
0x57e: {  	v5 =	vld.idx.msk [tilespmem:v3+s29+$0xFFFFFF90 ss:$0x1], $0xffff  }
0x57f: {  	v6 =	vld.idx.msk [tilespmem:v3+s29+$0xFFFFFFA0 ss:$0x1], $0xffff  }
0x580: {  	v7 =	vld.idx.msk [tilespmem:v3+s29+$0xFFFFFFB0 ss:$0x1], $0xffff  }
0x581: {  	v8 =	vld.idx.msk [tilespmem:v3+s29+$0xFFFFFFC0 ss:$0x1], $0xffff  }
0x582: {  	v9 =	vld.idx.msk [tilespmem:v3+s29+$0xFFFFFFD0 ss:$0x1], $0xffff  }
0x583: {  	v10 =	vld.idx.msk [tilespmem:v3+s29+$0xFFFFFFE0 ss:$0x1], $0xffff  }
0x584: {  	v11 =	vld.idx.msk [tilespmem:v3+s29+$0xFFFFFFF0 ss:$0x1], $0xffff  }
0x585: {  	[tilespmem:s29+$0xC480] =	vst.add.f32.msk $0xffff, v5  }
0x586: {  	[tilespmem:s29+$0xC490] =	vst.add.f32.msk $0xffff, v6  }
0x587: {  	[tilespmem:s29+$0xC4A0] =	vst.add.f32.msk $0xffff, v7  }
0x588: {  	[tilespmem:s29+$0xC4B0] =	vst.add.f32.msk $0xffff, v8  }
0x589: {  	[tilespmem:s29+$0xC4C0] =	vst.add.f32.msk $0xffff, v9  }
0x58a: {  	[tilespmem:s29+$0xC4D0] =	vst.add.f32.msk $0xffff, v10  }
0x58b: {  	[tilespmem:s29+$0xC4E0] =	vst.add.f32.msk $0xffff, v11  }
0x58c: {  	v6 =	vld.idx.msk [tilespmem:v4+s29+$0xFFFFFF90 ss:$0x1], $0xffff  }
0x58d: {  	v7 =	vld.idx.msk [tilespmem:v4+s29+$0xFFFFFFA0 ss:$0x1], $0xffff  }
0x58e: {  	v8 =	vld.idx.msk [tilespmem:v4+s29+$0xFFFFFFB0 ss:$0x1], $0xffff  }
0x58f: {  	v9 =	vld.idx.msk [tilespmem:v4+s29+$0xFFFFFFC0 ss:$0x1], $0xffff  }
0x590: {  	v10 =	vld.idx.msk [tilespmem:v4+s29+$0xFFFFFFD0 ss:$0x1], $0xffff  }
0x591: {  	v11 =	vld.idx.msk [tilespmem:v4+s29+$0xFFFFFFE0 ss:$0x1], $0xffff  }
0x592: {  	v5 =	vld.idx.msk [tilespmem:v4+s29+$0xFFFFFFF0 ss:$0x1], $0xffff  }
0x593: {  	[tilespmem:s29+$0xC680] =	vst.add.f32.msk $0xffff, v6  }
.Ltmp9:
0x594: {  	[tilespmem:s29+$0xC690] =	vst.add.f32.msk $0xffff, v7;
	(pc) =	sbr.rel @p0 .LBB2_21-.Ltmp9, $4  }
0x595: {  	[tilespmem:s29+$0xC6A0] =	vst.add.f32.msk $0xffff, v8  }
0x596: {  	[tilespmem:s29+$0xC6B0] =	vst.add.f32.msk $0xffff, v9  }
0x597: {  	[tilespmem:s29+$0xC6C0] =	vst.add.f32.msk $0xffff, v10  }
0x598: {  	s0 =	sadd.s32 $0x1000, s0;
	[tilespmem:s29+$0xC6D0] =	vst.add.f32.msk $0xffff, v11  }
0x599: {  	(v2sf) =	vpush v0, $0x2;
	_ =	sdelay $0xe  }
0x59a: {  	s0 =	spop (v2sf)  }
0x59b: {  	(v2sf) =	vpush v0, $0x6;
	s30 =	sshll.u32 s0, $0xC;
	s0 =	sand.u32 $0x7, s0  }
0x59c: {  	s30 =	sand.u32 $0xFFFF8000, s30;
	s0 =	sshll.u32 s0, $0x9  }
0x59d: {  	s0 =	sor.u32 s0, s30  }
0x59e: {  	s0 =	sshra.s32 s0, $0x2  }
0x59f: {  	s0 =	sor.u32 $0x70, s0  }
0x5a0: {  	v1 =	vmov s0;
	_ =	sdelay $0x3  }
0x5a1: {  	[tilespmem:s29+$0xC6E0] =	vst.add.f32.msk $0xffff, v5;
	s29 =	simm.s32 $0x0  }
0x5a2: {  	v3 =	vld.idx.msk [tilespmem:v1+s29+$0x0 ss:$0x1], $0xffff  }
0x5a3: {  	v4 =	vld.idx.msk [tilespmem:v1+s29+$0xFFFFFF90 ss:$0x1], $0xffff  }
0x5a4: {  	v5 =	vld.idx.msk [tilespmem:v1+s29+$0xFFFFFFA0 ss:$0x1], $0xffff  }
0x5a5: {  	v6 =	vld.idx.msk [tilespmem:v1+s29+$0xFFFFFFB0 ss:$0x1], $0xffff  }
0x5a6: {  	(v2sf) =	vpush v0, $0xA;
	v7 =	vld.idx.msk [tilespmem:v1+s29+$0xFFFFFFC0 ss:$0x1], $0xffff  }
0x5a7: {  	s31 =	spop (v2sf);
	v8 =	vld.idx.msk [tilespmem:v1+s29+$0xFFFFFFD0 ss:$0x1], $0xffff  }
0x5a8: {  	s30 =	sshll.u32 s31, $0xC;
	s0 =	sand.u32 $0x7, s31;
	v10 =	vld.idx.msk [tilespmem:v1+s29+$0xFFFFFFE0 ss:$0x1], $0xffff  }
0x5a9: {  	s30 =	sand.u32 $0xFFFF8000, s30;
	s0 =	sshll.u32 s0, $0x9;
	v11 =	vld.idx.msk [tilespmem:v1+s29+$0xFFFFFFF0 ss:$0x1], $0xffff  }
0x5aa: {  	s0 =	sor.u32 s0, s30;
	[tilespmem:s29+$0xA570] =	vst.add.f32.msk $0xffff, v3  }
0x5ab: {  	s0 =	sshra.s32 s0, $0x2;
	[tilespmem:s29+$0xA500] =	vst.add.f32.msk $0xffff, v4  }
0x5ac: {  	s0 =	sor.u32 $0x70, s0;
	[tilespmem:s29+$0xA510] =	vst.add.f32.msk $0xffff, v5  }
0x5ad: {  	v2 =	vmov s0;
	[tilespmem:s29+$0xA520] =	vst.add.f32.msk $0xffff, v6  }
0x5ae: {  	(v2sf) =	vpush v0, $0xE;
	[tilespmem:s29+$0xA530] =	vst.add.f32.msk $0xffff, v7  }
0x5af: {  	[tilespmem:s29+$0xA540] =	vst.add.f32.msk $0xffff, v8  }
0x5b0: {  	[tilespmem:s29+$0xA550] =	vst.add.f32.msk $0xffff, v10  }
0x5b1: {  	[tilespmem:s29+$0xA560] =	vst.add.f32.msk $0xffff, v11  }
0x5b2: {  	v9 =	vld.idx.msk [tilespmem:v2+s29+$0x0 ss:$0x1], $0xffff  }
0x5b3: {  	v6 =	vld.idx.msk [tilespmem:v2+s29+$0xFFFFFF90 ss:$0x1], $0xffff  }
0x5b4: {  	v7 =	vld.idx.msk [tilespmem:v2+s29+$0xFFFFFFA0 ss:$0x1], $0xffff  }
0x5b5: {  	s31 =	spop (v2sf);
	v52 =	vld.idx.msk [tilespmem:v2+s29+$0xFFFFFFB0 ss:$0x1], $0xffff  }
0x5b6: {  	s30 =	sshll.u32 s31, $0xC;
	s0 =	sand.u32 $0x7, s31;
	v53 =	vld.idx.msk [tilespmem:v2+s29+$0xFFFFFFC0 ss:$0x1], $0xffff  }
0x5b7: {  	s30 =	sand.u32 $0xFFFF8000, s30;
	s0 =	sshll.u32 s0, $0x9;
	v54 =	vld.idx.msk [tilespmem:v2+s29+$0xFFFFFFD0 ss:$0x1], $0xffff  }
0x5b8: {  	s0 =	sor.u32 s0, s30;
	v55 =	vld.idx.msk [tilespmem:v2+s29+$0xFFFFFFE0 ss:$0x1], $0xffff  }
0x5b9: {  	s0 =	sshra.s32 s0, $0x2;
	[tilespmem:s29+$0xA770] =	vst.add.f32.msk $0xffff, v9  }
0x5ba: {  	s0 =	sor.u32 $0x70, s0;
	[tilespmem:s29+$0xA700] =	vst.add.f32.msk $0xffff, v6  }
0x5bb: {  	v3 =	vmov s0;
	[tilespmem:s29+$0xA710] =	vst.add.f32.msk $0xffff, v7  }
0x5bc: {  	[tilespmem:s29+$0xA720] =	vst.add.f32.msk $0xffff, v52  }
0x5bd: {  	s31 =	spop (v2sf);
	[tilespmem:s29+$0xA730] =	vst.add.f32.msk $0xffff, v53  }
0x5be: {  	s30 =	sshll.u32 s31, $0xC;
	s0 =	sand.u32 $0x7, s31;
	[tilespmem:s29+$0xA740] =	vst.add.f32.msk $0xffff, v54  }
0x5bf: {  	s30 =	sand.u32 $0xFFFF8000, s30;
	s0 =	sshll.u32 s0, $0x9;
	[tilespmem:s29+$0xA750] =	vst.add.f32.msk $0xffff, v55  }
0x5c0: {  	s0 =	sor.u32 s0, s30;
	v5 =	vld.idx.msk [tilespmem:v3+s29+$0x0 ss:$0x1], $0xffff  }
0x5c1: {  	s0 =	sshra.s32 s0, $0x2;
	v6 =	vld.idx.msk [tilespmem:v3+s29+$0xFFFFFFA0 ss:$0x1], $0xffff  }
0x5c2: {  	s0 =	sor.u32 $0x70, s0;
	v7 =	vld.idx.msk [tilespmem:v3+s29+$0xFFFFFFB0 ss:$0x1], $0xffff  }
0x5c3: {  	v4 =	vmov s0;
	v56 =	vld.idx.msk [tilespmem:v3+s29+$0xFFFFFFC0 ss:$0x1], $0xffff  }
0x5c4: {  	v57 =	vld.idx.msk [tilespmem:v3+s29+$0xFFFFFFD0 ss:$0x1], $0xffff  }
0x5c5: {  	v58 =	vld.idx.msk [tilespmem:v3+s29+$0xFFFFFFE0 ss:$0x1], $0xffff  }
0x5c6: {  	[tilespmem:s29+$0xC570] =	vst.add.f32.msk $0xffff, v5  }
0x5c7: {  	[tilespmem:s29+$0xC510] =	vst.add.f32.msk $0xffff, v6  }
0x5c8: {  	v5 =	vld.idx.msk [tilespmem:v4+s29+$0x0 ss:$0x1], $0xffff  }
0x5c9: {  	[tilespmem:s29+$0xC520] =	vst.add.f32.msk $0xffff, v7  }
0x5ca: {  	[tilespmem:s29+$0xC530] =	vst.add.f32.msk $0xffff, v56  }
0x5cb: {  	[tilespmem:s29+$0xC540] =	vst.add.f32.msk $0xffff, v57  }
0x5cc: {  	[tilespmem:s29+$0xC550] =	vst.add.f32.msk $0xffff, v58  }
0x5cd: {  	[tilespmem:s29+$0xC770] =	vst.add.f32.msk $0xffff, v5  }
0x5ce: {  	v5 =	vld.idx.msk [tilespmem:v2+s29+$0xFFFFFFF0 ss:$0x1], $0xffff  }
0x5cf: {  	v7 =	vld.idx.msk [tilespmem:v4+s29+$0xFFFFFFA0 ss:$0x1], $0xffff  }
0x5d0: {  	v60 =	vld.idx.msk [tilespmem:v4+s29+$0xFFFFFFB0 ss:$0x1], $0xffff  }
0x5d1: {  	v61 =	vld.idx.msk [tilespmem:v4+s29+$0xFFFFFFC0 ss:$0x1], $0xffff  }
0x5d2: {  	v62 =	vld.idx.msk [tilespmem:v4+s29+$0xFFFFFFD0 ss:$0x1], $0xffff  }
0x5d3: {  	[tilespmem:s29+$0xA760] =	vst.add.f32.msk $0xffff, v5  }
0x5d4: {  	v5 =	vld.idx.msk [tilespmem:v3+s29+$0xFFFFFF90 ss:$0x1], $0xffff  }
0x5d5: {  	v59 =	vld.idx.msk [tilespmem:v3+s29+$0xFFFFFFF0 ss:$0x1], $0xffff  }
0x5d6: {  	v63 =	vld.idx.msk [tilespmem:v4+s29+$0xFFFFFFE0 ss:$0x1], $0xffff  }
0x5d7: {  	[tilespmem:s29+$0xC710] =	vst.add.f32.msk $0xffff, v7  }
0x5d8: {  	[tilespmem:s29+$0xC720] =	vst.add.f32.msk $0xffff, v60  }
0x5d9: {  	[tilespmem:s29+$0xC500] =	vst.add.f32.msk $0xffff, v5  }
0x5da: {  	[tilespmem:s29+$0xC560] =	vst.add.f32.msk $0xffff, v59  }
0x5db: {  	v6 =	vld.idx.msk [tilespmem:v4+s29+$0xFFFFFF90 ss:$0x1], $0xffff  }
0x5dc: {  	v5 =	vld.idx.msk [tilespmem:v4+s29+$0xFFFFFFF0 ss:$0x1], $0xffff  }
0x5dd: {  	[tilespmem:s29+$0xC730] =	vst.add.f32.msk $0xffff, v61  }
0x5de: {  	[tilespmem:s29+$0xC740] =	vst.add.f32.msk $0xffff, v62  }
0x5df: {  	[tilespmem:s29+$0xC750] =	vst.add.f32.msk $0xffff, v63  }
0x5e0: {  	s30 =	simm.s32 $0x0;
	s0 =	simm.s32 $0x1000;
	[tilespmem:s29+$0xC700] =	vst.add.f32.msk $0xffff, v6  }
.LBB2_23:
0x5e1: {  	s30 =	sadd.s32 $0x8, s30;
	[tilespmem:s29+$0xC760] =	vst.add.f32.msk $0xffff, v5;
	s29 =	sshra.s32 s0, $0x2  }
0x5e2: {  	v5 =	vld.idx.msk [tilespmem:v1+s29+$0x0 ss:$0x1], $0xffff;
	p0 =	slt.u32 s30, $0x38  }
0x5e3: {  	v6 =	vld.idx.msk [tilespmem:v1+s29+$0xFFFFFF90 ss:$0x1], $0xffff  }
0x5e4: {  	v7 =	vld.idx.msk [tilespmem:v1+s29+$0xFFFFFFA0 ss:$0x1], $0xffff  }
0x5e5: {  	v8 =	vld.idx.msk [tilespmem:v1+s29+$0xFFFFFFB0 ss:$0x1], $0xffff  }
0x5e6: {  	v9 =	vld.idx.msk [tilespmem:v1+s29+$0xFFFFFFC0 ss:$0x1], $0xffff  }
0x5e7: {  	v10 =	vld.idx.msk [tilespmem:v1+s29+$0xFFFFFFD0 ss:$0x1], $0xffff  }
0x5e8: {  	[tilespmem:s29+$0xA570] =	vst.add.f32.msk $0xffff, v5  }
0x5e9: {  	v5 =	vld.idx.msk [tilespmem:v2+s29+$0x0 ss:$0x1], $0xffff  }
0x5ea: {  	v11 =	vld.idx.msk [tilespmem:v1+s29+$0xFFFFFFE0 ss:$0x1], $0xffff  }
0x5eb: {  	v12 =	vld.idx.msk [tilespmem:v1+s29+$0xFFFFFFF0 ss:$0x1], $0xffff  }
0x5ec: {  	[tilespmem:s29+$0xA500] =	vst.add.f32.msk $0xffff, v6  }
0x5ed: {  	[tilespmem:s29+$0xA510] =	vst.add.f32.msk $0xffff, v7  }
0x5ee: {  	[tilespmem:s29+$0xA520] =	vst.add.f32.msk $0xffff, v8  }
0x5ef: {  	[tilespmem:s29+$0xA770] =	vst.add.f32.msk $0xffff, v5  }
0x5f0: {  	v5 =	vld.idx.msk [tilespmem:v3+s29+$0x0 ss:$0x1], $0xffff  }
0x5f1: {  	[tilespmem:s29+$0xA530] =	vst.add.f32.msk $0xffff, v9  }
0x5f2: {  	[tilespmem:s29+$0xA540] =	vst.add.f32.msk $0xffff, v10  }
0x5f3: {  	[tilespmem:s29+$0xA550] =	vst.add.f32.msk $0xffff, v11  }
0x5f4: {  	[tilespmem:s29+$0xA560] =	vst.add.f32.msk $0xffff, v12  }
0x5f5: {  	v6 =	vld.idx.msk [tilespmem:v2+s29+$0xFFFFFF90 ss:$0x1], $0xffff  }
0x5f6: {  	[tilespmem:s29+$0xC570] =	vst.add.f32.msk $0xffff, v5  }
0x5f7: {  	v5 =	vld.idx.msk [tilespmem:v4+s29+$0x0 ss:$0x1], $0xffff  }
0x5f8: {  	v7 =	vld.idx.msk [tilespmem:v2+s29+$0xFFFFFFA0 ss:$0x1], $0xffff  }
0x5f9: {  	v8 =	vld.idx.msk [tilespmem:v2+s29+$0xFFFFFFB0 ss:$0x1], $0xffff  }
0x5fa: {  	v9 =	vld.idx.msk [tilespmem:v2+s29+$0xFFFFFFC0 ss:$0x1], $0xffff  }
0x5fb: {  	v10 =	vld.idx.msk [tilespmem:v2+s29+$0xFFFFFFD0 ss:$0x1], $0xffff  }
0x5fc: {  	v11 =	vld.idx.msk [tilespmem:v2+s29+$0xFFFFFFE0 ss:$0x1], $0xffff  }
0x5fd: {  	[tilespmem:s29+$0xC770] =	vst.add.f32.msk $0xffff, v5  }
0x5fe: {  	v5 =	vld.idx.msk [tilespmem:v2+s29+$0xFFFFFFF0 ss:$0x1], $0xffff  }
0x5ff: {  	[tilespmem:s29+$0xA700] =	vst.add.f32.msk $0xffff, v6  }
0x600: {  	[tilespmem:s29+$0xA710] =	vst.add.f32.msk $0xffff, v7  }
0x601: {  	[tilespmem:s29+$0xA720] =	vst.add.f32.msk $0xffff, v8  }
0x602: {  	[tilespmem:s29+$0xA730] =	vst.add.f32.msk $0xffff, v9  }
0x603: {  	[tilespmem:s29+$0xA740] =	vst.add.f32.msk $0xffff, v10  }
0x604: {  	[tilespmem:s29+$0xA750] =	vst.add.f32.msk $0xffff, v11  }
0x605: {  	[tilespmem:s29+$0xA760] =	vst.add.f32.msk $0xffff, v5  }
0x606: {  	v5 =	vld.idx.msk [tilespmem:v3+s29+$0xFFFFFF90 ss:$0x1], $0xffff  }
0x607: {  	v6 =	vld.idx.msk [tilespmem:v3+s29+$0xFFFFFFA0 ss:$0x1], $0xffff  }
0x608: {  	v7 =	vld.idx.msk [tilespmem:v3+s29+$0xFFFFFFB0 ss:$0x1], $0xffff  }
0x609: {  	v8 =	vld.idx.msk [tilespmem:v3+s29+$0xFFFFFFC0 ss:$0x1], $0xffff  }
0x60a: {  	v9 =	vld.idx.msk [tilespmem:v3+s29+$0xFFFFFFD0 ss:$0x1], $0xffff  }
0x60b: {  	v10 =	vld.idx.msk [tilespmem:v3+s29+$0xFFFFFFE0 ss:$0x1], $0xffff  }
0x60c: {  	v11 =	vld.idx.msk [tilespmem:v3+s29+$0xFFFFFFF0 ss:$0x1], $0xffff  }
0x60d: {  	[tilespmem:s29+$0xC500] =	vst.add.f32.msk $0xffff, v5  }
0x60e: {  	[tilespmem:s29+$0xC510] =	vst.add.f32.msk $0xffff, v6  }
0x60f: {  	[tilespmem:s29+$0xC520] =	vst.add.f32.msk $0xffff, v7  }
0x610: {  	[tilespmem:s29+$0xC530] =	vst.add.f32.msk $0xffff, v8  }
0x611: {  	[tilespmem:s29+$0xC540] =	vst.add.f32.msk $0xffff, v9  }
0x612: {  	[tilespmem:s29+$0xC550] =	vst.add.f32.msk $0xffff, v10  }
0x613: {  	[tilespmem:s29+$0xC560] =	vst.add.f32.msk $0xffff, v11  }
0x614: {  	v6 =	vld.idx.msk [tilespmem:v4+s29+$0xFFFFFF90 ss:$0x1], $0xffff  }
0x615: {  	v7 =	vld.idx.msk [tilespmem:v4+s29+$0xFFFFFFA0 ss:$0x1], $0xffff  }
0x616: {  	v8 =	vld.idx.msk [tilespmem:v4+s29+$0xFFFFFFB0 ss:$0x1], $0xffff  }
0x617: {  	v9 =	vld.idx.msk [tilespmem:v4+s29+$0xFFFFFFC0 ss:$0x1], $0xffff  }
0x618: {  	v10 =	vld.idx.msk [tilespmem:v4+s29+$0xFFFFFFD0 ss:$0x1], $0xffff  }
0x619: {  	v11 =	vld.idx.msk [tilespmem:v4+s29+$0xFFFFFFE0 ss:$0x1], $0xffff  }
0x61a: {  	v5 =	vld.idx.msk [tilespmem:v4+s29+$0xFFFFFFF0 ss:$0x1], $0xffff  }
0x61b: {  	[tilespmem:s29+$0xC700] =	vst.add.f32.msk $0xffff, v6  }
.Ltmp10:
0x61c: {  	[tilespmem:s29+$0xC710] =	vst.add.f32.msk $0xffff, v7;
	(pc) =	sbr.rel @p0 .LBB2_23-.Ltmp10, $4  }
0x61d: {  	[tilespmem:s29+$0xC720] =	vst.add.f32.msk $0xffff, v8  }
0x61e: {  	[tilespmem:s29+$0xC730] =	vst.add.f32.msk $0xffff, v9  }
0x61f: {  	[tilespmem:s29+$0xC740] =	vst.add.f32.msk $0xffff, v10  }
0x620: {  	s0 =	sadd.s32 $0x1000, s0;
	[tilespmem:s29+$0xC750] =	vst.add.f32.msk $0xffff, v11  }
0x621: {  	(v2sf) =	vpush v0, $0x3;
	_ =	sdelay $0xe  }
0x622: {  	s0 =	spop (v2sf)  }
0x623: {  	(v2sf) =	vpush v0, $0x7;
	s30 =	sshll.u32 s0, $0xC;
	s0 =	sand.u32 $0x7, s0  }
0x624: {  	s30 =	sand.u32 $0xFFFF8000, s30;
	s0 =	sshll.u32 s0, $0x9  }
0x625: {  	s0 =	sor.u32 s0, s30  }
0x626: {  	s0 =	sshra.s32 s0, $0x2  }
0x627: {  	(v2sf) =	vpush v0, $0xB;
	s0 =	sor.u32 $0x70, s0  }
0x628: {  	(v2sf) =	vpush v0, $0xF;
	v0 =	vmov s0;
	_ =	sdelay $0x3  }
0x629: {  	[tilespmem:s29+$0xC760] =	vst.add.f32.msk $0xffff, v5;
	s29 =	simm.s32 $0x0  }
0x62a: {  	v2 =	vld.idx.msk [tilespmem:v0+s29+$0x0 ss:$0x1], $0xffff  }
0x62b: {  	v3 =	vld.idx.msk [tilespmem:v0+s29+$0xFFFFFF90 ss:$0x1], $0xffff  }
0x62c: {  	v4 =	vld.idx.msk [tilespmem:v0+s29+$0xFFFFFFA0 ss:$0x1], $0xffff  }
0x62d: {  	v5 =	vld.idx.msk [tilespmem:v0+s29+$0xFFFFFFB0 ss:$0x1], $0xffff  }
0x62e: {  	v6 =	vld.idx.msk [tilespmem:v0+s29+$0xFFFFFFC0 ss:$0x1], $0xffff  }
0x62f: {  	s31 =	spop (v2sf);
	v7 =	vld.idx.msk [tilespmem:v0+s29+$0xFFFFFFD0 ss:$0x1], $0xffff  }
0x630: {  	s30 =	sshll.u32 s31, $0xC;
	s0 =	sand.u32 $0x7, s31;
	v9 =	vld.idx.msk [tilespmem:v0+s29+$0xFFFFFFE0 ss:$0x1], $0xffff  }
0x631: {  	s30 =	sand.u32 $0xFFFF8000, s30;
	s0 =	sshll.u32 s0, $0x9;
	v10 =	vld.idx.msk [tilespmem:v0+s29+$0xFFFFFFF0 ss:$0x1], $0xffff  }
0x632: {  	s0 =	sor.u32 s0, s30;
	[tilespmem:s29+$0xA5F0] =	vst.add.f32.msk $0xffff, v2  }
0x633: {  	s0 =	sshra.s32 s0, $0x2;
	[tilespmem:s29+$0xA580] =	vst.add.f32.msk $0xffff, v3  }
0x634: {  	s0 =	sor.u32 $0x70, s0;
	[tilespmem:s29+$0xA590] =	vst.add.f32.msk $0xffff, v4  }
0x635: {  	v1 =	vmov s0;
	[tilespmem:s29+$0xA5A0] =	vst.add.f32.msk $0xffff, v5  }
0x636: {  	[tilespmem:s29+$0xA5B0] =	vst.add.f32.msk $0xffff, v6  }
0x637: {  	[tilespmem:s29+$0xA5C0] =	vst.add.f32.msk $0xffff, v7  }
0x638: {  	[tilespmem:s29+$0xA5D0] =	vst.add.f32.msk $0xffff, v9  }
0x639: {  	[tilespmem:s29+$0xA5E0] =	vst.add.f32.msk $0xffff, v10  }
0x63a: {  	v8 =	vld.idx.msk [tilespmem:v1+s29+$0x0 ss:$0x1], $0xffff  }
0x63b: {  	v5 =	vld.idx.msk [tilespmem:v1+s29+$0xFFFFFF90 ss:$0x1], $0xffff  }
0x63c: {  	v6 =	vld.idx.msk [tilespmem:v1+s29+$0xFFFFFFA0 ss:$0x1], $0xffff  }
0x63d: {  	s31 =	spop (v2sf);
	v7 =	vld.idx.msk [tilespmem:v1+s29+$0xFFFFFFB0 ss:$0x1], $0xffff  }
0x63e: {  	s30 =	sshll.u32 s31, $0xC;
	s0 =	sand.u32 $0x7, s31;
	v55 =	vld.idx.msk [tilespmem:v1+s29+$0xFFFFFFC0 ss:$0x1], $0xffff  }
0x63f: {  	s30 =	sand.u32 $0xFFFF8000, s30;
	s0 =	sshll.u32 s0, $0x9;
	v56 =	vld.idx.msk [tilespmem:v1+s29+$0xFFFFFFD0 ss:$0x1], $0xffff  }
0x640: {  	s0 =	sor.u32 s0, s30;
	v57 =	vld.idx.msk [tilespmem:v1+s29+$0xFFFFFFE0 ss:$0x1], $0xffff  }
0x641: {  	s0 =	sshra.s32 s0, $0x2;
	[tilespmem:s29+$0xA7F0] =	vst.add.f32.msk $0xffff, v8  }
0x642: {  	s0 =	sor.u32 $0x70, s0;
	[tilespmem:s29+$0xA780] =	vst.add.f32.msk $0xffff, v5  }
0x643: {  	v2 =	vmov s0;
	[tilespmem:s29+$0xA790] =	vst.add.f32.msk $0xffff, v6  }
0x644: {  	[tilespmem:s29+$0xA7A0] =	vst.add.f32.msk $0xffff, v7  }
0x645: {  	s31 =	spop (v2sf);
	[tilespmem:s29+$0xA7B0] =	vst.add.f32.msk $0xffff, v55  }
0x646: {  	s30 =	sshll.u32 s31, $0xC;
	s0 =	sand.u32 $0x7, s31;
	[tilespmem:s29+$0xA7C0] =	vst.add.f32.msk $0xffff, v56  }
0x647: {  	s30 =	sand.u32 $0xFFFF8000, s30;
	s0 =	sshll.u32 s0, $0x9;
	[tilespmem:s29+$0xA7D0] =	vst.add.f32.msk $0xffff, v57  }
0x648: {  	s0 =	sor.u32 s0, s30;
	v4 =	vld.idx.msk [tilespmem:v2+s29+$0x0 ss:$0x1], $0xffff  }
0x649: {  	s0 =	sshra.s32 s0, $0x2;
	v5 =	vld.idx.msk [tilespmem:v2+s29+$0xFFFFFFA0 ss:$0x1], $0xffff  }
0x64a: {  	s0 =	sor.u32 $0x70, s0;
	v6 =	vld.idx.msk [tilespmem:v2+s29+$0xFFFFFFB0 ss:$0x1], $0xffff  }
0x64b: {  	v3 =	vmov s0;
	v7 =	vld.idx.msk [tilespmem:v2+s29+$0xFFFFFFC0 ss:$0x1], $0xffff  }
0x64c: {  	v58 =	vld.idx.msk [tilespmem:v2+s29+$0xFFFFFFD0 ss:$0x1], $0xffff  }
0x64d: {  	v59 =	vld.idx.msk [tilespmem:v2+s29+$0xFFFFFFE0 ss:$0x1], $0xffff  }
0x64e: {  	[tilespmem:s29+$0xC5F0] =	vst.add.f32.msk $0xffff, v4  }
0x64f: {  	[tilespmem:s29+$0xC590] =	vst.add.f32.msk $0xffff, v5  }
0x650: {  	v4 =	vld.idx.msk [tilespmem:v3+s29+$0x0 ss:$0x1], $0xffff  }
0x651: {  	[tilespmem:s29+$0xC5A0] =	vst.add.f32.msk $0xffff, v6  }
0x652: {  	[tilespmem:s29+$0xC5B0] =	vst.add.f32.msk $0xffff, v7  }
0x653: {  	[tilespmem:s29+$0xC5C0] =	vst.add.f32.msk $0xffff, v58  }
0x654: {  	[tilespmem:s29+$0xC5D0] =	vst.add.f32.msk $0xffff, v59  }
0x655: {  	[tilespmem:s29+$0xC7F0] =	vst.add.f32.msk $0xffff, v4  }
0x656: {  	v4 =	vld.idx.msk [tilespmem:v1+s29+$0xFFFFFFF0 ss:$0x1], $0xffff  }
0x657: {  	v6 =	vld.idx.msk [tilespmem:v3+s29+$0xFFFFFFA0 ss:$0x1], $0xffff  }
0x658: {  	v7 =	vld.idx.msk [tilespmem:v3+s29+$0xFFFFFFB0 ss:$0x1], $0xffff  }
0x659: {  	v61 =	vld.idx.msk [tilespmem:v3+s29+$0xFFFFFFC0 ss:$0x1], $0xffff  }
0x65a: {  	v62 =	vld.idx.msk [tilespmem:v3+s29+$0xFFFFFFD0 ss:$0x1], $0xffff  }
0x65b: {  	[tilespmem:s29+$0xA7E0] =	vst.add.f32.msk $0xffff, v4  }
0x65c: {  	v4 =	vld.idx.msk [tilespmem:v2+s29+$0xFFFFFF90 ss:$0x1], $0xffff  }
0x65d: {  	v60 =	vld.idx.msk [tilespmem:v2+s29+$0xFFFFFFF0 ss:$0x1], $0xffff  }
0x65e: {  	v63 =	vld.idx.msk [tilespmem:v3+s29+$0xFFFFFFE0 ss:$0x1], $0xffff  }
0x65f: {  	[tilespmem:s29+$0xC790] =	vst.add.f32.msk $0xffff, v6  }
0x660: {  	[tilespmem:s29+$0xC7A0] =	vst.add.f32.msk $0xffff, v7  }
0x661: {  	[tilespmem:s29+$0xC580] =	vst.add.f32.msk $0xffff, v4  }
0x662: {  	[tilespmem:s29+$0xC5E0] =	vst.add.f32.msk $0xffff, v60  }
0x663: {  	v5 =	vld.idx.msk [tilespmem:v3+s29+$0xFFFFFF90 ss:$0x1], $0xffff  }
0x664: {  	v4 =	vld.idx.msk [tilespmem:v3+s29+$0xFFFFFFF0 ss:$0x1], $0xffff  }
0x665: {  	[tilespmem:s29+$0xC7B0] =	vst.add.f32.msk $0xffff, v61  }
0x666: {  	[tilespmem:s29+$0xC7C0] =	vst.add.f32.msk $0xffff, v62  }
0x667: {  	[tilespmem:s29+$0xC7D0] =	vst.add.f32.msk $0xffff, v63  }
0x668: {  	s30 =	simm.s32 $0x0;
	s0 =	simm.s32 $0x1000;
	[tilespmem:s29+$0xC780] =	vst.add.f32.msk $0xffff, v5  }
.LBB2_25:
0x669: {  	s30 =	sadd.s32 $0x8, s30;
	[tilespmem:s29+$0xC7E0] =	vst.add.f32.msk $0xffff, v4;
	s29 =	sshra.s32 s0, $0x2  }
0x66a: {  	v4 =	vld.idx.msk [tilespmem:v0+s29+$0x0 ss:$0x1], $0xffff;
	p0 =	slt.u32 s30, $0x38  }
0x66b: {  	v5 =	vld.idx.msk [tilespmem:v0+s29+$0xFFFFFF90 ss:$0x1], $0xffff  }
0x66c: {  	v6 =	vld.idx.msk [tilespmem:v0+s29+$0xFFFFFFA0 ss:$0x1], $0xffff  }
0x66d: {  	v7 =	vld.idx.msk [tilespmem:v0+s29+$0xFFFFFFB0 ss:$0x1], $0xffff  }
0x66e: {  	v8 =	vld.idx.msk [tilespmem:v0+s29+$0xFFFFFFC0 ss:$0x1], $0xffff  }
0x66f: {  	v9 =	vld.idx.msk [tilespmem:v0+s29+$0xFFFFFFD0 ss:$0x1], $0xffff  }
0x670: {  	[tilespmem:s29+$0xA5F0] =	vst.add.f32.msk $0xffff, v4  }
0x671: {  	v4 =	vld.idx.msk [tilespmem:v1+s29+$0x0 ss:$0x1], $0xffff  }
0x672: {  	v10 =	vld.idx.msk [tilespmem:v0+s29+$0xFFFFFFE0 ss:$0x1], $0xffff  }
0x673: {  	v11 =	vld.idx.msk [tilespmem:v0+s29+$0xFFFFFFF0 ss:$0x1], $0xffff  }
0x674: {  	[tilespmem:s29+$0xA580] =	vst.add.f32.msk $0xffff, v5  }
0x675: {  	[tilespmem:s29+$0xA590] =	vst.add.f32.msk $0xffff, v6  }
0x676: {  	[tilespmem:s29+$0xA5A0] =	vst.add.f32.msk $0xffff, v7  }
0x677: {  	[tilespmem:s29+$0xA7F0] =	vst.add.f32.msk $0xffff, v4  }
0x678: {  	v4 =	vld.idx.msk [tilespmem:v2+s29+$0x0 ss:$0x1], $0xffff  }
0x679: {  	[tilespmem:s29+$0xA5B0] =	vst.add.f32.msk $0xffff, v8  }
0x67a: {  	[tilespmem:s29+$0xA5C0] =	vst.add.f32.msk $0xffff, v9  }
0x67b: {  	[tilespmem:s29+$0xA5D0] =	vst.add.f32.msk $0xffff, v10  }
0x67c: {  	[tilespmem:s29+$0xA5E0] =	vst.add.f32.msk $0xffff, v11  }
0x67d: {  	v5 =	vld.idx.msk [tilespmem:v1+s29+$0xFFFFFF90 ss:$0x1], $0xffff  }
0x67e: {  	[tilespmem:s29+$0xC5F0] =	vst.add.f32.msk $0xffff, v4  }
0x67f: {  	v4 =	vld.idx.msk [tilespmem:v3+s29+$0x0 ss:$0x1], $0xffff  }
0x680: {  	v6 =	vld.idx.msk [tilespmem:v1+s29+$0xFFFFFFA0 ss:$0x1], $0xffff  }
0x681: {  	v7 =	vld.idx.msk [tilespmem:v1+s29+$0xFFFFFFB0 ss:$0x1], $0xffff  }
0x682: {  	v8 =	vld.idx.msk [tilespmem:v1+s29+$0xFFFFFFC0 ss:$0x1], $0xffff  }
0x683: {  	v9 =	vld.idx.msk [tilespmem:v1+s29+$0xFFFFFFD0 ss:$0x1], $0xffff  }
0x684: {  	v10 =	vld.idx.msk [tilespmem:v1+s29+$0xFFFFFFE0 ss:$0x1], $0xffff  }
0x685: {  	[tilespmem:s29+$0xC7F0] =	vst.add.f32.msk $0xffff, v4  }
0x686: {  	v4 =	vld.idx.msk [tilespmem:v1+s29+$0xFFFFFFF0 ss:$0x1], $0xffff  }
0x687: {  	[tilespmem:s29+$0xA780] =	vst.add.f32.msk $0xffff, v5  }
0x688: {  	[tilespmem:s29+$0xA790] =	vst.add.f32.msk $0xffff, v6  }
0x689: {  	[tilespmem:s29+$0xA7A0] =	vst.add.f32.msk $0xffff, v7  }
0x68a: {  	[tilespmem:s29+$0xA7B0] =	vst.add.f32.msk $0xffff, v8  }
0x68b: {  	[tilespmem:s29+$0xA7C0] =	vst.add.f32.msk $0xffff, v9  }
0x68c: {  	[tilespmem:s29+$0xA7D0] =	vst.add.f32.msk $0xffff, v10  }
0x68d: {  	[tilespmem:s29+$0xA7E0] =	vst.add.f32.msk $0xffff, v4  }
0x68e: {  	v4 =	vld.idx.msk [tilespmem:v2+s29+$0xFFFFFF90 ss:$0x1], $0xffff  }
0x68f: {  	v5 =	vld.idx.msk [tilespmem:v2+s29+$0xFFFFFFA0 ss:$0x1], $0xffff  }
0x690: {  	v6 =	vld.idx.msk [tilespmem:v2+s29+$0xFFFFFFB0 ss:$0x1], $0xffff  }
0x691: {  	v7 =	vld.idx.msk [tilespmem:v2+s29+$0xFFFFFFC0 ss:$0x1], $0xffff  }
0x692: {  	v8 =	vld.idx.msk [tilespmem:v2+s29+$0xFFFFFFD0 ss:$0x1], $0xffff  }
0x693: {  	v9 =	vld.idx.msk [tilespmem:v2+s29+$0xFFFFFFE0 ss:$0x1], $0xffff  }
0x694: {  	v10 =	vld.idx.msk [tilespmem:v2+s29+$0xFFFFFFF0 ss:$0x1], $0xffff  }
0x695: {  	[tilespmem:s29+$0xC580] =	vst.add.f32.msk $0xffff, v4  }
0x696: {  	[tilespmem:s29+$0xC590] =	vst.add.f32.msk $0xffff, v5  }
0x697: {  	[tilespmem:s29+$0xC5A0] =	vst.add.f32.msk $0xffff, v6  }
0x698: {  	[tilespmem:s29+$0xC5B0] =	vst.add.f32.msk $0xffff, v7  }
0x699: {  	[tilespmem:s29+$0xC5C0] =	vst.add.f32.msk $0xffff, v8  }
0x69a: {  	[tilespmem:s29+$0xC5D0] =	vst.add.f32.msk $0xffff, v9  }
0x69b: {  	[tilespmem:s29+$0xC5E0] =	vst.add.f32.msk $0xffff, v10  }
0x69c: {  	v5 =	vld.idx.msk [tilespmem:v3+s29+$0xFFFFFF90 ss:$0x1], $0xffff  }
0x69d: {  	v6 =	vld.idx.msk [tilespmem:v3+s29+$0xFFFFFFA0 ss:$0x1], $0xffff  }
0x69e: {  	v7 =	vld.idx.msk [tilespmem:v3+s29+$0xFFFFFFB0 ss:$0x1], $0xffff  }
0x69f: {  	v8 =	vld.idx.msk [tilespmem:v3+s29+$0xFFFFFFC0 ss:$0x1], $0xffff  }
0x6a0: {  	v9 =	vld.idx.msk [tilespmem:v3+s29+$0xFFFFFFD0 ss:$0x1], $0xffff  }
0x6a1: {  	v10 =	vld.idx.msk [tilespmem:v3+s29+$0xFFFFFFE0 ss:$0x1], $0xffff  }
0x6a2: {  	v4 =	vld.idx.msk [tilespmem:v3+s29+$0xFFFFFFF0 ss:$0x1], $0xffff  }
0x6a3: {  	[tilespmem:s29+$0xC780] =	vst.add.f32.msk $0xffff, v5  }
.Ltmp11:
0x6a4: {  	[tilespmem:s29+$0xC790] =	vst.add.f32.msk $0xffff, v6;
	(pc) =	sbr.rel @p0 .LBB2_25-.Ltmp11, $4  }
0x6a5: {  	[tilespmem:s29+$0xC7A0] =	vst.add.f32.msk $0xffff, v7  }
0x6a6: {  	[tilespmem:s29+$0xC7B0] =	vst.add.f32.msk $0xffff, v8  }
0x6a7: {  	[tilespmem:s29+$0xC7C0] =	vst.add.f32.msk $0xffff, v9  }
0x6a8: {  	s0 =	sadd.s32 $0x1000, s0;
	[tilespmem:s29+$0xC7D0] =	vst.add.f32.msk $0xffff, v10  }
0x6a9: {  	s0 =	sadd.s32 s5, s28  }
0x6aa: {  	s0 =	sshll.u32 s0, $0x7  }
0x6ab: {  	[tilespmem:s29+$0xC7E0] =	vst.add.f32.msk $0xffff, v4;
	p0 =	seq.s32 s25, $0xF;
	s0 =	sadd.s32 s3, s0  }
0x6ac: {  	[hbm4b:s0+s4] =	stream.linear.scatter [tilespmem:s15], [sflag:$0x7], $0x4000, $0x38;
	[tilespmem:$0x12400] =	vst v63  }
0x6ad: {  	s0 =	simm.s32 @!p0 $0x5  }
0x6ae: {  	_ =	swait.ge @!p0 [sflag:s0], $0x4000  }
0x6af: {  	[sflag:s0] =	ssyncset.done @!p0 $0x0  }
0x6b0: {  	[sflag:s0] =	ssyncadd.s32 @!p0 $0xFFFFC000;
	s0 =	sshll.u32 @!p0 s25, $0xD  }
0x6b1: {  	s28 =	simm.s32 @!p0 $0x0;
	s29 =	simm.s32 @!p0 $0x2400;
	s0 =	sadd.s32 @!p0 s0, s8  }
0x6b2: {  	[tilespmem:s29], [sflag:$0x1] =	stream.linear.gather @!p0 [hbm4b:s0+s28], $0x4000, $0x38;
	[tilespmem:$0x12400] =	vst v63  }
0x6b3: {  	_ =	swait.ge [sflag:s19], $0x4000  }
0x6b4: {  	[sflag:s19] =	ssyncset.done $0x0  }
0x6b5: {  	s26 =	sshll.u32 s26, $0x4;
	[sflag:s19] =	ssyncadd.s32 $0xFFFFC000  }
0x6b6: {  	v0 =	vld [tilespmem:s26+$0x2000];
	_ =	sdelay $0x4  }
0x6b7: {  	(v2sf) =	vpush v0, $0x0;
	_ =	sdelay $0x6  }
0x6b8: {  	(v2sf) =	vpush v0, $0x4;
	_ =	sdelay $0x7  }
0x6b9: {  	s30 =	spop (v2sf)  }
0x6ba: {  	s28 =	sshll.u32 s30, $0xC;
	s0 =	sand.u32 $0x7, s30  }
0x6bb: {  	s28 =	sand.u32 $0xFFFF8000, s28;
	s0 =	sshll.u32 s0, $0x9  }
0x6bc: {  	s0 =	sor.u32 s0, s28  }
0x6bd: {  	s0 =	sshra.s32 s0, $0x2  }
0x6be: {  	s0 =	sor.u32 $0x70, s0  }
0x6bf: {  	v1 =	vmov s0  }
0x6c0: {  	s31 =	spop (v2sf)  }
0x6c1: {  	s28 =	sshll.u32 s31, $0xC;
	s0 =	sand.u32 $0x7, s31  }
0x6c2: {  	s28 =	sand.u32 $0xFFFF8000, s28;
	s0 =	sshll.u32 s0, $0x9  }
0x6c3: {  	s0 =	sor.u32 s0, s28;
	s28 =	simm.s32 $0x0  }
0x6c4: {  	v3 =	vld.idx.msk [tilespmem:v1+s28+$0x0 ss:$0x1], $0xffff  }
0x6c5: {  	v4 =	vld.idx.msk [tilespmem:v1+s28+$0xFFFFFF90 ss:$0x1], $0xffff  }
0x6c6: {  	v5 =	vld.idx.msk [tilespmem:v1+s28+$0xFFFFFFA0 ss:$0x1], $0xffff  }
0x6c7: {  	v6 =	vld.idx.msk [tilespmem:v1+s28+$0xFFFFFFB0 ss:$0x1], $0xffff  }
0x6c8: {  	(v2sf) =	vpush v0, $0x8;
	v7 =	vld.idx.msk [tilespmem:v1+s28+$0xFFFFFFC0 ss:$0x1], $0xffff  }
0x6c9: {  	v8 =	vld.idx.msk [tilespmem:v1+s28+$0xFFFFFFD0 ss:$0x1], $0xffff  }
0x6ca: {  	v10 =	vld.idx.msk [tilespmem:v1+s28+$0xFFFFFFE0 ss:$0x1], $0xffff  }
0x6cb: {  	v11 =	vld.idx.msk [tilespmem:v1+s28+$0xFFFFFFF0 ss:$0x1], $0xffff  }
0x6cc: {  	[tilespmem:s28+$0xE470] =	vst.add.f32.msk $0xffff, v3  }
0x6cd: {  	s0 =	sshra.s32 s0, $0x2;
	[tilespmem:s28+$0xE400] =	vst.add.f32.msk $0xffff, v4  }
0x6ce: {  	s0 =	sor.u32 $0x70, s0;
	[tilespmem:s28+$0xE410] =	vst.add.f32.msk $0xffff, v5  }
0x6cf: {  	v2 =	vmov s0;
	[tilespmem:s28+$0xE420] =	vst.add.f32.msk $0xffff, v6  }
0x6d0: {  	(v2sf) =	vpush v0, $0xC;
	[tilespmem:s28+$0xE430] =	vst.add.f32.msk $0xffff, v7  }
0x6d1: {  	[tilespmem:s28+$0xE440] =	vst.add.f32.msk $0xffff, v8  }
0x6d2: {  	[tilespmem:s28+$0xE450] =	vst.add.f32.msk $0xffff, v10  }
0x6d3: {  	[tilespmem:s28+$0xE460] =	vst.add.f32.msk $0xffff, v11  }
0x6d4: {  	v9 =	vld.idx.msk [tilespmem:v2+s28+$0x0 ss:$0x1], $0xffff  }
0x6d5: {  	v6 =	vld.idx.msk [tilespmem:v2+s28+$0xFFFFFF90 ss:$0x1], $0xffff  }
0x6d6: {  	v7 =	vld.idx.msk [tilespmem:v2+s28+$0xFFFFFFA0 ss:$0x1], $0xffff  }
0x6d7: {  	s30 =	spop (v2sf);
	v52 =	vld.idx.msk [tilespmem:v2+s28+$0xFFFFFFB0 ss:$0x1], $0xffff  }
0x6d8: {  	s29 =	sshll.u32 s30, $0xC;
	s0 =	sand.u32 $0x7, s30;
	v53 =	vld.idx.msk [tilespmem:v2+s28+$0xFFFFFFC0 ss:$0x1], $0xffff  }
0x6d9: {  	s29 =	sand.u32 $0xFFFF8000, s29;
	s0 =	sshll.u32 s0, $0x9;
	v54 =	vld.idx.msk [tilespmem:v2+s28+$0xFFFFFFD0 ss:$0x1], $0xffff  }
0x6da: {  	s0 =	sor.u32 s0, s29;
	v55 =	vld.idx.msk [tilespmem:v2+s28+$0xFFFFFFE0 ss:$0x1], $0xffff  }
0x6db: {  	s0 =	sshra.s32 s0, $0x2;
	[tilespmem:s28+$0xE670] =	vst.add.f32.msk $0xffff, v9  }
0x6dc: {  	s0 =	sor.u32 $0x70, s0;
	[tilespmem:s28+$0xE600] =	vst.add.f32.msk $0xffff, v6  }
0x6dd: {  	v3 =	vmov s0;
	[tilespmem:s28+$0xE610] =	vst.add.f32.msk $0xffff, v7  }
0x6de: {  	[tilespmem:s28+$0xE620] =	vst.add.f32.msk $0xffff, v52  }
0x6df: {  	s31 =	spop (v2sf);
	[tilespmem:s28+$0xE630] =	vst.add.f32.msk $0xffff, v53  }
0x6e0: {  	s29 =	sshll.u32 s31, $0xC;
	s0 =	sand.u32 $0x7, s31;
	[tilespmem:s28+$0xE640] =	vst.add.f32.msk $0xffff, v54  }
0x6e1: {  	s29 =	sand.u32 $0xFFFF8000, s29;
	s0 =	sshll.u32 s0, $0x9;
	[tilespmem:s28+$0xE650] =	vst.add.f32.msk $0xffff, v55  }
0x6e2: {  	s0 =	sor.u32 s0, s29;
	v5 =	vld.idx.msk [tilespmem:v3+s28+$0x0 ss:$0x1], $0xffff  }
0x6e3: {  	s0 =	sshra.s32 s0, $0x2;
	v6 =	vld.idx.msk [tilespmem:v3+s28+$0xFFFFFFA0 ss:$0x1], $0xffff  }
0x6e4: {  	s0 =	sor.u32 $0x70, s0;
	v7 =	vld.idx.msk [tilespmem:v3+s28+$0xFFFFFFB0 ss:$0x1], $0xffff  }
0x6e5: {  	v4 =	vmov s0;
	v56 =	vld.idx.msk [tilespmem:v3+s28+$0xFFFFFFC0 ss:$0x1], $0xffff  }
0x6e6: {  	v57 =	vld.idx.msk [tilespmem:v3+s28+$0xFFFFFFD0 ss:$0x1], $0xffff  }
0x6e7: {  	v58 =	vld.idx.msk [tilespmem:v3+s28+$0xFFFFFFE0 ss:$0x1], $0xffff  }
0x6e8: {  	[tilespmem:s28+$0x10470] =	vst.add.f32.msk $0xffff, v5  }
0x6e9: {  	[tilespmem:s28+$0x10410] =	vst.add.f32.msk $0xffff, v6  }
0x6ea: {  	v5 =	vld.idx.msk [tilespmem:v4+s28+$0x0 ss:$0x1], $0xffff  }
0x6eb: {  	[tilespmem:s28+$0x10420] =	vst.add.f32.msk $0xffff, v7  }
0x6ec: {  	[tilespmem:s28+$0x10430] =	vst.add.f32.msk $0xffff, v56  }
0x6ed: {  	[tilespmem:s28+$0x10440] =	vst.add.f32.msk $0xffff, v57  }
0x6ee: {  	[tilespmem:s28+$0x10450] =	vst.add.f32.msk $0xffff, v58  }
0x6ef: {  	[tilespmem:s28+$0x10670] =	vst.add.f32.msk $0xffff, v5  }
0x6f0: {  	v5 =	vld.idx.msk [tilespmem:v2+s28+$0xFFFFFFF0 ss:$0x1], $0xffff  }
0x6f1: {  	v7 =	vld.idx.msk [tilespmem:v4+s28+$0xFFFFFFA0 ss:$0x1], $0xffff  }
0x6f2: {  	v60 =	vld.idx.msk [tilespmem:v4+s28+$0xFFFFFFB0 ss:$0x1], $0xffff  }
0x6f3: {  	v61 =	vld.idx.msk [tilespmem:v4+s28+$0xFFFFFFC0 ss:$0x1], $0xffff  }
0x6f4: {  	v62 =	vld.idx.msk [tilespmem:v4+s28+$0xFFFFFFD0 ss:$0x1], $0xffff  }
0x6f5: {  	[tilespmem:s28+$0xE660] =	vst.add.f32.msk $0xffff, v5  }
0x6f6: {  	v5 =	vld.idx.msk [tilespmem:v3+s28+$0xFFFFFF90 ss:$0x1], $0xffff  }
0x6f7: {  	v59 =	vld.idx.msk [tilespmem:v3+s28+$0xFFFFFFF0 ss:$0x1], $0xffff  }
0x6f8: {  	v63 =	vld.idx.msk [tilespmem:v4+s28+$0xFFFFFFE0 ss:$0x1], $0xffff  }
0x6f9: {  	[tilespmem:s28+$0x10610] =	vst.add.f32.msk $0xffff, v7  }
0x6fa: {  	[tilespmem:s28+$0x10620] =	vst.add.f32.msk $0xffff, v60  }
0x6fb: {  	[tilespmem:s28+$0x10400] =	vst.add.f32.msk $0xffff, v5  }
0x6fc: {  	[tilespmem:s28+$0x10460] =	vst.add.f32.msk $0xffff, v59  }
0x6fd: {  	v6 =	vld.idx.msk [tilespmem:v4+s28+$0xFFFFFF90 ss:$0x1], $0xffff  }
0x6fe: {  	v5 =	vld.idx.msk [tilespmem:v4+s28+$0xFFFFFFF0 ss:$0x1], $0xffff  }
0x6ff: {  	[tilespmem:s28+$0x10630] =	vst.add.f32.msk $0xffff, v61  }
0x700: {  	[tilespmem:s28+$0x10640] =	vst.add.f32.msk $0xffff, v62  }
0x701: {  	[tilespmem:s28+$0x10650] =	vst.add.f32.msk $0xffff, v63  }
0x702: {  	s29 =	simm.s32 $0x0;
	s0 =	simm.s32 $0x1000;
	[tilespmem:s28+$0x10600] =	vst.add.f32.msk $0xffff, v6  }
.LBB2_27:
0x703: {  	s29 =	sadd.s32 $0x8, s29;
	[tilespmem:s28+$0x10660] =	vst.add.f32.msk $0xffff, v5;
	s28 =	sshra.s32 s0, $0x2  }
0x704: {  	v5 =	vld.idx.msk [tilespmem:v1+s28+$0x0 ss:$0x1], $0xffff;
	p0 =	slt.u32 s29, $0x38  }
0x705: {  	v6 =	vld.idx.msk [tilespmem:v1+s28+$0xFFFFFF90 ss:$0x1], $0xffff  }
0x706: {  	v7 =	vld.idx.msk [tilespmem:v1+s28+$0xFFFFFFA0 ss:$0x1], $0xffff  }
0x707: {  	v8 =	vld.idx.msk [tilespmem:v1+s28+$0xFFFFFFB0 ss:$0x1], $0xffff  }
0x708: {  	v9 =	vld.idx.msk [tilespmem:v1+s28+$0xFFFFFFC0 ss:$0x1], $0xffff  }
0x709: {  	v10 =	vld.idx.msk [tilespmem:v1+s28+$0xFFFFFFD0 ss:$0x1], $0xffff  }
0x70a: {  	[tilespmem:s28+$0xE470] =	vst.add.f32.msk $0xffff, v5  }
0x70b: {  	v5 =	vld.idx.msk [tilespmem:v2+s28+$0x0 ss:$0x1], $0xffff  }
0x70c: {  	v11 =	vld.idx.msk [tilespmem:v1+s28+$0xFFFFFFE0 ss:$0x1], $0xffff  }
0x70d: {  	v12 =	vld.idx.msk [tilespmem:v1+s28+$0xFFFFFFF0 ss:$0x1], $0xffff  }
0x70e: {  	[tilespmem:s28+$0xE400] =	vst.add.f32.msk $0xffff, v6  }
0x70f: {  	[tilespmem:s28+$0xE410] =	vst.add.f32.msk $0xffff, v7  }
0x710: {  	[tilespmem:s28+$0xE420] =	vst.add.f32.msk $0xffff, v8  }
0x711: {  	[tilespmem:s28+$0xE670] =	vst.add.f32.msk $0xffff, v5  }
0x712: {  	v5 =	vld.idx.msk [tilespmem:v3+s28+$0x0 ss:$0x1], $0xffff  }
0x713: {  	[tilespmem:s28+$0xE430] =	vst.add.f32.msk $0xffff, v9  }
0x714: {  	[tilespmem:s28+$0xE440] =	vst.add.f32.msk $0xffff, v10  }
0x715: {  	[tilespmem:s28+$0xE450] =	vst.add.f32.msk $0xffff, v11  }
0x716: {  	[tilespmem:s28+$0xE460] =	vst.add.f32.msk $0xffff, v12  }
0x717: {  	v6 =	vld.idx.msk [tilespmem:v2+s28+$0xFFFFFF90 ss:$0x1], $0xffff  }
0x718: {  	[tilespmem:s28+$0x10470] =	vst.add.f32.msk $0xffff, v5  }
0x719: {  	v5 =	vld.idx.msk [tilespmem:v4+s28+$0x0 ss:$0x1], $0xffff  }
0x71a: {  	v7 =	vld.idx.msk [tilespmem:v2+s28+$0xFFFFFFA0 ss:$0x1], $0xffff  }
0x71b: {  	v8 =	vld.idx.msk [tilespmem:v2+s28+$0xFFFFFFB0 ss:$0x1], $0xffff  }
0x71c: {  	v9 =	vld.idx.msk [tilespmem:v2+s28+$0xFFFFFFC0 ss:$0x1], $0xffff  }
0x71d: {  	v10 =	vld.idx.msk [tilespmem:v2+s28+$0xFFFFFFD0 ss:$0x1], $0xffff  }
0x71e: {  	v11 =	vld.idx.msk [tilespmem:v2+s28+$0xFFFFFFE0 ss:$0x1], $0xffff  }
0x71f: {  	[tilespmem:s28+$0x10670] =	vst.add.f32.msk $0xffff, v5  }
0x720: {  	v5 =	vld.idx.msk [tilespmem:v2+s28+$0xFFFFFFF0 ss:$0x1], $0xffff  }
0x721: {  	[tilespmem:s28+$0xE600] =	vst.add.f32.msk $0xffff, v6  }
0x722: {  	[tilespmem:s28+$0xE610] =	vst.add.f32.msk $0xffff, v7  }
0x723: {  	[tilespmem:s28+$0xE620] =	vst.add.f32.msk $0xffff, v8  }
0x724: {  	[tilespmem:s28+$0xE630] =	vst.add.f32.msk $0xffff, v9  }
0x725: {  	[tilespmem:s28+$0xE640] =	vst.add.f32.msk $0xffff, v10  }
0x726: {  	[tilespmem:s28+$0xE650] =	vst.add.f32.msk $0xffff, v11  }
0x727: {  	[tilespmem:s28+$0xE660] =	vst.add.f32.msk $0xffff, v5  }
0x728: {  	v5 =	vld.idx.msk [tilespmem:v3+s28+$0xFFFFFF90 ss:$0x1], $0xffff  }
0x729: {  	v6 =	vld.idx.msk [tilespmem:v3+s28+$0xFFFFFFA0 ss:$0x1], $0xffff  }
0x72a: {  	v7 =	vld.idx.msk [tilespmem:v3+s28+$0xFFFFFFB0 ss:$0x1], $0xffff  }
0x72b: {  	v8 =	vld.idx.msk [tilespmem:v3+s28+$0xFFFFFFC0 ss:$0x1], $0xffff  }
0x72c: {  	v9 =	vld.idx.msk [tilespmem:v3+s28+$0xFFFFFFD0 ss:$0x1], $0xffff  }
0x72d: {  	v10 =	vld.idx.msk [tilespmem:v3+s28+$0xFFFFFFE0 ss:$0x1], $0xffff  }
0x72e: {  	v11 =	vld.idx.msk [tilespmem:v3+s28+$0xFFFFFFF0 ss:$0x1], $0xffff  }
0x72f: {  	[tilespmem:s28+$0x10400] =	vst.add.f32.msk $0xffff, v5  }
0x730: {  	[tilespmem:s28+$0x10410] =	vst.add.f32.msk $0xffff, v6  }
0x731: {  	[tilespmem:s28+$0x10420] =	vst.add.f32.msk $0xffff, v7  }
0x732: {  	[tilespmem:s28+$0x10430] =	vst.add.f32.msk $0xffff, v8  }
0x733: {  	[tilespmem:s28+$0x10440] =	vst.add.f32.msk $0xffff, v9  }
0x734: {  	[tilespmem:s28+$0x10450] =	vst.add.f32.msk $0xffff, v10  }
0x735: {  	[tilespmem:s28+$0x10460] =	vst.add.f32.msk $0xffff, v11  }
0x736: {  	v6 =	vld.idx.msk [tilespmem:v4+s28+$0xFFFFFF90 ss:$0x1], $0xffff  }
0x737: {  	v7 =	vld.idx.msk [tilespmem:v4+s28+$0xFFFFFFA0 ss:$0x1], $0xffff  }
0x738: {  	v8 =	vld.idx.msk [tilespmem:v4+s28+$0xFFFFFFB0 ss:$0x1], $0xffff  }
0x739: {  	v9 =	vld.idx.msk [tilespmem:v4+s28+$0xFFFFFFC0 ss:$0x1], $0xffff  }
0x73a: {  	v10 =	vld.idx.msk [tilespmem:v4+s28+$0xFFFFFFD0 ss:$0x1], $0xffff  }
0x73b: {  	v11 =	vld.idx.msk [tilespmem:v4+s28+$0xFFFFFFE0 ss:$0x1], $0xffff  }
0x73c: {  	v5 =	vld.idx.msk [tilespmem:v4+s28+$0xFFFFFFF0 ss:$0x1], $0xffff  }
0x73d: {  	[tilespmem:s28+$0x10600] =	vst.add.f32.msk $0xffff, v6  }
.Ltmp12:
0x73e: {  	[tilespmem:s28+$0x10610] =	vst.add.f32.msk $0xffff, v7;
	(pc) =	sbr.rel @p0 .LBB2_27-.Ltmp12, $4  }
0x73f: {  	[tilespmem:s28+$0x10620] =	vst.add.f32.msk $0xffff, v8  }
0x740: {  	[tilespmem:s28+$0x10630] =	vst.add.f32.msk $0xffff, v9  }
0x741: {  	[tilespmem:s28+$0x10640] =	vst.add.f32.msk $0xffff, v10  }
0x742: {  	s0 =	sadd.s32 $0x1000, s0;
	[tilespmem:s28+$0x10650] =	vst.add.f32.msk $0xffff, v11  }
0x743: {  	(v2sf) =	vpush v0, $0x1;
	_ =	sdelay $0xe  }
0x744: {  	s0 =	spop (v2sf)  }
0x745: {  	(v2sf) =	vpush v0, $0x5;
	s29 =	sshll.u32 s0, $0xC;
	s0 =	sand.u32 $0x7, s0  }
0x746: {  	s29 =	sand.u32 $0xFFFF8000, s29;
	s0 =	sshll.u32 s0, $0x9  }
0x747: {  	s0 =	sor.u32 s0, s29  }
0x748: {  	s0 =	sshra.s32 s0, $0x2  }
0x749: {  	s0 =	sor.u32 $0x70, s0  }
0x74a: {  	v1 =	vmov s0;
	_ =	sdelay $0x3  }
0x74b: {  	[tilespmem:s28+$0x10660] =	vst.add.f32.msk $0xffff, v5;
	s28 =	simm.s32 $0x0  }
0x74c: {  	v3 =	vld.idx.msk [tilespmem:v1+s28+$0x0 ss:$0x1], $0xffff  }
0x74d: {  	v4 =	vld.idx.msk [tilespmem:v1+s28+$0xFFFFFF90 ss:$0x1], $0xffff  }
0x74e: {  	v5 =	vld.idx.msk [tilespmem:v1+s28+$0xFFFFFFA0 ss:$0x1], $0xffff  }
0x74f: {  	v6 =	vld.idx.msk [tilespmem:v1+s28+$0xFFFFFFB0 ss:$0x1], $0xffff  }
0x750: {  	(v2sf) =	vpush v0, $0x9;
	v7 =	vld.idx.msk [tilespmem:v1+s28+$0xFFFFFFC0 ss:$0x1], $0xffff  }
0x751: {  	s31 =	spop (v2sf);
	v8 =	vld.idx.msk [tilespmem:v1+s28+$0xFFFFFFD0 ss:$0x1], $0xffff  }
0x752: {  	s29 =	sshll.u32 s31, $0xC;
	s0 =	sand.u32 $0x7, s31;
	v10 =	vld.idx.msk [tilespmem:v1+s28+$0xFFFFFFE0 ss:$0x1], $0xffff  }
0x753: {  	s29 =	sand.u32 $0xFFFF8000, s29;
	s0 =	sshll.u32 s0, $0x9;
	v11 =	vld.idx.msk [tilespmem:v1+s28+$0xFFFFFFF0 ss:$0x1], $0xffff  }
0x754: {  	s0 =	sor.u32 s0, s29;
	[tilespmem:s28+$0xE4F0] =	vst.add.f32.msk $0xffff, v3  }
0x755: {  	s0 =	sshra.s32 s0, $0x2;
	[tilespmem:s28+$0xE480] =	vst.add.f32.msk $0xffff, v4  }
0x756: {  	s0 =	sor.u32 $0x70, s0;
	[tilespmem:s28+$0xE490] =	vst.add.f32.msk $0xffff, v5  }
0x757: {  	v2 =	vmov s0;
	[tilespmem:s28+$0xE4A0] =	vst.add.f32.msk $0xffff, v6  }
0x758: {  	(v2sf) =	vpush v0, $0xD;
	[tilespmem:s28+$0xE4B0] =	vst.add.f32.msk $0xffff, v7  }
0x759: {  	[tilespmem:s28+$0xE4C0] =	vst.add.f32.msk $0xffff, v8  }
0x75a: {  	[tilespmem:s28+$0xE4D0] =	vst.add.f32.msk $0xffff, v10  }
0x75b: {  	[tilespmem:s28+$0xE4E0] =	vst.add.f32.msk $0xffff, v11  }
0x75c: {  	v9 =	vld.idx.msk [tilespmem:v2+s28+$0x0 ss:$0x1], $0xffff  }
0x75d: {  	v6 =	vld.idx.msk [tilespmem:v2+s28+$0xFFFFFF90 ss:$0x1], $0xffff  }
0x75e: {  	v7 =	vld.idx.msk [tilespmem:v2+s28+$0xFFFFFFA0 ss:$0x1], $0xffff  }
0x75f: {  	s30 =	spop (v2sf);
	v52 =	vld.idx.msk [tilespmem:v2+s28+$0xFFFFFFB0 ss:$0x1], $0xffff  }
0x760: {  	s29 =	sshll.u32 s30, $0xC;
	s0 =	sand.u32 $0x7, s30;
	v53 =	vld.idx.msk [tilespmem:v2+s28+$0xFFFFFFC0 ss:$0x1], $0xffff  }
0x761: {  	s29 =	sand.u32 $0xFFFF8000, s29;
	s0 =	sshll.u32 s0, $0x9;
	v54 =	vld.idx.msk [tilespmem:v2+s28+$0xFFFFFFD0 ss:$0x1], $0xffff  }
0x762: {  	s0 =	sor.u32 s0, s29;
	v55 =	vld.idx.msk [tilespmem:v2+s28+$0xFFFFFFE0 ss:$0x1], $0xffff  }
0x763: {  	s0 =	sshra.s32 s0, $0x2;
	[tilespmem:s28+$0xE6F0] =	vst.add.f32.msk $0xffff, v9  }
0x764: {  	s0 =	sor.u32 $0x70, s0;
	[tilespmem:s28+$0xE680] =	vst.add.f32.msk $0xffff, v6  }
0x765: {  	v3 =	vmov s0;
	[tilespmem:s28+$0xE690] =	vst.add.f32.msk $0xffff, v7  }
0x766: {  	[tilespmem:s28+$0xE6A0] =	vst.add.f32.msk $0xffff, v52  }
0x767: {  	s31 =	spop (v2sf);
	[tilespmem:s28+$0xE6B0] =	vst.add.f32.msk $0xffff, v53  }
0x768: {  	s29 =	sshll.u32 s31, $0xC;
	s0 =	sand.u32 $0x7, s31;
	[tilespmem:s28+$0xE6C0] =	vst.add.f32.msk $0xffff, v54  }
0x769: {  	s29 =	sand.u32 $0xFFFF8000, s29;
	s0 =	sshll.u32 s0, $0x9;
	[tilespmem:s28+$0xE6D0] =	vst.add.f32.msk $0xffff, v55  }
0x76a: {  	s0 =	sor.u32 s0, s29;
	v5 =	vld.idx.msk [tilespmem:v3+s28+$0x0 ss:$0x1], $0xffff  }
0x76b: {  	s0 =	sshra.s32 s0, $0x2;
	v6 =	vld.idx.msk [tilespmem:v3+s28+$0xFFFFFFA0 ss:$0x1], $0xffff  }
0x76c: {  	s0 =	sor.u32 $0x70, s0;
	v7 =	vld.idx.msk [tilespmem:v3+s28+$0xFFFFFFB0 ss:$0x1], $0xffff  }
0x76d: {  	v4 =	vmov s0;
	v56 =	vld.idx.msk [tilespmem:v3+s28+$0xFFFFFFC0 ss:$0x1], $0xffff  }
0x76e: {  	v57 =	vld.idx.msk [tilespmem:v3+s28+$0xFFFFFFD0 ss:$0x1], $0xffff  }
0x76f: {  	v58 =	vld.idx.msk [tilespmem:v3+s28+$0xFFFFFFE0 ss:$0x1], $0xffff  }
0x770: {  	[tilespmem:s28+$0x104F0] =	vst.add.f32.msk $0xffff, v5  }
0x771: {  	[tilespmem:s28+$0x10490] =	vst.add.f32.msk $0xffff, v6  }
0x772: {  	v5 =	vld.idx.msk [tilespmem:v4+s28+$0x0 ss:$0x1], $0xffff  }
0x773: {  	[tilespmem:s28+$0x104A0] =	vst.add.f32.msk $0xffff, v7  }
0x774: {  	[tilespmem:s28+$0x104B0] =	vst.add.f32.msk $0xffff, v56  }
0x775: {  	[tilespmem:s28+$0x104C0] =	vst.add.f32.msk $0xffff, v57  }
0x776: {  	[tilespmem:s28+$0x104D0] =	vst.add.f32.msk $0xffff, v58  }
0x777: {  	[tilespmem:s28+$0x106F0] =	vst.add.f32.msk $0xffff, v5  }
0x778: {  	v5 =	vld.idx.msk [tilespmem:v2+s28+$0xFFFFFFF0 ss:$0x1], $0xffff  }
0x779: {  	v7 =	vld.idx.msk [tilespmem:v4+s28+$0xFFFFFFA0 ss:$0x1], $0xffff  }
0x77a: {  	v60 =	vld.idx.msk [tilespmem:v4+s28+$0xFFFFFFB0 ss:$0x1], $0xffff  }
0x77b: {  	v61 =	vld.idx.msk [tilespmem:v4+s28+$0xFFFFFFC0 ss:$0x1], $0xffff  }
0x77c: {  	v62 =	vld.idx.msk [tilespmem:v4+s28+$0xFFFFFFD0 ss:$0x1], $0xffff  }
0x77d: {  	[tilespmem:s28+$0xE6E0] =	vst.add.f32.msk $0xffff, v5  }
0x77e: {  	v5 =	vld.idx.msk [tilespmem:v3+s28+$0xFFFFFF90 ss:$0x1], $0xffff  }
0x77f: {  	v59 =	vld.idx.msk [tilespmem:v3+s28+$0xFFFFFFF0 ss:$0x1], $0xffff  }
0x780: {  	v63 =	vld.idx.msk [tilespmem:v4+s28+$0xFFFFFFE0 ss:$0x1], $0xffff  }
0x781: {  	[tilespmem:s28+$0x10690] =	vst.add.f32.msk $0xffff, v7  }
0x782: {  	[tilespmem:s28+$0x106A0] =	vst.add.f32.msk $0xffff, v60  }
0x783: {  	[tilespmem:s28+$0x10480] =	vst.add.f32.msk $0xffff, v5  }
0x784: {  	[tilespmem:s28+$0x104E0] =	vst.add.f32.msk $0xffff, v59  }
0x785: {  	v6 =	vld.idx.msk [tilespmem:v4+s28+$0xFFFFFF90 ss:$0x1], $0xffff  }
0x786: {  	v5 =	vld.idx.msk [tilespmem:v4+s28+$0xFFFFFFF0 ss:$0x1], $0xffff  }
0x787: {  	[tilespmem:s28+$0x106B0] =	vst.add.f32.msk $0xffff, v61  }
0x788: {  	[tilespmem:s28+$0x106C0] =	vst.add.f32.msk $0xffff, v62  }
0x789: {  	[tilespmem:s28+$0x106D0] =	vst.add.f32.msk $0xffff, v63  }
0x78a: {  	s29 =	simm.s32 $0x0;
	s0 =	simm.s32 $0x1000;
	[tilespmem:s28+$0x10680] =	vst.add.f32.msk $0xffff, v6  }
.LBB2_29:
0x78b: {  	s29 =	sadd.s32 $0x8, s29;
	[tilespmem:s28+$0x106E0] =	vst.add.f32.msk $0xffff, v5;
	s28 =	sshra.s32 s0, $0x2  }
0x78c: {  	v5 =	vld.idx.msk [tilespmem:v1+s28+$0x0 ss:$0x1], $0xffff;
	p0 =	slt.u32 s29, $0x38  }
0x78d: {  	v6 =	vld.idx.msk [tilespmem:v1+s28+$0xFFFFFF90 ss:$0x1], $0xffff  }
0x78e: {  	v7 =	vld.idx.msk [tilespmem:v1+s28+$0xFFFFFFA0 ss:$0x1], $0xffff  }
0x78f: {  	v8 =	vld.idx.msk [tilespmem:v1+s28+$0xFFFFFFB0 ss:$0x1], $0xffff  }
0x790: {  	v9 =	vld.idx.msk [tilespmem:v1+s28+$0xFFFFFFC0 ss:$0x1], $0xffff  }
0x791: {  	v10 =	vld.idx.msk [tilespmem:v1+s28+$0xFFFFFFD0 ss:$0x1], $0xffff  }
0x792: {  	[tilespmem:s28+$0xE4F0] =	vst.add.f32.msk $0xffff, v5  }
0x793: {  	v5 =	vld.idx.msk [tilespmem:v2+s28+$0x0 ss:$0x1], $0xffff  }
0x794: {  	v11 =	vld.idx.msk [tilespmem:v1+s28+$0xFFFFFFE0 ss:$0x1], $0xffff  }
0x795: {  	v12 =	vld.idx.msk [tilespmem:v1+s28+$0xFFFFFFF0 ss:$0x1], $0xffff  }
0x796: {  	[tilespmem:s28+$0xE480] =	vst.add.f32.msk $0xffff, v6  }
0x797: {  	[tilespmem:s28+$0xE490] =	vst.add.f32.msk $0xffff, v7  }
0x798: {  	[tilespmem:s28+$0xE4A0] =	vst.add.f32.msk $0xffff, v8  }
0x799: {  	[tilespmem:s28+$0xE6F0] =	vst.add.f32.msk $0xffff, v5  }
0x79a: {  	v5 =	vld.idx.msk [tilespmem:v3+s28+$0x0 ss:$0x1], $0xffff  }
0x79b: {  	[tilespmem:s28+$0xE4B0] =	vst.add.f32.msk $0xffff, v9  }
0x79c: {  	[tilespmem:s28+$0xE4C0] =	vst.add.f32.msk $0xffff, v10  }
0x79d: {  	[tilespmem:s28+$0xE4D0] =	vst.add.f32.msk $0xffff, v11  }
0x79e: {  	[tilespmem:s28+$0xE4E0] =	vst.add.f32.msk $0xffff, v12  }
0x79f: {  	v6 =	vld.idx.msk [tilespmem:v2+s28+$0xFFFFFF90 ss:$0x1], $0xffff  }
0x7a0: {  	[tilespmem:s28+$0x104F0] =	vst.add.f32.msk $0xffff, v5  }
0x7a1: {  	v5 =	vld.idx.msk [tilespmem:v4+s28+$0x0 ss:$0x1], $0xffff  }
0x7a2: {  	v7 =	vld.idx.msk [tilespmem:v2+s28+$0xFFFFFFA0 ss:$0x1], $0xffff  }
0x7a3: {  	v8 =	vld.idx.msk [tilespmem:v2+s28+$0xFFFFFFB0 ss:$0x1], $0xffff  }
0x7a4: {  	v9 =	vld.idx.msk [tilespmem:v2+s28+$0xFFFFFFC0 ss:$0x1], $0xffff  }
0x7a5: {  	v10 =	vld.idx.msk [tilespmem:v2+s28+$0xFFFFFFD0 ss:$0x1], $0xffff  }
0x7a6: {  	v11 =	vld.idx.msk [tilespmem:v2+s28+$0xFFFFFFE0 ss:$0x1], $0xffff  }
0x7a7: {  	[tilespmem:s28+$0x106F0] =	vst.add.f32.msk $0xffff, v5  }
0x7a8: {  	v5 =	vld.idx.msk [tilespmem:v2+s28+$0xFFFFFFF0 ss:$0x1], $0xffff  }
0x7a9: {  	[tilespmem:s28+$0xE680] =	vst.add.f32.msk $0xffff, v6  }
0x7aa: {  	[tilespmem:s28+$0xE690] =	vst.add.f32.msk $0xffff, v7  }
0x7ab: {  	[tilespmem:s28+$0xE6A0] =	vst.add.f32.msk $0xffff, v8  }
0x7ac: {  	[tilespmem:s28+$0xE6B0] =	vst.add.f32.msk $0xffff, v9  }
0x7ad: {  	[tilespmem:s28+$0xE6C0] =	vst.add.f32.msk $0xffff, v10  }
0x7ae: {  	[tilespmem:s28+$0xE6D0] =	vst.add.f32.msk $0xffff, v11  }
0x7af: {  	[tilespmem:s28+$0xE6E0] =	vst.add.f32.msk $0xffff, v5  }
0x7b0: {  	v5 =	vld.idx.msk [tilespmem:v3+s28+$0xFFFFFF90 ss:$0x1], $0xffff  }
0x7b1: {  	v6 =	vld.idx.msk [tilespmem:v3+s28+$0xFFFFFFA0 ss:$0x1], $0xffff  }
0x7b2: {  	v7 =	vld.idx.msk [tilespmem:v3+s28+$0xFFFFFFB0 ss:$0x1], $0xffff  }
0x7b3: {  	v8 =	vld.idx.msk [tilespmem:v3+s28+$0xFFFFFFC0 ss:$0x1], $0xffff  }
0x7b4: {  	v9 =	vld.idx.msk [tilespmem:v3+s28+$0xFFFFFFD0 ss:$0x1], $0xffff  }
0x7b5: {  	v10 =	vld.idx.msk [tilespmem:v3+s28+$0xFFFFFFE0 ss:$0x1], $0xffff  }
0x7b6: {  	v11 =	vld.idx.msk [tilespmem:v3+s28+$0xFFFFFFF0 ss:$0x1], $0xffff  }
0x7b7: {  	[tilespmem:s28+$0x10480] =	vst.add.f32.msk $0xffff, v5  }
0x7b8: {  	[tilespmem:s28+$0x10490] =	vst.add.f32.msk $0xffff, v6  }
0x7b9: {  	[tilespmem:s28+$0x104A0] =	vst.add.f32.msk $0xffff, v7  }
0x7ba: {  	[tilespmem:s28+$0x104B0] =	vst.add.f32.msk $0xffff, v8  }
0x7bb: {  	[tilespmem:s28+$0x104C0] =	vst.add.f32.msk $0xffff, v9  }
0x7bc: {  	[tilespmem:s28+$0x104D0] =	vst.add.f32.msk $0xffff, v10  }
0x7bd: {  	[tilespmem:s28+$0x104E0] =	vst.add.f32.msk $0xffff, v11  }
0x7be: {  	v6 =	vld.idx.msk [tilespmem:v4+s28+$0xFFFFFF90 ss:$0x1], $0xffff  }
0x7bf: {  	v7 =	vld.idx.msk [tilespmem:v4+s28+$0xFFFFFFA0 ss:$0x1], $0xffff  }
0x7c0: {  	v8 =	vld.idx.msk [tilespmem:v4+s28+$0xFFFFFFB0 ss:$0x1], $0xffff  }
0x7c1: {  	v9 =	vld.idx.msk [tilespmem:v4+s28+$0xFFFFFFC0 ss:$0x1], $0xffff  }
0x7c2: {  	v10 =	vld.idx.msk [tilespmem:v4+s28+$0xFFFFFFD0 ss:$0x1], $0xffff  }
0x7c3: {  	v11 =	vld.idx.msk [tilespmem:v4+s28+$0xFFFFFFE0 ss:$0x1], $0xffff  }
0x7c4: {  	v5 =	vld.idx.msk [tilespmem:v4+s28+$0xFFFFFFF0 ss:$0x1], $0xffff  }
0x7c5: {  	[tilespmem:s28+$0x10680] =	vst.add.f32.msk $0xffff, v6  }
.Ltmp13:
0x7c6: {  	[tilespmem:s28+$0x10690] =	vst.add.f32.msk $0xffff, v7;
	(pc) =	sbr.rel @p0 .LBB2_29-.Ltmp13, $4  }
0x7c7: {  	[tilespmem:s28+$0x106A0] =	vst.add.f32.msk $0xffff, v8  }
0x7c8: {  	[tilespmem:s28+$0x106B0] =	vst.add.f32.msk $0xffff, v9  }
0x7c9: {  	[tilespmem:s28+$0x106C0] =	vst.add.f32.msk $0xffff, v10  }
0x7ca: {  	s0 =	sadd.s32 $0x1000, s0;
	[tilespmem:s28+$0x106D0] =	vst.add.f32.msk $0xffff, v11  }
0x7cb: {  	(v2sf) =	vpush v0, $0x2;
	_ =	sdelay $0xe  }
0x7cc: {  	s0 =	spop (v2sf)  }
0x7cd: {  	(v2sf) =	vpush v0, $0x6;
	s29 =	sshll.u32 s0, $0xC;
	s0 =	sand.u32 $0x7, s0  }
0x7ce: {  	s29 =	sand.u32 $0xFFFF8000, s29;
	s0 =	sshll.u32 s0, $0x9  }
0x7cf: {  	s0 =	sor.u32 s0, s29  }
0x7d0: {  	s0 =	sshra.s32 s0, $0x2  }
0x7d1: {  	s0 =	sor.u32 $0x70, s0  }
0x7d2: {  	v1 =	vmov s0;
	_ =	sdelay $0x3  }
0x7d3: {  	[tilespmem:s28+$0x106E0] =	vst.add.f32.msk $0xffff, v5;
	s28 =	simm.s32 $0x0  }
0x7d4: {  	v3 =	vld.idx.msk [tilespmem:v1+s28+$0x0 ss:$0x1], $0xffff  }
0x7d5: {  	v4 =	vld.idx.msk [tilespmem:v1+s28+$0xFFFFFF90 ss:$0x1], $0xffff  }
0x7d6: {  	v5 =	vld.idx.msk [tilespmem:v1+s28+$0xFFFFFFA0 ss:$0x1], $0xffff  }
0x7d7: {  	v6 =	vld.idx.msk [tilespmem:v1+s28+$0xFFFFFFB0 ss:$0x1], $0xffff  }
0x7d8: {  	(v2sf) =	vpush v0, $0xA;
	v7 =	vld.idx.msk [tilespmem:v1+s28+$0xFFFFFFC0 ss:$0x1], $0xffff  }
0x7d9: {  	s31 =	spop (v2sf);
	v8 =	vld.idx.msk [tilespmem:v1+s28+$0xFFFFFFD0 ss:$0x1], $0xffff  }
0x7da: {  	s29 =	sshll.u32 s31, $0xC;
	s0 =	sand.u32 $0x7, s31;
	v10 =	vld.idx.msk [tilespmem:v1+s28+$0xFFFFFFE0 ss:$0x1], $0xffff  }
0x7db: {  	s29 =	sand.u32 $0xFFFF8000, s29;
	s0 =	sshll.u32 s0, $0x9;
	v11 =	vld.idx.msk [tilespmem:v1+s28+$0xFFFFFFF0 ss:$0x1], $0xffff  }
0x7dc: {  	s0 =	sor.u32 s0, s29;
	[tilespmem:s28+$0xE570] =	vst.add.f32.msk $0xffff, v3  }
0x7dd: {  	s0 =	sshra.s32 s0, $0x2;
	[tilespmem:s28+$0xE500] =	vst.add.f32.msk $0xffff, v4  }
0x7de: {  	s0 =	sor.u32 $0x70, s0;
	[tilespmem:s28+$0xE510] =	vst.add.f32.msk $0xffff, v5  }
0x7df: {  	v2 =	vmov s0;
	[tilespmem:s28+$0xE520] =	vst.add.f32.msk $0xffff, v6  }
0x7e0: {  	(v2sf) =	vpush v0, $0xE;
	[tilespmem:s28+$0xE530] =	vst.add.f32.msk $0xffff, v7  }
0x7e1: {  	[tilespmem:s28+$0xE540] =	vst.add.f32.msk $0xffff, v8  }
0x7e2: {  	[tilespmem:s28+$0xE550] =	vst.add.f32.msk $0xffff, v10  }
0x7e3: {  	[tilespmem:s28+$0xE560] =	vst.add.f32.msk $0xffff, v11  }
0x7e4: {  	v9 =	vld.idx.msk [tilespmem:v2+s28+$0x0 ss:$0x1], $0xffff  }
0x7e5: {  	v6 =	vld.idx.msk [tilespmem:v2+s28+$0xFFFFFF90 ss:$0x1], $0xffff  }
0x7e6: {  	v7 =	vld.idx.msk [tilespmem:v2+s28+$0xFFFFFFA0 ss:$0x1], $0xffff  }
0x7e7: {  	s30 =	spop (v2sf);
	v52 =	vld.idx.msk [tilespmem:v2+s28+$0xFFFFFFB0 ss:$0x1], $0xffff  }
0x7e8: {  	s29 =	sshll.u32 s30, $0xC;
	s0 =	sand.u32 $0x7, s30;
	v53 =	vld.idx.msk [tilespmem:v2+s28+$0xFFFFFFC0 ss:$0x1], $0xffff  }
0x7e9: {  	s29 =	sand.u32 $0xFFFF8000, s29;
	s0 =	sshll.u32 s0, $0x9;
	v54 =	vld.idx.msk [tilespmem:v2+s28+$0xFFFFFFD0 ss:$0x1], $0xffff  }
0x7ea: {  	s0 =	sor.u32 s0, s29;
	v55 =	vld.idx.msk [tilespmem:v2+s28+$0xFFFFFFE0 ss:$0x1], $0xffff  }
0x7eb: {  	s0 =	sshra.s32 s0, $0x2;
	[tilespmem:s28+$0xE770] =	vst.add.f32.msk $0xffff, v9  }
0x7ec: {  	s0 =	sor.u32 $0x70, s0;
	[tilespmem:s28+$0xE700] =	vst.add.f32.msk $0xffff, v6  }
0x7ed: {  	v3 =	vmov s0;
	[tilespmem:s28+$0xE710] =	vst.add.f32.msk $0xffff, v7  }
0x7ee: {  	[tilespmem:s28+$0xE720] =	vst.add.f32.msk $0xffff, v52  }
0x7ef: {  	s31 =	spop (v2sf);
	[tilespmem:s28+$0xE730] =	vst.add.f32.msk $0xffff, v53  }
0x7f0: {  	s29 =	sshll.u32 s31, $0xC;
	s0 =	sand.u32 $0x7, s31;
	[tilespmem:s28+$0xE740] =	vst.add.f32.msk $0xffff, v54  }
0x7f1: {  	s29 =	sand.u32 $0xFFFF8000, s29;
	s0 =	sshll.u32 s0, $0x9;
	[tilespmem:s28+$0xE750] =	vst.add.f32.msk $0xffff, v55  }
0x7f2: {  	s0 =	sor.u32 s0, s29;
	v5 =	vld.idx.msk [tilespmem:v3+s28+$0x0 ss:$0x1], $0xffff  }
0x7f3: {  	s0 =	sshra.s32 s0, $0x2;
	v6 =	vld.idx.msk [tilespmem:v3+s28+$0xFFFFFFA0 ss:$0x1], $0xffff  }
0x7f4: {  	s0 =	sor.u32 $0x70, s0;
	v7 =	vld.idx.msk [tilespmem:v3+s28+$0xFFFFFFB0 ss:$0x1], $0xffff  }
0x7f5: {  	v4 =	vmov s0;
	v56 =	vld.idx.msk [tilespmem:v3+s28+$0xFFFFFFC0 ss:$0x1], $0xffff  }
0x7f6: {  	v57 =	vld.idx.msk [tilespmem:v3+s28+$0xFFFFFFD0 ss:$0x1], $0xffff  }
0x7f7: {  	v58 =	vld.idx.msk [tilespmem:v3+s28+$0xFFFFFFE0 ss:$0x1], $0xffff  }
0x7f8: {  	[tilespmem:s28+$0x10570] =	vst.add.f32.msk $0xffff, v5  }
0x7f9: {  	[tilespmem:s28+$0x10510] =	vst.add.f32.msk $0xffff, v6  }
0x7fa: {  	v5 =	vld.idx.msk [tilespmem:v4+s28+$0x0 ss:$0x1], $0xffff  }
0x7fb: {  	[tilespmem:s28+$0x10520] =	vst.add.f32.msk $0xffff, v7  }
0x7fc: {  	[tilespmem:s28+$0x10530] =	vst.add.f32.msk $0xffff, v56  }
0x7fd: {  	[tilespmem:s28+$0x10540] =	vst.add.f32.msk $0xffff, v57  }
0x7fe: {  	[tilespmem:s28+$0x10550] =	vst.add.f32.msk $0xffff, v58  }
0x7ff: {  	[tilespmem:s28+$0x10770] =	vst.add.f32.msk $0xffff, v5  }
0x800: {  	v5 =	vld.idx.msk [tilespmem:v2+s28+$0xFFFFFFF0 ss:$0x1], $0xffff  }
0x801: {  	v7 =	vld.idx.msk [tilespmem:v4+s28+$0xFFFFFFA0 ss:$0x1], $0xffff  }
0x802: {  	v60 =	vld.idx.msk [tilespmem:v4+s28+$0xFFFFFFB0 ss:$0x1], $0xffff  }
0x803: {  	v61 =	vld.idx.msk [tilespmem:v4+s28+$0xFFFFFFC0 ss:$0x1], $0xffff  }
0x804: {  	v62 =	vld.idx.msk [tilespmem:v4+s28+$0xFFFFFFD0 ss:$0x1], $0xffff  }
0x805: {  	[tilespmem:s28+$0xE760] =	vst.add.f32.msk $0xffff, v5  }
0x806: {  	v5 =	vld.idx.msk [tilespmem:v3+s28+$0xFFFFFF90 ss:$0x1], $0xffff  }
0x807: {  	v59 =	vld.idx.msk [tilespmem:v3+s28+$0xFFFFFFF0 ss:$0x1], $0xffff  }
0x808: {  	v63 =	vld.idx.msk [tilespmem:v4+s28+$0xFFFFFFE0 ss:$0x1], $0xffff  }
0x809: {  	[tilespmem:s28+$0x10710] =	vst.add.f32.msk $0xffff, v7  }
0x80a: {  	[tilespmem:s28+$0x10720] =	vst.add.f32.msk $0xffff, v60  }
0x80b: {  	[tilespmem:s28+$0x10500] =	vst.add.f32.msk $0xffff, v5  }
0x80c: {  	[tilespmem:s28+$0x10560] =	vst.add.f32.msk $0xffff, v59  }
0x80d: {  	v6 =	vld.idx.msk [tilespmem:v4+s28+$0xFFFFFF90 ss:$0x1], $0xffff  }
0x80e: {  	v5 =	vld.idx.msk [tilespmem:v4+s28+$0xFFFFFFF0 ss:$0x1], $0xffff  }
0x80f: {  	[tilespmem:s28+$0x10730] =	vst.add.f32.msk $0xffff, v61  }
0x810: {  	[tilespmem:s28+$0x10740] =	vst.add.f32.msk $0xffff, v62  }
0x811: {  	[tilespmem:s28+$0x10750] =	vst.add.f32.msk $0xffff, v63  }
0x812: {  	s29 =	simm.s32 $0x0;
	s0 =	simm.s32 $0x1000;
	[tilespmem:s28+$0x10700] =	vst.add.f32.msk $0xffff, v6  }
.LBB2_31:
0x813: {  	s29 =	sadd.s32 $0x8, s29;
	[tilespmem:s28+$0x10760] =	vst.add.f32.msk $0xffff, v5;
	s28 =	sshra.s32 s0, $0x2  }
0x814: {  	v5 =	vld.idx.msk [tilespmem:v1+s28+$0x0 ss:$0x1], $0xffff;
	p0 =	slt.u32 s29, $0x38  }
0x815: {  	v6 =	vld.idx.msk [tilespmem:v1+s28+$0xFFFFFF90 ss:$0x1], $0xffff  }
0x816: {  	v7 =	vld.idx.msk [tilespmem:v1+s28+$0xFFFFFFA0 ss:$0x1], $0xffff  }
0x817: {  	v8 =	vld.idx.msk [tilespmem:v1+s28+$0xFFFFFFB0 ss:$0x1], $0xffff  }
0x818: {  	v9 =	vld.idx.msk [tilespmem:v1+s28+$0xFFFFFFC0 ss:$0x1], $0xffff  }
0x819: {  	v10 =	vld.idx.msk [tilespmem:v1+s28+$0xFFFFFFD0 ss:$0x1], $0xffff  }
0x81a: {  	[tilespmem:s28+$0xE570] =	vst.add.f32.msk $0xffff, v5  }
0x81b: {  	v5 =	vld.idx.msk [tilespmem:v2+s28+$0x0 ss:$0x1], $0xffff  }
0x81c: {  	v11 =	vld.idx.msk [tilespmem:v1+s28+$0xFFFFFFE0 ss:$0x1], $0xffff  }
0x81d: {  	v12 =	vld.idx.msk [tilespmem:v1+s28+$0xFFFFFFF0 ss:$0x1], $0xffff  }
0x81e: {  	[tilespmem:s28+$0xE500] =	vst.add.f32.msk $0xffff, v6  }
0x81f: {  	[tilespmem:s28+$0xE510] =	vst.add.f32.msk $0xffff, v7  }
0x820: {  	[tilespmem:s28+$0xE520] =	vst.add.f32.msk $0xffff, v8  }
0x821: {  	[tilespmem:s28+$0xE770] =	vst.add.f32.msk $0xffff, v5  }
0x822: {  	v5 =	vld.idx.msk [tilespmem:v3+s28+$0x0 ss:$0x1], $0xffff  }
0x823: {  	[tilespmem:s28+$0xE530] =	vst.add.f32.msk $0xffff, v9  }
0x824: {  	[tilespmem:s28+$0xE540] =	vst.add.f32.msk $0xffff, v10  }
0x825: {  	[tilespmem:s28+$0xE550] =	vst.add.f32.msk $0xffff, v11  }
0x826: {  	[tilespmem:s28+$0xE560] =	vst.add.f32.msk $0xffff, v12  }
0x827: {  	v6 =	vld.idx.msk [tilespmem:v2+s28+$0xFFFFFF90 ss:$0x1], $0xffff  }
0x828: {  	[tilespmem:s28+$0x10570] =	vst.add.f32.msk $0xffff, v5  }
0x829: {  	v5 =	vld.idx.msk [tilespmem:v4+s28+$0x0 ss:$0x1], $0xffff  }
0x82a: {  	v7 =	vld.idx.msk [tilespmem:v2+s28+$0xFFFFFFA0 ss:$0x1], $0xffff  }
0x82b: {  	v8 =	vld.idx.msk [tilespmem:v2+s28+$0xFFFFFFB0 ss:$0x1], $0xffff  }
0x82c: {  	v9 =	vld.idx.msk [tilespmem:v2+s28+$0xFFFFFFC0 ss:$0x1], $0xffff  }
0x82d: {  	v10 =	vld.idx.msk [tilespmem:v2+s28+$0xFFFFFFD0 ss:$0x1], $0xffff  }
0x82e: {  	v11 =	vld.idx.msk [tilespmem:v2+s28+$0xFFFFFFE0 ss:$0x1], $0xffff  }
0x82f: {  	[tilespmem:s28+$0x10770] =	vst.add.f32.msk $0xffff, v5  }
0x830: {  	v5 =	vld.idx.msk [tilespmem:v2+s28+$0xFFFFFFF0 ss:$0x1], $0xffff  }
0x831: {  	[tilespmem:s28+$0xE700] =	vst.add.f32.msk $0xffff, v6  }
0x832: {  	[tilespmem:s28+$0xE710] =	vst.add.f32.msk $0xffff, v7  }
0x833: {  	[tilespmem:s28+$0xE720] =	vst.add.f32.msk $0xffff, v8  }
0x834: {  	[tilespmem:s28+$0xE730] =	vst.add.f32.msk $0xffff, v9  }
0x835: {  	[tilespmem:s28+$0xE740] =	vst.add.f32.msk $0xffff, v10  }
0x836: {  	[tilespmem:s28+$0xE750] =	vst.add.f32.msk $0xffff, v11  }
0x837: {  	[tilespmem:s28+$0xE760] =	vst.add.f32.msk $0xffff, v5  }
0x838: {  	v5 =	vld.idx.msk [tilespmem:v3+s28+$0xFFFFFF90 ss:$0x1], $0xffff  }
0x839: {  	v6 =	vld.idx.msk [tilespmem:v3+s28+$0xFFFFFFA0 ss:$0x1], $0xffff  }
0x83a: {  	v7 =	vld.idx.msk [tilespmem:v3+s28+$0xFFFFFFB0 ss:$0x1], $0xffff  }
0x83b: {  	v8 =	vld.idx.msk [tilespmem:v3+s28+$0xFFFFFFC0 ss:$0x1], $0xffff  }
0x83c: {  	v9 =	vld.idx.msk [tilespmem:v3+s28+$0xFFFFFFD0 ss:$0x1], $0xffff  }
0x83d: {  	v10 =	vld.idx.msk [tilespmem:v3+s28+$0xFFFFFFE0 ss:$0x1], $0xffff  }
0x83e: {  	v11 =	vld.idx.msk [tilespmem:v3+s28+$0xFFFFFFF0 ss:$0x1], $0xffff  }
0x83f: {  	[tilespmem:s28+$0x10500] =	vst.add.f32.msk $0xffff, v5  }
0x840: {  	[tilespmem:s28+$0x10510] =	vst.add.f32.msk $0xffff, v6  }
0x841: {  	[tilespmem:s28+$0x10520] =	vst.add.f32.msk $0xffff, v7  }
0x842: {  	[tilespmem:s28+$0x10530] =	vst.add.f32.msk $0xffff, v8  }
0x843: {  	[tilespmem:s28+$0x10540] =	vst.add.f32.msk $0xffff, v9  }
0x844: {  	[tilespmem:s28+$0x10550] =	vst.add.f32.msk $0xffff, v10  }
0x845: {  	[tilespmem:s28+$0x10560] =	vst.add.f32.msk $0xffff, v11  }
0x846: {  	v6 =	vld.idx.msk [tilespmem:v4+s28+$0xFFFFFF90 ss:$0x1], $0xffff  }
0x847: {  	v7 =	vld.idx.msk [tilespmem:v4+s28+$0xFFFFFFA0 ss:$0x1], $0xffff  }
0x848: {  	v8 =	vld.idx.msk [tilespmem:v4+s28+$0xFFFFFFB0 ss:$0x1], $0xffff  }
0x849: {  	v9 =	vld.idx.msk [tilespmem:v4+s28+$0xFFFFFFC0 ss:$0x1], $0xffff  }
0x84a: {  	v10 =	vld.idx.msk [tilespmem:v4+s28+$0xFFFFFFD0 ss:$0x1], $0xffff  }
0x84b: {  	v11 =	vld.idx.msk [tilespmem:v4+s28+$0xFFFFFFE0 ss:$0x1], $0xffff  }
0x84c: {  	v5 =	vld.idx.msk [tilespmem:v4+s28+$0xFFFFFFF0 ss:$0x1], $0xffff  }
0x84d: {  	[tilespmem:s28+$0x10700] =	vst.add.f32.msk $0xffff, v6  }
.Ltmp14:
0x84e: {  	[tilespmem:s28+$0x10710] =	vst.add.f32.msk $0xffff, v7;
	(pc) =	sbr.rel @p0 .LBB2_31-.Ltmp14, $4  }
0x84f: {  	[tilespmem:s28+$0x10720] =	vst.add.f32.msk $0xffff, v8  }
0x850: {  	[tilespmem:s28+$0x10730] =	vst.add.f32.msk $0xffff, v9  }
0x851: {  	[tilespmem:s28+$0x10740] =	vst.add.f32.msk $0xffff, v10  }
0x852: {  	s0 =	sadd.s32 $0x1000, s0;
	[tilespmem:s28+$0x10750] =	vst.add.f32.msk $0xffff, v11  }
0x853: {  	(v2sf) =	vpush v0, $0x3;
	_ =	sdelay $0xe  }
0x854: {  	s0 =	spop (v2sf)  }
0x855: {  	(v2sf) =	vpush v0, $0x7;
	s29 =	sshll.u32 s0, $0xC;
	s0 =	sand.u32 $0x7, s0  }
0x856: {  	s29 =	sand.u32 $0xFFFF8000, s29;
	s0 =	sshll.u32 s0, $0x9  }
0x857: {  	s0 =	sor.u32 s0, s29  }
0x858: {  	s0 =	sshra.s32 s0, $0x2  }
0x859: {  	(v2sf) =	vpush v0, $0xB;
	s0 =	sor.u32 $0x70, s0  }
0x85a: {  	(v2sf) =	vpush v0, $0xF;
	v0 =	vmov s0;
	_ =	sdelay $0x3  }
0x85b: {  	[tilespmem:s28+$0x10760] =	vst.add.f32.msk $0xffff, v5;
	s28 =	simm.s32 $0x0  }
0x85c: {  	v2 =	vld.idx.msk [tilespmem:v0+s28+$0x0 ss:$0x1], $0xffff  }
0x85d: {  	v3 =	vld.idx.msk [tilespmem:v0+s28+$0xFFFFFF90 ss:$0x1], $0xffff  }
0x85e: {  	v4 =	vld.idx.msk [tilespmem:v0+s28+$0xFFFFFFA0 ss:$0x1], $0xffff  }
0x85f: {  	v5 =	vld.idx.msk [tilespmem:v0+s28+$0xFFFFFFB0 ss:$0x1], $0xffff  }
0x860: {  	v6 =	vld.idx.msk [tilespmem:v0+s28+$0xFFFFFFC0 ss:$0x1], $0xffff  }
0x861: {  	s31 =	spop (v2sf);
	v7 =	vld.idx.msk [tilespmem:v0+s28+$0xFFFFFFD0 ss:$0x1], $0xffff  }
0x862: {  	s29 =	sshll.u32 s31, $0xC;
	s0 =	sand.u32 $0x7, s31;
	v9 =	vld.idx.msk [tilespmem:v0+s28+$0xFFFFFFE0 ss:$0x1], $0xffff  }
0x863: {  	s29 =	sand.u32 $0xFFFF8000, s29;
	s0 =	sshll.u32 s0, $0x9;
	v10 =	vld.idx.msk [tilespmem:v0+s28+$0xFFFFFFF0 ss:$0x1], $0xffff  }
0x864: {  	s0 =	sor.u32 s0, s29;
	[tilespmem:s28+$0xE5F0] =	vst.add.f32.msk $0xffff, v2  }
0x865: {  	s0 =	sshra.s32 s0, $0x2;
	[tilespmem:s28+$0xE580] =	vst.add.f32.msk $0xffff, v3  }
0x866: {  	s0 =	sor.u32 $0x70, s0;
	[tilespmem:s28+$0xE590] =	vst.add.f32.msk $0xffff, v4  }
0x867: {  	v1 =	vmov s0;
	[tilespmem:s28+$0xE5A0] =	vst.add.f32.msk $0xffff, v5  }
0x868: {  	[tilespmem:s28+$0xE5B0] =	vst.add.f32.msk $0xffff, v6  }
0x869: {  	[tilespmem:s28+$0xE5C0] =	vst.add.f32.msk $0xffff, v7  }
0x86a: {  	[tilespmem:s28+$0xE5D0] =	vst.add.f32.msk $0xffff, v9  }
0x86b: {  	[tilespmem:s28+$0xE5E0] =	vst.add.f32.msk $0xffff, v10  }
0x86c: {  	v8 =	vld.idx.msk [tilespmem:v1+s28+$0x0 ss:$0x1], $0xffff  }
0x86d: {  	v5 =	vld.idx.msk [tilespmem:v1+s28+$0xFFFFFF90 ss:$0x1], $0xffff  }
0x86e: {  	v6 =	vld.idx.msk [tilespmem:v1+s28+$0xFFFFFFA0 ss:$0x1], $0xffff  }
0x86f: {  	s30 =	spop (v2sf);
	v7 =	vld.idx.msk [tilespmem:v1+s28+$0xFFFFFFB0 ss:$0x1], $0xffff  }
0x870: {  	s29 =	sshll.u32 s30, $0xC;
	s0 =	sand.u32 $0x7, s30;
	v55 =	vld.idx.msk [tilespmem:v1+s28+$0xFFFFFFC0 ss:$0x1], $0xffff  }
0x871: {  	s29 =	sand.u32 $0xFFFF8000, s29;
	s0 =	sshll.u32 s0, $0x9;
	v56 =	vld.idx.msk [tilespmem:v1+s28+$0xFFFFFFD0 ss:$0x1], $0xffff  }
0x872: {  	s0 =	sor.u32 s0, s29;
	v57 =	vld.idx.msk [tilespmem:v1+s28+$0xFFFFFFE0 ss:$0x1], $0xffff  }
0x873: {  	s0 =	sshra.s32 s0, $0x2;
	[tilespmem:s28+$0xE7F0] =	vst.add.f32.msk $0xffff, v8  }
0x874: {  	s0 =	sor.u32 $0x70, s0;
	[tilespmem:s28+$0xE780] =	vst.add.f32.msk $0xffff, v5  }
0x875: {  	v2 =	vmov s0;
	[tilespmem:s28+$0xE790] =	vst.add.f32.msk $0xffff, v6  }
0x876: {  	[tilespmem:s28+$0xE7A0] =	vst.add.f32.msk $0xffff, v7  }
0x877: {  	s31 =	spop (v2sf);
	[tilespmem:s28+$0xE7B0] =	vst.add.f32.msk $0xffff, v55  }
0x878: {  	s29 =	sshll.u32 s31, $0xC;
	s0 =	sand.u32 $0x7, s31;
	[tilespmem:s28+$0xE7C0] =	vst.add.f32.msk $0xffff, v56  }
0x879: {  	s29 =	sand.u32 $0xFFFF8000, s29;
	s0 =	sshll.u32 s0, $0x9;
	[tilespmem:s28+$0xE7D0] =	vst.add.f32.msk $0xffff, v57  }
0x87a: {  	s0 =	sor.u32 s0, s29;
	v4 =	vld.idx.msk [tilespmem:v2+s28+$0x0 ss:$0x1], $0xffff  }
0x87b: {  	s0 =	sshra.s32 s0, $0x2;
	v5 =	vld.idx.msk [tilespmem:v2+s28+$0xFFFFFFA0 ss:$0x1], $0xffff  }
0x87c: {  	s0 =	sor.u32 $0x70, s0;
	v6 =	vld.idx.msk [tilespmem:v2+s28+$0xFFFFFFB0 ss:$0x1], $0xffff  }
0x87d: {  	v3 =	vmov s0;
	v7 =	vld.idx.msk [tilespmem:v2+s28+$0xFFFFFFC0 ss:$0x1], $0xffff  }
0x87e: {  	v58 =	vld.idx.msk [tilespmem:v2+s28+$0xFFFFFFD0 ss:$0x1], $0xffff  }
0x87f: {  	v59 =	vld.idx.msk [tilespmem:v2+s28+$0xFFFFFFE0 ss:$0x1], $0xffff  }
0x880: {  	[tilespmem:s28+$0x105F0] =	vst.add.f32.msk $0xffff, v4  }
0x881: {  	[tilespmem:s28+$0x10590] =	vst.add.f32.msk $0xffff, v5  }
0x882: {  	v4 =	vld.idx.msk [tilespmem:v3+s28+$0x0 ss:$0x1], $0xffff  }
0x883: {  	[tilespmem:s28+$0x105A0] =	vst.add.f32.msk $0xffff, v6  }
0x884: {  	[tilespmem:s28+$0x105B0] =	vst.add.f32.msk $0xffff, v7  }
0x885: {  	[tilespmem:s28+$0x105C0] =	vst.add.f32.msk $0xffff, v58  }
0x886: {  	[tilespmem:s28+$0x105D0] =	vst.add.f32.msk $0xffff, v59  }
0x887: {  	[tilespmem:s28+$0x107F0] =	vst.add.f32.msk $0xffff, v4  }
0x888: {  	v4 =	vld.idx.msk [tilespmem:v1+s28+$0xFFFFFFF0 ss:$0x1], $0xffff  }
0x889: {  	v6 =	vld.idx.msk [tilespmem:v3+s28+$0xFFFFFFA0 ss:$0x1], $0xffff  }
0x88a: {  	v7 =	vld.idx.msk [tilespmem:v3+s28+$0xFFFFFFB0 ss:$0x1], $0xffff  }
0x88b: {  	v61 =	vld.idx.msk [tilespmem:v3+s28+$0xFFFFFFC0 ss:$0x1], $0xffff  }
0x88c: {  	v62 =	vld.idx.msk [tilespmem:v3+s28+$0xFFFFFFD0 ss:$0x1], $0xffff  }
0x88d: {  	[tilespmem:s28+$0xE7E0] =	vst.add.f32.msk $0xffff, v4  }
0x88e: {  	v4 =	vld.idx.msk [tilespmem:v2+s28+$0xFFFFFF90 ss:$0x1], $0xffff  }
0x88f: {  	v60 =	vld.idx.msk [tilespmem:v2+s28+$0xFFFFFFF0 ss:$0x1], $0xffff  }
0x890: {  	v63 =	vld.idx.msk [tilespmem:v3+s28+$0xFFFFFFE0 ss:$0x1], $0xffff  }
0x891: {  	[tilespmem:s28+$0x10790] =	vst.add.f32.msk $0xffff, v6  }
0x892: {  	[tilespmem:s28+$0x107A0] =	vst.add.f32.msk $0xffff, v7  }
0x893: {  	[tilespmem:s28+$0x10580] =	vst.add.f32.msk $0xffff, v4  }
0x894: {  	[tilespmem:s28+$0x105E0] =	vst.add.f32.msk $0xffff, v60  }
0x895: {  	v5 =	vld.idx.msk [tilespmem:v3+s28+$0xFFFFFF90 ss:$0x1], $0xffff  }
0x896: {  	v4 =	vld.idx.msk [tilespmem:v3+s28+$0xFFFFFFF0 ss:$0x1], $0xffff  }
0x897: {  	[tilespmem:s28+$0x107B0] =	vst.add.f32.msk $0xffff, v61  }
0x898: {  	[tilespmem:s28+$0x107C0] =	vst.add.f32.msk $0xffff, v62  }
0x899: {  	[tilespmem:s28+$0x107D0] =	vst.add.f32.msk $0xffff, v63  }
0x89a: {  	s29 =	simm.s32 $0x0;
	s0 =	simm.s32 $0x1000;
	[tilespmem:s28+$0x10780] =	vst.add.f32.msk $0xffff, v5  }
.LBB2_33:
0x89b: {  	s29 =	sadd.s32 $0x8, s29;
	[tilespmem:s28+$0x107E0] =	vst.add.f32.msk $0xffff, v4;
	s28 =	sshra.s32 s0, $0x2  }
0x89c: {  	v4 =	vld.idx.msk [tilespmem:v0+s28+$0x0 ss:$0x1], $0xffff;
	p0 =	slt.u32 s29, $0x38  }
0x89d: {  	v5 =	vld.idx.msk [tilespmem:v0+s28+$0xFFFFFF90 ss:$0x1], $0xffff  }
0x89e: {  	v6 =	vld.idx.msk [tilespmem:v0+s28+$0xFFFFFFA0 ss:$0x1], $0xffff  }
0x89f: {  	v7 =	vld.idx.msk [tilespmem:v0+s28+$0xFFFFFFB0 ss:$0x1], $0xffff  }
0x8a0: {  	v8 =	vld.idx.msk [tilespmem:v0+s28+$0xFFFFFFC0 ss:$0x1], $0xffff  }
0x8a1: {  	v9 =	vld.idx.msk [tilespmem:v0+s28+$0xFFFFFFD0 ss:$0x1], $0xffff  }
0x8a2: {  	[tilespmem:s28+$0xE5F0] =	vst.add.f32.msk $0xffff, v4  }
0x8a3: {  	v4 =	vld.idx.msk [tilespmem:v1+s28+$0x0 ss:$0x1], $0xffff  }
0x8a4: {  	v10 =	vld.idx.msk [tilespmem:v0+s28+$0xFFFFFFE0 ss:$0x1], $0xffff  }
0x8a5: {  	v11 =	vld.idx.msk [tilespmem:v0+s28+$0xFFFFFFF0 ss:$0x1], $0xffff  }
0x8a6: {  	[tilespmem:s28+$0xE580] =	vst.add.f32.msk $0xffff, v5  }
0x8a7: {  	[tilespmem:s28+$0xE590] =	vst.add.f32.msk $0xffff, v6  }
0x8a8: {  	[tilespmem:s28+$0xE5A0] =	vst.add.f32.msk $0xffff, v7  }
0x8a9: {  	[tilespmem:s28+$0xE7F0] =	vst.add.f32.msk $0xffff, v4  }
0x8aa: {  	v4 =	vld.idx.msk [tilespmem:v2+s28+$0x0 ss:$0x1], $0xffff  }
0x8ab: {  	[tilespmem:s28+$0xE5B0] =	vst.add.f32.msk $0xffff, v8  }
0x8ac: {  	[tilespmem:s28+$0xE5C0] =	vst.add.f32.msk $0xffff, v9  }
0x8ad: {  	[tilespmem:s28+$0xE5D0] =	vst.add.f32.msk $0xffff, v10  }
0x8ae: {  	[tilespmem:s28+$0xE5E0] =	vst.add.f32.msk $0xffff, v11  }
0x8af: {  	v5 =	vld.idx.msk [tilespmem:v1+s28+$0xFFFFFF90 ss:$0x1], $0xffff  }
0x8b0: {  	[tilespmem:s28+$0x105F0] =	vst.add.f32.msk $0xffff, v4  }
0x8b1: {  	v4 =	vld.idx.msk [tilespmem:v3+s28+$0x0 ss:$0x1], $0xffff  }
0x8b2: {  	v6 =	vld.idx.msk [tilespmem:v1+s28+$0xFFFFFFA0 ss:$0x1], $0xffff  }
0x8b3: {  	v7 =	vld.idx.msk [tilespmem:v1+s28+$0xFFFFFFB0 ss:$0x1], $0xffff  }
0x8b4: {  	v8 =	vld.idx.msk [tilespmem:v1+s28+$0xFFFFFFC0 ss:$0x1], $0xffff  }
0x8b5: {  	v9 =	vld.idx.msk [tilespmem:v1+s28+$0xFFFFFFD0 ss:$0x1], $0xffff  }
0x8b6: {  	v10 =	vld.idx.msk [tilespmem:v1+s28+$0xFFFFFFE0 ss:$0x1], $0xffff  }
0x8b7: {  	[tilespmem:s28+$0x107F0] =	vst.add.f32.msk $0xffff, v4  }
0x8b8: {  	v4 =	vld.idx.msk [tilespmem:v1+s28+$0xFFFFFFF0 ss:$0x1], $0xffff  }
0x8b9: {  	[tilespmem:s28+$0xE780] =	vst.add.f32.msk $0xffff, v5  }
0x8ba: {  	[tilespmem:s28+$0xE790] =	vst.add.f32.msk $0xffff, v6  }
0x8bb: {  	[tilespmem:s28+$0xE7A0] =	vst.add.f32.msk $0xffff, v7  }
0x8bc: {  	[tilespmem:s28+$0xE7B0] =	vst.add.f32.msk $0xffff, v8  }
0x8bd: {  	[tilespmem:s28+$0xE7C0] =	vst.add.f32.msk $0xffff, v9  }
0x8be: {  	[tilespmem:s28+$0xE7D0] =	vst.add.f32.msk $0xffff, v10  }
0x8bf: {  	[tilespmem:s28+$0xE7E0] =	vst.add.f32.msk $0xffff, v4  }
0x8c0: {  	v4 =	vld.idx.msk [tilespmem:v2+s28+$0xFFFFFF90 ss:$0x1], $0xffff  }
0x8c1: {  	v5 =	vld.idx.msk [tilespmem:v2+s28+$0xFFFFFFA0 ss:$0x1], $0xffff  }
0x8c2: {  	v6 =	vld.idx.msk [tilespmem:v2+s28+$0xFFFFFFB0 ss:$0x1], $0xffff  }
0x8c3: {  	v7 =	vld.idx.msk [tilespmem:v2+s28+$0xFFFFFFC0 ss:$0x1], $0xffff  }
0x8c4: {  	v8 =	vld.idx.msk [tilespmem:v2+s28+$0xFFFFFFD0 ss:$0x1], $0xffff  }
0x8c5: {  	v9 =	vld.idx.msk [tilespmem:v2+s28+$0xFFFFFFE0 ss:$0x1], $0xffff  }
0x8c6: {  	v10 =	vld.idx.msk [tilespmem:v2+s28+$0xFFFFFFF0 ss:$0x1], $0xffff  }
0x8c7: {  	[tilespmem:s28+$0x10580] =	vst.add.f32.msk $0xffff, v4  }
0x8c8: {  	[tilespmem:s28+$0x10590] =	vst.add.f32.msk $0xffff, v5  }
0x8c9: {  	[tilespmem:s28+$0x105A0] =	vst.add.f32.msk $0xffff, v6  }
0x8ca: {  	[tilespmem:s28+$0x105B0] =	vst.add.f32.msk $0xffff, v7  }
0x8cb: {  	[tilespmem:s28+$0x105C0] =	vst.add.f32.msk $0xffff, v8  }
0x8cc: {  	[tilespmem:s28+$0x105D0] =	vst.add.f32.msk $0xffff, v9  }
0x8cd: {  	[tilespmem:s28+$0x105E0] =	vst.add.f32.msk $0xffff, v10  }
0x8ce: {  	v5 =	vld.idx.msk [tilespmem:v3+s28+$0xFFFFFF90 ss:$0x1], $0xffff  }
0x8cf: {  	v6 =	vld.idx.msk [tilespmem:v3+s28+$0xFFFFFFA0 ss:$0x1], $0xffff  }
0x8d0: {  	v7 =	vld.idx.msk [tilespmem:v3+s28+$0xFFFFFFB0 ss:$0x1], $0xffff  }
0x8d1: {  	v8 =	vld.idx.msk [tilespmem:v3+s28+$0xFFFFFFC0 ss:$0x1], $0xffff  }
0x8d2: {  	v9 =	vld.idx.msk [tilespmem:v3+s28+$0xFFFFFFD0 ss:$0x1], $0xffff  }
0x8d3: {  	v10 =	vld.idx.msk [tilespmem:v3+s28+$0xFFFFFFE0 ss:$0x1], $0xffff  }
0x8d4: {  	v4 =	vld.idx.msk [tilespmem:v3+s28+$0xFFFFFFF0 ss:$0x1], $0xffff  }
0x8d5: {  	[tilespmem:s28+$0x10780] =	vst.add.f32.msk $0xffff, v5  }
.Ltmp15:
0x8d6: {  	[tilespmem:s28+$0x10790] =	vst.add.f32.msk $0xffff, v6;
	(pc) =	sbr.rel @p0 .LBB2_33-.Ltmp15, $4  }
0x8d7: {  	[tilespmem:s28+$0x107A0] =	vst.add.f32.msk $0xffff, v7  }
0x8d8: {  	[tilespmem:s28+$0x107B0] =	vst.add.f32.msk $0xffff, v8  }
0x8d9: {  	[tilespmem:s28+$0x107C0] =	vst.add.f32.msk $0xffff, v9  }
0x8da: {  	s0 =	sadd.s32 $0x1000, s0;
	[tilespmem:s28+$0x107D0] =	vst.add.f32.msk $0xffff, v10  }
0x8db: {  	s25 =	sadd.s32 $0x1, s25  }
0x8dc: {  	p0 =	sne.s32 s25, $0x10  }
.Ltmp16:
0x8dd: {  	_ = 	snop;
	(pc) =	sbr.rel @p0 .LBB2_2-.Ltmp16, $4  }
0x8de: {  	s0 =	sadd.s32 s5, s26  }
0x8df: {  	s0 =	sshll.u32 s0, $0x7  }
0x8e0: {  	[tilespmem:s28+$0x107E0] =	vst.add.f32.msk $0xffff, v4;
	s0 =	sadd.s32 s3, s0  }
0x8e1: {  	[hbm4b:s0+s4] =	stream.linear.scatter [tilespmem:s17], [sflag:$0x8], $0x4000, $0x38;
	[tilespmem:$0x12400] =	vst v63  }
0x8e2: {  	_ =	swait.ge [sflag:s20], $0x4000  }
0x8e3: {  	[sflag:s20] =	ssyncset.done $0x0  }
0x8e4: {  	[sflag:s20] =	ssyncadd.s32 $0xFFFFC000  }
0x8e5: {  	_ =	swait.ge [sflag:s21], $0x4000  }
0x8e6: {  	[sflag:s21] =	ssyncset.done $0x0  }
0x8e7: {  	s24 =	sadd.s32 $0x1, s24;
	[sflag:s21] =	ssyncadd.s32 $0xFFFFC000  }
0x8e8: {  	p0 =	sne.s32 s24, s9;
	_ =	swait.ge [sflag:s22], $0x4000  }
.Ltmp17:
0x8e9: {  	[sflag:s22] =	ssyncset.done $0x0;
	(pc) =	sbr.rel @p0 .LBB2_1-.Ltmp17, $4  }
0x8ea: {  	[sflag:s22] =	ssyncadd.s32 $0xFFFFC000  }
0x8eb: {  	_ =	swait.ge [sflag:s23], $0x4000  }
0x8ec: {  	[sflag:s23] =	ssyncset.done $0x0  }
0x8ed: {  	[sflag:s23] =	ssyncadd.s32 $0xFFFFC000  }
0x8ee: {  	_ =	sfence.sel $0x180000  }
0x8ef: {  	[bflag:$0x0] =	sbarrier.arrive $0xFFFF  }
0x8f0: {  	_ =	strace $0x90000047  }
0x8f1: {  	[bflag:$0x2] =	sbarrier.arrive $0xFFFF  }
0x8f2: {  	p0 =	sne.s32 s2, $0x0;
	s0 =	rddreg [dreg:$0x4]  }
0x8f3: {  	s0 =	sadd.s32 @!p0 $0x100000, s0  }
0x8f4: {  	[sflag:s0] =	ssyncadd.tile.s32 @!p0 $0x1;
	_ =	shalt  }
.Lfunc_end2:
_tile_overlayer_lowered:
.L_overlay_start_2:
0x8f5: {  	(tag) =	ssettag $0x2  }
0x8f6: {  	s0 =	rddreg [dreg:$0x0];
	s2 =	stileid.u32  }
0x8f7: {  	s1 =	rddreg [dreg:$0x1];
	p0 =	sne.s32 s2, $0x0  }
0x8f8: {  	s3 =	rddreg [dreg:$0x2];
	[bflag:$0x3] =	sbarrier.arrive $0xFFFF;
	s2 =	simm.s32 @!p0 $0x1C09  }
0x8f9: {  	[timem:s3], [sflag:s2] =	dma.local @!p0 [hbm:s0], s1  }
0x8fa: {  	s0 =	simm.s32 @!p0 $0x9  }
0x8fb: {  	_ =	swait.ge @!p0 [sflag:s0], s1  }
0x8fc: {  	s1 =	ssub.s32 @!p0 $0x0, s1;
	[sflag:s0] =	ssyncset.done @!p0 $0x0  }
0x8fd: {  	[sflag:s0] =	ssyncadd.s32 @!p0 s1  }
0x8fe: {  	[bflag:$0x3] =	sbarrier.arrive $0xFFFF  }
0x8ff: {  	_ =	shalt  }

</sc_bundles>
